<compile_context>
chip_gen: v7x
topology: tpu7x:2x2x1
jax: 0.10.2.dev20260603
libtpu: 0.0.44.dev20260713+nightly
codegen_flags: <defaults>
</compile_context>

<pallas_src>
import jax
import jax.numpy as jnp
from jax import lax
from jax.experimental import pallas as pl
from jax.experimental.pallas import tpu as pltpu
from jax.experimental.pallas import tpu_sc as plsc

N_NODES = 50000
N_ELEM = 800000
N_TILES = 32
E_PER_TEC = 25600
E_PAD = N_TILES * E_PER_TEC
CHUNK = 1024
N_CHUNKS = E_PER_TEC // CHUNK
NODE_PAD = 50176
SLICE_W = NODE_PAD // 16

i32 = jnp.int32


def _sc_body(na2, nb2, lh, eh, ah, ih, ch, sh, wh, thh, ucv, thv, out,
             tbl_w, tbl_t, ia2, ib2, lb, eb, ab, ibf, cb, sb,
             vxa, vya, vza, vxb, vyb, vzb, zb, ucb, tcb, fx_s, fy_s, fz_s,
             sem_in, sem_sc):
    core = lax.axis_index("c")
    sub = lax.axis_index("s")
    wid = sub * 2 + core

    pltpu.sync_copy(wh, tbl_w)
    pltpu.sync_copy(thh, tbl_t)
    pltpu.sync_copy(ucv, ucb)
    pltpu.sync_copy(thv, tcb)

    zero16 = jnp.zeros((16,), jnp.float32)

    def zloop(i, carry):
        zb[pl.ds(i * 16, 16)] = zero16
        return carry

    lax.fori_loop(i32(0), i32(64), zloop, i32(0))

    off = sub * SLICE_W
    for f_s in (fx_s, fy_s, fz_s):
        pltpu.sync_copy(zb, f_s.at[pl.ds(off, 1024)])
        pltpu.sync_copy(zb, f_s.at[pl.ds(off + 1024, 1024)])
        pltpu.sync_copy(zb, f_s.at[pl.ds(off + 2048, 1024)])
        pltpu.sync_copy(zb.at[pl.ds(0, 64)], f_s.at[pl.ds(off + 3072, 64)])
    plsc.subcore_barrier()

    ucvv = ucb[...]
    tcvv = tcb[...]
    base_tec = wid * E_PER_TEC
    himask = i32(-65536)

    def chunk_body(k, carry):
        base = base_tec + k * CHUNK
        row = pl.multiple_of(lax.shift_right_logical(base, i32(7)), 8)
        sl_in = pl.ds(base, CHUNK)
        cps = [
            pltpu.async_copy(na2.at[pl.ds(row, 8)], ia2, sem_in),
            pltpu.async_copy(nb2.at[pl.ds(row, 8)], ib2, sem_in),
            pltpu.async_copy(lh.at[sl_in], lb, sem_in),
            pltpu.async_copy(eh.at[sl_in], eb, sem_in),
            pltpu.async_copy(ah.at[sl_in], ab, sem_in),
            pltpu.async_copy(ih.at[sl_in], ibf, sem_in),
            pltpu.async_copy(ch.at[sl_in], cb, sem_in),
            pltpu.async_copy(sh.at[sl_in], sb, sem_in),
        ]
        for cp in cps:
            cp.wait()

        def grp(i, c2):
            j = lax.shift_right_logical(i, i32(3))
            r = lax.bitwise_and(i, i32(7)) * 16
            idx_a = ia2[j, pl.ds(r, 16)]
            idx_b = ib2[j, pl.ds(r, 16)]
            w_a = plsc.load_gather(tbl_w, [idx_a])
            w_b = plsc.load_gather(tbl_w, [idx_b])
            t_a = plsc.load_gather(tbl_t, [idx_a])
            t_b = plsc.load_gather(tbl_t, [idx_b])
            ux_a = plsc.bitcast(w_a << 16, jnp.float32) * ucvv
            uz_a = plsc.bitcast(w_a & himask, jnp.float32) * ucvv
            ux_b = plsc.bitcast(w_b << 16, jnp.float32) * ucvv
            uz_b = plsc.bitcast(w_b & himask, jnp.float32) * ucvv
            th_a = t_a * tcvv
            th_b = t_b * tcvv
            o = i * 16
            lv = lb[pl.ds(o, 16)]
            ev = eb[pl.ds(o, 16)]
            av = ab[pl.ds(o, 16)]
            iv = ibf[pl.ds(o, 16)]
            cv = cb[pl.ds(o, 16)]
            sv = sb[pl.ds(o, 16)]
            rcp = 1.0 / lv
            eal = ev * av * rcp
            eil = ev * iv * rcp
            ei2 = eil * rcp
            ei3 = ei2 * rcp
            u_al = cv * ux_a + sv * uz_a
            w_al = cv * uz_a - sv * ux_a
            u_bl = cv * ux_b + sv * uz_b
            w_bl = cv * uz_b - sv * ux_b
            f0 = eal * (u_al - u_bl)
            dw = w_al - w_bl
            f1 = 12.0 * ei3 * dw - 6.0 * ei2 * (th_a + th_b)
            f2 = 6.0 * ei2 * dw - eil * (4.0 * th_a + 2.0 * th_b)
            f5 = 6.0 * ei2 * dw - eil * (2.0 * th_a + 4.0 * th_b)
            gx = cv * f0 - sv * f1
            gy = sv * f0 + cv * f1
            vxa[pl.ds(o, 16)] = gx
            vya[pl.ds(o, 16)] = gy
            vza[pl.ds(o, 16)] = -f2
            vxb[pl.ds(o, 16)] = -gx
            vyb[pl.ds(o, 16)] = -gy
            vzb[pl.ds(o, 16)] = -f5
            return c2

        lax.fori_loop(i32(0), i32(64), grp, i32(0))

        scs = []
        for j in range(8):
            sl = pl.ds(j * 128, 128)
            ja = ia2.at[i32(j)]
            jb = ib2.at[i32(j)]
            scs.append(pltpu.async_copy(vxa.at[sl], fx_s.at[ja], sem_sc, add=True))
            scs.append(pltpu.async_copy(vya.at[sl], fy_s.at[ja], sem_sc, add=True))
            scs.append(pltpu.async_copy(vza.at[sl], fz_s.at[ja], sem_sc, add=True))
            scs.append(pltpu.async_copy(vxb.at[sl], fx_s.at[jb], sem_sc, add=True))
            scs.append(pltpu.async_copy(vyb.at[sl], fy_s.at[jb], sem_sc, add=True))
            scs.append(pltpu.async_copy(vzb.at[sl], fz_s.at[jb], sem_sc, add=True))
        for cp in scs:
            cp.wait()
        return carry

    lax.fori_loop(i32(0), i32(N_CHUNKS), chunk_body, i32(0))
    plsc.subcore_barrier()

    obase = core * (3 * NODE_PAD) + off
    for comp, f_s in enumerate((fx_s, fy_s, fz_s)):
        dst0 = obase + comp * NODE_PAD
        for p, w in ((0, 1024), (1024, 1024), (2048, 1024), (3072, 64)):
            pltpu.sync_copy(f_s.at[pl.ds(off + p, w)], zb.at[pl.ds(0, w)])
            pltpu.sync_copy(zb.at[pl.ds(0, w)],
                            out.at[pl.ds(pl.multiple_of(dst0 + p, 8), w)])


def _tc_body(pred_ref, scale_ref, p_ref, fet_ref, bct_ref, up_ref, loss_ref):
    up_ref[...] = pred_ref[...] * scale_ref[...]
    s = p_ref[0] + p_ref[1]
    mask = 1.0 - bct_ref[...]
    fe = fet_ref[...]
    rm = (s - fe) * mask
    fm = fe * mask
    num = jnp.sum(rm * rm)
    den = jnp.maximum(jnp.sum(fm * fm), 1e-30)
    loss_ref[...] = jnp.reshape(num / den, (1, 1))


def kernel(pred_raw, u_c, theta_c, connectivity, elem_lengths, prop_E, prop_A,
           prop_I22, elem_directions, F_ext, bc_disp, bc_rot):
    pad = E_PAD - N_ELEM
    conn = connectivity.astype(jnp.int32)
    na = jnp.pad(conn[:, 0], (0, pad))
    nb = jnp.pad(conn[:, 1], (0, pad))
    na2 = na.reshape(E_PAD // 128, 128)
    nb2 = nb.reshape(E_PAD // 128, 128)
    l_p = jnp.pad(elem_lengths.astype(jnp.float32), (0, pad), constant_values=1.0)
    e_p = jnp.pad(prop_E.astype(jnp.float32), (0, pad))
    a_p = jnp.pad(prop_A.astype(jnp.float32), (0, pad))
    i_p = jnp.pad(prop_I22.astype(jnp.float32), (0, pad))
    c_p = jnp.pad(elem_directions[:, 0].astype(jnp.float32), (0, pad))
    s_p = jnp.pad(elem_directions[:, 2].astype(jnp.float32), (0, pad))

    bx = lax.bitcast_convert_type(
        pred_raw[:, 0].astype(jnp.bfloat16), jnp.uint16).astype(jnp.uint32)
    bz = lax.bitcast_convert_type(
        pred_raw[:, 1].astype(jnp.bfloat16), jnp.uint16).astype(jnp.uint32)
    word = lax.bitcast_convert_type(bx | (bz << 16), jnp.int32)
    thcol = pred_raw[:, 2].astype(jnp.float32)
    ucv = jnp.full((16,), u_c[0], jnp.float32)
    thv = jnp.full((16,), theta_c[0], jnp.float32)

    mesh = plsc.VectorSubcoreMesh(core_axis_name="c", subcore_axis_name="s")
    f32 = jnp.float32
    sc_call = pl.kernel(
        _sc_body,
        out_type=jax.ShapeDtypeStruct((2 * 3 * NODE_PAD,), f32),
        mesh=mesh,
        compiler_params=pltpu.CompilerParams(needs_layout_passes=False),
        scratch_types=[
            pltpu.VMEM((N_NODES,), jnp.int32),
            pltpu.VMEM((N_NODES,), f32),
            pltpu.VMEM((8, 128), jnp.int32),
            pltpu.VMEM((8, 128), jnp.int32),
            pltpu.VMEM((CHUNK,), f32),
            pltpu.VMEM((CHUNK,), f32),
            pltpu.VMEM((CHUNK,), f32),
            pltpu.VMEM((CHUNK,), f32),
            pltpu.VMEM((CHUNK,), f32),
            pltpu.VMEM((CHUNK,), f32),
            pltpu.VMEM((CHUNK,), f32),
            pltpu.VMEM((CHUNK,), f32),
            pltpu.VMEM((CHUNK,), f32),
            pltpu.VMEM((CHUNK,), f32),
            pltpu.VMEM((CHUNK,), f32),
            pltpu.VMEM((CHUNK,), f32),
            pltpu.VMEM((1024,), f32),
            pltpu.VMEM((16,), f32),
            pltpu.VMEM((16,), f32),
            pltpu.VMEM_SHARED((NODE_PAD,), f32),
            pltpu.VMEM_SHARED((NODE_PAD,), f32),
            pltpu.VMEM_SHARED((NODE_PAD,), f32),
            pltpu.SemaphoreType.DMA,
            pltpu.SemaphoreType.DMA,
        ],
    )
    partials = sc_call(na2, nb2, l_p, e_p, a_p, i_p, c_p, s_p, word, thcol,
                       ucv, thv).reshape(2, 3, NODE_PAD)

    scale3 = jnp.concatenate([u_c, u_c, theta_c]).astype(f32).reshape(3, 1)
    pred_t = jnp.pad(pred_raw.astype(f32).T, ((0, 0), (0, NODE_PAD - N_NODES)))
    fet = jnp.pad(F_ext.astype(f32).T, ((0, 0), (0, NODE_PAD - N_NODES)))
    bct = jnp.pad(
        jnp.concatenate([bc_disp, bc_disp, bc_rot], axis=1).astype(f32).T,
        ((0, 0), (0, NODE_PAD - N_NODES)))

    u_phys_t, loss2d = pl.pallas_call(
        _tc_body,
        out_shape=[
            jax.ShapeDtypeStruct((3, NODE_PAD), f32),
            jax.ShapeDtypeStruct((1, 1), f32),
        ],
    )(pred_t, scale3, partials, fet, bct)
    return loss2d[0, 0], pred_raw, u_phys_t[:, :N_NODES].T

# --- scband reference (transcript-rebuilt; emitter-appended) ---
"""Pipeline reference for scband-force-normalized-residual-loss-12146167513826 (READ-ONLY COPY).

The authoritative reference and input builder live on the scoring server;
editing this copy changes nothing except your own understanding.
"""

import jax, jax.numpy as jnp
import numpy as np

jax.config.update("jax_enable_x64", True)

N_NODES = 50000
N_ELEM = 800000


def setup_inputs(seed: int = 0) -> dict:
    key = jax.random.key(seed)
    ks = jax.random.split(key, 12)
    pred_raw = jax.random.normal(ks[0], (N_NODES, 3), dtype=jnp.float32)
    u_c = jax.random.uniform(ks[1], (1,), dtype=jnp.float32, minval=0.5, maxval=1.5)
    theta_c = jax.random.uniform(ks[2], (1,), dtype=jnp.float32, minval=0.5, maxval=1.5)
    connectivity = jax.random.randint(ks[3], (N_ELEM, 2), 0, N_NODES, dtype=jnp.int64)
    elem_lengths = jax.random.uniform(ks[4], (N_ELEM,), dtype=jnp.float32, minval=0.5, maxval=2.0)
    prop_E = jax.random.uniform(ks[5], (N_ELEM,), dtype=jnp.float32, minval=0.5, maxval=1.5)
    prop_A = jax.random.uniform(ks[6], (N_ELEM,), dtype=jnp.float32, minval=0.5, maxval=1.5)
    prop_I22 = jax.random.uniform(ks[7], (N_ELEM,), dtype=jnp.float32, minval=0.5, maxval=1.5)
    ang = jax.random.uniform(ks[8], (N_ELEM,), dtype=jnp.float32, minval=0.0, maxval=2 * np.pi)
    elem_directions = jnp.stack([jnp.cos(ang), jnp.zeros_like(ang), jnp.sin(ang)], axis=1)
    F_ext = jax.random.normal(ks[9], (N_NODES, 3), dtype=jnp.float32)
    bc_disp = jnp.zeros((N_NODES, 1), dtype=jnp.float32)
    bc_rot = jnp.zeros((N_NODES, 1), dtype=jnp.float32)
    return {
        "pred_raw": pred_raw,
        "u_c": u_c,
        "theta_c": theta_c,
        "connectivity": connectivity,
        "elem_lengths": elem_lengths,
        "prop_E": prop_E,
        "prop_A": prop_A,
        "prop_I22": prop_I22,
        "elem_directions": elem_directions,
        "F_ext": F_ext,
        "bc_disp": bc_disp,
        "bc_rot": bc_rot,
    }


def _forward(pred_raw, u_c, theta_c, connectivity, elem_lengths, prop_E, prop_A,
             prop_I22, elem_directions, F_ext, bc_disp, bc_rot):
    f64 = jnp.float64
    # use_single_uc=True, no batch attribute (single graph)
    u_phys = jnp.stack([
        pred_raw[:, 0] * u_c[0],
        pred_raw[:, 1] * u_c[0],
        pred_raw[:, 2] * theta_c[0],
    ], axis=1)
    u64 = u_phys.astype(f64)
    nA = connectivity[:, 0]
    nB = connectivity[:, 1]
    n_elem = connectivity.shape[0]
    n_nodes = pred_raw.shape[0]
    L = elem_lengths.astype(f64)
    EA = (prop_E * prop_A).astype(f64)
    EI = (prop_E * prop_I22).astype(f64)
    c = elem_directions[:, 0].astype(f64)
    s = elem_directions[:, 2].astype(f64)
    Fe = F_ext.astype(f64)
    ux_A = u64[nA, 0]
    uz_A = u64[nA, 1]
    th_A = u64[nA, 2]
    ux_B = u64[nB, 0]
    uz_B = u64[nB, 1]
    th_B = u64[nB, 2]
    u_A_loc = c * ux_A + s * uz_A
    w_A_loc = -s * ux_A + c * uz_A
    u_B_loc = c * ux_B + s * uz_B
    w_B_loc = -s * ux_B + c * uz_B
    th_A_loc = -th_A
    th_B_loc = -th_B
    d_local = jnp.stack([u_A_loc, w_A_loc, th_A_loc, u_B_loc, w_B_loc, th_B_loc], axis=1)
    ea_l = EA / L
    ei_l = EI / L
    ei_l2 = EI / L ** 2
    ei_l3 = EI / L ** 3
    K_loc = jnp.zeros((n_elem, 6, 6), dtype=f64)
    K_loc = K_loc.at[:, 0, 0].set(ea_l)
    K_loc = K_loc.at[:, 0, 3].set(-ea_l)
    K_loc = K_loc.at[:, 3, 0].set(-ea_l)
    K_loc = K_loc.at[:, 3, 3].set(ea_l)
    K_loc = K_loc.at[:, 1, 1].set(12 * ei_l3)
    K_loc = K_loc.at[:, 1, 2].set(6 * ei_l2)
    K_loc = K_loc.at[:, 1, 4].set(-12 * ei_l3)
    K_loc = K_loc.at[:, 1, 5].set(6 * ei_l2)
    K_loc = K_loc.at[:, 2, 1].set(6 * ei_l2)
    K_loc = K_loc.at[:, 2, 2].set(4 * ei_l)
    K_loc = K_loc.at[:, 2, 4].set(-6 * ei_l2)
    K_loc = K_loc.at[:, 2, 5].set(2 * ei_l)
    K_loc = K_loc.at[:, 4, 1].set(-12 * ei_l3)
    K_loc = K_loc.at[:, 4, 2].set(-6 * ei_l2)
    K_loc = K_loc.at[:, 4, 4].set(12 * ei_l3)
    K_loc = K_loc.at[:, 4, 5].set(-6 * ei_l2)
    K_loc = K_loc.at[:, 5, 1].set(6 * ei_l2)
    K_loc = K_loc.at[:, 5, 2].set(2 * ei_l)
    K_loc = K_loc.at[:, 5, 4].set(-6 * ei_l2)
    K_loc = K_loc.at[:, 5, 5].set(4 * ei_l)
    f_local = jnp.einsum('eij,ej->ei', K_loc, d_local)
    f_global_A = jnp.stack([
        c * f_local[:, 0] - s * f_local[:, 1],
        s * f_local[:, 0] + c * f_local[:, 1],
        -f_local[:, 2],
    ], axis=1)
    f_global_B = jnp.stack([
        c * f_local[:, 3] - s * f_local[:, 4],
        s * f_local[:, 3] + c * f_local[:, 4],
        -f_local[:, 5],
    ], axis=1)
    F_int = jnp.zeros((n_nodes, 3), dtype=f64)
    F_int = F_int.at[nA].add(f_global_A)
    F_int = F_int.at[nB].add(f_global_B)
    R = F_int - Fe
    bc_d = bc_disp.astype(f64)
    bc_r = bc_rot.astype(f64)
    free_mask = jnp.concatenate([1 - bc_d, 1 - bc_d, 1 - bc_r], axis=1)
    R_free = R * free_mask
    F_free = Fe * free_mask
    F_norm_sq = jnp.clip((F_free ** 2).sum(), 1e-30, None)
    loss = (R_free ** 2).sum() / F_norm_sq
    # single graph -> n_graphs = 1
    return loss.astype(jnp.float32), pred_raw, u_phys


def reference(pred_raw, u_c, theta_c, connectivity, elem_lengths, prop_E, prop_A,
              prop_I22, elem_directions, F_ext, bc_disp, bc_rot):
    return _forward(pred_raw, u_c, theta_c, connectivity, elem_lengths, prop_E,
                    prop_A, prop_I22, elem_directions, F_ext, bc_disp, bc_rot)

if __name__ == "__main__":
    import jax
    _d = setup_inputs()
    print(jax.jit(kernel)(*tuple(_d.values())))

</pallas_src>

<mosaic_0001>
#map = affine_map<(d0, d1) -> (0, 0)>
#map1 = affine_map<(d0, d1) -> (0)>
module attributes {stable_mosaic.version = 14 : i64} {
  func.func @_sc_body(%arg0: i32, %arg1: i32, %arg2: memref<6400x128xi32, #tpu.memory_space<hbm>>, %arg3: memref<6400x128xi32, #tpu.memory_space<hbm>>, %arg4: memref<819200xf32, #tpu.memory_space<hbm>>, %arg5: memref<819200xf32, #tpu.memory_space<hbm>>, %arg6: memref<819200xf32, #tpu.memory_space<hbm>>, %arg7: memref<819200xf32, #tpu.memory_space<hbm>>, %arg8: memref<819200xf32, #tpu.memory_space<hbm>>, %arg9: memref<819200xf32, #tpu.memory_space<hbm>>, %arg10: memref<50000xi32, #tpu.memory_space<hbm>>, %arg11: memref<50000xf32, #tpu.memory_space<hbm>>, %arg12: memref<16xf32, #tpu.memory_space<hbm>>, %arg13: memref<16xf32, #tpu.memory_space<hbm>>, %arg14: memref<301056xf32, #tpu.memory_space<hbm>>, %arg15: memref<50000xi32, #tpu.memory_space<vmem>>, %arg16: memref<50000xf32, #tpu.memory_space<vmem>>, %arg17: memref<8x128xi32, #tpu.memory_space<vmem>>, %arg18: memref<8x128xi32, #tpu.memory_space<vmem>>, %arg19: memref<1024xf32, #tpu.memory_space<vmem>>, %arg20: memref<1024xf32, #tpu.memory_space<vmem>>, %arg21: memref<1024xf32, #tpu.memory_space<vmem>>, %arg22: memref<1024xf32, #tpu.memory_space<vmem>>, %arg23: memref<1024xf32, #tpu.memory_space<vmem>>, %arg24: memref<1024xf32, #tpu.memory_space<vmem>>, %arg25: memref<1024xf32, #tpu.memory_space<vmem>>, %arg26: memref<1024xf32, #tpu.memory_space<vmem>>, %arg27: memref<1024xf32, #tpu.memory_space<vmem>>, %arg28: memref<1024xf32, #tpu.memory_space<vmem>>, %arg29: memref<1024xf32, #tpu.memory_space<vmem>>, %arg30: memref<1024xf32, #tpu.memory_space<vmem>>, %arg31: memref<1024xf32, #tpu.memory_space<vmem>>, %arg32: memref<16xf32, #tpu.memory_space<vmem>>, %arg33: memref<16xf32, #tpu.memory_space<vmem>>, %arg34: memref<50176xf32, #tpu.memory_space<vmem_shared>>, %arg35: memref<50176xf32, #tpu.memory_space<vmem_shared>>, %arg36: memref<50176xf32, #tpu.memory_space<vmem_shared>>, %arg37: memref<!tpu.dma_semaphore, #tpu.memory_space<semaphore_mem>>, %arg38: memref<!tpu.dma_semaphore, #tpu.memory_space<semaphore_mem>>) attributes {dimension_semantics = [#tpu.dimension_semantics<core_parallel>, #tpu.dimension_semantics<subcore_parallel>], iteration_bounds = array<i64: 2, 16>, scalar_prefetch = 0 : i64, scratch_operands = 24 : i64, tpu.core_type = #tpu.core_type<sc_vector_subcore>, window_params = [{transform_indices = #map}, {transform_indices = #map}, {transform_indices = #map1}, {transform_indices = #map1}, {transform_indices = #map1}, {transform_indices = #map1}, {transform_indices = #map1}, {transform_indices = #map1}, {transform_indices = #map1}, {transform_indices = #map1}, {transform_indices = #map1}, {transform_indices = #map1}, {transform_indices = #map1}]} {
    %mul3A = arith.constant 2 : i32
    %mul3A_0 = arith.muli %arg1, %mul3A : i32
    %add3A = arith.addi %mul3A_0, %arg0 : i32
    "tpu.region"() ({
      %run_scoped3A = tpu.sem_alloc : memref<!tpu.dma_semaphore, #tpu.memory_space<semaphore_mem>>
      tpu.enqueue_dma source(%arg10 : memref<50000xi32, #tpu.memory_space<hbm>>) target(%arg15 : memref<50000xi32, #tpu.memory_space<vmem>>) target_semaphore(%run_scoped3A : memref<!tpu.dma_semaphore, #tpu.memory_space<semaphore_mem>>)
      tpu.wait_dma2 semaphore(%run_scoped3A : memref<!tpu.dma_semaphore, #tpu.memory_space<semaphore_mem>>) src(%arg10 : memref<50000xi32, #tpu.memory_space<hbm>>) dst(%arg15 : memref<50000xi32, #tpu.memory_space<vmem>>)
      tpu.yield
    }) : () -> ()
    "tpu.region"() ({
      %run_scoped3A = tpu.sem_alloc : memref<!tpu.dma_semaphore, #tpu.memory_space<semaphore_mem>>
      tpu.enqueue_dma source(%arg11 : memref<50000xf32, #tpu.memory_space<hbm>>) target(%arg16 : memref<50000xf32, #tpu.memory_space<vmem>>) target_semaphore(%run_scoped3A : memref<!tpu.dma_semaphore, #tpu.memory_space<semaphore_mem>>)
      tpu.wait_dma2 semaphore(%run_scoped3A : memref<!tpu.dma_semaphore, #tpu.memory_space<semaphore_mem>>) src(%arg11 : memref<50000xf32, #tpu.memory_space<hbm>>) dst(%arg16 : memref<50000xf32, #tpu.memory_space<vmem>>)
      tpu.yield
    }) : () -> ()
    "tpu.region"() ({
      %run_scoped3A = tpu.sem_alloc : memref<!tpu.dma_semaphore, #tpu.memory_space<semaphore_mem>>
      tpu.enqueue_dma source(%arg12 : memref<16xf32, #tpu.memory_space<hbm>>) target(%arg32 : memref<16xf32, #tpu.memory_space<vmem>>) target_semaphore(%run_scoped3A : memref<!tpu.dma_semaphore, #tpu.memory_space<semaphore_mem>>)
      tpu.wait_dma2 semaphore(%run_scoped3A : memref<!tpu.dma_semaphore, #tpu.memory_space<semaphore_mem>>) src(%arg12 : memref<16xf32, #tpu.memory_space<hbm>>) dst(%arg32 : memref<16xf32, #tpu.memory_space<vmem>>)
      tpu.yield
    }) : () -> ()
    "tpu.region"() ({
      %run_scoped3A = tpu.sem_alloc : memref<!tpu.dma_semaphore, #tpu.memory_space<semaphore_mem>>
      tpu.enqueue_dma source(%arg13 : memref<16xf32, #tpu.memory_space<hbm>>) target(%arg33 : memref<16xf32, #tpu.memory_space<vmem>>) target_semaphore(%run_scoped3A : memref<!tpu.dma_semaphore, #tpu.memory_space<semaphore_mem>>)
      tpu.wait_dma2 semaphore(%run_scoped3A : memref<!tpu.dma_semaphore, #tpu.memory_space<semaphore_mem>>) src(%arg13 : memref<16xf32, #tpu.memory_space<hbm>>) dst(%arg33 : memref<16xf32, #tpu.memory_space<vmem>>)
      tpu.yield
    }) : () -> ()
    %broadcast_in_dim3A = arith.constant 0.000000e+00 : f32
    %broadcast_in_dim3A_1 = vector.broadcast %broadcast_in_dim3A : f32 to vector<16xf32>
    %while3A = arith.constant 0 : i32
    %while3A_2 = arith.constant 0 : i32
    %while3A_3 = arith.constant 64 : i32
    %while3A_4 = arith.subi %while3A_3, %while3A_2 : i32
    %while3A_5 = arith.addi %while3A_2, %while3A_4 : i32
    %while3A_6 = arith.constant 1 : i32
    %while3A_7 = arith.divsi %while3A_4, %while3A_6 : i32
    %while3A_8 = arith.muli %while3A_7, %while3A_6 : i32
    %while3A_9 = arith.addi %while3A_2, %while3A_8 : i32
    %while3A_10 = arith.constant 1 : i32
    scf.for %while3A_118 = %while3A_2 to %while3A_9 step %while3A_10  : i32 {
      %mul3A_119 = arith.constant 16 : i32
      %mul3A_120 = arith.muli %while3A_118, %mul3A_119 : i32
      %swap3A = arith.index_cast %mul3A_120 : i32 to index
      %swap3A_121 = tpu.vector_load %arg31[%swap3A] {strides = array<i32>} : memref<1024xf32, #tpu.memory_space<vmem>>, vector<16xf32>,
      tpu.vector_store %arg31[%swap3A], %broadcast_in_dim3A_1 {strides = array<i32>} : memref<1024xf32, #tpu.memory_space<vmem>>, vector<16xf32>,
    }
    %while3A_11 = arith.constant 1 : i32
    scf.for %while3A_118 = %while3A_9 to %while3A_5 step %while3A_11  : i32 {
      %mul3A_119 = arith.constant 16 : i32
      %mul3A_120 = arith.muli %while3A_118, %mul3A_119 : i32
      %swap3A = arith.index_cast %mul3A_120 : i32 to index
      %swap3A_121 = tpu.vector_load %arg31[%swap3A] {strides = array<i32>} : memref<1024xf32, #tpu.memory_space<vmem>>, vector<16xf32>,
      tpu.vector_store %arg31[%swap3A], %broadcast_in_dim3A_1 {strides = array<i32>} : memref<1024xf32, #tpu.memory_space<vmem>>, vector<16xf32>,
    }
    %mul3A_12 = arith.constant 3136 : i32
    %mul3A_13 = arith.muli %arg1, %mul3A_12 : i32
    "tpu.region"() ({
      %run_scoped3A = tpu.sem_alloc : memref<!tpu.dma_semaphore, #tpu.memory_space<semaphore_mem>>
      %dma_start3A = tpu.memref_slice %arg34[%mul3A_13] : memref<50176xf32, #tpu.memory_space<vmem_shared>> -> memref<1024xf32, #tpu.memory_space<vmem_shared>>
      %dma_start3A_118 = tpu.memref_slice %arg34[%mul3A_13] : memref<50176xf32, #tpu.memory_space<vmem_shared>> -> memref<1024xf32, #tpu.memory_space<vmem_shared>>
      tpu.enqueue_dma source(%arg31 : memref<1024xf32, #tpu.memory_space<vmem>>) target(%dma_start3A_118 : memref<1024xf32, #tpu.memory_space<vmem_shared>>) target_semaphore(%run_scoped3A : memref<!tpu.dma_semaphore, #tpu.memory_space<semaphore_mem>>)
      %dma_wait3A = tpu.memref_slice %arg34[%mul3A_13] : memref<50176xf32, #tpu.memory_space<vmem_shared>> -> memref<1024xf32, #tpu.memory_space<vmem_shared>>
      %dma_wait3A_119 = tpu.memref_slice %arg34[%mul3A_13] : memref<50176xf32, #tpu.memory_space<vmem_shared>> -> memref<1024xf32, #tpu.memory_space<vmem_shared>>
      tpu.wait_dma2 semaphore(%run_scoped3A : memref<!tpu.dma_semaphore, #tpu.memory_space<semaphore_mem>>) src(%arg31 : memref<1024xf32, #tpu.memory_space<vmem>>) dst(%dma_wait3A_119 : memref<1024xf32, #tpu.memory_space<vmem_shared>>)
      tpu.yield
    }) : () -> ()
    %add3A_14 = arith.constant 1024 : i32
    %add3A_15 = arith.addi %mul3A_13, %add3A_14 : i32
    "tpu.region"() ({
      %run_scoped3A = tpu.sem_alloc : memref<!tpu.dma_semaphore, #tpu.memory_space<semaphore_mem>>
      %dma_start3A = tpu.memref_slice %arg34[%add3A_15] : memref<50176xf32, #tpu.memory_space<vmem_shared>> -> memref<1024xf32, #tpu.memory_space<vmem_shared>>
      %dma_start3A_118 = tpu.memref_slice %arg34[%add3A_15] : memref<50176xf32, #tpu.memory_space<vmem_shared>> -> memref<1024xf32, #tpu.memory_space<vmem_shared>>
      tpu.enqueue_dma source(%arg31 : memref<1024xf32, #tpu.memory_space<vmem>>) target(%dma_start3A_118 : memref<1024xf32, #tpu.memory_space<vmem_shared>>) target_semaphore(%run_scoped3A : memref<!tpu.dma_semaphore, #tpu.memory_space<semaphore_mem>>)
      %dma_wait3A = tpu.memref_slice %arg34[%add3A_15] : memref<50176xf32, #tpu.memory_space<vmem_shared>> -> memref<1024xf32, #tpu.memory_space<vmem_shared>>
      %dma_wait3A_119 = tpu.memref_slice %arg34[%add3A_15] : memref<50176xf32, #tpu.memory_space<vmem_shared>> -> memref<1024xf32, #tpu.memory_space<vmem_shared>>
      tpu.wait_dma2 semaphore(%run_scoped3A : memref<!tpu.dma_semaphore, #tpu.memory_space<semaphore_mem>>) src(%arg31 : memref<1024xf32, #tpu.memory_space<vmem>>) dst(%dma_wait3A_119 : memref<1024xf32, #tpu.memory_space<vmem_shared>>)
      tpu.yield
    }) : () -> ()
    %add3A_16 = arith.constant 2048 : i32
    %add3A_17 = arith.addi %mul3A_13, %add3A_16 : i32
    "tpu.region"() ({
      %run_scoped3A = tpu.sem_alloc : memref<!tpu.dma_semaphore, #tpu.memory_space<semaphore_mem>>
      %dma_start3A = tpu.memref_slice %arg34[%add3A_17] : memref<50176xf32, #tpu.memory_space<vmem_shared>> -> memref<1024xf32, #tpu.memory_space<vmem_shared>>
      %dma_start3A_118 = tpu.memref_slice %arg34[%add3A_17] : memref<50176xf32, #tpu.memory_space<vmem_shared>> -> memref<1024xf32, #tpu.memory_space<vmem_shared>>
      tpu.enqueue_dma source(%arg31 : memref<1024xf32, #tpu.memory_space<vmem>>) target(%dma_start3A_118 : memref<1024xf32, #tpu.memory_space<vmem_shared>>) target_semaphore(%run_scoped3A : memref<!tpu.dma_semaphore, #tpu.memory_space<semaphore_mem>>)
      %dma_wait3A = tpu.memref_slice %arg34[%add3A_17] : memref<50176xf32, #tpu.memory_space<vmem_shared>> -> memref<1024xf32, #tpu.memory_space<vmem_shared>>
      %dma_wait3A_119 = tpu.memref_slice %arg34[%add3A_17] : memref<50176xf32, #tpu.memory_space<vmem_shared>> -> memref<1024xf32, #tpu.memory_space<vmem_shared>>
      tpu.wait_dma2 semaphore(%run_scoped3A : memref<!tpu.dma_semaphore, #tpu.memory_space<semaphore_mem>>) src(%arg31 : memref<1024xf32, #tpu.memory_space<vmem>>) dst(%dma_wait3A_119 : memref<1024xf32, #tpu.memory_space<vmem_shared>>)
      tpu.yield
    }) : () -> ()
    %add3A_18 = arith.constant 3072 : i32
    %add3A_19 = arith.addi %mul3A_13, %add3A_18 : i32
    "tpu.region"() ({
      %run_scoped3A = tpu.sem_alloc : memref<!tpu.dma_semaphore, #tpu.memory_space<semaphore_mem>>
      %dma_start3A = arith.constant 0 : i32
      %dma_start3A_118 = tpu.memref_slice %arg31[%dma_start3A] : memref<1024xf32, #tpu.memory_space<vmem>> -> memref<64xf32, #tpu.memory_space<vmem>>
      %dma_start3A_119 = tpu.memref_slice %arg34[%add3A_19] : memref<50176xf32, #tpu.memory_space<vmem_shared>> -> memref<64xf32, #tpu.memory_space<vmem_shared>>
      %dma_start3A_120 = tpu.memref_slice %arg34[%add3A_19] : memref<50176xf32, #tpu.memory_space<vmem_shared>> -> memref<64xf32, #tpu.memory_space<vmem_shared>>
      %dma_start3A_121 = arith.constant 0 : i32
      %dma_start3A_122 = tpu.memref_slice %arg31[%dma_start3A_121] : memref<1024xf32, #tpu.memory_space<vmem>> -> memref<64xf32, #tpu.memory_space<vmem>>
      tpu.enqueue_dma source(%dma_start3A_122 : memref<64xf32, #tpu.memory_space<vmem>>) target(%dma_start3A_120 : memref<64xf32, #tpu.memory_space<vmem_shared>>) target_semaphore(%run_scoped3A : memref<!tpu.dma_semaphore, #tpu.memory_space<semaphore_mem>>)
      %dma_wait3A = arith.constant 0 : i32
      %dma_wait3A_123 = tpu.memref_slice %arg31[%dma_wait3A] : memref<1024xf32, #tpu.memory_space<vmem>> -> memref<64xf32, #tpu.memory_space<vmem>>
      %dma_wait3A_124 = tpu.memref_slice %arg34[%add3A_19] : memref<50176xf32, #tpu.memory_space<vmem_shared>> -> memref<64xf32, #tpu.memory_space<vmem_shared>>
      %dma_wait3A_125 = tpu.memref_slice %arg34[%add3A_19] : memref<50176xf32, #tpu.memory_space<vmem_shared>> -> memref<64xf32, #tpu.memory_space<vmem_shared>>
      %dma_wait3A_126 = arith.constant 0 : i32
      %dma_wait3A_127 = tpu.memref_slice %arg31[%dma_wait3A_126] : memref<1024xf32, #tpu.memory_space<vmem>> -> memref<64xf32, #tpu.memory_space<vmem>>
      tpu.wait_dma2 semaphore(%run_scoped3A : memref<!tpu.dma_semaphore, #tpu.memory_space<semaphore_mem>>) src(%dma_wait3A_127 : memref<64xf32, #tpu.memory_space<vmem>>) dst(%dma_wait3A_125 : memref<64xf32, #tpu.memory_space<vmem_shared>>)
      tpu.yield
    }) : () -> ()
    "tpu.region"() ({
      %run_scoped3A = tpu.sem_alloc : memref<!tpu.dma_semaphore, #tpu.memory_space<semaphore_mem>>
      %dma_start3A = tpu.memref_slice %arg35[%mul3A_13] : memref<50176xf32, #tpu.memory_space<vmem_shared>> -> memref<1024xf32, #tpu.memory_space<vmem_shared>>
      %dma_start3A_118 = tpu.memref_slice %arg35[%mul3A_13] : memref<50176xf32, #tpu.memory_space<vmem_shared>> -> memref<1024xf32, #tpu.memory_space<vmem_shared>>
      tpu.enqueue_dma source(%arg31 : memref<1024xf32, #tpu.memory_space<vmem>>) target(%dma_start3A_118 : memref<1024xf32, #tpu.memory_space<vmem_shared>>) target_semaphore(%run_scoped3A : memref<!tpu.dma_semaphore, #tpu.memory_space<semaphore_mem>>)
      %dma_wait3A = tpu.memref_slice %arg35[%mul3A_13] : memref<50176xf32, #tpu.memory_space<vmem_shared>> -> memref<1024xf32, #tpu.memory_space<vmem_shared>>
      %dma_wait3A_119 = tpu.memref_slice %arg35[%mul3A_13] : memref<50176xf32, #tpu.memory_space<vmem_shared>> -> memref<1024xf32, #tpu.memory_space<vmem_shared>>
      tpu.wait_dma2 semaphore(%run_scoped3A : memref<!tpu.dma_semaphore, #tpu.memory_space<semaphore_mem>>) src(%arg31 : memref<1024xf32, #tpu.memory_space<vmem>>) dst(%dma_wait3A_119 : memref<1024xf32, #tpu.memory_space<vmem_shared>>)
      tpu.yield
    }) : () -> ()
    %add3A_20 = arith.constant 1024 : i32
    %add3A_21 = arith.addi %mul3A_13, %add3A_20 : i32
    "tpu.region"() ({
      %run_scoped3A = tpu.sem_alloc : memref<!tpu.dma_semaphore, #tpu.memory_space<semaphore_mem>>
      %dma_start3A = tpu.memref_slice %arg35[%add3A_21] : memref<50176xf32, #tpu.memory_space<vmem_shared>> -> memref<1024xf32, #tpu.memory_space<vmem_shared>>
      %dma_start3A_118 = tpu.memref_slice %arg35[%add3A_21] : memref<50176xf32, #tpu.memory_space<vmem_shared>> -> memref<1024xf32, #tpu.memory_space<vmem_shared>>
      tpu.enqueue_dma source(%arg31 : memref<1024xf32, #tpu.memory_space<vmem>>) target(%dma_start3A_118 : memref<1024xf32, #tpu.memory_space<vmem_shared>>) target_semaphore(%run_scoped3A : memref<!tpu.dma_semaphore, #tpu.memory_space<semaphore_mem>>)
      %dma_wait3A = tpu.memref_slice %arg35[%add3A_21] : memref<50176xf32, #tpu.memory_space<vmem_shared>> -> memref<1024xf32, #tpu.memory_space<vmem_shared>>
      %dma_wait3A_119 = tpu.memref_slice %arg35[%add3A_21] : memref<50176xf32, #tpu.memory_space<vmem_shared>> -> memref<1024xf32, #tpu.memory_space<vmem_shared>>
      tpu.wait_dma2 semaphore(%run_scoped3A : memref<!tpu.dma_semaphore, #tpu.memory_space<semaphore_mem>>) src(%arg31 : memref<1024xf32, #tpu.memory_space<vmem>>) dst(%dma_wait3A_119 : memref<1024xf32, #tpu.memory_space<vmem_shared>>)
      tpu.yield
    }) : () -> ()
    %add3A_22 = arith.constant 2048 : i32
    %add3A_23 = arith.addi %mul3A_13, %add3A_22 : i32
    "tpu.region"() ({
      %run_scoped3A = tpu.sem_alloc : memref<!tpu.dma_semaphore, #tpu.memory_space<semaphore_mem>>
      %dma_start3A = tpu.memref_slice %arg35[%add3A_23] : memref<50176xf32, #tpu.memory_space<vmem_shared>> -> memref<1024xf32, #tpu.memory_space<vmem_shared>>
      %dma_start3A_118 = tpu.memref_slice %arg35[%add3A_23] : memref<50176xf32, #tpu.memory_space<vmem_shared>> -> memref<1024xf32, #tpu.memory_space<vmem_shared>>
      tpu.enqueue_dma source(%arg31 : memref<1024xf32, #tpu.memory_space<vmem>>) target(%dma_start3A_118 : memref<1024xf32, #tpu.memory_space<vmem_shared>>) target_semaphore(%run_scoped3A : memref<!tpu.dma_semaphore, #tpu.memory_space<semaphore_mem>>)
      %dma_wait3A = tpu.memref_slice %arg35[%add3A_23] : memref<50176xf32, #tpu.memory_space<vmem_shared>> -> memref<1024xf32, #tpu.memory_space<vmem_shared>>
      %dma_wait3A_119 = tpu.memref_slice %arg35[%add3A_23] : memref<50176xf32, #tpu.memory_space<vmem_shared>> -> memref<1024xf32, #tpu.memory_space<vmem_shared>>
      tpu.wait_dma2 semaphore(%run_scoped3A : memref<!tpu.dma_semaphore, #tpu.memory_space<semaphore_mem>>) src(%arg31 : memref<1024xf32, #tpu.memory_space<vmem>>) dst(%dma_wait3A_119 : memref<1024xf32, #tpu.memory_space<vmem_shared>>)
      tpu.yield
    }) : () -> ()
    %add3A_24 = arith.constant 3072 : i32
    %add3A_25 = arith.addi %mul3A_13, %add3A_24 : i32
    "tpu.region"() ({
      %run_scoped3A = tpu.sem_alloc : memref<!tpu.dma_semaphore, #tpu.memory_space<semaphore_mem>>
      %dma_start3A = arith.constant 0 : i32
      %dma_start3A_118 = tpu.memref_slice %arg31[%dma_start3A] : memref<1024xf32, #tpu.memory_space<vmem>> -> memref<64xf32, #tpu.memory_space<vmem>>
      %dma_start3A_119 = tpu.memref_slice %arg35[%add3A_25] : memref<50176xf32, #tpu.memory_space<vmem_shared>> -> memref<64xf32, #tpu.memory_space<vmem_shared>>
      %dma_start3A_120 = tpu.memref_slice %arg35[%add3A_25] : memref<50176xf32, #tpu.memory_space<vmem_shared>> -> memref<64xf32, #tpu.memory_space<vmem_shared>>
      %dma_start3A_121 = arith.constant 0 : i32
      %dma_start3A_122 = tpu.memref_slice %arg31[%dma_start3A_121] : memref<1024xf32, #tpu.memory_space<vmem>> -> memref<64xf32, #tpu.memory_space<vmem>>
      tpu.enqueue_dma source(%dma_start3A_122 : memref<64xf32, #tpu.memory_space<vmem>>) target(%dma_start3A_120 : memref<64xf32, #tpu.memory_space<vmem_shared>>) target_semaphore(%run_scoped3A : memref<!tpu.dma_semaphore, #tpu.memory_space<semaphore_mem>>)
      %dma_wait3A = arith.constant 0 : i32
      %dma_wait3A_123 = tpu.memref_slice %arg31[%dma_wait3A] : memref<1024xf32, #tpu.memory_space<vmem>> -> memref<64xf32, #tpu.memory_space<vmem>>
      %dma_wait3A_124 = tpu.memref_slice %arg35[%add3A_25] : memref<50176xf32, #tpu.memory_space<vmem_shared>> -> memref<64xf32, #tpu.memory_space<vmem_shared>>
      %dma_wait3A_125 = tpu.memref_slice %arg35[%add3A_25] : memref<50176xf32, #tpu.memory_space<vmem_shared>> -> memref<64xf32, #tpu.memory_space<vmem_shared>>
      %dma_wait3A_126 = arith.constant 0 : i32
      %dma_wait3A_127 = tpu.memref_slice %arg31[%dma_wait3A_126] : memref<1024xf32, #tpu.memory_space<vmem>> -> memref<64xf32, #tpu.memory_space<vmem>>
      tpu.wait_dma2 semaphore(%run_scoped3A : memref<!tpu.dma_semaphore, #tpu.memory_space<semaphore_mem>>) src(%dma_wait3A_127 : memref<64xf32, #tpu.memory_space<vmem>>) dst(%dma_wait3A_125 : memref<64xf32, #tpu.memory_space<vmem_shared>>)
      tpu.yield
    }) : () -> ()
    "tpu.region"() ({
      %run_scoped3A = tpu.sem_alloc : memref<!tpu.dma_semaphore, #tpu.memory_space<semaphore_mem>>
      %dma_start3A = tpu.memref_slice %arg36[%mul3A_13] : memref<50176xf32, #tpu.memory_space<vmem_shared>> -> memref<1024xf32, #tpu.memory_space<vmem_shared>>
      %dma_start3A_118 = tpu.memref_slice %arg36[%mul3A_13] : memref<50176xf32, #tpu.memory_space<vmem_shared>> -> memref<1024xf32, #tpu.memory_space<vmem_shared>>
      tpu.enqueue_dma source(%arg31 : memref<1024xf32, #tpu.memory_space<vmem>>) target(%dma_start3A_118 : memref<1024xf32, #tpu.memory_space<vmem_shared>>) target_semaphore(%run_scoped3A : memref<!tpu.dma_semaphore, #tpu.memory_space<semaphore_mem>>)
      %dma_wait3A = tpu.memref_slice %arg36[%mul3A_13] : memref<50176xf32, #tpu.memory_space<vmem_shared>> -> memref<1024xf32, #tpu.memory_space<vmem_shared>>
      %dma_wait3A_119 = tpu.memref_slice %arg36[%mul3A_13] : memref<50176xf32, #tpu.memory_space<vmem_shared>> -> memref<1024xf32, #tpu.memory_space<vmem_shared>>
      tpu.wait_dma2 semaphore(%run_scoped3A : memref<!tpu.dma_semaphore, #tpu.memory_space<semaphore_mem>>) src(%arg31 : memref<1024xf32, #tpu.memory_space<vmem>>) dst(%dma_wait3A_119 : memref<1024xf32, #tpu.memory_space<vmem_shared>>)
      tpu.yield
    }) : () -> ()
    %add3A_26 = arith.constant 1024 : i32
    %add3A_27 = arith.addi %mul3A_13, %add3A_26 : i32
    "tpu.region"() ({
      %run_scoped3A = tpu.sem_alloc : memref<!tpu.dma_semaphore, #tpu.memory_space<semaphore_mem>>
      %dma_start3A = tpu.memref_slice %arg36[%add3A_27] : memref<50176xf32, #tpu.memory_space<vmem_shared>> -> memref<1024xf32, #tpu.memory_space<vmem_shared>>
      %dma_start3A_118 = tpu.memref_slice %arg36[%add3A_27] : memref<50176xf32, #tpu.memory_space<vmem_shared>> -> memref<1024xf32, #tpu.memory_space<vmem_shared>>
      tpu.enqueue_dma source(%arg31 : memref<1024xf32, #tpu.memory_space<vmem>>) target(%dma_start3A_118 : memref<1024xf32, #tpu.memory_space<vmem_shared>>) target_semaphore(%run_scoped3A : memref<!tpu.dma_semaphore, #tpu.memory_space<semaphore_mem>>)
      %dma_wait3A = tpu.memref_slice %arg36[%add3A_27] : memref<50176xf32, #tpu.memory_space<vmem_shared>> -> memref<1024xf32, #tpu.memory_space<vmem_shared>>
      %dma_wait3A_119 = tpu.memref_slice %arg36[%add3A_27] : memref<50176xf32, #tpu.memory_space<vmem_shared>> -> memref<1024xf32, #tpu.memory_space<vmem_shared>>
      tpu.wait_dma2 semaphore(%run_scoped3A : memref<!tpu.dma_semaphore, #tpu.memory_space<semaphore_mem>>) src(%arg31 : memref<1024xf32, #tpu.memory_space<vmem>>) dst(%dma_wait3A_119 : memref<1024xf32, #tpu.memory_space<vmem_shared>>)
      tpu.yield
    }) : () -> ()
    %add3A_28 = arith.constant 2048 : i32
    %add3A_29 = arith.addi %mul3A_13, %add3A_28 : i32
    "tpu.region"() ({
      %run_scoped3A = tpu.sem_alloc : memref<!tpu.dma_semaphore, #tpu.memory_space<semaphore_mem>>
      %dma_start3A = tpu.memref_slice %arg36[%add3A_29] : memref<50176xf32, #tpu.memory_space<vmem_shared>> -> memref<1024xf32, #tpu.memory_space<vmem_shared>>
      %dma_start3A_118 = tpu.memref_slice %arg36[%add3A_29] : memref<50176xf32, #tpu.memory_space<vmem_shared>> -> memref<1024xf32, #tpu.memory_space<vmem_shared>>
      tpu.enqueue_dma source(%arg31 : memref<1024xf32, #tpu.memory_space<vmem>>) target(%dma_start3A_118 : memref<1024xf32, #tpu.memory_space<vmem_shared>>) target_semaphore(%run_scoped3A : memref<!tpu.dma_semaphore, #tpu.memory_space<semaphore_mem>>)
      %dma_wait3A = tpu.memref_slice %arg36[%add3A_29] : memref<50176xf32, #tpu.memory_space<vmem_shared>> -> memref<1024xf32, #tpu.memory_space<vmem_shared>>
      %dma_wait3A_119 = tpu.memref_slice %arg36[%add3A_29] : memref<50176xf32, #tpu.memory_space<vmem_shared>> -> memref<1024xf32, #tpu.memory_space<vmem_shared>>
      tpu.wait_dma2 semaphore(%run_scoped3A : memref<!tpu.dma_semaphore, #tpu.memory_space<semaphore_mem>>) src(%arg31 : memref<1024xf32, #tpu.memory_space<vmem>>) dst(%dma_wait3A_119 : memref<1024xf32, #tpu.memory_space<vmem_shared>>)
      tpu.yield
    }) : () -> ()
    %add3A_30 = arith.constant 3072 : i32
    %add3A_31 = arith.addi %mul3A_13, %add3A_30 : i32
    "tpu.region"() ({
      %run_scoped3A = tpu.sem_alloc : memref<!tpu.dma_semaphore, #tpu.memory_space<semaphore_mem>>
      %dma_start3A = arith.constant 0 : i32
      %dma_start3A_118 = tpu.memref_slice %arg31[%dma_start3A] : memref<1024xf32, #tpu.memory_space<vmem>> -> memref<64xf32, #tpu.memory_space<vmem>>
      %dma_start3A_119 = tpu.memref_slice %arg36[%add3A_31] : memref<50176xf32, #tpu.memory_space<vmem_shared>> -> memref<64xf32, #tpu.memory_space<vmem_shared>>
      %dma_start3A_120 = tpu.memref_slice %arg36[%add3A_31] : memref<50176xf32, #tpu.memory_space<vmem_shared>> -> memref<64xf32, #tpu.memory_space<vmem_shared>>
      %dma_start3A_121 = arith.constant 0 : i32
      %dma_start3A_122 = tpu.memref_slice %arg31[%dma_start3A_121] : memref<1024xf32, #tpu.memory_space<vmem>> -> memref<64xf32, #tpu.memory_space<vmem>>
      tpu.enqueue_dma source(%dma_start3A_122 : memref<64xf32, #tpu.memory_space<vmem>>) target(%dma_start3A_120 : memref<64xf32, #tpu.memory_space<vmem_shared>>) target_semaphore(%run_scoped3A : memref<!tpu.dma_semaphore, #tpu.memory_space<semaphore_mem>>)
      %dma_wait3A = arith.constant 0 : i32
      %dma_wait3A_123 = tpu.memref_slice %arg31[%dma_wait3A] : memref<1024xf32, #tpu.memory_space<vmem>> -> memref<64xf32, #tpu.memory_space<vmem>>
      %dma_wait3A_124 = tpu.memref_slice %arg36[%add3A_31] : memref<50176xf32, #tpu.memory_space<vmem_shared>> -> memref<64xf32, #tpu.memory_space<vmem_shared>>
      %dma_wait3A_125 = tpu.memref_slice %arg36[%add3A_31] : memref<50176xf32, #tpu.memory_space<vmem_shared>> -> memref<64xf32, #tpu.memory_space<vmem_shared>>
      %dma_wait3A_126 = arith.constant 0 : i32
      %dma_wait3A_127 = tpu.memref_slice %arg31[%dma_wait3A_126] : memref<1024xf32, #tpu.memory_space<vmem>> -> memref<64xf32, #tpu.memory_space<vmem>>
      tpu.wait_dma2 semaphore(%run_scoped3A : memref<!tpu.dma_semaphore, #tpu.memory_space<semaphore_mem>>) src(%dma_wait3A_127 : memref<64xf32, #tpu.memory_space<vmem>>) dst(%dma_wait3A_125 : memref<64xf32, #tpu.memory_space<vmem_shared>>)
      tpu.yield
    }) : () -> ()
    %barrier3A = arith.constant 0 : index
    tpu.barrier barrier_id(%barrier3A)
    %get3A = arith.constant 0 : index
    %get3A_32 = tpu.vector_load %arg32[%get3A] {strides = array<i32>} : memref<16xf32, #tpu.memory_space<vmem>>, vector<16xf32>,
    %get3A_33 = arith.constant 0 : index
    %get3A_34 = tpu.vector_load %arg33[%get3A_33] {strides = array<i32>} : memref<16xf32, #tpu.memory_space<vmem>>, vector<16xf32>,
    %mul3A_35 = arith.constant 25600 : i32
    %mul3A_36 = arith.muli %add3A, %mul3A_35 : i32
    %while3A_37 = arith.constant 0 : i32
    %while3A_38 = arith.constant -65536 : i32
    %while3A_39 = arith.constant 0 : i32
    %while3A_40 = arith.constant 25 : i32
    %while3A_41 = arith.subi %while3A_40, %while3A_39 : i32
    %while3A_42 = arith.addi %while3A_39, %while3A_41 : i32
    %while3A_43 = arith.constant 1 : i32
    %while3A_44 = arith.divsi %while3A_41, %while3A_43 : i32
    %while3A_45 = arith.muli %while3A_44, %while3A_43 : i32
    %while3A_46 = arith.addi %while3A_39, %while3A_45 : i32
    %while3A_47 = arith.constant 1 : i32
    scf.for %while3A_118 = %while3A_39 to %while3A_46 step %while3A_47  : i32 {
      %mul3A_119 = arith.constant 1024 : i32
      %mul3A_120 = arith.muli %while3A_118, %mul3A_119 : i32
      %add3A_121 = arith.addi %mul3A_36, %mul3A_120 : i32
      %shift_right_logical3A = arith.constant 7 : i32
      %shift_right_logical3A_122 = arith.shrui %add3A_121, %shift_right_logical3A : i32
      %multiple_of3A_123 = tpu.assume_multiple %shift_right_logical3A_122, 8 : i32
      %dma_start3A = arith.constant 0 : i32
      %dma_start3A_124 = tpu.memref_slice %arg2[%multiple_of3A_123, %dma_start3A] : memref<6400x128xi32, #tpu.memory_space<hbm>> -> memref<8x128xi32, #tpu.memory_space<hbm>>
      %dma_start3A_125 = arith.constant 0 : i32
      %dma_start3A_126 = tpu.memref_slice %arg2[%multiple_of3A_123, %dma_start3A_125] : memref<6400x128xi32, #tpu.memory_space<hbm>> -> memref<8x128xi32, #tpu.memory_space<hbm>>
      tpu.enqueue_dma source(%dma_start3A_126 : memref<8x128xi32, #tpu.memory_space<hbm>>) target(%arg17 : memref<8x128xi32, #tpu.memory_space<vmem>>) target_semaphore(%arg37 : memref<!tpu.dma_semaphore, #tpu.memory_space<semaphore_mem>>)
      %dma_start3A_127 = arith.constant 0 : i32
      %dma_start3A_128 = tpu.memref_slice %arg3[%multiple_of3A_123, %dma_start3A_127] : memref<6400x128xi32, #tpu.memory_space<hbm>> -> memref<8x128xi32, #tpu.memory_space<hbm>>
      %dma_start3A_129 = arith.constant 0 : i32
      %dma_start3A_130 = tpu.memref_slice %arg3[%multiple_of3A_123, %dma_start3A_129] : memref<6400x128xi32, #tpu.memory_space<hbm>> -> memref<8x128xi32, #tpu.memory_space<hbm>>
      tpu.enqueue_dma source(%dma_start3A_130 : memref<8x128xi32, #tpu.memory_space<hbm>>) target(%arg18 : memref<8x128xi32, #tpu.memory_space<vmem>>) target_semaphore(%arg37 : memref<!tpu.dma_semaphore, #tpu.memory_space<semaphore_mem>>)
      %dma_start3A_131 = tpu.memref_slice %arg4[%add3A_121] : memref<819200xf32, #tpu.memory_space<hbm>> -> memref<1024xf32, #tpu.memory_space<hbm>>
      %dma_start3A_132 = tpu.memref_slice %arg4[%add3A_121] : memref<819200xf32, #tpu.memory_space<hbm>> -> memref<1024xf32, #tpu.memory_space<hbm>>
      tpu.enqueue_dma source(%dma_start3A_132 : memref<1024xf32, #tpu.memory_space<hbm>>) target(%arg19 : memref<1024xf32, #tpu.memory_space<vmem>>) target_semaphore(%arg37 : memref<!tpu.dma_semaphore, #tpu.memory_space<semaphore_mem>>)
      %dma_start3A_133 = tpu.memref_slice %arg5[%add3A_121] : memref<819200xf32, #tpu.memory_space<hbm>> -> memref<1024xf32, #tpu.memory_space<hbm>>
      %dma_start3A_134 = tpu.memref_slice %arg5[%add3A_121] : memref<819200xf32, #tpu.memory_space<hbm>> -> memref<1024xf32, #tpu.memory_space<hbm>>
      tpu.enqueue_dma source(%dma_start3A_134 : memref<1024xf32, #tpu.memory_space<hbm>>) target(%arg20 : memref<1024xf32, #tpu.memory_space<vmem>>) target_semaphore(%arg37 : memref<!tpu.dma_semaphore, #tpu.memory_space<semaphore_mem>>)
      %dma_start3A_135 = tpu.memref_slice %arg6[%add3A_121] : memref<819200xf32, #tpu.memory_space<hbm>> -> memref<1024xf32, #tpu.memory_space<hbm>>
      %dma_start3A_136 = tpu.memref_slice %arg6[%add3A_121] : memref<819200xf32, #tpu.memory_space<hbm>> -> memref<1024xf32, #tpu.memory_space<hbm>>
      tpu.enqueue_dma source(%dma_start3A_136 : memref<1024xf32, #tpu.memory_space<hbm>>) target(%arg21 : memref<1024xf32, #tpu.memory_space<vmem>>) target_semaphore(%arg37 : memref<!tpu.dma_semaphore, #tpu.memory_space<semaphore_mem>>)
      %dma_start3A_137 = tpu.memref_slice %arg7[%add3A_121] : memref<819200xf32, #tpu.memory_space<hbm>> -> memref<1024xf32, #tpu.memory_space<hbm>>
      %dma_start3A_138 = tpu.memref_slice %arg7[%add3A_121] : memref<819200xf32, #tpu.memory_space<hbm>> -> memref<1024xf32, #tpu.memory_space<hbm>>
      tpu.enqueue_dma source(%dma_start3A_138 : memref<1024xf32, #tpu.memory_space<hbm>>) target(%arg22 : memref<1024xf32, #tpu.memory_space<vmem>>) target_semaphore(%arg37 : memref<!tpu.dma_semaphore, #tpu.memory_space<semaphore_mem>>)
      %dma_start3A_139 = tpu.memref_slice %arg8[%add3A_121] : memref<819200xf32, #tpu.memory_space<hbm>> -> memref<1024xf32, #tpu.memory_space<hbm>>
      %dma_start3A_140 = tpu.memref_slice %arg8[%add3A_121] : memref<819200xf32, #tpu.memory_space<hbm>> -> memref<1024xf32, #tpu.memory_space<hbm>>
      tpu.enqueue_dma source(%dma_start3A_140 : memref<1024xf32, #tpu.memory_space<hbm>>) target(%arg23 : memref<1024xf32, #tpu.memory_space<vmem>>) target_semaphore(%arg37 : memref<!tpu.dma_semaphore, #tpu.memory_space<semaphore_mem>>)
      %dma_start3A_141 = tpu.memref_slice %arg9[%add3A_121] : memref<819200xf32, #tpu.memory_space<hbm>> -> memref<1024xf32, #tpu.memory_space<hbm>>
      %dma_start3A_142 = tpu.memref_slice %arg9[%add3A_121] : memref<819200xf32, #tpu.memory_space<hbm>> -> memref<1024xf32, #tpu.memory_space<hbm>>
      tpu.enqueue_dma source(%dma_start3A_142 : memref<1024xf32, #tpu.memory_space<hbm>>) target(%arg24 : memref<1024xf32, #tpu.memory_space<vmem>>) target_semaphore(%arg37 : memref<!tpu.dma_semaphore, #tpu.memory_space<semaphore_mem>>)
      %dma_wait3A = arith.constant 0 : i32
      %dma_wait3A_143 = tpu.memref_slice %arg2[%multiple_of3A_123, %dma_wait3A] : memref<6400x128xi32, #tpu.memory_space<hbm>> -> memref<8x128xi32, #tpu.memory_space<hbm>>
      %dma_wait3A_144 = arith.constant 0 : i32
      %dma_wait3A_145 = tpu.memref_slice %arg2[%multiple_of3A_123, %dma_wait3A_144] : memref<6400x128xi32, #tpu.memory_space<hbm>> -> memref<8x128xi32, #tpu.memory_space<hbm>>
      tpu.wait_dma2 semaphore(%arg37 : memref<!tpu.dma_semaphore, #tpu.memory_space<semaphore_mem>>) src(%dma_wait3A_145 : memref<8x128xi32, #tpu.memory_space<hbm>>) dst(%arg17 : memref<8x128xi32, #tpu.memory_space<vmem>>)
      %dma_wait3A_146 = arith.constant 0 : i32
      %dma_wait3A_147 = tpu.memref_slice %arg3[%multiple_of3A_123, %dma_wait3A_146] : memref<6400x128xi32, #tpu.memory_space<hbm>> -> memref<8x128xi32, #tpu.memory_space<hbm>>
      %dma_wait3A_148 = arith.constant 0 : i32
      %dma_wait3A_149 = tpu.memref_slice %arg3[%multiple_of3A_123, %dma_wait3A_148] : memref<6400x128xi32, #tpu.memory_space<hbm>> -> memref<8x128xi32, #tpu.memory_space<hbm>>
      tpu.wait_dma2 semaphore(%arg37 : memref<!tpu.dma_semaphore, #tpu.memory_space<semaphore_mem>>) src(%dma_wait3A_149 : memref<8x128xi32, #tpu.memory_space<hbm>>) dst(%arg18 : memref<8x128xi32, #tpu.memory_space<vmem>>)
      %dma_wait3A_150 = tpu.memref_slice %arg4[%add3A_121] : memref<819200xf32, #tpu.memory_space<hbm>> -> memref<1024xf32, #tpu.memory_space<hbm>>
      %dma_wait3A_151 = tpu.memref_slice %arg4[%add3A_121] : memref<819200xf32, #tpu.memory_space<hbm>> -> memref<1024xf32, #tpu.memory_space<hbm>>
      tpu.wait_dma2 semaphore(%arg37 : memref<!tpu.dma_semaphore, #tpu.memory_space<semaphore_mem>>) src(%dma_wait3A_151 : memref<1024xf32, #tpu.memory_space<hbm>>) dst(%arg19 : memref<1024xf32, #tpu.memory_space<vmem>>)
      %dma_wait3A_152 = tpu.memref_slice %arg5[%add3A_121] : memref<819200xf32, #tpu.memory_space<hbm>> -> memref<1024xf32, #tpu.memory_space<hbm>>
      %dma_wait3A_153 = tpu.memref_slice %arg5[%add3A_121] : memref<819200xf32, #tpu.memory_space<hbm>> -> memref<1024xf32, #tpu.memory_space<hbm>>
      tpu.wait_dma2 semaphore(%arg37 : memref<!tpu.dma_semaphore, #tpu.memory_space<semaphore_mem>>) src(%dma_wait3A_153 : memref<1024xf32, #tpu.memory_space<hbm>>) dst(%arg20 : memref<1024xf32, #tpu.memory_space<vmem>>)
      %dma_wait3A_154 = tpu.memref_slice %arg6[%add3A_121] : memref<819200xf32, #tpu.memory_space<hbm>> -> memref<1024xf32, #tpu.memory_space<hbm>>
      %dma_wait3A_155 = tpu.memref_slice %arg6[%add3A_121] : memref<819200xf32, #tpu.memory_space<hbm>> -> memref<1024xf32, #tpu.memory_space<hbm>>
      tpu.wait_dma2 semaphore(%arg37 : memref<!tpu.dma_semaphore, #tpu.memory_space<semaphore_mem>>) src(%dma_wait3A_155 : memref<1024xf32, #tpu.memory_space<hbm>>) dst(%arg21 : memref<1024xf32, #tpu.memory_space<vmem>>)
      %dma_wait3A_156 = tpu.memref_slice %arg7[%add3A_121] : memref<819200xf32, #tpu.memory_space<hbm>> -> memref<1024xf32, #tpu.memory_space<hbm>>
      %dma_wait3A_157 = tpu.memref_slice %arg7[%add3A_121] : memref<819200xf32, #tpu.memory_space<hbm>> -> memref<1024xf32, #tpu.memory_space<hbm>>
      tpu.wait_dma2 semaphore(%arg37 : memref<!tpu.dma_semaphore, #tpu.memory_space<semaphore_mem>>) src(%dma_wait3A_157 : memref<1024xf32, #tpu.memory_space<hbm>>) dst(%arg22 : memref<1024xf32, #tpu.memory_space<vmem>>)
      %dma_wait3A_158 = tpu.memref_slice %arg8[%add3A_121] : memref<819200xf32, #tpu.memory_space<hbm>> -> memref<1024xf32, #tpu.memory_space<hbm>>
      %dma_wait3A_159 = tpu.memref_slice %arg8[%add3A_121] : memref<819200xf32, #tpu.memory_space<hbm>> -> memref<1024xf32, #tpu.memory_space<hbm>>
      tpu.wait_dma2 semaphore(%arg37 : memref<!tpu.dma_semaphore, #tpu.memory_space<semaphore_mem>>) src(%dma_wait3A_159 : memref<1024xf32, #tpu.memory_space<hbm>>) dst(%arg23 : memref<1024xf32, #tpu.memory_space<vmem>>)
      %dma_wait3A_160 = tpu.memref_slice %arg9[%add3A_121] : memref<819200xf32, #tpu.memory_space<hbm>> -> memref<1024xf32, #tpu.memory_space<hbm>>
      %dma_wait3A_161 = tpu.memref_slice %arg9[%add3A_121] : memref<819200xf32, #tpu.memory_space<hbm>> -> memref<1024xf32, #tpu.memory_space<hbm>>
      tpu.wait_dma2 semaphore(%arg37 : memref<!tpu.dma_semaphore, #tpu.memory_space<semaphore_mem>>) src(%dma_wait3A_161 : memref<1024xf32, #tpu.memory_space<hbm>>) dst(%arg24 : memref<1024xf32, #tpu.memory_space<vmem>>)
      %while3A_162 = arith.constant 0 : i32
      %while3A_163 = arith.constant 0 : i32
      %while3A_164 = arith.constant 64 : i32
      %while3A_165 = arith.subi %while3A_164, %while3A_163 : i32
      %while3A_166 = arith.addi %while3A_163, %while3A_165 : i32
      %while3A_167 = arith.constant 1 : i32
      %while3A_168 = arith.divsi %while3A_165, %while3A_167 : i32
      %while3A_169 = arith.muli %while3A_168, %while3A_167 : i32
      %while3A_170 = arith.addi %while3A_163, %while3A_169 : i32
      %while3A_171 = arith.constant 1 : i32
      scf.for %while3A_941 = %while3A_163 to %while3A_170 step %while3A_171  : i32 {
        %shift_right_logical3A_942 = arith.constant 3 : i32
        %shift_right_logical3A_943 = arith.shrui %while3A_941, %shift_right_logical3A_942 : i32
        %and3A = arith.constant 7 : i32
        %and3A_944 = arith.andi %while3A_941, %and3A : i32
        %mul3A_945 = arith.constant 16 : i32
        %mul3A_946 = arith.muli %and3A_944, %mul3A_945 : i32
        %get3A_947 = arith.index_cast %shift_right_logical3A_943 : i32 to index
        %get3A_948 = arith.index_cast %mul3A_946 : i32 to index
        %get3A_949 = tpu.vector_load %arg17[%get3A_947, %get3A_948] {strides = array<i32>} : memref<8x128xi32, #tpu.memory_space<vmem>>, vector<16xi32>,
        %get3A_950 = arith.index_cast %shift_right_logical3A_943 : i32 to index
        %get3A_951 = arith.index_cast %mul3A_946 : i32 to index
        %get3A_952 = tpu.vector_load %arg18[%get3A_950, %get3A_951] {strides = array<i32>} : memref<8x128xi32, #tpu.memory_space<vmem>>, vector<16xi32>,
        %gather3A = tpu.vector_load_idx %arg15[%get3A_949] : memref<50000xi32, #tpu.memory_space<vmem>>[vector<16xi32>], vector<16xi32>,
        %gather3A_953 = tpu.vector_load_idx %arg15[%get3A_952] : memref<50000xi32, #tpu.memory_space<vmem>>[vector<16xi32>], vector<16xi32>,
        %gather3A_954 = tpu.vector_load_idx %arg16[%get3A_949] : memref<50000xf32, #tpu.memory_space<vmem>>[vector<16xi32>], vector<16xf32>,
        %gather3A_955 = tpu.vector_load_idx %arg16[%get3A_952] : memref<50000xf32, #tpu.memory_space<vmem>>[vector<16xi32>], vector<16xf32>,
        %shift_left3A = arith.constant 16 : i32
        %shift_left3A_956 = vector.broadcast %shift_left3A : i32 to vector<16xi32>
        %shift_left3A_957 = arith.shli %gather3A, %shift_left3A_956 : vector<16xi32>
        %bitcast3A = vector.bitcast %shift_left3A_957 : vector<16xi32> to vector<16xf32>
        %mul3A_958 = arith.mulf %bitcast3A, %get3A_32 : vector<16xf32>
        %and3A_959 = vector.broadcast %while3A_38 : i32 to vector<16xi32>
        %and3A_960 = arith.andi %gather3A, %and3A_959 : vector<16xi32>
        %bitcast3A_961 = vector.bitcast %and3A_960 : vector<16xi32> to vector<16xf32>
        %mul3A_962 = arith.mulf %bitcast3A_961, %get3A_32 : vector<16xf32>
        %shift_left3A_963 = arith.constant 16 : i32
        %shift_left3A_964 = vector.broadcast %shift_left3A_963 : i32 to vector<16xi32>
        %shift_left3A_965 = arith.shli %gather3A_953, %shift_left3A_964 : vector<16xi32>
        %bitcast3A_966 = vector.bitcast %shift_left3A_965 : vector<16xi32> to vector<16xf32>
        %mul3A_967 = arith.mulf %bitcast3A_966, %get3A_32 : vector<16xf32>
        %and3A_968 = vector.broadcast %while3A_38 : i32 to vector<16xi32>
        %and3A_969 = arith.andi %gather3A_953, %and3A_968 : vector<16xi32>
        %bitcast3A_970 = vector.bitcast %and3A_969 : vector<16xi32> to vector<16xf32>
        %mul3A_971 = arith.mulf %bitcast3A_970, %get3A_32 : vector<16xf32>
        %mul3A_972 = arith.mulf %gather3A_954, %get3A_34 : vector<16xf32>
        %mul3A_973 = arith.mulf %gather3A_955, %get3A_34 : vector<16xf32>
        %mul3A_974 = arith.constant 16 : i32
        %mul3A_975 = arith.muli %while3A_941, %mul3A_974 : i32
        %get3A_976 = arith.index_cast %mul3A_975 : i32 to index
        %get3A_977 = tpu.vector_load %arg19[%get3A_976] {strides = array<i32>} : memref<1024xf32, #tpu.memory_space<vmem>>, vector<16xf32>,
        %get3A_978 = arith.index_cast %mul3A_975 : i32 to index
        %get3A_979 = tpu.vector_load %arg20[%get3A_978] {strides = array<i32>} : memref<1024xf32, #tpu.memory_space<vmem>>, vector<16xf32>,
        %get3A_980 = arith.index_cast %mul3A_975 : i32 to index
        %get3A_981 = tpu.vector_load %arg21[%get3A_980] {strides = array<i32>} : memref<1024xf32, #tpu.memory_space<vmem>>, vector<16xf32>,
        %get3A_982 = arith.index_cast %mul3A_975 : i32 to index
        %get3A_983 = tpu.vector_load %arg22[%get3A_982] {strides = array<i32>} : memref<1024xf32, #tpu.memory_space<vmem>>, vector<16xf32>,
        %get3A_984 = arith.index_cast %mul3A_975 : i32 to index
        %get3A_985 = tpu.vector_load %arg23[%get3A_984] {strides = array<i32>} : memref<1024xf32, #tpu.memory_space<vmem>>, vector<16xf32>,
        %get3A_986 = arith.index_cast %mul3A_975 : i32 to index
        %get3A_987 = tpu.vector_load %arg24[%get3A_986] {strides = array<i32>} : memref<1024xf32, #tpu.memory_space<vmem>>, vector<16xf32>,
        %div3A = arith.constant 1.000000e+00 : f32
        %div3A_988 = vector.broadcast %div3A : f32 to vector<16xf32>
        %div3A_989 = arith.divf %div3A_988, %get3A_977 : vector<16xf32>
        %mul3A_990 = arith.mulf %get3A_979, %get3A_981 : vector<16xf32>
        %mul3A_991 = arith.mulf %mul3A_990, %div3A_989 : vector<16xf32>
        %mul3A_992 = arith.mulf %get3A_979, %get3A_983 : vector<16xf32>
        %mul3A_993 = arith.mulf %mul3A_992, %div3A_989 : vector<16xf32>
        %mul3A_994 = arith.mulf %mul3A_993, %div3A_989 : vector<16xf32>
        %mul3A_995 = arith.mulf %mul3A_994, %div3A_989 : vector<16xf32>
        %mul3A_996 = arith.mulf %get3A_985, %mul3A_958 : vector<16xf32>
        %mul3A_997 = arith.mulf %get3A_987, %mul3A_962 : vector<16xf32>
        %add3A_998 = arith.addf %mul3A_996, %mul3A_997 : vector<16xf32>
        %mul3A_999 = arith.mulf %get3A_985, %mul3A_962 : vector<16xf32>
        %mul3A_1000 = arith.mulf %get3A_987, %mul3A_958 : vector<16xf32>
        %sub3A = arith.subf %mul3A_999, %mul3A_1000 : vector<16xf32>
        %mul3A_1001 = arith.mulf %get3A_985, %mul3A_967 : vector<16xf32>
        %mul3A_1002 = arith.mulf %get3A_987, %mul3A_971 : vector<16xf32>
        %add3A_1003 = arith.addf %mul3A_1001, %mul3A_1002 : vector<16xf32>
        %mul3A_1004 = arith.mulf %get3A_985, %mul3A_971 : vector<16xf32>
        %mul3A_1005 = arith.mulf %get3A_987, %mul3A_967 : vector<16xf32>
        %sub3A_1006 = arith.subf %mul3A_1004, %mul3A_1005 : vector<16xf32>
        %sub3A_1007 = arith.subf %add3A_998, %add3A_1003 : vector<16xf32>
        %mul3A_1008 = arith.mulf %mul3A_991, %sub3A_1007 : vector<16xf32>
        %sub3A_1009 = arith.subf %sub3A, %sub3A_1006 : vector<16xf32>
        %mul3A_1010 = arith.constant 1.200000e+01 : f32
        %mul3A_1011 = vector.broadcast %mul3A_1010 : f32 to vector<16xf32>
        %mul3A_1012 = arith.mulf %mul3A_1011, %mul3A_995 : vector<16xf32>
        %mul3A_1013 = arith.mulf %mul3A_1012, %sub3A_1009 : vector<16xf32>
        %mul3A_1014 = arith.constant 6.000000e+00 : f32
        %mul3A_1015 = vector.broadcast %mul3A_1014 : f32 to vector<16xf32>
        %mul3A_1016 = arith.mulf %mul3A_1015, %mul3A_994 : vector<16xf32>
        %add3A_1017 = arith.addf %mul3A_972, %mul3A_973 : vector<16xf32>
        %mul3A_1018 = arith.mulf %mul3A_1016, %add3A_1017 : vector<16xf32>
        %sub3A_1019 = arith.subf %mul3A_1013, %mul3A_1018 : vector<16xf32>
        %mul3A_1020 = arith.constant 6.000000e+00 : f32
        %mul3A_1021 = vector.broadcast %mul3A_1020 : f32 to vector<16xf32>
        %mul3A_1022 = arith.mulf %mul3A_1021, %mul3A_994 : vector<16xf32>
        %mul3A_1023 = arith.mulf %mul3A_1022, %sub3A_1009 : vector<16xf32>
        %mul3A_1024 = arith.constant 4.000000e+00 : f32
        %mul3A_1025 = vector.broadcast %mul3A_1024 : f32 to vector<16xf32>
        %mul3A_1026 = arith.mulf %mul3A_1025, %mul3A_972 : vector<16xf32>
        %mul3A_1027 = arith.constant 2.000000e+00 : f32
        %mul3A_1028 = vector.broadcast %mul3A_1027 : f32 to vector<16xf32>
        %mul3A_1029 = arith.mulf %mul3A_1028, %mul3A_973 : vector<16xf32>
        %add3A_1030 = arith.addf %mul3A_1026, %mul3A_1029 : vector<16xf32>
        %mul3A_1031 = arith.mulf %mul3A_993, %add3A_1030 : vector<16xf32>
        %sub3A_1032 = arith.subf %mul3A_1023, %mul3A_1031 : vector<16xf32>
        %mul3A_1033 = arith.constant 6.000000e+00 : f32
        %mul3A_1034 = vector.broadcast %mul3A_1033 : f32 to vector<16xf32>
        %mul3A_1035 = arith.mulf %mul3A_1034, %mul3A_994 : vector<16xf32>
        %mul3A_1036 = arith.mulf %mul3A_1035, %sub3A_1009 : vector<16xf32>
        %mul3A_1037 = arith.constant 2.000000e+00 : f32
        %mul3A_1038 = vector.broadcast %mul3A_1037 : f32 to vector<16xf32>
        %mul3A_1039 = arith.mulf %mul3A_1038, %mul3A_972 : vector<16xf32>
        %mul3A_1040 = arith.constant 4.000000e+00 : f32
        %mul3A_1041 = vector.broadcast %mul3A_1040 : f32 to vector<16xf32>
        %mul3A_1042 = arith.mulf %mul3A_1041, %mul3A_973 : vector<16xf32>
        %add3A_1043 = arith.addf %mul3A_1039, %mul3A_1042 : vector<16xf32>
        %mul3A_1044 = arith.mulf %mul3A_993, %add3A_1043 : vector<16xf32>
        %sub3A_1045 = arith.subf %mul3A_1036, %mul3A_1044 : vector<16xf32>
        %mul3A_1046 = arith.mulf %get3A_985, %mul3A_1008 : vector<16xf32>
        %mul3A_1047 = arith.mulf %get3A_987, %sub3A_1019 : vector<16xf32>
        %sub3A_1048 = arith.subf %mul3A_1046, %mul3A_1047 : vector<16xf32>
        %mul3A_1049 = arith.mulf %get3A_987, %mul3A_1008 : vector<16xf32>
        %mul3A_1050 = arith.mulf %get3A_985, %sub3A_1019 : vector<16xf32>
        %add3A_1051 = arith.addf %mul3A_1049, %mul3A_1050 : vector<16xf32>
        %swap3A = arith.index_cast %mul3A_975 : i32 to index
        %swap3A_1052 = tpu.vector_load %arg25[%swap3A] {strides = array<i32>} : memref<1024xf32, #tpu.memory_space<vmem>>, vector<16xf32>,
        tpu.vector_store %arg25[%swap3A], %sub3A_1048 {strides = array<i32>} : memref<1024xf32, #tpu.memory_space<vmem>>, vector<16xf32>,
        %swap3A_1053 = arith.index_cast %mul3A_975 : i32 to index
        %swap3A_1054 = tpu.vector_load %arg26[%swap3A_1053] {strides = array<i32>} : memref<1024xf32, #tpu.memory_space<vmem>>, vector<16xf32>,
        tpu.vector_store %arg26[%swap3A_1053], %add3A_1051 {strides = array<i32>} : memref<1024xf32, #tpu.memory_space<vmem>>, vector<16xf32>,
        %neg3A = arith.constant 0.000000e+00 : f32
        %neg3A_1055 = vector.broadcast %neg3A : f32 to vector<16xf32>
        %neg3A_1056 = arith.subf %neg3A_1055, %sub3A_1032 : vector<16xf32>
        %swap3A_1057 = arith.index_cast %mul3A_975 : i32 to index
        %swap3A_1058 = tpu.vector_load %arg27[%swap3A_1057] {strides = array<i32>} : memref<1024xf32, #tpu.memory_space<vmem>>, vector<16xf32>,
        tpu.vector_store %arg27[%swap3A_1057], %neg3A_1056 {strides = array<i32>} : memref<1024xf32, #tpu.memory_space<vmem>>, vector<16xf32>,
        %neg3A_1059 = arith.constant 0.000000e+00 : f32
        %neg3A_1060 = vector.broadcast %neg3A_1059 : f32 to vector<16xf32>
        %neg3A_1061 = arith.subf %neg3A_1060, %sub3A_1048 : vector<16xf32>
        %swap3A_1062 = arith.index_cast %mul3A_975 : i32 to index
        %swap3A_1063 = tpu.vector_load %arg28[%swap3A_1062] {strides = array<i32>} : memref<1024xf32, #tpu.memory_space<vmem>>, vector<16xf32>,
        tpu.vector_store %arg28[%swap3A_1062], %neg3A_1061 {strides = array<i32>} : memref<1024xf32, #tpu.memory_space<vmem>>, vector<16xf32>,
        %neg3A_1064 = arith.constant 0.000000e+00 : f32
        %neg3A_1065 = vector.broadcast %neg3A_1064 : f32 to vector<16xf32>
        %neg3A_1066 = arith.subf %neg3A_1065, %add3A_1051 : vector<16xf32>
        %swap3A_1067 = arith.index_cast %mul3A_975 : i32 to index
        %swap3A_1068 = tpu.vector_load %arg29[%swap3A_1067] {strides = array<i32>} : memref<1024xf32, #tpu.memory_space<vmem>>, vector<16xf32>,
        tpu.vector_store %arg29[%swap3A_1067], %neg3A_1066 {strides = array<i32>} : memref<1024xf32, #tpu.memory_space<vmem>>, vector<16xf32>,
        %neg3A_1069 = arith.constant 0.000000e+00 : f32
        %neg3A_1070 = vector.broadcast %neg3A_1069 : f32 to vector<16xf32>
        %neg3A_1071 = arith.subf %neg3A_1070, %sub3A_1045 : vector<16xf32>
        %swap3A_1072 = arith.index_cast %mul3A_975 : i32 to index
        %swap3A_1073 = tpu.vector_load %arg30[%swap3A_1072] {strides = array<i32>} : memref<1024xf32, #tpu.memory_space<vmem>>, vector<16xf32>,
        tpu.vector_store %arg30[%swap3A_1072], %neg3A_1071 {strides = array<i32>} : memref<1024xf32, #tpu.memory_space<vmem>>, vector<16xf32>,
      }
      %while3A_172 = arith.constant 1 : i32
      scf.for %while3A_941 = %while3A_170 to %while3A_166 step %while3A_172  : i32 {
        %shift_right_logical3A_942 = arith.constant 3 : i32
        %shift_right_logical3A_943 = arith.shrui %while3A_941, %shift_right_logical3A_942 : i32
        %and3A = arith.constant 7 : i32
        %and3A_944 = arith.andi %while3A_941, %and3A : i32
        %mul3A_945 = arith.constant 16 : i32
        %mul3A_946 = arith.muli %and3A_944, %mul3A_945 : i32
        %get3A_947 = arith.index_cast %shift_right_logical3A_943 : i32 to index
        %get3A_948 = arith.index_cast %mul3A_946 : i32 to index
        %get3A_949 = tpu.vector_load %arg17[%get3A_947, %get3A_948] {strides = array<i32>} : memref<8x128xi32, #tpu.memory_space<vmem>>, vector<16xi32>,
        %get3A_950 = arith.index_cast %shift_right_logical3A_943 : i32 to index
        %get3A_951 = arith.index_cast %mul3A_946 : i32 to index
        %get3A_952 = tpu.vector_load %arg18[%get3A_950, %get3A_951] {strides = array<i32>} : memref<8x128xi32, #tpu.memory_space<vmem>>, vector<16xi32>,
        %gather3A = tpu.vector_load_idx %arg15[%get3A_949] : memref<50000xi32, #tpu.memory_space<vmem>>[vector<16xi32>], vector<16xi32>,
        %gather3A_953 = tpu.vector_load_idx %arg15[%get3A_952] : memref<50000xi32, #tpu.memory_space<vmem>>[vector<16xi32>], vector<16xi32>,
        %gather3A_954 = tpu.vector_load_idx %arg16[%get3A_949] : memref<50000xf32, #tpu.memory_space<vmem>>[vector<16xi32>], vector<16xf32>,
        %gather3A_955 = tpu.vector_load_idx %arg16[%get3A_952] : memref<50000xf32, #tpu.memory_space<vmem>>[vector<16xi32>], vector<16xf32>,
        %shift_left3A = arith.constant 16 : i32
        %shift_left3A_956 = vector.broadcast %shift_left3A : i32 to vector<16xi32>
        %shift_left3A_957 = arith.shli %gather3A, %shift_left3A_956 : vector<16xi32>
        %bitcast3A = vector.bitcast %shift_left3A_957 : vector<16xi32> to vector<16xf32>
        %mul3A_958 = arith.mulf %bitcast3A, %get3A_32 : vector<16xf32>
        %and3A_959 = vector.broadcast %while3A_38 : i32 to vector<16xi32>
        %and3A_960 = arith.andi %gather3A, %and3A_959 : vector<16xi32>
        %bitcast3A_961 = vector.bitcast %and3A_960 : vector<16xi32> to vector<16xf32>
        %mul3A_962 = arith.mulf %bitcast3A_961, %get3A_32 : vector<16xf32>
        %shift_left3A_963 = arith.constant 16 : i32
        %shift_left3A_964 = vector.broadcast %shift_left3A_963 : i32 to vector<16xi32>
        %shift_left3A_965 = arith.shli %gather3A_953, %shift_left3A_964 : vector<16xi32>
        %bitcast3A_966 = vector.bitcast %shift_left3A_965 : vector<16xi32> to vector<16xf32>
        %mul3A_967 = arith.mulf %bitcast3A_966, %get3A_32 : vector<16xf32>
        %and3A_968 = vector.broadcast %while3A_38 : i32 to vector<16xi32>
        %and3A_969 = arith.andi %gather3A_953, %and3A_968 : vector<16xi32>
        %bitcast3A_970 = vector.bitcast %and3A_969 : vector<16xi32> to vector<16xf32>
        %mul3A_971 = arith.mulf %bitcast3A_970, %get3A_32 : vector<16xf32>
        %mul3A_972 = arith.mulf %gather3A_954, %get3A_34 : vector<16xf32>
        %mul3A_973 = arith.mulf %gather3A_955, %get3A_34 : vector<16xf32>
        %mul3A_974 = arith.constant 16 : i32
        %mul3A_975 = arith.muli %while3A_941, %mul3A_974 : i32
        %get3A_976 = arith.index_cast %mul3A_975 : i32 to index
        %get3A_977 = tpu.vector_load %arg19[%get3A_976] {strides = array<i32>} : memref<1024xf32, #tpu.memory_space<vmem>>, vector<16xf32>,
        %get3A_978 = arith.index_cast %mul3A_975 : i32 to index
        %get3A_979 = tpu.vector_load %arg20[%get3A_978] {strides = array<i32>} : memref<1024xf32, #tpu.memory_space<vmem>>, vector<16xf32>,
        %get3A_980 = arith.index_cast %mul3A_975 : i32 to index
        %get3A_981 = tpu.vector_load %arg21[%get3A_980] {strides = array<i32>} : memref<1024xf32, #tpu.memory_space<vmem>>, vector<16xf32>,
        %get3A_982 = arith.index_cast %mul3A_975 : i32 to index
        %get3A_983 = tpu.vector_load %arg22[%get3A_982] {strides = array<i32>} : memref<1024xf32, #tpu.memory_space<vmem>>, vector<16xf32>,
        %get3A_984 = arith.index_cast %mul3A_975 : i32 to index
        %get3A_985 = tpu.vector_load %arg23[%get3A_984] {strides = array<i32>} : memref<1024xf32, #tpu.memory_space<vmem>>, vector<16xf32>,
        %get3A_986 = arith.index_cast %mul3A_975 : i32 to index
        %get3A_987 = tpu.vector_load %arg24[%get3A_986] {strides = array<i32>} : memref<1024xf32, #tpu.memory_space<vmem>>, vector<16xf32>,
        %div3A = arith.constant 1.000000e+00 : f32
        %div3A_988 = vector.broadcast %div3A : f32 to vector<16xf32>
        %div3A_989 = arith.divf %div3A_988, %get3A_977 : vector<16xf32>
        %mul3A_990 = arith.mulf %get3A_979, %get3A_981 : vector<16xf32>
        %mul3A_991 = arith.mulf %mul3A_990, %div3A_989 : vector<16xf32>
        %mul3A_992 = arith.mulf %get3A_979, %get3A_983 : vector<16xf32>
        %mul3A_993 = arith.mulf %mul3A_992, %div3A_989 : vector<16xf32>
        %mul3A_994 = arith.mulf %mul3A_993, %div3A_989 : vector<16xf32>
        %mul3A_995 = arith.mulf %mul3A_994, %div3A_989 : vector<16xf32>
        %mul3A_996 = arith.mulf %get3A_985, %mul3A_958 : vector<16xf32>
        %mul3A_997 = arith.mulf %get3A_987, %mul3A_962 : vector<16xf32>
        %add3A_998 = arith.addf %mul3A_996, %mul3A_997 : vector<16xf32>
        %mul3A_999 = arith.mulf %get3A_985, %mul3A_962 : vector<16xf32>
        %mul3A_1000 = arith.mulf %get3A_987, %mul3A_958 : vector<16xf32>
        %sub3A = arith.subf %mul3A_999, %mul3A_1000 : vector<16xf32>
        %mul3A_1001 = arith.mulf %get3A_985, %mul3A_967 : vector<16xf32>
        %mul3A_1002 = arith.mulf %get3A_987, %mul3A_971 : vector<16xf32>
        %add3A_1003 = arith.addf %mul3A_1001, %mul3A_1002 : vector<16xf32>
        %mul3A_1004 = arith.mulf %get3A_985, %mul3A_971 : vector<16xf32>
        %mul3A_1005 = arith.mulf %get3A_987, %mul3A_967 : vector<16xf32>
        %sub3A_1006 = arith.subf %mul3A_1004, %mul3A_1005 : vector<16xf32>
        %sub3A_1007 = arith.subf %add3A_998, %add3A_1003 : vector<16xf32>
        %mul3A_1008 = arith.mulf %mul3A_991, %sub3A_1007 : vector<16xf32>
        %sub3A_1009 = arith.subf %sub3A, %sub3A_1006 : vector<16xf32>
        %mul3A_1010 = arith.constant 1.200000e+01 : f32
        %mul3A_1011 = vector.broadcast %mul3A_1010 : f32 to vector<16xf32>
        %mul3A_1012 = arith.mulf %mul3A_1011, %mul3A_995 : vector<16xf32>
        %mul3A_1013 = arith.mulf %mul3A_1012, %sub3A_1009 : vector<16xf32>
        %mul3A_1014 = arith.constant 6.000000e+00 : f32
        %mul3A_1015 = vector.broadcast %mul3A_1014 : f32 to vector<16xf32>
        %mul3A_1016 = arith.mulf %mul3A_1015, %mul3A_994 : vector<16xf32>
        %add3A_1017 = arith.addf %mul3A_972, %mul3A_973 : vector<16xf32>
        %mul3A_1018 = arith.mulf %mul3A_1016, %add3A_1017 : vector<16xf32>
        %sub3A_1019 = arith.subf %mul3A_1013, %mul3A_1018 : vector<16xf32>
        %mul3A_1020 = arith.constant 6.000000e+00 : f32
        %mul3A_1021 = vector.broadcast %mul3A_1020 : f32 to vector<16xf32>
        %mul3A_1022 = arith.mulf %mul3A_1021, %mul3A_994 : vector<16xf32>
        %mul3A_1023 = arith.mulf %mul3A_1022, %sub3A_1009 : vector<16xf32>
        %mul3A_1024 = arith.constant 4.000000e+00 : f32
        %mul3A_1025 = vector.broadcast %mul3A_1024 : f32 to vector<16xf32>
        %mul3A_1026 = arith.mulf %mul3A_1025, %mul3A_972 : vector<16xf32>
        %mul3A_1027 = arith.constant 2.000000e+00 : f32
        %mul3A_1028 = vector.broadcast %mul3A_1027 : f32 to vector<16xf32>
        %mul3A_1029 = arith.mulf %mul3A_1028, %mul3A_973 : vector<16xf32>
        %add3A_1030 = arith.addf %mul3A_1026, %mul3A_1029 : vector<16xf32>
        %mul3A_1031 = arith.mulf %mul3A_993, %add3A_1030 : vector<16xf32>
        %sub3A_1032 = arith.subf %mul3A_1023, %mul3A_1031 : vector<16xf32>
        %mul3A_1033 = arith.constant 6.000000e+00 : f32
        %mul3A_1034 = vector.broadcast %mul3A_1033 : f32 to vector<16xf32>
        %mul3A_1035 = arith.mulf %mul3A_1034, %mul3A_994 : vector<16xf32>
        %mul3A_1036 = arith.mulf %mul3A_1035, %sub3A_1009 : vector<16xf32>
        %mul3A_1037 = arith.constant 2.000000e+00 : f32
        %mul3A_1038 = vector.broadcast %mul3A_1037 : f32 to vector<16xf32>
        %mul3A_1039 = arith.mulf %mul3A_1038, %mul3A_972 : vector<16xf32>
        %mul3A_1040 = arith.constant 4.000000e+00 : f32
        %mul3A_1041 = vector.broadcast %mul3A_1040 : f32 to vector<16xf32>
        %mul3A_1042 = arith.mulf %mul3A_1041, %mul3A_973 : vector<16xf32>
        %add3A_1043 = arith.addf %mul3A_1039, %mul3A_1042 : vector<16xf32>
        %mul3A_1044 = arith.mulf %mul3A_993, %add3A_1043 : vector<16xf32>
        %sub3A_1045 = arith.subf %mul3A_1036, %mul3A_1044 : vector<16xf32>
        %mul3A_1046 = arith.mulf %get3A_985, %mul3A_1008 : vector<16xf32>
        %mul3A_1047 = arith.mulf %get3A_987, %sub3A_1019 : vector<16xf32>
        %sub3A_1048 = arith.subf %mul3A_1046, %mul3A_1047 : vector<16xf32>
        %mul3A_1049 = arith.mulf %get3A_987, %mul3A_1008 : vector<16xf32>
        %mul3A_1050 = arith.mulf %get3A_985, %sub3A_1019 : vector<16xf32>
        %add3A_1051 = arith.addf %mul3A_1049, %mul3A_1050 : vector<16xf32>
        %swap3A = arith.index_cast %mul3A_975 : i32 to index
        %swap3A_1052 = tpu.vector_load %arg25[%swap3A] {strides = array<i32>} : memref<1024xf32, #tpu.memory_space<vmem>>, vector<16xf32>,
        tpu.vector_store %arg25[%swap3A], %sub3A_1048 {strides = array<i32>} : memref<1024xf32, #tpu.memory_space<vmem>>, vector<16xf32>,
        %swap3A_1053 = arith.index_cast %mul3A_975 : i32 to index
        %swap3A_1054 = tpu.vector_load %arg26[%swap3A_1053] {strides = array<i32>} : memref<1024xf32, #tpu.memory_space<vmem>>, vector<16xf32>,
        tpu.vector_store %arg26[%swap3A_1053], %add3A_1051 {strides = array<i32>} : memref<1024xf32, #tpu.memory_space<vmem>>, vector<16xf32>,
        %neg3A = arith.constant 0.000000e+00 : f32
        %neg3A_1055 = vector.broadcast %neg3A : f32 to vector<16xf32>
        %neg3A_1056 = arith.subf %neg3A_1055, %sub3A_1032 : vector<16xf32>
        %swap3A_1057 = arith.index_cast %mul3A_975 : i32 to index
        %swap3A_1058 = tpu.vector_load %arg27[%swap3A_1057] {strides = array<i32>} : memref<1024xf32, #tpu.memory_space<vmem>>, vector<16xf32>,
        tpu.vector_store %arg27[%swap3A_1057], %neg3A_1056 {strides = array<i32>} : memref<1024xf32, #tpu.memory_space<vmem>>, vector<16xf32>,
        %neg3A_1059 = arith.constant 0.000000e+00 : f32
        %neg3A_1060 = vector.broadcast %neg3A_1059 : f32 to vector<16xf32>
        %neg3A_1061 = arith.subf %neg3A_1060, %sub3A_1048 : vector<16xf32>
        %swap3A_1062 = arith.index_cast %mul3A_975 : i32 to index
        %swap3A_1063 = tpu.vector_load %arg28[%swap3A_1062] {strides = array<i32>} : memref<1024xf32, #tpu.memory_space<vmem>>, vector<16xf32>,
        tpu.vector_store %arg28[%swap3A_1062], %neg3A_1061 {strides = array<i32>} : memref<1024xf32, #tpu.memory_space<vmem>>, vector<16xf32>,
        %neg3A_1064 = arith.constant 0.000000e+00 : f32
        %neg3A_1065 = vector.broadcast %neg3A_1064 : f32 to vector<16xf32>
        %neg3A_1066 = arith.subf %neg3A_1065, %add3A_1051 : vector<16xf32>
        %swap3A_1067 = arith.index_cast %mul3A_975 : i32 to index
        %swap3A_1068 = tpu.vector_load %arg29[%swap3A_1067] {strides = array<i32>} : memref<1024xf32, #tpu.memory_space<vmem>>, vector<16xf32>,
        tpu.vector_store %arg29[%swap3A_1067], %neg3A_1066 {strides = array<i32>} : memref<1024xf32, #tpu.memory_space<vmem>>, vector<16xf32>,
        %neg3A_1069 = arith.constant 0.000000e+00 : f32
        %neg3A_1070 = vector.broadcast %neg3A_1069 : f32 to vector<16xf32>
        %neg3A_1071 = arith.subf %neg3A_1070, %sub3A_1045 : vector<16xf32>
        %swap3A_1072 = arith.index_cast %mul3A_975 : i32 to index
        %swap3A_1073 = tpu.vector_load %arg30[%swap3A_1072] {strides = array<i32>} : memref<1024xf32, #tpu.memory_space<vmem>>, vector<16xf32>,
        tpu.vector_store %arg30[%swap3A_1072], %neg3A_1071 {strides = array<i32>} : memref<1024xf32, #tpu.memory_space<vmem>>, vector<16xf32>,
      }
      %dma_start3A_173 = arith.constant 0 : i32
      %dma_start3A_174 = arith.constant 0 : i32
      %dma_start3A_175 = tpu.memref_slice %arg25[%dma_start3A_174] : memref<1024xf32, #tpu.memory_space<vmem>> -> memref<128xf32, #tpu.memory_space<vmem>>
      %dma_start3A_176 = arith.constant 0 : i32
      %dma_start3A_177 = tpu.memref_slice %arg17[%dma_start3A_173, %dma_start3A_176] : memref<8x128xi32, #tpu.memory_space<vmem>> -> memref<1x128xi32, #tpu.memory_space<vmem>>
      %dma_start3A_178 = tpu.memref_squeeze %dma_start3A_177 : memref<1x128xi32, #tpu.memory_space<vmem>> -> memref<128xi32, #tpu.memory_space<vmem>>
      %dma_start3A_179 = arith.constant 0 : i32
      %dma_start3A_180 = tpu.memref_slice %arg34[%dma_start3A_179] : memref<50176xf32, #tpu.memory_space<vmem_shared>> -> memref<50176xf32, #tpu.memory_space<vmem_shared>>
      tpu.enqueue_indirect_dma source(%dma_start3A_175 : memref<128xf32, #tpu.memory_space<vmem>>) target(%dma_start3A_180 : memref<50176xf32, #tpu.memory_space<vmem_shared>>) offsets(%dma_start3A_178 : memref<128xi32, #tpu.memory_space<vmem>>) semaphore(%arg38 : memref<!tpu.dma_semaphore, #tpu.memory_space<semaphore_mem>>) {add = true}
      %dma_start3A_181 = arith.constant 0 : i32
      %dma_start3A_182 = arith.constant 0 : i32
      %dma_start3A_183 = tpu.memref_slice %arg26[%dma_start3A_182] : memref<1024xf32, #tpu.memory_space<vmem>> -> memref<128xf32, #tpu.memory_space<vmem>>
      %dma_start3A_184 = arith.constant 0 : i32
      %dma_start3A_185 = tpu.memref_slice %arg17[%dma_start3A_181, %dma_start3A_184] : memref<8x128xi32, #tpu.memory_space<vmem>> -> memref<1x128xi32, #tpu.memory_space<vmem>>
      %dma_start3A_186 = tpu.memref_squeeze %dma_start3A_185 : memref<1x128xi32, #tpu.memory_space<vmem>> -> memref<128xi32, #tpu.memory_space<vmem>>
      %dma_start3A_187 = arith.constant 0 : i32
      %dma_start3A_188 = tpu.memref_slice %arg35[%dma_start3A_187] : memref<50176xf32, #tpu.memory_space<vmem_shared>> -> memref<50176xf32, #tpu.memory_space<vmem_shared>>
      tpu.enqueue_indirect_dma source(%dma_start3A_183 : memref<128xf32, #tpu.memory_space<vmem>>) target(%dma_start3A_188 : memref<50176xf32, #tpu.memory_space<vmem_shared>>) offsets(%dma_start3A_186 : memref<128xi32, #tpu.memory_space<vmem>>) semaphore(%arg38 : memref<!tpu.dma_semaphore, #tpu.memory_space<semaphore_mem>>) {add = true}
      %dma_start3A_189 = arith.constant 0 : i32
      %dma_start3A_190 = arith.constant 0 : i32
      %dma_start3A_191 = tpu.memref_slice %arg27[%dma_start3A_190] : memref<1024xf32, #tpu.memory_space<vmem>> -> memref<128xf32, #tpu.memory_space<vmem>>
      %dma_start3A_192 = arith.constant 0 : i32
      %dma_start3A_193 = tpu.memref_slice %arg17[%dma_start3A_189, %dma_start3A_192] : memref<8x128xi32, #tpu.memory_space<vmem>> -> memref<1x128xi32, #tpu.memory_space<vmem>>
      %dma_start3A_194 = tpu.memref_squeeze %dma_start3A_193 : memref<1x128xi32, #tpu.memory_space<vmem>> -> memref<128xi32, #tpu.memory_space<vmem>>
      %dma_start3A_195 = arith.constant 0 : i32
      %dma_start3A_196 = tpu.memref_slice %arg36[%dma_start3A_195] : memref<50176xf32, #tpu.memory_space<vmem_shared>> -> memref<50176xf32, #tpu.memory_space<vmem_shared>>
      tpu.enqueue_indirect_dma source(%dma_start3A_191 : memref<128xf32, #tpu.memory_space<vmem>>) target(%dma_start3A_196 : memref<50176xf32, #tpu.memory_space<vmem_shared>>) offsets(%dma_start3A_194 : memref<128xi32, #tpu.memory_space<vmem>>) semaphore(%arg38 : memref<!tpu.dma_semaphore, #tpu.memory_space<semaphore_mem>>) {add = true}
      %dma_start3A_197 = arith.constant 0 : i32
      %dma_start3A_198 = arith.constant 0 : i32
      %dma_start3A_199 = tpu.memref_slice %arg28[%dma_start3A_198] : memref<1024xf32, #tpu.memory_space<vmem>> -> memref<128xf32, #tpu.memory_space<vmem>>
      %dma_start3A_200 = arith.constant 0 : i32
      %dma_start3A_201 = tpu.memref_slice %arg18[%dma_start3A_197, %dma_start3A_200] : memref<8x128xi32, #tpu.memory_space<vmem>> -> memref<1x128xi32, #tpu.memory_space<vmem>>
      %dma_start3A_202 = tpu.memref_squeeze %dma_start3A_201 : memref<1x128xi32, #tpu.memory_space<vmem>> -> memref<128xi32, #tpu.memory_space<vmem>>
      %dma_start3A_203 = arith.constant 0 : i32
      %dma_start3A_204 = tpu.memref_slice %arg34[%dma_start3A_203] : memref<50176xf32, #tpu.memory_space<vmem_shared>> -> memref<50176xf32, #tpu.memory_space<vmem_shared>>
      tpu.enqueue_indirect_dma source(%dma_start3A_199 : memref<128xf32, #tpu.memory_space<vmem>>) target(%dma_start3A_204 : memref<50176xf32, #tpu.memory_space<vmem_shared>>) offsets(%dma_start3A_202 : memref<128xi32, #tpu.memory_space<vmem>>) semaphore(%arg38 : memref<!tpu.dma_semaphore, #tpu.memory_space<semaphore_mem>>) {add = true}
      %dma_start3A_205 = arith.constant 0 : i32
      %dma_start3A_206 = arith.constant 0 : i32
      %dma_start3A_207 = tpu.memref_slice %arg29[%dma_start3A_206] : memref<1024xf32, #tpu.memory_space<vmem>> -> memref<128xf32, #tpu.memory_space<vmem>>
      %dma_start3A_208 = arith.constant 0 : i32
      %dma_start3A_209 = tpu.memref_slice %arg18[%dma_start3A_205, %dma_start3A_208] : memref<8x128xi32, #tpu.memory_space<vmem>> -> memref<1x128xi32, #tpu.memory_space<vmem>>
      %dma_start3A_210 = tpu.memref_squeeze %dma_start3A_209 : memref<1x128xi32, #tpu.memory_space<vmem>> -> memref<128xi32, #tpu.memory_space<vmem>>
      %dma_start3A_211 = arith.constant 0 : i32
      %dma_start3A_212 = tpu.memref_slice %arg35[%dma_start3A_211] : memref<50176xf32, #tpu.memory_space<vmem_shared>> -> memref<50176xf32, #tpu.memory_space<vmem_shared>>
      tpu.enqueue_indirect_dma source(%dma_start3A_207 : memref<128xf32, #tpu.memory_space<vmem>>) target(%dma_start3A_212 : memref<50176xf32, #tpu.memory_space<vmem_shared>>) offsets(%dma_start3A_210 : memref<128xi32, #tpu.memory_space<vmem>>) semaphore(%arg38 : memref<!tpu.dma_semaphore, #tpu.memory_space<semaphore_mem>>) {add = true}
      %dma_start3A_213 = arith.constant 0 : i32
      %dma_start3A_214 = arith.constant 0 : i32
      %dma_start3A_215 = tpu.memref_slice %arg30[%dma_start3A_214] : memref<1024xf32, #tpu.memory_space<vmem>> -> memref<128xf32, #tpu.memory_space<vmem>>
      %dma_start3A_216 = arith.constant 0 : i32
      %dma_start3A_217 = tpu.memref_slice %arg18[%dma_start3A_213, %dma_start3A_216] : memref<8x128xi32, #tpu.memory_space<vmem>> -> memref<1x128xi32, #tpu.memory_space<vmem>>
      %dma_start3A_218 = tpu.memref_squeeze %dma_start3A_217 : memref<1x128xi32, #tpu.memory_space<vmem>> -> memref<128xi32, #tpu.memory_space<vmem>>
      %dma_start3A_219 = arith.constant 0 : i32
      %dma_start3A_220 = tpu.memref_slice %arg36[%dma_start3A_219] : memref<50176xf32, #tpu.memory_space<vmem_shared>> -> memref<50176xf32, #tpu.memory_space<vmem_shared>>
      tpu.enqueue_indirect_dma source(%dma_start3A_215 : memref<128xf32, #tpu.memory_space<vmem>>) target(%dma_start3A_220 : memref<50176xf32, #tpu.memory_space<vmem_shared>>) offsets(%dma_start3A_218 : memref<128xi32, #tpu.memory_space<vmem>>) semaphore(%arg38 : memref<!tpu.dma_semaphore, #tpu.memory_space<semaphore_mem>>) {add = true}
      %dma_start3A_221 = arith.constant 1 : i32
      %dma_start3A_222 = arith.constant 128 : i32
      %dma_start3A_223 = tpu.memref_slice %arg25[%dma_start3A_222] : memref<1024xf32, #tpu.memory_space<vmem>> -> memref<128xf32, #tpu.memory_space<vmem>>
      %dma_start3A_224 = arith.constant 0 : i32
      %dma_start3A_225 = tpu.memref_slice %arg17[%dma_start3A_221, %dma_start3A_224] : memref<8x128xi32, #tpu.memory_space<vmem>> -> memref<1x128xi32, #tpu.memory_space<vmem>>
      %dma_start3A_226 = tpu.memref_squeeze %dma_start3A_225 : memref<1x128xi32, #tpu.memory_space<vmem>> -> memref<128xi32, #tpu.memory_space<vmem>>
      %dma_start3A_227 = arith.constant 0 : i32
      %dma_start3A_228 = tpu.memref_slice %arg34[%dma_start3A_227] : memref<50176xf32, #tpu.memory_space<vmem_shared>> -> memref<50176xf32, #tpu.memory_space<vmem_shared>>
      tpu.enqueue_indirect_dma source(%dma_start3A_223 : memref<128xf32, #tpu.memory_space<vmem>>) target(%dma_start3A_228 : memref<50176xf32, #tpu.memory_space<vmem_shared>>) offsets(%dma_start3A_226 : memref<128xi32, #tpu.memory_space<vmem>>) semaphore(%arg38 : memref<!tpu.dma_semaphore, #tpu.memory_space<semaphore_mem>>) {add = true}
      %dma_start3A_229 = arith.constant 1 : i32
      %dma_start3A_230 = arith.constant 128 : i32
      %dma_start3A_231 = tpu.memref_slice %arg26[%dma_start3A_230] : memref<1024xf32, #tpu.memory_space<vmem>> -> memref<128xf32, #tpu.memory_space<vmem>>
      %dma_start3A_232 = arith.constant 0 : i32
      %dma_start3A_233 = tpu.memref_slice %arg17[%dma_start3A_229, %dma_start3A_232] : memref<8x128xi32, #tpu.memory_space<vmem>> -> memref<1x128xi32, #tpu.memory_space<vmem>>
      %dma_start3A_234 = tpu.memref_squeeze %dma_start3A_233 : memref<1x128xi32, #tpu.memory_space<vmem>> -> memref<128xi32, #tpu.memory_space<vmem>>
      %dma_start3A_235 = arith.constant 0 : i32
      %dma_start3A_236 = tpu.memref_slice %arg35[%dma_start3A_235] : memref<50176xf32, #tpu.memory_space<vmem_shared>> -> memref<50176xf32, #tpu.memory_space<vmem_shared>>
      tpu.enqueue_indirect_dma source(%dma_start3A_231 : memref<128xf32, #tpu.memory_space<vmem>>) target(%dma_start3A_236 : memref<50176xf32, #tpu.memory_space<vmem_shared>>) offsets(%dma_start3A_234 : memref<128xi32, #tpu.memory_space<vmem>>) semaphore(%arg38 : memref<!tpu.dma_semaphore, #tpu.memory_space<semaphore_mem>>) {add = true}
      %dma_start3A_237 = arith.constant 1 : i32
      %dma_start3A_238 = arith.constant 128 : i32
      %dma_start3A_239 = tpu.memref_slice %arg27[%dma_start3A_238] : memref<1024xf32, #tpu.memory_space<vmem>> -> memref<128xf32, #tpu.memory_space<vmem>>
      %dma_start3A_240 = arith.constant 0 : i32
      %dma_start3A_241 = tpu.memref_slice %arg17[%dma_start3A_237, %dma_start3A_240] : memref<8x128xi32, #tpu.memory_space<vmem>> -> memref<1x128xi32, #tpu.memory_space<vmem>>
      %dma_start3A_242 = tpu.memref_squeeze %dma_start3A_241 : memref<1x128xi32, #tpu.memory_space<vmem>> -> memref<128xi32, #tpu.memory_space<vmem>>
      %dma_start3A_243 = arith.constant 0 : i32
      %dma_start3A_244 = tpu.memref_slice %arg36[%dma_start3A_243] : memref<50176xf32, #tpu.memory_space<vmem_shared>> -> memref<50176xf32, #tpu.memory_space<vmem_shared>>
      tpu.enqueue_indirect_dma source(%dma_start3A_239 : memref<128xf32, #tpu.memory_space<vmem>>) target(%dma_start3A_244 : memref<50176xf32, #tpu.memory_space<vmem_shared>>) offsets(%dma_start3A_242 : memref<128xi32, #tpu.memory_space<vmem>>) semaphore(%arg38 : memref<!tpu.dma_semaphore, #tpu.memory_space<semaphore_mem>>) {add = true}
      %dma_start3A_245 = arith.constant 1 : i32
      %dma_start3A_246 = arith.constant 128 : i32
      %dma_start3A_247 = tpu.memref_slice %arg28[%dma_start3A_246] : memref<1024xf32, #tpu.memory_space<vmem>> -> memref<128xf32, #tpu.memory_space<vmem>>
      %dma_start3A_248 = arith.constant 0 : i32
      %dma_start3A_249 = tpu.memref_slice %arg18[%dma_start3A_245, %dma_start3A_248] : memref<8x128xi32, #tpu.memory_space<vmem>> -> memref<1x128xi32, #tpu.memory_space<vmem>>
      %dma_start3A_250 = tpu.memref_squeeze %dma_start3A_249 : memref<1x128xi32, #tpu.memory_space<vmem>> -> memref<128xi32, #tpu.memory_space<vmem>>
      %dma_start3A_251 = arith.constant 0 : i32
      %dma_start3A_252 = tpu.memref_slice %arg34[%dma_start3A_251] : memref<50176xf32, #tpu.memory_space<vmem_shared>> -> memref<50176xf32, #tpu.memory_space<vmem_shared>>
      tpu.enqueue_indirect_dma source(%dma_start3A_247 : memref<128xf32, #tpu.memory_space<vmem>>) target(%dma_start3A_252 : memref<50176xf32, #tpu.memory_space<vmem_shared>>) offsets(%dma_start3A_250 : memref<128xi32, #tpu.memory_space<vmem>>) semaphore(%arg38 : memref<!tpu.dma_semaphore, #tpu.memory_space<semaphore_mem>>) {add = true}
      %dma_start3A_253 = arith.constant 1 : i32
      %dma_start3A_254 = arith.constant 128 : i32
      %dma_start3A_255 = tpu.memref_slice %arg29[%dma_start3A_254] : memref<1024xf32, #tpu.memory_space<vmem>> -> memref<128xf32, #tpu.memory_space<vmem>>
      %dma_start3A_256 = arith.constant 0 : i32
      %dma_start3A_257 = tpu.memref_slice %arg18[%dma_start3A_253, %dma_start3A_256] : memref<8x128xi32, #tpu.memory_space<vmem>> -> memref<1x128xi32, #tpu.memory_space<vmem>>
      %dma_start3A_258 = tpu.memref_squeeze %dma_start3A_257 : memref<1x128xi32, #tpu.memory_space<vmem>> -> memref<128xi32, #tpu.memory_space<vmem>>
      %dma_start3A_259 = arith.constant 0 : i32
      %dma_start3A_260 = tpu.memref_slice %arg35[%dma_start3A_259] : memref<50176xf32, #tpu.memory_space<vmem_shared>> -> memref<50176xf32, #tpu.memory_space<vmem_shared>>
      tpu.enqueue_indirect_dma source(%dma_start3A_255 : memref<128xf32, #tpu.memory_space<vmem>>) target(%dma_start3A_260 : memref<50176xf32, #tpu.memory_space<vmem_shared>>) offsets(%dma_start3A_258 : memref<128xi32, #tpu.memory_space<vmem>>) semaphore(%arg38 : memref<!tpu.dma_semaphore, #tpu.memory_space<semaphore_mem>>) {add = true}
      %dma_start3A_261 = arith.constant 1 : i32
      %dma_start3A_262 = arith.constant 128 : i32
      %dma_start3A_263 = tpu.memref_slice %arg30[%dma_start3A_262] : memref<1024xf32, #tpu.memory_space<vmem>> -> memref<128xf32, #tpu.memory_space<vmem>>
      %dma_start3A_264 = arith.constant 0 : i32
      %dma_start3A_265 = tpu.memref_slice %arg18[%dma_start3A_261, %dma_start3A_264] : memref<8x128xi32, #tpu.memory_space<vmem>> -> memref<1x128xi32, #tpu.memory_space<vmem>>
      %dma_start3A_266 = tpu.memref_squeeze %dma_start3A_265 : memref<1x128xi32, #tpu.memory_space<vmem>> -> memref<128xi32, #tpu.memory_space<vmem>>
      %dma_start3A_267 = arith.constant 0 : i32
      %dma_start3A_268 = tpu.memref_slice %arg36[%dma_start3A_267] : memref<50176xf32, #tpu.memory_space<vmem_shared>> -> memref<50176xf32, #tpu.memory_space<vmem_shared>>
      tpu.enqueue_indirect_dma source(%dma_start3A_263 : memref<128xf32, #tpu.memory_space<vmem>>) target(%dma_start3A_268 : memref<50176xf32, #tpu.memory_space<vmem_shared>>) offsets(%dma_start3A_266 : memref<128xi32, #tpu.memory_space<vmem>>) semaphore(%arg38 : memref<!tpu.dma_semaphore, #tpu.memory_space<semaphore_mem>>) {add = true}
      %dma_start3A_269 = arith.constant 2 : i32
      %dma_start3A_270 = arith.constant 256 : i32
      %dma_start3A_271 = tpu.memref_slice %arg25[%dma_start3A_270] : memref<1024xf32, #tpu.memory_space<vmem>> -> memref<128xf32, #tpu.memory_space<vmem>>
      %dma_start3A_272 = arith.constant 0 : i32
      %dma_start3A_273 = tpu.memref_slice %arg17[%dma_start3A_269, %dma_start3A_272] : memref<8x128xi32, #tpu.memory_space<vmem>> -> memref<1x128xi32, #tpu.memory_space<vmem>>
      %dma_start3A_274 = tpu.memref_squeeze %dma_start3A_273 : memref<1x128xi32, #tpu.memory_space<vmem>> -> memref<128xi32, #tpu.memory_space<vmem>>
      %dma_start3A_275 = arith.constant 0 : i32
      %dma_start3A_276 = tpu.memref_slice %arg34[%dma_start3A_275] : memref<50176xf32, #tpu.memory_space<vmem_shared>> -> memref<50176xf32, #tpu.memory_space<vmem_shared>>
      tpu.enqueue_indirect_dma source(%dma_start3A_271 : memref<128xf32, #tpu.memory_space<vmem>>) target(%dma_start3A_276 : memref<50176xf32, #tpu.memory_space<vmem_shared>>) offsets(%dma_start3A_274 : memref<128xi32, #tpu.memory_space<vmem>>) semaphore(%arg38 : memref<!tpu.dma_semaphore, #tpu.memory_space<semaphore_mem>>) {add = true}
      %dma_start3A_277 = arith.constant 2 : i32
      %dma_start3A_278 = arith.constant 256 : i32
      %dma_start3A_279 = tpu.memref_slice %arg26[%dma_start3A_278] : memref<1024xf32, #tpu.memory_space<vmem>> -> memref<128xf32, #tpu.memory_space<vmem>>
      %dma_start3A_280 = arith.constant 0 : i32
      %dma_start3A_281 = tpu.memref_slice %arg17[%dma_start3A_277, %dma_start3A_280] : memref<8x128xi32, #tpu.memory_space<vmem>> -> memref<1x128xi32, #tpu.memory_space<vmem>>
      %dma_start3A_282 = tpu.memref_squeeze %dma_start3A_281 : memref<1x128xi32, #tpu.memory_space<vmem>> -> memref<128xi32, #tpu.memory_space<vmem>>
      %dma_start3A_283 = arith.constant 0 : i32
      %dma_start3A_284 = tpu.memref_slice %arg35[%dma_start3A_283] : memref<50176xf32, #tpu.memory_space<vmem_shared>> -> memref<50176xf32, #tpu.memory_space<vmem_shared>>
      tpu.enqueue_indirect_dma source(%dma_start3A_279 : memref<128xf32, #tpu.memory_space<vmem>>) target(%dma_start3A_284 : memref<50176xf32, #tpu.memory_space<vmem_shared>>) offsets(%dma_start3A_282 : memref<128xi32, #tpu.memory_space<vmem>>) semaphore(%arg38 : memref<!tpu.dma_semaphore, #tpu.memory_space<semaphore_mem>>) {add = true}
      %dma_start3A_285 = arith.constant 2 : i32
      %dma_start3A_286 = arith.constant 256 : i32
      %dma_start3A_287 = tpu.memref_slice %arg27[%dma_start3A_286] : memref<1024xf32, #tpu.memory_space<vmem>> -> memref<128xf32, #tpu.memory_space<vmem>>
      %dma_start3A_288 = arith.constant 0 : i32
      %dma_start3A_289 = tpu.memref_slice %arg17[%dma_start3A_285, %dma_start3A_288] : memref<8x128xi32, #tpu.memory_space<vmem>> -> memref<1x128xi32, #tpu.memory_space<vmem>>
      %dma_start3A_290 = tpu.memref_squeeze %dma_start3A_289 : memref<1x128xi32, #tpu.memory_space<vmem>> -> memref<128xi32, #tpu.memory_space<vmem>>
      %dma_start3A_291 = arith.constant 0 : i32
      %dma_start3A_292 = tpu.memref_slice %arg36[%dma_start3A_291] : memref<50176xf32, #tpu.memory_space<vmem_shared>> -> memref<50176xf32, #tpu.memory_space<vmem_shared>>
      tpu.enqueue_indirect_dma source(%dma_start3A_287 : memref<128xf32, #tpu.memory_space<vmem>>) target(%dma_start3A_292 : memref<50176xf32, #tpu.memory_space<vmem_shared>>) offsets(%dma_start3A_290 : memref<128xi32, #tpu.memory_space<vmem>>) semaphore(%arg38 : memref<!tpu.dma_semaphore, #tpu.memory_space<semaphore_mem>>) {add = true}
      %dma_start3A_293 = arith.constant 2 : i32
      %dma_start3A_294 = arith.constant 256 : i32
      %dma_start3A_295 = tpu.memref_slice %arg28[%dma_start3A_294] : memref<1024xf32, #tpu.memory_space<vmem>> -> memref<128xf32, #tpu.memory_space<vmem>>
      %dma_start3A_296 = arith.constant 0 : i32
      %dma_start3A_297 = tpu.memref_slice %arg18[%dma_start3A_293, %dma_start3A_296] : memref<8x128xi32, #tpu.memory_space<vmem>> -> memref<1x128xi32, #tpu.memory_space<vmem>>
      %dma_start3A_298 = tpu.memref_squeeze %dma_start3A_297 : memref<1x128xi32, #tpu.memory_space<vmem>> -> memref<128xi32, #tpu.memory_space<vmem>>
      %dma_start3A_299 = arith.constant 0 : i32
      %dma_start3A_300 = tpu.memref_slice %arg34[%dma_start3A_299] : memref<50176xf32, #tpu.memory_space<vmem_shared>> -> memref<50176xf32, #tpu.memory_space<vmem_shared>>
      tpu.enqueue_indirect_dma source(%dma_start3A_295 : memref<128xf32, #tpu.memory_space<vmem>>) target(%dma_start3A_300 : memref<50176xf32, #tpu.memory_space<vmem_shared>>) offsets(%dma_start3A_298 : memref<128xi32, #tpu.memory_space<vmem>>) semaphore(%arg38 : memref<!tpu.dma_semaphore, #tpu.memory_space<semaphore_mem>>) {add = true}
      %dma_start3A_301 = arith.constant 2 : i32
      %dma_start3A_302 = arith.constant 256 : i32
      %dma_start3A_303 = tpu.memref_slice %arg29[%dma_start3A_302] : memref<1024xf32, #tpu.memory_space<vmem>> -> memref<128xf32, #tpu.memory_space<vmem>>
      %dma_start3A_304 = arith.constant 0 : i32
      %dma_start3A_305 = tpu.memref_slice %arg18[%dma_start3A_301, %dma_start3A_304] : memref<8x128xi32, #tpu.memory_space<vmem>> -> memref<1x128xi32, #tpu.memory_space<vmem>>
      %dma_start3A_306 = tpu.memref_squeeze %dma_start3A_305 : memref<1x128xi32, #tpu.memory_space<vmem>> -> memref<128xi32, #tpu.memory_space<vmem>>
      %dma_start3A_307 = arith.constant 0 : i32
      %dma_start3A_308 = tpu.memref_slice %arg35[%dma_start3A_307] : memref<50176xf32, #tpu.memory_space<vmem_shared>> -> memref<50176xf32, #tpu.memory_space<vmem_shared>>
      tpu.enqueue_indirect_dma source(%dma_start3A_303 : memref<128xf32, #tpu.memory_space<vmem>>) target(%dma_start3A_308 : memref<50176xf32, #tpu.memory_space<vmem_shared>>) offsets(%dma_start3A_306 : memref<128xi32, #tpu.memory_space<vmem>>) semaphore(%arg38 : memref<!tpu.dma_semaphore, #tpu.memory_space<semaphore_mem>>) {add = true}
      %dma_start3A_309 = arith.constant 2 : i32
      %dma_start3A_310 = arith.constant 256 : i32
      %dma_start3A_311 = tpu.memref_slice %arg30[%dma_start3A_310] : memref<1024xf32, #tpu.memory_space<vmem>> -> memref<128xf32, #tpu.memory_space<vmem>>
      %dma_start3A_312 = arith.constant 0 : i32
      %dma_start3A_313 = tpu.memref_slice %arg18[%dma_start3A_309, %dma_start3A_312] : memref<8x128xi32, #tpu.memory_space<vmem>> -> memref<1x128xi32, #tpu.memory_space<vmem>>
      %dma_start3A_314 = tpu.memref_squeeze %dma_start3A_313 : memref<1x128xi32, #tpu.memory_space<vmem>> -> memref<128xi32, #tpu.memory_space<vmem>>
      %dma_start3A_315 = arith.constant 0 : i32
      %dma_start3A_316 = tpu.memref_slice %arg36[%dma_start3A_315] : memref<50176xf32, #tpu.memory_space<vmem_shared>> -> memref<50176xf32, #tpu.memory_space<vmem_shared>>
      tpu.enqueue_indirect_dma source(%dma_start3A_311 : memref<128xf32, #tpu.memory_space<vmem>>) target(%dma_start3A_316 : memref<50176xf32, #tpu.memory_space<vmem_shared>>) offsets(%dma_start3A_314 : memref<128xi32, #tpu.memory_space<vmem>>) semaphore(%arg38 : memref<!tpu.dma_semaphore, #tpu.memory_space<semaphore_mem>>) {add = true}
      %dma_start3A_317 = arith.constant 3 : i32
      %dma_start3A_318 = arith.constant 384 : i32
      %dma_start3A_319 = tpu.memref_slice %arg25[%dma_start3A_318] : memref<1024xf32, #tpu.memory_space<vmem>> -> memref<128xf32, #tpu.memory_space<vmem>>
      %dma_start3A_320 = arith.constant 0 : i32
      %dma_start3A_321 = tpu.memref_slice %arg17[%dma_start3A_317, %dma_start3A_320] : memref<8x128xi32, #tpu.memory_space<vmem>> -> memref<1x128xi32, #tpu.memory_space<vmem>>
      %dma_start3A_322 = tpu.memref_squeeze %dma_start3A_321 : memref<1x128xi32, #tpu.memory_space<vmem>> -> memref<128xi32, #tpu.memory_space<vmem>>
      %dma_start3A_323 = arith.constant 0 : i32
      %dma_start3A_324 = tpu.memref_slice %arg34[%dma_start3A_323] : memref<50176xf32, #tpu.memory_space<vmem_shared>> -> memref<50176xf32, #tpu.memory_space<vmem_shared>>
      tpu.enqueue_indirect_dma source(%dma_start3A_319 : memref<128xf32, #tpu.memory_space<vmem>>) target(%dma_start3A_324 : memref<50176xf32, #tpu.memory_space<vmem_shared>>) offsets(%dma_start3A_322 : memref<128xi32, #tpu.memory_space<vmem>>) semaphore(%arg38 : memref<!tpu.dma_semaphore, #tpu.memory_space<semaphore_mem>>) {add = true}
      %dma_start3A_325 = arith.constant 3 : i32
      %dma_start3A_326 = arith.constant 384 : i32
      %dma_start3A_327 = tpu.memref_slice %arg26[%dma_start3A_326] : memref<1024xf32, #tpu.memory_space<vmem>> -> memref<128xf32, #tpu.memory_space<vmem>>
      %dma_start3A_328 = arith.constant 0 : i32
      %dma_start3A_329 = tpu.memref_slice %arg17[%dma_start3A_325, %dma_start3A_328] : memref<8x128xi32, #tpu.memory_space<vmem>> -> memref<1x128xi32, #tpu.memory_space<vmem>>
      %dma_start3A_330 = tpu.memref_squeeze %dma_start3A_329 : memref<1x128xi32, #tpu.memory_space<vmem>> -> memref<128xi32, #tpu.memory_space<vmem>>
      %dma_start3A_331 = arith.constant 0 : i32
      %dma_start3A_332 = tpu.memref_slice %arg35[%dma_start3A_331] : memref<50176xf32, #tpu.memory_space<vmem_shared>> -> memref<50176xf32, #tpu.memory_space<vmem_shared>>
      tpu.enqueue_indirect_dma source(%dma_start3A_327 : memref<128xf32, #tpu.memory_space<vmem>>) target(%dma_start3A_332 : memref<50176xf32, #tpu.memory_space<vmem_shared>>) offsets(%dma_start3A_330 : memref<128xi32, #tpu.memory_space<vmem>>) semaphore(%arg38 : memref<!tpu.dma_semaphore, #tpu.memory_space<semaphore_mem>>) {add = true}
      %dma_start3A_333 = arith.constant 3 : i32
      %dma_start3A_334 = arith.constant 384 : i32
      %dma_start3A_335 = tpu.memref_slice %arg27[%dma_start3A_334] : memref<1024xf32, #tpu.memory_space<vmem>> -> memref<128xf32, #tpu.memory_space<vmem>>
      %dma_start3A_336 = arith.constant 0 : i32
      %dma_start3A_337 = tpu.memref_slice %arg17[%dma_start3A_333, %dma_start3A_336] : memref<8x128xi32, #tpu.memory_space<vmem>> -> memref<1x128xi32, #tpu.memory_space<vmem>>
      %dma_start3A_338 = tpu.memref_squeeze %dma_start3A_337 : memref<1x128xi32, #tpu.memory_space<vmem>> -> memref<128xi32, #tpu.memory_space<vmem>>
      %dma_start3A_339 = arith.constant 0 : i32
      %dma_start3A_340 = tpu.memref_slice %arg36[%dma_start3A_339] : memref<50176xf32, #tpu.memory_space<vmem_shared>> -> memref<50176xf32, #tpu.memory_space<vmem_shared>>
      tpu.enqueue_indirect_dma source(%dma_start3A_335 : memref<128xf32, #tpu.memory_space<vmem>>) target(%dma_start3A_340 : memref<50176xf32, #tpu.memory_space<vmem_shared>>) offsets(%dma_start3A_338 : memref<128xi32, #tpu.memory_space<vmem>>) semaphore(%arg38 : memref<!tpu.dma_semaphore, #tpu.memory_space<semaphore_mem>>) {add = true}
      %dma_start3A_341 = arith.constant 3 : i32
      %dma_start3A_342 = arith.constant 384 : i32
      %dma_start3A_343 = tpu.memref_slice %arg28[%dma_start3A_342] : memref<1024xf32, #tpu.memory_space<vmem>> -> memref<128xf32, #tpu.memory_space<vmem>>
      %dma_start3A_344 = arith.constant 0 : i32
      %dma_start3A_345 = tpu.memref_slice %arg18[%dma_start3A_341, %dma_start3A_344] : memref<8x128xi32, #tpu.memory_space<vmem>> -> memref<1x128xi32, #tpu.memory_space<vmem>>
      %dma_start3A_346 = tpu.memref_squeeze %dma_start3A_345 : memref<1x128xi32, #tpu.memory_space<vmem>> -> memref<128xi32, #tpu.memory_space<vmem>>
      %dma_start3A_347 = arith.constant 0 : i32
      %dma_start3A_348 = tpu.memref_slice %arg34[%dma_start3A_347] : memref<50176xf32, #tpu.memory_space<vmem_shared>> -> memref<50176xf32, #tpu.memory_space<vmem_shared>>
      tpu.enqueue_indirect_dma source(%dma_start3A_343 : memref<128xf32, #tpu.memory_space<vmem>>) target(%dma_start3A_348 : memref<50176xf32, #tpu.memory_space<vmem_shared>>) offsets(%dma_start3A_346 : memref<128xi32, #tpu.memory_space<vmem>>) semaphore(%arg38 : memref<!tpu.dma_semaphore, #tpu.memory_space<semaphore_mem>>) {add = true}
      %dma_start3A_349 = arith.constant 3 : i32
      %dma_start3A_350 = arith.constant 384 : i32
      %dma_start3A_351 = tpu.memref_slice %arg29[%dma_start3A_350] : memref<1024xf32, #tpu.memory_space<vmem>> -> memref<128xf32, #tpu.memory_space<vmem>>
      %dma_start3A_352 = arith.constant 0 : i32
      %dma_start3A_353 = tpu.memref_slice %arg18[%dma_start3A_349, %dma_start3A_352] : memref<8x128xi32, #tpu.memory_space<vmem>> -> memref<1x128xi32, #tpu.memory_space<vmem>>
      %dma_start3A_354 = tpu.memref_squeeze %dma_start3A_353 : memref<1x128xi32, #tpu.memory_space<vmem>> -> memref<128xi32, #tpu.memory_space<vmem>>
      %dma_start3A_355 = arith.constant 0 : i32
      %dma_start3A_356 = tpu.memref_slice %arg35[%dma_start3A_355] : memref<50176xf32, #tpu.memory_space<vmem_shared>> -> memref<50176xf32, #tpu.memory_space<vmem_shared>>
      tpu.enqueue_indirect_dma source(%dma_start3A_351 : memref<128xf32, #tpu.memory_space<vmem>>) target(%dma_start3A_356 : memref<50176xf32, #tpu.memory_space<vmem_shared>>) offsets(%dma_start3A_354 : memref<128xi32, #tpu.memory_space<vmem>>) semaphore(%arg38 : memref<!tpu.dma_semaphore, #tpu.memory_space<semaphore_mem>>) {add = true}
      %dma_start3A_357 = arith.constant 3 : i32
      %dma_start3A_358 = arith.constant 384 : i32
      %dma_start3A_359 = tpu.memref_slice %arg30[%dma_start3A_358] : memref<1024xf32, #tpu.memory_space<vmem>> -> memref<128xf32, #tpu.memory_space<vmem>>
      %dma_start3A_360 = arith.constant 0 : i32
      %dma_start3A_361 = tpu.memref_slice %arg18[%dma_start3A_357, %dma_start3A_360] : memref<8x128xi32, #tpu.memory_space<vmem>> -> memref<1x128xi32, #tpu.memory_space<vmem>>
      %dma_start3A_362 = tpu.memref_squeeze %dma_start3A_361 : memref<1x128xi32, #tpu.memory_space<vmem>> -> memref<128xi32, #tpu.memory_space<vmem>>
      %dma_start3A_363 = arith.constant 0 : i32
      %dma_start3A_364 = tpu.memref_slice %arg36[%dma_start3A_363] : memref<50176xf32, #tpu.memory_space<vmem_shared>> -> memref<50176xf32, #tpu.memory_space<vmem_shared>>
      tpu.enqueue_indirect_dma source(%dma_start3A_359 : memref<128xf32, #tpu.memory_space<vmem>>) target(%dma_start3A_364 : memref<50176xf32, #tpu.memory_space<vmem_shared>>) offsets(%dma_start3A_362 : memref<128xi32, #tpu.memory_space<vmem>>) semaphore(%arg38 : memref<!tpu.dma_semaphore, #tpu.memory_space<semaphore_mem>>) {add = true}
      %dma_start3A_365 = arith.constant 4 : i32
      %dma_start3A_366 = arith.constant 512 : i32
      %dma_start3A_367 = tpu.memref_slice %arg25[%dma_start3A_366] : memref<1024xf32, #tpu.memory_space<vmem>> -> memref<128xf32, #tpu.memory_space<vmem>>
      %dma_start3A_368 = arith.constant 0 : i32
      %dma_start3A_369 = tpu.memref_slice %arg17[%dma_start3A_365, %dma_start3A_368] : memref<8x128xi32, #tpu.memory_space<vmem>> -> memref<1x128xi32, #tpu.memory_space<vmem>>
      %dma_start3A_370 = tpu.memref_squeeze %dma_start3A_369 : memref<1x128xi32, #tpu.memory_space<vmem>> -> memref<128xi32, #tpu.memory_space<vmem>>
      %dma_start3A_371 = arith.constant 0 : i32
      %dma_start3A_372 = tpu.memref_slice %arg34[%dma_start3A_371] : memref<50176xf32, #tpu.memory_space<vmem_shared>> -> memref<50176xf32, #tpu.memory_space<vmem_shared>>
      tpu.enqueue_indirect_dma source(%dma_start3A_367 : memref<128xf32, #tpu.memory_space<vmem>>) target(%dma_start3A_372 : memref<50176xf32, #tpu.memory_space<vmem_shared>>) offsets(%dma_start3A_370 : memref<128xi32, #tpu.memory_space<vmem>>) semaphore(%arg38 : memref<!tpu.dma_semaphore, #tpu.memory_space<semaphore_mem>>) {add = true}
      %dma_start3A_373 = arith.constant 4 : i32
      %dma_start3A_374 = arith.constant 512 : i32
      %dma_start3A_375 = tpu.memref_slice %arg26[%dma_start3A_374] : memref<1024xf32, #tpu.memory_space<vmem>> -> memref<128xf32, #tpu.memory_space<vmem>>
      %dma_start3A_376 = arith.constant 0 : i32
      %dma_start3A_377 = tpu.memref_slice %arg17[%dma_start3A_373, %dma_start3A_376] : memref<8x128xi32, #tpu.memory_space<vmem>> -> memref<1x128xi32, #tpu.memory_space<vmem>>
      %dma_start3A_378 = tpu.memref_squeeze %dma_start3A_377 : memref<1x128xi32, #tpu.memory_space<vmem>> -> memref<128xi32, #tpu.memory_space<vmem>>
      %dma_start3A_379 = arith.constant 0 : i32
      %dma_start3A_380 = tpu.memref_slice %arg35[%dma_start3A_379] : memref<50176xf32, #tpu.memory_space<vmem_shared>> -> memref<50176xf32, #tpu.memory_space<vmem_shared>>
      tpu.enqueue_indirect_dma source(%dma_start3A_375 : memref<128xf32, #tpu.memory_space<vmem>>) target(%dma_start3A_380 : memref<50176xf32, #tpu.memory_space<vmem_shared>>) offsets(%dma_start3A_378 : memref<128xi32, #tpu.memory_space<vmem>>) semaphore(%arg38 : memref<!tpu.dma_semaphore, #tpu.memory_space<semaphore_mem>>) {add = true}
      %dma_start3A_381 = arith.constant 4 : i32
      %dma_start3A_382 = arith.constant 512 : i32
      %dma_start3A_383 = tpu.memref_slice %arg27[%dma_start3A_382] : memref<1024xf32, #tpu.memory_space<vmem>> -> memref<128xf32, #tpu.memory_space<vmem>>
      %dma_start3A_384 = arith.constant 0 : i32
      %dma_start3A_385 = tpu.memref_slice %arg17[%dma_start3A_381, %dma_start3A_384] : memref<8x128xi32, #tpu.memory_space<vmem>> -> memref<1x128xi32, #tpu.memory_space<vmem>>
      %dma_start3A_386 = tpu.memref_squeeze %dma_start3A_385 : memref<1x128xi32, #tpu.memory_space<vmem>> -> memref<128xi32, #tpu.memory_space<vmem>>
      %dma_start3A_387 = arith.constant 0 : i32
      %dma_start3A_388 = tpu.memref_slice %arg36[%dma_start3A_387] : memref<50176xf32, #tpu.memory_space<vmem_shared>> -> memref<50176xf32, #tpu.memory_space<vmem_shared>>
      tpu.enqueue_indirect_dma source(%dma_start3A_383 : memref<128xf32, #tpu.memory_space<vmem>>) target(%dma_start3A_388 : memref<50176xf32, #tpu.memory_space<vmem_shared>>) offsets(%dma_start3A_386 : memref<128xi32, #tpu.memory_space<vmem>>) semaphore(%arg38 : memref<!tpu.dma_semaphore, #tpu.memory_space<semaphore_mem>>) {add = true}
      %dma_start3A_389 = arith.constant 4 : i32
      %dma_start3A_390 = arith.constant 512 : i32
      %dma_start3A_391 = tpu.memref_slice %arg28[%dma_start3A_390] : memref<1024xf32, #tpu.memory_space<vmem>> -> memref<128xf32, #tpu.memory_space<vmem>>
      %dma_start3A_392 = arith.constant 0 : i32
      %dma_start3A_393 = tpu.memref_slice %arg18[%dma_start3A_389, %dma_start3A_392] : memref<8x128xi32, #tpu.memory_space<vmem>> -> memref<1x128xi32, #tpu.memory_space<vmem>>
      %dma_start3A_394 = tpu.memref_squeeze %dma_start3A_393 : memref<1x128xi32, #tpu.memory_space<vmem>> -> memref<128xi32, #tpu.memory_space<vmem>>
      %dma_start3A_395 = arith.constant 0 : i32
      %dma_start3A_396 = tpu.memref_slice %arg34[%dma_start3A_395] : memref<50176xf32, #tpu.memory_space<vmem_shared>> -> memref<50176xf32, #tpu.memory_space<vmem_shared>>
      tpu.enqueue_indirect_dma source(%dma_start3A_391 : memref<128xf32, #tpu.memory_space<vmem>>) target(%dma_start3A_396 : memref<50176xf32, #tpu.memory_space<vmem_shared>>) offsets(%dma_start3A_394 : memref<128xi32, #tpu.memory_space<vmem>>) semaphore(%arg38 : memref<!tpu.dma_semaphore, #tpu.memory_space<semaphore_mem>>) {add = true}
      %dma_start3A_397 = arith.constant 4 : i32
      %dma_start3A_398 = arith.constant 512 : i32
      %dma_start3A_399 = tpu.memref_slice %arg29[%dma_start3A_398] : memref<1024xf32, #tpu.memory_space<vmem>> -> memref<128xf32, #tpu.memory_space<vmem>>
      %dma_start3A_400 = arith.constant 0 : i32
      %dma_start3A_401 = tpu.memref_slice %arg18[%dma_start3A_397, %dma_start3A_400] : memref<8x128xi32, #tpu.memory_space<vmem>> -> memref<1x128xi32, #tpu.memory_space<vmem>>
      %dma_start3A_402 = tpu.memref_squeeze %dma_start3A_401 : memref<1x128xi32, #tpu.memory_space<vmem>> -> memref<128xi32, #tpu.memory_space<vmem>>
      %dma_start3A_403 = arith.constant 0 : i32
      %dma_start3A_404 = tpu.memref_slice %arg35[%dma_start3A_403] : memref<50176xf32, #tpu.memory_space<vmem_shared>> -> memref<50176xf32, #tpu.memory_space<vmem_shared>>
      tpu.enqueue_indirect_dma source(%dma_start3A_399 : memref<128xf32, #tpu.memory_space<vmem>>) target(%dma_start3A_404 : memref<50176xf32, #tpu.memory_space<vmem_shared>>) offsets(%dma_start3A_402 : memref<128xi32, #tpu.memory_space<vmem>>) semaphore(%arg38 : memref<!tpu.dma_semaphore, #tpu.memory_space<semaphore_mem>>) {add = true}
      %dma_start3A_405 = arith.constant 4 : i32
      %dma_start3A_406 = arith.constant 512 : i32
      %dma_start3A_407 = tpu.memref_slice %arg30[%dma_start3A_406] : memref<1024xf32, #tpu.memory_space<vmem>> -> memref<128xf32, #tpu.memory_space<vmem>>
      %dma_start3A_408 = arith.constant 0 : i32
      %dma_start3A_409 = tpu.memref_slice %arg18[%dma_start3A_405, %dma_start3A_408] : memref<8x128xi32, #tpu.memory_space<vmem>> -> memref<1x128xi32, #tpu.memory_space<vmem>>
      %dma_start3A_410 = tpu.memref_squeeze %dma_start3A_409 : memref<1x128xi32, #tpu.memory_space<vmem>> -> memref<128xi32, #tpu.memory_space<vmem>>
      %dma_start3A_411 = arith.constant 0 : i32
      %dma_start3A_412 = tpu.memref_slice %arg36[%dma_start3A_411] : memref<50176xf32, #tpu.memory_space<vmem_shared>> -> memref<50176xf32, #tpu.memory_space<vmem_shared>>
      tpu.enqueue_indirect_dma source(%dma_start3A_407 : memref<128xf32, #tpu.memory_space<vmem>>) target(%dma_start3A_412 : memref<50176xf32, #tpu.memory_space<vmem_shared>>) offsets(%dma_start3A_410 : memref<128xi32, #tpu.memory_space<vmem>>) semaphore(%arg38 : memref<!tpu.dma_semaphore, #tpu.memory_space<semaphore_mem>>) {add = true}
      %dma_start3A_413 = arith.constant 5 : i32
      %dma_start3A_414 = arith.constant 640 : i32
      %dma_start3A_415 = tpu.memref_slice %arg25[%dma_start3A_414] : memref<1024xf32, #tpu.memory_space<vmem>> -> memref<128xf32, #tpu.memory_space<vmem>>
      %dma_start3A_416 = arith.constant 0 : i32
      %dma_start3A_417 = tpu.memref_slice %arg17[%dma_start3A_413, %dma_start3A_416] : memref<8x128xi32, #tpu.memory_space<vmem>> -> memref<1x128xi32, #tpu.memory_space<vmem>>
      %dma_start3A_418 = tpu.memref_squeeze %dma_start3A_417 : memref<1x128xi32, #tpu.memory_space<vmem>> -> memref<128xi32, #tpu.memory_space<vmem>>
      %dma_start3A_419 = arith.constant 0 : i32
      %dma_start3A_420 = tpu.memref_slice %arg34[%dma_start3A_419] : memref<50176xf32, #tpu.memory_space<vmem_shared>> -> memref<50176xf32, #tpu.memory_space<vmem_shared>>
      tpu.enqueue_indirect_dma source(%dma_start3A_415 : memref<128xf32, #tpu.memory_space<vmem>>) target(%dma_start3A_420 : memref<50176xf32, #tpu.memory_space<vmem_shared>>) offsets(%dma_start3A_418 : memref<128xi32, #tpu.memory_space<vmem>>) semaphore(%arg38 : memref<!tpu.dma_semaphore, #tpu.memory_space<semaphore_mem>>) {add = true}
      %dma_start3A_421 = arith.constant 5 : i32
      %dma_start3A_422 = arith.constant 640 : i32
      %dma_start3A_423 = tpu.memref_slice %arg26[%dma_start3A_422] : memref<1024xf32, #tpu.memory_space<vmem>> -> memref<128xf32, #tpu.memory_space<vmem>>
      %dma_start3A_424 = arith.constant 0 : i32
      %dma_start3A_425 = tpu.memref_slice %arg17[%dma_start3A_421, %dma_start3A_424] : memref<8x128xi32, #tpu.memory_space<vmem>> -> memref<1x128xi32, #tpu.memory_space<vmem>>
      %dma_start3A_426 = tpu.memref_squeeze %dma_start3A_425 : memref<1x128xi32, #tpu.memory_space<vmem>> -> memref<128xi32, #tpu.memory_space<vmem>>
      %dma_start3A_427 = arith.constant 0 : i32
      %dma_start3A_428 = tpu.memref_slice %arg35[%dma_start3A_427] : memref<50176xf32, #tpu.memory_space<vmem_shared>> -> memref<50176xf32, #tpu.memory_space<vmem_shared>>
      tpu.enqueue_indirect_dma source(%dma_start3A_423 : memref<128xf32, #tpu.memory_space<vmem>>) target(%dma_start3A_428 : memref<50176xf32, #tpu.memory_space<vmem_shared>>) offsets(%dma_start3A_426 : memref<128xi32, #tpu.memory_space<vmem>>) semaphore(%arg38 : memref<!tpu.dma_semaphore, #tpu.memory_space<semaphore_mem>>) {add = true}
      %dma_start3A_429 = arith.constant 5 : i32
      %dma_start3A_430 = arith.constant 640 : i32
      %dma_start3A_431 = tpu.memref_slice %arg27[%dma_start3A_430] : memref<1024xf32, #tpu.memory_space<vmem>> -> memref<128xf32, #tpu.memory_space<vmem>>
      %dma_start3A_432 = arith.constant 0 : i32
      %dma_start3A_433 = tpu.memref_slice %arg17[%dma_start3A_429, %dma_start3A_432] : memref<8x128xi32, #tpu.memory_space<vmem>> -> memref<1x128xi32, #tpu.memory_space<vmem>>
      %dma_start3A_434 = tpu.memref_squeeze %dma_start3A_433 : memref<1x128xi32, #tpu.memory_space<vmem>> -> memref<128xi32, #tpu.memory_space<vmem>>
      %dma_start3A_435 = arith.constant 0 : i32
      %dma_start3A_436 = tpu.memref_slice %arg36[%dma_start3A_435] : memref<50176xf32, #tpu.memory_space<vmem_shared>> -> memref<50176xf32, #tpu.memory_space<vmem_shared>>
      tpu.enqueue_indirect_dma source(%dma_start3A_431 : memref<128xf32, #tpu.memory_space<vmem>>) target(%dma_start3A_436 : memref<50176xf32, #tpu.memory_space<vmem_shared>>) offsets(%dma_start3A_434 : memref<128xi32, #tpu.memory_space<vmem>>) semaphore(%arg38 : memref<!tpu.dma_semaphore, #tpu.memory_space<semaphore_mem>>) {add = true}
      %dma_start3A_437 = arith.constant 5 : i32
      %dma_start3A_438 = arith.constant 640 : i32
      %dma_start3A_439 = tpu.memref_slice %arg28[%dma_start3A_438] : memref<1024xf32, #tpu.memory_space<vmem>> -> memref<128xf32, #tpu.memory_space<vmem>>
      %dma_start3A_440 = arith.constant 0 : i32
      %dma_start3A_441 = tpu.memref_slice %arg18[%dma_start3A_437, %dma_start3A_440] : memref<8x128xi32, #tpu.memory_space<vmem>> -> memref<1x128xi32, #tpu.memory_space<vmem>>
      %dma_start3A_442 = tpu.memref_squeeze %dma_start3A_441 : memref<1x128xi32, #tpu.memory_space<vmem>> -> memref<128xi32, #tpu.memory_space<vmem>>
      %dma_start3A_443 = arith.constant 0 : i32
      %dma_start3A_444 = tpu.memref_slice %arg34[%dma_start3A_443] : memref<50176xf32, #tpu.memory_space<vmem_shared>> -> memref<50176xf32, #tpu.memory_space<vmem_shared>>
      tpu.enqueue_indirect_dma source(%dma_start3A_439 : memref<128xf32, #tpu.memory_space<vmem>>) target(%dma_start3A_444 : memref<50176xf32, #tpu.memory_space<vmem_shared>>) offsets(%dma_start3A_442 : memref<128xi32, #tpu.memory_space<vmem>>) semaphore(%arg38 : memref<!tpu.dma_semaphore, #tpu.memory_space<semaphore_mem>>) {add = true}
      %dma_start3A_445 = arith.constant 5 : i32
      %dma_start3A_446 = arith.constant 640 : i32
      %dma_start3A_447 = tpu.memref_slice %arg29[%dma_start3A_446] : memref<1024xf32, #tpu.memory_space<vmem>> -> memref<128xf32, #tpu.memory_space<vmem>>
      %dma_start3A_448 = arith.constant 0 : i32
      %dma_start3A_449 = tpu.memref_slice %arg18[%dma_start3A_445, %dma_start3A_448] : memref<8x128xi32, #tpu.memory_space<vmem>> -> memref<1x128xi32, #tpu.memory_space<vmem>>
      %dma_start3A_450 = tpu.memref_squeeze %dma_start3A_449 : memref<1x128xi32, #tpu.memory_space<vmem>> -> memref<128xi32, #tpu.memory_space<vmem>>
      %dma_start3A_451 = arith.constant 0 : i32
      %dma_start3A_452 = tpu.memref_slice %arg35[%dma_start3A_451] : memref<50176xf32, #tpu.memory_space<vmem_shared>> -> memref<50176xf32, #tpu.memory_space<vmem_shared>>
      tpu.enqueue_indirect_dma source(%dma_start3A_447 : memref<128xf32, #tpu.memory_space<vmem>>) target(%dma_start3A_452 : memref<50176xf32, #tpu.memory_space<vmem_shared>>) offsets(%dma_start3A_450 : memref<128xi32, #tpu.memory_space<vmem>>) semaphore(%arg38 : memref<!tpu.dma_semaphore, #tpu.memory_space<semaphore_mem>>) {add = true}
      %dma_start3A_453 = arith.constant 5 : i32
      %dma_start3A_454 = arith.constant 640 : i32
      %dma_start3A_455 = tpu.memref_slice %arg30[%dma_start3A_454] : memref<1024xf32, #tpu.memory_space<vmem>> -> memref<128xf32, #tpu.memory_space<vmem>>
      %dma_start3A_456 = arith.constant 0 : i32
      %dma_start3A_457 = tpu.memref_slice %arg18[%dma_start3A_453, %dma_start3A_456] : memref<8x128xi32, #tpu.memory_space<vmem>> -> memref<1x128xi32, #tpu.memory_space<vmem>>
      %dma_start3A_458 = tpu.memref_squeeze %dma_start3A_457 : memref<1x128xi32, #tpu.memory_space<vmem>> -> memref<128xi32, #tpu.memory_space<vmem>>
      %dma_start3A_459 = arith.constant 0 : i32
      %dma_start3A_460 = tpu.memref_slice %arg36[%dma_start3A_459] : memref<50176xf32, #tpu.memory_space<vmem_shared>> -> memref<50176xf32, #tpu.memory_space<vmem_shared>>
      tpu.enqueue_indirect_dma source(%dma_start3A_455 : memref<128xf32, #tpu.memory_space<vmem>>) target(%dma_start3A_460 : memref<50176xf32, #tpu.memory_space<vmem_shared>>) offsets(%dma_start3A_458 : memref<128xi32, #tpu.memory_space<vmem>>) semaphore(%arg38 : memref<!tpu.dma_semaphore, #tpu.memory_space<semaphore_mem>>) {add = true}
      %dma_start3A_461 = arith.constant 6 : i32
      %dma_start3A_462 = arith.constant 768 : i32
      %dma_start3A_463 = tpu.memref_slice %arg25[%dma_start3A_462] : memref<1024xf32, #tpu.memory_space<vmem>> -> memref<128xf32, #tpu.memory_space<vmem>>
      %dma_start3A_464 = arith.constant 0 : i32
      %dma_start3A_465 = tpu.memref_slice %arg17[%dma_start3A_461, %dma_start3A_464] : memref<8x128xi32, #tpu.memory_space<vmem>> -> memref<1x128xi32, #tpu.memory_space<vmem>>
      %dma_start3A_466 = tpu.memref_squeeze %dma_start3A_465 : memref<1x128xi32, #tpu.memory_space<vmem>> -> memref<128xi32, #tpu.memory_space<vmem>>
      %dma_start3A_467 = arith.constant 0 : i32
      %dma_start3A_468 = tpu.memref_slice %arg34[%dma_start3A_467] : memref<50176xf32, #tpu.memory_space<vmem_shared>> -> memref<50176xf32, #tpu.memory_space<vmem_shared>>
      tpu.enqueue_indirect_dma source(%dma_start3A_463 : memref<128xf32, #tpu.memory_space<vmem>>) target(%dma_start3A_468 : memref<50176xf32, #tpu.memory_space<vmem_shared>>) offsets(%dma_start3A_466 : memref<128xi32, #tpu.memory_space<vmem>>) semaphore(%arg38 : memref<!tpu.dma_semaphore, #tpu.memory_space<semaphore_mem>>) {add = true}
      %dma_start3A_469 = arith.constant 6 : i32
      %dma_start3A_470 = arith.constant 768 : i32
      %dma_start3A_471 = tpu.memref_slice %arg26[%dma_start3A_470] : memref<1024xf32, #tpu.memory_space<vmem>> -> memref<128xf32, #tpu.memory_space<vmem>>
      %dma_start3A_472 = arith.constant 0 : i32
      %dma_start3A_473 = tpu.memref_slice %arg17[%dma_start3A_469, %dma_start3A_472] : memref<8x128xi32, #tpu.memory_space<vmem>> -> memref<1x128xi32, #tpu.memory_space<vmem>>
      %dma_start3A_474 = tpu.memref_squeeze %dma_start3A_473 : memref<1x128xi32, #tpu.memory_space<vmem>> -> memref<128xi32, #tpu.memory_space<vmem>>
      %dma_start3A_475 = arith.constant 0 : i32
      %dma_start3A_476 = tpu.memref_slice %arg35[%dma_start3A_475] : memref<50176xf32, #tpu.memory_space<vmem_shared>> -> memref<50176xf32, #tpu.memory_space<vmem_shared>>
      tpu.enqueue_indirect_dma source(%dma_start3A_471 : memref<128xf32, #tpu.memory_space<vmem>>) target(%dma_start3A_476 : memref<50176xf32, #tpu.memory_space<vmem_shared>>) offsets(%dma_start3A_474 : memref<128xi32, #tpu.memory_space<vmem>>) semaphore(%arg38 : memref<!tpu.dma_semaphore, #tpu.memory_space<semaphore_mem>>) {add = true}
      %dma_start3A_477 = arith.constant 6 : i32
      %dma_start3A_478 = arith.constant 768 : i32
      %dma_start3A_479 = tpu.memref_slice %arg27[%dma_start3A_478] : memref<1024xf32, #tpu.memory_space<vmem>> -> memref<128xf32, #tpu.memory_space<vmem>>
      %dma_start3A_480 = arith.constant 0 : i32
      %dma_start3A_481 = tpu.memref_slice %arg17[%dma_start3A_477, %dma_start3A_480] : memref<8x128xi32, #tpu.memory_space<vmem>> -> memref<1x128xi32, #tpu.memory_space<vmem>>
      %dma_start3A_482 = tpu.memref_squeeze %dma_start3A_481 : memref<1x128xi32, #tpu.memory_space<vmem>> -> memref<128xi32, #tpu.memory_space<vmem>>
      %dma_start3A_483 = arith.constant 0 : i32
      %dma_start3A_484 = tpu.memref_slice %arg36[%dma_start3A_483] : memref<50176xf32, #tpu.memory_space<vmem_shared>> -> memref<50176xf32, #tpu.memory_space<vmem_shared>>
      tpu.enqueue_indirect_dma source(%dma_start3A_479 : memref<128xf32, #tpu.memory_space<vmem>>) target(%dma_start3A_484 : memref<50176xf32, #tpu.memory_space<vmem_shared>>) offsets(%dma_start3A_482 : memref<128xi32, #tpu.memory_space<vmem>>) semaphore(%arg38 : memref<!tpu.dma_semaphore, #tpu.memory_space<semaphore_mem>>) {add = true}
      %dma_start3A_485 = arith.constant 6 : i32
      %dma_start3A_486 = arith.constant 768 : i32
      %dma_start3A_487 = tpu.memref_slice %arg28[%dma_start3A_486] : memref<1024xf32, #tpu.memory_space<vmem>> -> memref<128xf32, #tpu.memory_space<vmem>>
      %dma_start3A_488 = arith.constant 0 : i32
      %dma_start3A_489 = tpu.memref_slice %arg18[%dma_start3A_485, %dma_start3A_488] : memref<8x128xi32, #tpu.memory_space<vmem>> -> memref<1x128xi32, #tpu.memory_space<vmem>>
      %dma_start3A_490 = tpu.memref_squeeze %dma_start3A_489 : memref<1x128xi32, #tpu.memory_space<vmem>> -> memref<128xi32, #tpu.memory_space<vmem>>
      %dma_start3A_491 = arith.constant 0 : i32
      %dma_start3A_492 = tpu.memref_slice %arg34[%dma_start3A_491] : memref<50176xf32, #tpu.memory_space<vmem_shared>> -> memref<50176xf32, #tpu.memory_space<vmem_shared>>
      tpu.enqueue_indirect_dma source(%dma_start3A_487 : memref<128xf32, #tpu.memory_space<vmem>>) target(%dma_start3A_492 : memref<50176xf32, #tpu.memory_space<vmem_shared>>) offsets(%dma_start3A_490 : memref<128xi32, #tpu.memory_space<vmem>>) semaphore(%arg38 : memref<!tpu.dma_semaphore, #tpu.memory_space<semaphore_mem>>) {add = true}
      %dma_start3A_493 = arith.constant 6 : i32
      %dma_start3A_494 = arith.constant 768 : i32
      %dma_start3A_495 = tpu.memref_slice %arg29[%dma_start3A_494] : memref<1024xf32, #tpu.memory_space<vmem>> -> memref<128xf32, #tpu.memory_space<vmem>>
      %dma_start3A_496 = arith.constant 0 : i32
      %dma_start3A_497 = tpu.memref_slice %arg18[%dma_start3A_493, %dma_start3A_496] : memref<8x128xi32, #tpu.memory_space<vmem>> -> memref<1x128xi32, #tpu.memory_space<vmem>>
      %dma_start3A_498 = tpu.memref_squeeze %dma_start3A_497 : memref<1x128xi32, #tpu.memory_space<vmem>> -> memref<128xi32, #tpu.memory_space<vmem>>
      %dma_start3A_499 = arith.constant 0 : i32
      %dma_start3A_500 = tpu.memref_slice %arg35[%dma_start3A_499] : memref<50176xf32, #tpu.memory_space<vmem_shared>> -> memref<50176xf32, #tpu.memory_space<vmem_shared>>
      tpu.enqueue_indirect_dma source(%dma_start3A_495 : memref<128xf32, #tpu.memory_space<vmem>>) target(%dma_start3A_500 : memref<50176xf32, #tpu.memory_space<vmem_shared>>) offsets(%dma_start3A_498 : memref<128xi32, #tpu.memory_space<vmem>>) semaphore(%arg38 : memref<!tpu.dma_semaphore, #tpu.memory_space<semaphore_mem>>) {add = true}
      %dma_start3A_501 = arith.constant 6 : i32
      %dma_start3A_502 = arith.constant 768 : i32
      %dma_start3A_503 = tpu.memref_slice %arg30[%dma_start3A_502] : memref<1024xf32, #tpu.memory_space<vmem>> -> memref<128xf32, #tpu.memory_space<vmem>>
      %dma_start3A_504 = arith.constant 0 : i32
      %dma_start3A_505 = tpu.memref_slice %arg18[%dma_start3A_501, %dma_start3A_504] : memref<8x128xi32, #tpu.memory_space<vmem>> -> memref<1x128xi32, #tpu.memory_space<vmem>>
      %dma_start3A_506 = tpu.memref_squeeze %dma_start3A_505 : memref<1x128xi32, #tpu.memory_space<vmem>> -> memref<128xi32, #tpu.memory_space<vmem>>
      %dma_start3A_507 = arith.constant 0 : i32
      %dma_start3A_508 = tpu.memref_slice %arg36[%dma_start3A_507] : memref<50176xf32, #tpu.memory_space<vmem_shared>> -> memref<50176xf32, #tpu.memory_space<vmem_shared>>
      tpu.enqueue_indirect_dma source(%dma_start3A_503 : memref<128xf32, #tpu.memory_space<vmem>>) target(%dma_start3A_508 : memref<50176xf32, #tpu.memory_space<vmem_shared>>) offsets(%dma_start3A_506 : memref<128xi32, #tpu.memory_space<vmem>>) semaphore(%arg38 : memref<!tpu.dma_semaphore, #tpu.memory_space<semaphore_mem>>) {add = true}
      %dma_start3A_509 = arith.constant 7 : i32
      %dma_start3A_510 = arith.constant 896 : i32
      %dma_start3A_511 = tpu.memref_slice %arg25[%dma_start3A_510] : memref<1024xf32, #tpu.memory_space<vmem>> -> memref<128xf32, #tpu.memory_space<vmem>>
      %dma_start3A_512 = arith.constant 0 : i32
      %dma_start3A_513 = tpu.memref_slice %arg17[%dma_start3A_509, %dma_start3A_512] : memref<8x128xi32, #tpu.memory_space<vmem>> -> memref<1x128xi32, #tpu.memory_space<vmem>>
      %dma_start3A_514 = tpu.memref_squeeze %dma_start3A_513 : memref<1x128xi32, #tpu.memory_space<vmem>> -> memref<128xi32, #tpu.memory_space<vmem>>
      %dma_start3A_515 = arith.constant 0 : i32
      %dma_start3A_516 = tpu.memref_slice %arg34[%dma_start3A_515] : memref<50176xf32, #tpu.memory_space<vmem_shared>> -> memref<50176xf32, #tpu.memory_space<vmem_shared>>
      tpu.enqueue_indirect_dma source(%dma_start3A_511 : memref<128xf32, #tpu.memory_space<vmem>>) target(%dma_start3A_516 : memref<50176xf32, #tpu.memory_space<vmem_shared>>) offsets(%dma_start3A_514 : memref<128xi32, #tpu.memory_space<vmem>>) semaphore(%arg38 : memref<!tpu.dma_semaphore, #tpu.memory_space<semaphore_mem>>) {add = true}
      %dma_start3A_517 = arith.constant 7 : i32
      %dma_start3A_518 = arith.constant 896 : i32
      %dma_start3A_519 = tpu.memref_slice %arg26[%dma_start3A_518] : memref<1024xf32, #tpu.memory_space<vmem>> -> memref<128xf32, #tpu.memory_space<vmem>>
      %dma_start3A_520 = arith.constant 0 : i32
      %dma_start3A_521 = tpu.memref_slice %arg17[%dma_start3A_517, %dma_start3A_520] : memref<8x128xi32, #tpu.memory_space<vmem>> -> memref<1x128xi32, #tpu.memory_space<vmem>>
      %dma_start3A_522 = tpu.memref_squeeze %dma_start3A_521 : memref<1x128xi32, #tpu.memory_space<vmem>> -> memref<128xi32, #tpu.memory_space<vmem>>
      %dma_start3A_523 = arith.constant 0 : i32
      %dma_start3A_524 = tpu.memref_slice %arg35[%dma_start3A_523] : memref<50176xf32, #tpu.memory_space<vmem_shared>> -> memref<50176xf32, #tpu.memory_space<vmem_shared>>
      tpu.enqueue_indirect_dma source(%dma_start3A_519 : memref<128xf32, #tpu.memory_space<vmem>>) target(%dma_start3A_524 : memref<50176xf32, #tpu.memory_space<vmem_shared>>) offsets(%dma_start3A_522 : memref<128xi32, #tpu.memory_space<vmem>>) semaphore(%arg38 : memref<!tpu.dma_semaphore, #tpu.memory_space<semaphore_mem>>) {add = true}
      %dma_start3A_525 = arith.constant 7 : i32
      %dma_start3A_526 = arith.constant 896 : i32
      %dma_start3A_527 = tpu.memref_slice %arg27[%dma_start3A_526] : memref<1024xf32, #tpu.memory_space<vmem>> -> memref<128xf32, #tpu.memory_space<vmem>>
      %dma_start3A_528 = arith.constant 0 : i32
      %dma_start3A_529 = tpu.memref_slice %arg17[%dma_start3A_525, %dma_start3A_528] : memref<8x128xi32, #tpu.memory_space<vmem>> -> memref<1x128xi32, #tpu.memory_space<vmem>>
      %dma_start3A_530 = tpu.memref_squeeze %dma_start3A_529 : memref<1x128xi32, #tpu.memory_space<vmem>> -> memref<128xi32, #tpu.memory_space<vmem>>
      %dma_start3A_531 = arith.constant 0 : i32
      %dma_start3A_532 = tpu.memref_slice %arg36[%dma_start3A_531] : memref<50176xf32, #tpu.memory_space<vmem_shared>> -> memref<50176xf32, #tpu.memory_space<vmem_shared>>
      tpu.enqueue_indirect_dma source(%dma_start3A_527 : memref<128xf32, #tpu.memory_space<vmem>>) target(%dma_start3A_532 : memref<50176xf32, #tpu.memory_space<vmem_shared>>) offsets(%dma_start3A_530 : memref<128xi32, #tpu.memory_space<vmem>>) semaphore(%arg38 : memref<!tpu.dma_semaphore, #tpu.memory_space<semaphore_mem>>) {add = true}
      %dma_start3A_533 = arith.constant 7 : i32
      %dma_start3A_534 = arith.constant 896 : i32
      %dma_start3A_535 = tpu.memref_slice %arg28[%dma_start3A_534] : memref<1024xf32, #tpu.memory_space<vmem>> -> memref<128xf32, #tpu.memory_space<vmem>>
      %dma_start3A_536 = arith.constant 0 : i32
      %dma_start3A_537 = tpu.memref_slice %arg18[%dma_start3A_533, %dma_start3A_536] : memref<8x128xi32, #tpu.memory_space<vmem>> -> memref<1x128xi32, #tpu.memory_space<vmem>>
      %dma_start3A_538 = tpu.memref_squeeze %dma_start3A_537 : memref<1x128xi32, #tpu.memory_space<vmem>> -> memref<128xi32, #tpu.memory_space<vmem>>
      %dma_start3A_539 = arith.constant 0 : i32
      %dma_start3A_540 = tpu.memref_slice %arg34[%dma_start3A_539] : memref<50176xf32, #tpu.memory_space<vmem_shared>> -> memref<50176xf32, #tpu.memory_space<vmem_shared>>
      tpu.enqueue_indirect_dma source(%dma_start3A_535 : memref<128xf32, #tpu.memory_space<vmem>>) target(%dma_start3A_540 : memref<50176xf32, #tpu.memory_space<vmem_shared>>) offsets(%dma_start3A_538 : memref<128xi32, #tpu.memory_space<vmem>>) semaphore(%arg38 : memref<!tpu.dma_semaphore, #tpu.memory_space<semaphore_mem>>) {add = true}
      %dma_start3A_541 = arith.constant 7 : i32
      %dma_start3A_542 = arith.constant 896 : i32
      %dma_start3A_543 = tpu.memref_slice %arg29[%dma_start3A_542] : memref<1024xf32, #tpu.memory_space<vmem>> -> memref<128xf32, #tpu.memory_space<vmem>>
      %dma_start3A_544 = arith.constant 0 : i32
      %dma_start3A_545 = tpu.memref_slice %arg18[%dma_start3A_541, %dma_start3A_544] : memref<8x128xi32, #tpu.memory_space<vmem>> -> memref<1x128xi32, #tpu.memory_space<vmem>>
      %dma_start3A_546 = tpu.memref_squeeze %dma_start3A_545 : memref<1x128xi32, #tpu.memory_space<vmem>> -> memref<128xi32, #tpu.memory_space<vmem>>
      %dma_start3A_547 = arith.constant 0 : i32
      %dma_start3A_548 = tpu.memref_slice %arg35[%dma_start3A_547] : memref<50176xf32, #tpu.memory_space<vmem_shared>> -> memref<50176xf32, #tpu.memory_space<vmem_shared>>
      tpu.enqueue_indirect_dma source(%dma_start3A_543 : memref<128xf32, #tpu.memory_space<vmem>>) target(%dma_start3A_548 : memref<50176xf32, #tpu.memory_space<vmem_shared>>) offsets(%dma_start3A_546 : memref<128xi32, #tpu.memory_space<vmem>>) semaphore(%arg38 : memref<!tpu.dma_semaphore, #tpu.memory_space<semaphore_mem>>) {add = true}
      %dma_start3A_549 = arith.constant 7 : i32
      %dma_start3A_550 = arith.constant 896 : i32
      %dma_start3A_551 = tpu.memref_slice %arg30[%dma_start3A_550] : memref<1024xf32, #tpu.memory_space<vmem>> -> memref<128xf32, #tpu.memory_space<vmem>>
      %dma_start3A_552 = arith.constant 0 : i32
      %dma_start3A_553 = tpu.memref_slice %arg18[%dma_start3A_549, %dma_start3A_552] : memref<8x128xi32, #tpu.memory_space<vmem>> -> memref<1x128xi32, #tpu.memory_space<vmem>>
      %dma_start3A_554 = tpu.memref_squeeze %dma_start3A_553 : memref<1x128xi32, #tpu.memory_space<vmem>> -> memref<128xi32, #tpu.memory_space<vmem>>
      %dma_start3A_555 = arith.constant 0 : i32
      %dma_start3A_556 = tpu.memref_slice %arg36[%dma_start3A_555] : memref<50176xf32, #tpu.memory_space<vmem_shared>> -> memref<50176xf32, #tpu.memory_space<vmem_shared>>
      tpu.enqueue_indirect_dma source(%dma_start3A_551 : memref<128xf32, #tpu.memory_space<vmem>>) target(%dma_start3A_556 : memref<50176xf32, #tpu.memory_space<vmem_shared>>) offsets(%dma_start3A_554 : memref<128xi32, #tpu.memory_space<vmem>>) semaphore(%arg38 : memref<!tpu.dma_semaphore, #tpu.memory_space<semaphore_mem>>) {add = true}
      %dma_wait3A_557 = arith.constant 0 : i32
      %dma_wait3A_558 = arith.constant 0 : i32
      %dma_wait3A_559 = tpu.memref_slice %arg25[%dma_wait3A_558] : memref<1024xf32, #tpu.memory_space<vmem>> -> memref<128xf32, #tpu.memory_space<vmem>>
      %dma_wait3A_560 = arith.constant 0 : i32
      %dma_wait3A_561 = tpu.memref_slice %arg17[%dma_wait3A_557, %dma_wait3A_560] : memref<8x128xi32, #tpu.memory_space<vmem>> -> memref<1x128xi32, #tpu.memory_space<vmem>>
      %dma_wait3A_562 = tpu.memref_squeeze %dma_wait3A_561 : memref<1x128xi32, #tpu.memory_space<vmem>> -> memref<128xi32, #tpu.memory_space<vmem>>
      %dma_wait3A_563 = arith.constant 0 : i32
      %dma_wait3A_564 = tpu.memref_slice %arg34[%dma_wait3A_563] : memref<50176xf32, #tpu.memory_space<vmem_shared>> -> memref<50176xf32, #tpu.memory_space<vmem_shared>>
      tpu.wait_indirect_dma semaphore(%arg38 : memref<!tpu.dma_semaphore, #tpu.memory_space<semaphore_mem>>) src(%dma_wait3A_559 : memref<128xf32, #tpu.memory_space<vmem>>) dst(%dma_wait3A_564 : memref<50176xf32, #tpu.memory_space<vmem_shared>>)
      %dma_wait3A_565 = arith.constant 0 : i32
      %dma_wait3A_566 = arith.constant 0 : i32
      %dma_wait3A_567 = tpu.memref_slice %arg26[%dma_wait3A_566] : memref<1024xf32, #tpu.memory_space<vmem>> -> memref<128xf32, #tpu.memory_space<vmem>>
      %dma_wait3A_568 = arith.constant 0 : i32
      %dma_wait3A_569 = tpu.memref_slice %arg17[%dma_wait3A_565, %dma_wait3A_568] : memref<8x128xi32, #tpu.memory_space<vmem>> -> memref<1x128xi32, #tpu.memory_space<vmem>>
      %dma_wait3A_570 = tpu.memref_squeeze %dma_wait3A_569 : memref<1x128xi32, #tpu.memory_space<vmem>> -> memref<128xi32, #tpu.memory_space<vmem>>
      %dma_wait3A_571 = arith.constant 0 : i32
      %dma_wait3A_572 = tpu.memref_slice %arg35[%dma_wait3A_571] : memref<50176xf32, #tpu.memory_space<vmem_shared>> -> memref<50176xf32, #tpu.memory_space<vmem_shared>>
      tpu.wait_indirect_dma semaphore(%arg38 : memref<!tpu.dma_semaphore, #tpu.memory_space<semaphore_mem>>) src(%dma_wait3A_567 : memref<128xf32, #tpu.memory_space<vmem>>) dst(%dma_wait3A_572 : memref<50176xf32, #tpu.memory_space<vmem_shared>>)
      %dma_wait3A_573 = arith.constant 0 : i32
      %dma_wait3A_574 = arith.constant 0 : i32
      %dma_wait3A_575 = tpu.memref_slice %arg27[%dma_wait3A_574] : memref<1024xf32, #tpu.memory_space<vmem>> -> memref<128xf32, #tpu.memory_space<vmem>>
      %dma_wait3A_576 = arith.constant 0 : i32
      %dma_wait3A_577 = tpu.memref_slice %arg17[%dma_wait3A_573, %dma_wait3A_576] : memref<8x128xi32, #tpu.memory_space<vmem>> -> memref<1x128xi32, #tpu.memory_space<vmem>>
      %dma_wait3A_578 = tpu.memref_squeeze %dma_wait3A_577 : memref<1x128xi32, #tpu.memory_space<vmem>> -> memref<128xi32, #tpu.memory_space<vmem>>
      %dma_wait3A_579 = arith.constant 0 : i32
      %dma_wait3A_580 = tpu.memref_slice %arg36[%dma_wait3A_579] : memref<50176xf32, #tpu.memory_space<vmem_shared>> -> memref<50176xf32, #tpu.memory_space<vmem_shared>>
      tpu.wait_indirect_dma semaphore(%arg38 : memref<!tpu.dma_semaphore, #tpu.memory_space<semaphore_mem>>) src(%dma_wait3A_575 : memref<128xf32, #tpu.memory_space<vmem>>) dst(%dma_wait3A_580 : memref<50176xf32, #tpu.memory_space<vmem_shared>>)
      %dma_wait3A_581 = arith.constant 0 : i32
      %dma_wait3A_582 = arith.constant 0 : i32
      %dma_wait3A_583 = tpu.memref_slice %arg28[%dma_wait3A_582] : memref<1024xf32, #tpu.memory_space<vmem>> -> memref<128xf32, #tpu.memory_space<vmem>>
      %dma_wait3A_584 = arith.constant 0 : i32
      %dma_wait3A_585 = tpu.memref_slice %arg18[%dma_wait3A_581, %dma_wait3A_584] : memref<8x128xi32, #tpu.memory_space<vmem>> -> memref<1x128xi32, #tpu.memory_space<vmem>>
      %dma_wait3A_586 = tpu.memref_squeeze %dma_wait3A_585 : memref<1x128xi32, #tpu.memory_space<vmem>> -> memref<128xi32, #tpu.memory_space<vmem>>
      %dma_wait3A_587 = arith.constant 0 : i32
      %dma_wait3A_588 = tpu.memref_slice %arg34[%dma_wait3A_587] : memref<50176xf32, #tpu.memory_space<vmem_shared>> -> memref<50176xf32, #tpu.memory_space<vmem_shared>>
      tpu.wait_indirect_dma semaphore(%arg38 : memref<!tpu.dma_semaphore, #tpu.memory_space<semaphore_mem>>) src(%dma_wait3A_583 : memref<128xf32, #tpu.memory_space<vmem>>) dst(%dma_wait3A_588 : memref<50176xf32, #tpu.memory_space<vmem_shared>>)
      %dma_wait3A_589 = arith.constant 0 : i32
      %dma_wait3A_590 = arith.constant 0 : i32
      %dma_wait3A_591 = tpu.memref_slice %arg29[%dma_wait3A_590] : memref<1024xf32, #tpu.memory_space<vmem>> -> memref<128xf32, #tpu.memory_space<vmem>>
      %dma_wait3A_592 = arith.constant 0 : i32
      %dma_wait3A_593 = tpu.memref_slice %arg18[%dma_wait3A_589, %dma_wait3A_592] : memref<8x128xi32, #tpu.memory_space<vmem>> -> memref<1x128xi32, #tpu.memory_space<vmem>>
      %dma_wait3A_594 = tpu.memref_squeeze %dma_wait3A_593 : memref<1x128xi32, #tpu.memory_space<vmem>> -> memref<128xi32, #tpu.memory_space<vmem>>
      %dma_wait3A_595 = arith.constant 0 : i32
      %dma_wait3A_596 = tpu.memref_slice %arg35[%dma_wait3A_595] : memref<50176xf32, #tpu.memory_space<vmem_shared>> -> memref<50176xf32, #tpu.memory_space<vmem_shared>>
      tpu.wait_indirect_dma semaphore(%arg38 : memref<!tpu.dma_semaphore, #tpu.memory_space<semaphore_mem>>) src(%dma_wait3A_591 : memref<128xf32, #tpu.memory_space<vmem>>) dst(%dma_wait3A_596 : memref<50176xf32, #tpu.memory_space<vmem_shared>>)
      %dma_wait3A_597 = arith.constant 0 : i32
      %dma_wait3A_598 = arith.constant 0 : i32
      %dma_wait3A_599 = tpu.memref_slice %arg30[%dma_wait3A_598] : memref<1024xf32, #tpu.memory_space<vmem>> -> memref<128xf32, #tpu.memory_space<vmem>>
      %dma_wait3A_600 = arith.constant 0 : i32
      %dma_wait3A_601 = tpu.memref_slice %arg18[%dma_wait3A_597, %dma_wait3A_600] : memref<8x128xi32, #tpu.memory_space<vmem>> -> memref<1x128xi32, #tpu.memory_space<vmem>>
      %dma_wait3A_602 = tpu.memref_squeeze %dma_wait3A_601 : memref<1x128xi32, #tpu.memory_space<vmem>> -> memref<128xi32, #tpu.memory_space<vmem>>
      %dma_wait3A_603 = arith.constant 0 : i32
      %dma_wait3A_604 = tpu.memref_slice %arg36[%dma_wait3A_603] : memref<50176xf32, #tpu.memory_space<vmem_shared>> -> memref<50176xf32, #tpu.memory_space<vmem_shared>>
      tpu.wait_indirect_dma semaphore(%arg38 : memref<!tpu.dma_semaphore, #tpu.memory_space<semaphore_mem>>) src(%dma_wait3A_599 : memref<128xf32, #tpu.memory_space<vmem>>) dst(%dma_wait3A_604 : memref<50176xf32, #tpu.memory_space<vmem_shared>>)
      %dma_wait3A_605 = arith.constant 1 : i32
      %dma_wait3A_606 = arith.constant 128 : i32
      %dma_wait3A_607 = tpu.memref_slice %arg25[%dma_wait3A_606] : memref<1024xf32, #tpu.memory_space<vmem>> -> memref<128xf32, #tpu.memory_space<vmem>>
      %dma_wait3A_608 = arith.constant 0 : i32
      %dma_wait3A_609 = tpu.memref_slice %arg17[%dma_wait3A_605, %dma_wait3A_608] : memref<8x128xi32, #tpu.memory_space<vmem>> -> memref<1x128xi32, #tpu.memory_space<vmem>>
      %dma_wait3A_610 = tpu.memref_squeeze %dma_wait3A_609 : memref<1x128xi32, #tpu.memory_space<vmem>> -> memref<128xi32, #tpu.memory_space<vmem>>
      %dma_wait3A_611 = arith.constant 0 : i32
      %dma_wait3A_612 = tpu.memref_slice %arg34[%dma_wait3A_611] : memref<50176xf32, #tpu.memory_space<vmem_shared>> -> memref<50176xf32, #tpu.memory_space<vmem_shared>>
      tpu.wait_indirect_dma semaphore(%arg38 : memref<!tpu.dma_semaphore, #tpu.memory_space<semaphore_mem>>) src(%dma_wait3A_607 : memref<128xf32, #tpu.memory_space<vmem>>) dst(%dma_wait3A_612 : memref<50176xf32, #tpu.memory_space<vmem_shared>>)
      %dma_wait3A_613 = arith.constant 1 : i32
      %dma_wait3A_614 = arith.constant 128 : i32
      %dma_wait3A_615 = tpu.memref_slice %arg26[%dma_wait3A_614] : memref<1024xf32, #tpu.memory_space<vmem>> -> memref<128xf32, #tpu.memory_space<vmem>>
      %dma_wait3A_616 = arith.constant 0 : i32
      %dma_wait3A_617 = tpu.memref_slice %arg17[%dma_wait3A_613, %dma_wait3A_616] : memref<8x128xi32, #tpu.memory_space<vmem>> -> memref<1x128xi32, #tpu.memory_space<vmem>>
      %dma_wait3A_618 = tpu.memref_squeeze %dma_wait3A_617 : memref<1x128xi32, #tpu.memory_space<vmem>> -> memref<128xi32, #tpu.memory_space<vmem>>
      %dma_wait3A_619 = arith.constant 0 : i32
      %dma_wait3A_620 = tpu.memref_slice %arg35[%dma_wait3A_619] : memref<50176xf32, #tpu.memory_space<vmem_shared>> -> memref<50176xf32, #tpu.memory_space<vmem_shared>>
      tpu.wait_indirect_dma semaphore(%arg38 : memref<!tpu.dma_semaphore, #tpu.memory_space<semaphore_mem>>) src(%dma_wait3A_615 : memref<128xf32, #tpu.memory_space<vmem>>) dst(%dma_wait3A_620 : memref<50176xf32, #tpu.memory_space<vmem_shared>>)
      %dma_wait3A_621 = arith.constant 1 : i32
      %dma_wait3A_622 = arith.constant 128 : i32
      %dma_wait3A_623 = tpu.memref_slice %arg27[%dma_wait3A_622] : memref<1024xf32, #tpu.memory_space<vmem>> -> memref<128xf32, #tpu.memory_space<vmem>>
      %dma_wait3A_624 = arith.constant 0 : i32
      %dma_wait3A_625 = tpu.memref_slice %arg17[%dma_wait3A_621, %dma_wait3A_624] : memref<8x128xi32, #tpu.memory_space<vmem>> -> memref<1x128xi32, #tpu.memory_space<vmem>>
      %dma_wait3A_626 = tpu.memref_squeeze %dma_wait3A_625 : memref<1x128xi32, #tpu.memory_space<vmem>> -> memref<128xi32, #tpu.memory_space<vmem>>
      %dma_wait3A_627 = arith.constant 0 : i32
      %dma_wait3A_628 = tpu.memref_slice %arg36[%dma_wait3A_627] : memref<50176xf32, #tpu.memory_space<vmem_shared>> -> memref<50176xf32, #tpu.memory_space<vmem_shared>>
      tpu.wait_indirect_dma semaphore(%arg38 : memref<!tpu.dma_semaphore, #tpu.memory_space<semaphore_mem>>) src(%dma_wait3A_623 : memref<128xf32, #tpu.memory_space<vmem>>) dst(%dma_wait3A_628 : memref<50176xf32, #tpu.memory_space<vmem_shared>>)
      %dma_wait3A_629 = arith.constant 1 : i32
      %dma_wait3A_630 = arith.constant 128 : i32
      %dma_wait3A_631 = tpu.memref_slice %arg28[%dma_wait3A_630] : memref<1024xf32, #tpu.memory_space<vmem>> -> memref<128xf32, #tpu.memory_space<vmem>>
      %dma_wait3A_632 = arith.constant 0 : i32
      %dma_wait3A_633 = tpu.memref_slice %arg18[%dma_wait3A_629, %dma_wait3A_632] : memref<8x128xi32, #tpu.memory_space<vmem>> -> memref<1x128xi32, #tpu.memory_space<vmem>>
      %dma_wait3A_634 = tpu.memref_squeeze %dma_wait3A_633 : memref<1x128xi32, #tpu.memory_space<vmem>> -> memref<128xi32, #tpu.memory_space<vmem>>
      %dma_wait3A_635 = arith.constant 0 : i32
      %dma_wait3A_636 = tpu.memref_slice %arg34[%dma_wait3A_635] : memref<50176xf32, #tpu.memory_space<vmem_shared>> -> memref<50176xf32, #tpu.memory_space<vmem_shared>>
      tpu.wait_indirect_dma semaphore(%arg38 : memref<!tpu.dma_semaphore, #tpu.memory_space<semaphore_mem>>) src(%dma_wait3A_631 : memref<128xf32, #tpu.memory_space<vmem>>) dst(%dma_wait3A_636 : memref<50176xf32, #tpu.memory_space<vmem_shared>>)
      %dma_wait3A_637 = arith.constant 1 : i32
      %dma_wait3A_638 = arith.constant 128 : i32
      %dma_wait3A_639 = tpu.memref_slice %arg29[%dma_wait3A_638] : memref<1024xf32, #tpu.memory_space<vmem>> -> memref<128xf32, #tpu.memory_space<vmem>>
      %dma_wait3A_640 = arith.constant 0 : i32
      %dma_wait3A_641 = tpu.memref_slice %arg18[%dma_wait3A_637, %dma_wait3A_640] : memref<8x128xi32, #tpu.memory_space<vmem>> -> memref<1x128xi32, #tpu.memory_space<vmem>>
      %dma_wait3A_642 = tpu.memref_squeeze %dma_wait3A_641 : memref<1x128xi32, #tpu.memory_space<vmem>> -> memref<128xi32, #tpu.memory_space<vmem>>
      %dma_wait3A_643 = arith.constant 0 : i32
      %dma_wait3A_644 = tpu.memref_slice %arg35[%dma_wait3A_643] : memref<50176xf32, #tpu.memory_space<vmem_shared>> -> memref<50176xf32, #tpu.memory_space<vmem_shared>>
      tpu.wait_indirect_dma semaphore(%arg38 : memref<!tpu.dma_semaphore, #tpu.memory_space<semaphore_mem>>) src(%dma_wait3A_639 : memref<128xf32, #tpu.memory_space<vmem>>) dst(%dma_wait3A_644 : memref<50176xf32, #tpu.memory_space<vmem_shared>>)
      %dma_wait3A_645 = arith.constant 1 : i32
      %dma_wait3A_646 = arith.constant 128 : i32
      %dma_wait3A_647 = tpu.memref_slice %arg30[%dma_wait3A_646] : memref<1024xf32, #tpu.memory_space<vmem>> -> memref<128xf32, #tpu.memory_space<vmem>>
      %dma_wait3A_648 = arith.constant 0 : i32
      %dma_wait3A_649 = tpu.memref_slice %arg18[%dma_wait3A_645, %dma_wait3A_648] : memref<8x128xi32, #tpu.memory_space<vmem>> -> memref<1x128xi32, #tpu.memory_space<vmem>>
      %dma_wait3A_650 = tpu.memref_squeeze %dma_wait3A_649 : memref<1x128xi32, #tpu.memory_space<vmem>> -> memref<128xi32, #tpu.memory_space<vmem>>
      %dma_wait3A_651 = arith.constant 0 : i32
      %dma_wait3A_652 = tpu.memref_slice %arg36[%dma_wait3A_651] : memref<50176xf32, #tpu.memory_space<vmem_shared>> -> memref<50176xf32, #tpu.memory_space<vmem_shared>>
      tpu.wait_indirect_dma semaphore(%arg38 : memref<!tpu.dma_semaphore, #tpu.memory_space<semaphore_mem>>) src(%dma_wait3A_647 : memref<128xf32, #tpu.memory_space<vmem>>) dst(%dma_wait3A_652 : memref<50176xf32, #tpu.memory_space<vmem_shared>>)
      %dma_wait3A_653 = arith.constant 2 : i32
      %dma_wait3A_654 = arith.constant 256 : i32
      %dma_wait3A_655 = tpu.memref_slice %arg25[%dma_wait3A_654] : memref<1024xf32, #tpu.memory_space<vmem>> -> memref<128xf32, #tpu.memory_space<vmem>>
      %dma_wait3A_656 = arith.constant 0 : i32
      %dma_wait3A_657 = tpu.memref_slice %arg17[%dma_wait3A_653, %dma_wait3A_656] : memref<8x128xi32, #tpu.memory_space<vmem>> -> memref<1x128xi32, #tpu.memory_space<vmem>>
      %dma_wait3A_658 = tpu.memref_squeeze %dma_wait3A_657 : memref<1x128xi32, #tpu.memory_space<vmem>> -> memref<128xi32, #tpu.memory_space<vmem>>
      %dma_wait3A_659 = arith.constant 0 : i32
      %dma_wait3A_660 = tpu.memref_slice %arg34[%dma_wait3A_659] : memref<50176xf32, #tpu.memory_space<vmem_shared>> -> memref<50176xf32, #tpu.memory_space<vmem_shared>>
      tpu.wait_indirect_dma semaphore(%arg38 : memref<!tpu.dma_semaphore, #tpu.memory_space<semaphore_mem>>) src(%dma_wait3A_655 : memref<128xf32, #tpu.memory_space<vmem>>) dst(%dma_wait3A_660 : memref<50176xf32, #tpu.memory_space<vmem_shared>>)
      %dma_wait3A_661 = arith.constant 2 : i32
      %dma_wait3A_662 = arith.constant 256 : i32
      %dma_wait3A_663 = tpu.memref_slice %arg26[%dma_wait3A_662] : memref<1024xf32, #tpu.memory_space<vmem>> -> memref<128xf32, #tpu.memory_space<vmem>>
      %dma_wait3A_664 = arith.constant 0 : i32
      %dma_wait3A_665 = tpu.memref_slice %arg17[%dma_wait3A_661, %dma_wait3A_664] : memref<8x128xi32, #tpu.memory_space<vmem>> -> memref<1x128xi32, #tpu.memory_space<vmem>>
      %dma_wait3A_666 = tpu.memref_squeeze %dma_wait3A_665 : memref<1x128xi32, #tpu.memory_space<vmem>> -> memref<128xi32, #tpu.memory_space<vmem>>
      %dma_wait3A_667 = arith.constant 0 : i32
      %dma_wait3A_668 = tpu.memref_slice %arg35[%dma_wait3A_667] : memref<50176xf32, #tpu.memory_space<vmem_shared>> -> memref<50176xf32, #tpu.memory_space<vmem_shared>>
      tpu.wait_indirect_dma semaphore(%arg38 : memref<!tpu.dma_semaphore, #tpu.memory_space<semaphore_mem>>) src(%dma_wait3A_663 : memref<128xf32, #tpu.memory_space<vmem>>) dst(%dma_wait3A_668 : memref<50176xf32, #tpu.memory_space<vmem_shared>>)
      %dma_wait3A_669 = arith.constant 2 : i32
      %dma_wait3A_670 = arith.constant 256 : i32
      %dma_wait3A_671 = tpu.memref_slice %arg27[%dma_wait3A_670] : memref<1024xf32, #tpu.memory_space<vmem>> -> memref<128xf32, #tpu.memory_space<vmem>>
      %dma_wait3A_672 = arith.constant 0 : i32
      %dma_wait3A_673 = tpu.memref_slice %arg17[%dma_wait3A_669, %dma_wait3A_672] : memref<8x128xi32, #tpu.memory_space<vmem>> -> memref<1x128xi32, #tpu.memory_space<vmem>>
      %dma_wait3A_674 = tpu.memref_squeeze %dma_wait3A_673 : memref<1x128xi32, #tpu.memory_space<vmem>> -> memref<128xi32, #tpu.memory_space<vmem>>
      %dma_wait3A_675 = arith.constant 0 : i32
      %dma_wait3A_676 = tpu.memref_slice %arg36[%dma_wait3A_675] : memref<50176xf32, #tpu.memory_space<vmem_shared>> -> memref<50176xf32, #tpu.memory_space<vmem_shared>>
      tpu.wait_indirect_dma semaphore(%arg38 : memref<!tpu.dma_semaphore, #tpu.memory_space<semaphore_mem>>) src(%dma_wait3A_671 : memref<128xf32, #tpu.memory_space<vmem>>) dst(%dma_wait3A_676 : memref<50176xf32, #tpu.memory_space<vmem_shared>>)
      %dma_wait3A_677 = arith.constant 2 : i32
      %dma_wait3A_678 = arith.constant 256 : i32
      %dma_wait3A_679 = tpu.memref_slice %arg28[%dma_wait3A_678] : memref<1024xf32, #tpu.memory_space<vmem>> -> memref<128xf32, #tpu.memory_space<vmem>>
      %dma_wait3A_680 = arith.constant 0 : i32
      %dma_wait3A_681 = tpu.memref_slice %arg18[%dma_wait3A_677, %dma_wait3A_680] : memref<8x128xi32, #tpu.memory_space<vmem>> -> memref<1x128xi32, #tpu.memory_space<vmem>>
      %dma_wait3A_682 = tpu.memref_squeeze %dma_wait3A_681 : memref<1x128xi32, #tpu.memory_space<vmem>> -> memref<128xi32, #tpu.memory_space<vmem>>
      %dma_wait3A_683 = arith.constant 0 : i32
      %dma_wait3A_684 = tpu.memref_slice %arg34[%dma_wait3A_683] : memref<50176xf32, #tpu.memory_space<vmem_shared>> -> memref<50176xf32, #tpu.memory_space<vmem_shared>>
      tpu.wait_indirect_dma semaphore(%arg38 : memref<!tpu.dma_semaphore, #tpu.memory_space<semaphore_mem>>) src(%dma_wait3A_679 : memref<128xf32, #tpu.memory_space<vmem>>) dst(%dma_wait3A_684 : memref<50176xf32, #tpu.memory_space<vmem_shared>>)
      %dma_wait3A_685 = arith.constant 2 : i32
      %dma_wait3A_686 = arith.constant 256 : i32
      %dma_wait3A_687 = tpu.memref_slice %arg29[%dma_wait3A_686] : memref<1024xf32, #tpu.memory_space<vmem>> -> memref<128xf32, #tpu.memory_space<vmem>>
      %dma_wait3A_688 = arith.constant 0 : i32
      %dma_wait3A_689 = tpu.memref_slice %arg18[%dma_wait3A_685, %dma_wait3A_688] : memref<8x128xi32, #tpu.memory_space<vmem>> -> memref<1x128xi32, #tpu.memory_space<vmem>>
      %dma_wait3A_690 = tpu.memref_squeeze %dma_wait3A_689 : memref<1x128xi32, #tpu.memory_space<vmem>> -> memref<128xi32, #tpu.memory_space<vmem>>
      %dma_wait3A_691 = arith.constant 0 : i32
      %dma_wait3A_692 = tpu.memref_slice %arg35[%dma_wait3A_691] : memref<50176xf32, #tpu.memory_space<vmem_shared>> -> memref<50176xf32, #tpu.memory_space<vmem_shared>>
      tpu.wait_indirect_dma semaphore(%arg38 : memref<!tpu.dma_semaphore, #tpu.memory_space<semaphore_mem>>) src(%dma_wait3A_687 : memref<128xf32, #tpu.memory_space<vmem>>) dst(%dma_wait3A_692 : memref<50176xf32, #tpu.memory_space<vmem_shared>>)
      %dma_wait3A_693 = arith.constant 2 : i32
      %dma_wait3A_694 = arith.constant 256 : i32
      %dma_wait3A_695 = tpu.memref_slice %arg30[%dma_wait3A_694] : memref<1024xf32, #tpu.memory_space<vmem>> -> memref<128xf32, #tpu.memory_space<vmem>>
      %dma_wait3A_696 = arith.constant 0 : i32
      %dma_wait3A_697 = tpu.memref_slice %arg18[%dma_wait3A_693, %dma_wait3A_696] : memref<8x128xi32, #tpu.memory_space<vmem>> -> memref<1x128xi32, #tpu.memory_space<vmem>>
      %dma_wait3A_698 = tpu.memref_squeeze %dma_wait3A_697 : memref<1x128xi32, #tpu.memory_space<vmem>> -> memref<128xi32, #tpu.memory_space<vmem>>
      %dma_wait3A_699 = arith.constant 0 : i32
      %dma_wait3A_700 = tpu.memref_slice %arg36[%dma_wait3A_699] : memref<50176xf32, #tpu.memory_space<vmem_shared>> -> memref<50176xf32, #tpu.memory_space<vmem_shared>>
      tpu.wait_indirect_dma semaphore(%arg38 : memref<!tpu.dma_semaphore, #tpu.memory_space<semaphore_mem>>) src(%dma_wait3A_695 : memref<128xf32, #tpu.memory_space<vmem>>) dst(%dma_wait3A_700 : memref<50176xf32, #tpu.memory_space<vmem_shared>>)
      %dma_wait3A_701 = arith.constant 3 : i32
      %dma_wait3A_702 = arith.constant 384 : i32
      %dma_wait3A_703 = tpu.memref_slice %arg25[%dma_wait3A_702] : memref<1024xf32, #tpu.memory_space<vmem>> -> memref<128xf32, #tpu.memory_space<vmem>>
      %dma_wait3A_704 = arith.constant 0 : i32
      %dma_wait3A_705 = tpu.memref_slice %arg17[%dma_wait3A_701, %dma_wait3A_704] : memref<8x128xi32, #tpu.memory_space<vmem>> -> memref<1x128xi32, #tpu.memory_space<vmem>>
      %dma_wait3A_706 = tpu.memref_squeeze %dma_wait3A_705 : memref<1x128xi32, #tpu.memory_space<vmem>> -> memref<128xi32, #tpu.memory_space<vmem>>
      %dma_wait3A_707 = arith.constant 0 : i32
      %dma_wait3A_708 = tpu.memref_slice %arg34[%dma_wait3A_707] : memref<50176xf32, #tpu.memory_space<vmem_shared>> -> memref<50176xf32, #tpu.memory_space<vmem_shared>>
      tpu.wait_indirect_dma semaphore(%arg38 : memref<!tpu.dma_semaphore, #tpu.memory_space<semaphore_mem>>) src(%dma_wait3A_703 : memref<128xf32, #tpu.memory_space<vmem>>) dst(%dma_wait3A_708 : memref<50176xf32, #tpu.memory_space<vmem_shared>>)
      %dma_wait3A_709 = arith.constant 3 : i32
      %dma_wait3A_710 = arith.constant 384 : i32
      %dma_wait3A_711 = tpu.memref_slice %arg26[%dma_wait3A_710] : memref<1024xf32, #tpu.memory_space<vmem>> -> memref<128xf32, #tpu.memory_space<vmem>>
      %dma_wait3A_712 = arith.constant 0 : i32
      %dma_wait3A_713 = tpu.memref_slice %arg17[%dma_wait3A_709, %dma_wait3A_712] : memref<8x128xi32, #tpu.memory_space<vmem>> -> memref<1x128xi32, #tpu.memory_space<vmem>>
      %dma_wait3A_714 = tpu.memref_squeeze %dma_wait3A_713 : memref<1x128xi32, #tpu.memory_space<vmem>> -> memref<128xi32, #tpu.memory_space<vmem>>
      %dma_wait3A_715 = arith.constant 0 : i32
      %dma_wait3A_716 = tpu.memref_slice %arg35[%dma_wait3A_715] : memref<50176xf32, #tpu.memory_space<vmem_shared>> -> memref<50176xf32, #tpu.memory_space<vmem_shared>>
      tpu.wait_indirect_dma semaphore(%arg38 : memref<!tpu.dma_semaphore, #tpu.memory_space<semaphore_mem>>) src(%dma_wait3A_711 : memref<128xf32, #tpu.memory_space<vmem>>) dst(%dma_wait3A_716 : memref<50176xf32, #tpu.memory_space<vmem_shared>>)
      %dma_wait3A_717 = arith.constant 3 : i32
      %dma_wait3A_718 = arith.constant 384 : i32
      %dma_wait3A_719 = tpu.memref_slice %arg27[%dma_wait3A_718] : memref<1024xf32, #tpu.memory_space<vmem>> -> memref<128xf32, #tpu.memory_space<vmem>>
      %dma_wait3A_720 = arith.constant 0 : i32
      %dma_wait3A_721 = tpu.memref_slice %arg17[%dma_wait3A_717, %dma_wait3A_720] : memref<8x128xi32, #tpu.memory_space<vmem>> -> memref<1x128xi32, #tpu.memory_space<vmem>>
      %dma_wait3A_722 = tpu.memref_squeeze %dma_wait3A_721 : memref<1x128xi32, #tpu.memory_space<vmem>> -> memref<128xi32, #tpu.memory_space<vmem>>
      %dma_wait3A_723 = arith.constant 0 : i32
      %dma_wait3A_724 = tpu.memref_slice %arg36[%dma_wait3A_723] : memref<50176xf32, #tpu.memory_space<vmem_shared>> -> memref<50176xf32, #tpu.memory_space<vmem_shared>>
      tpu.wait_indirect_dma semaphore(%arg38 : memref<!tpu.dma_semaphore, #tpu.memory_space<semaphore_mem>>) src(%dma_wait3A_719 : memref<128xf32, #tpu.memory_space<vmem>>) dst(%dma_wait3A_724 : memref<50176xf32, #tpu.memory_space<vmem_shared>>)
      %dma_wait3A_725 = arith.constant 3 : i32
      %dma_wait3A_726 = arith.constant 384 : i32
      %dma_wait3A_727 = tpu.memref_slice %arg28[%dma_wait3A_726] : memref<1024xf32, #tpu.memory_space<vmem>> -> memref<128xf32, #tpu.memory_space<vmem>>
      %dma_wait3A_728 = arith.constant 0 : i32
      %dma_wait3A_729 = tpu.memref_slice %arg18[%dma_wait3A_725, %dma_wait3A_728] : memref<8x128xi32, #tpu.memory_space<vmem>> -> memref<1x128xi32, #tpu.memory_space<vmem>>
      %dma_wait3A_730 = tpu.memref_squeeze %dma_wait3A_729 : memref<1x128xi32, #tpu.memory_space<vmem>> -> memref<128xi32, #tpu.memory_space<vmem>>
      %dma_wait3A_731 = arith.constant 0 : i32
      %dma_wait3A_732 = tpu.memref_slice %arg34[%dma_wait3A_731] : memref<50176xf32, #tpu.memory_space<vmem_shared>> -> memref<50176xf32, #tpu.memory_space<vmem_shared>>
      tpu.wait_indirect_dma semaphore(%arg38 : memref<!tpu.dma_semaphore, #tpu.memory_space<semaphore_mem>>) src(%dma_wait3A_727 : memref<128xf32, #tpu.memory_space<vmem>>) dst(%dma_wait3A_732 : memref<50176xf32, #tpu.memory_space<vmem_shared>>)
      %dma_wait3A_733 = arith.constant 3 : i32
      %dma_wait3A_734 = arith.constant 384 : i32
      %dma_wait3A_735 = tpu.memref_slice %arg29[%dma_wait3A_734] : memref<1024xf32, #tpu.memory_space<vmem>> -> memref<128xf32, #tpu.memory_space<vmem>>
      %dma_wait3A_736 = arith.constant 0 : i32
      %dma_wait3A_737 = tpu.memref_slice %arg18[%dma_wait3A_733, %dma_wait3A_736] : memref<8x128xi32, #tpu.memory_space<vmem>> -> memref<1x128xi32, #tpu.memory_space<vmem>>
      %dma_wait3A_738 = tpu.memref_squeeze %dma_wait3A_737 : memref<1x128xi32, #tpu.memory_space<vmem>> -> memref<128xi32, #tpu.memory_space<vmem>>
      %dma_wait3A_739 = arith.constant 0 : i32
      %dma_wait3A_740 = tpu.memref_slice %arg35[%dma_wait3A_739] : memref<50176xf32, #tpu.memory_space<vmem_shared>> -> memref<50176xf32, #tpu.memory_space<vmem_shared>>
      tpu.wait_indirect_dma semaphore(%arg38 : memref<!tpu.dma_semaphore, #tpu.memory_space<semaphore_mem>>) src(%dma_wait3A_735 : memref<128xf32, #tpu.memory_space<vmem>>) dst(%dma_wait3A_740 : memref<50176xf32, #tpu.memory_space<vmem_shared>>)
      %dma_wait3A_741 = arith.constant 3 : i32
      %dma_wait3A_742 = arith.constant 384 : i32
      %dma_wait3A_743 = tpu.memref_slice %arg30[%dma_wait3A_742] : memref<1024xf32, #tpu.memory_space<vmem>> -> memref<128xf32, #tpu.memory_space<vmem>>
      %dma_wait3A_744 = arith.constant 0 : i32
      %dma_wait3A_745 = tpu.memref_slice %arg18[%dma_wait3A_741, %dma_wait3A_744] : memref<8x128xi32, #tpu.memory_space<vmem>> -> memref<1x128xi32, #tpu.memory_space<vmem>>
      %dma_wait3A_746 = tpu.memref_squeeze %dma_wait3A_745 : memref<1x128xi32, #tpu.memory_space<vmem>> -> memref<128xi32, #tpu.memory_space<vmem>>
      %dma_wait3A_747 = arith.constant 0 : i32
      %dma_wait3A_748 = tpu.memref_slice %arg36[%dma_wait3A_747] : memref<50176xf32, #tpu.memory_space<vmem_shared>> -> memref<50176xf32, #tpu.memory_space<vmem_shared>>
      tpu.wait_indirect_dma semaphore(%arg38 : memref<!tpu.dma_semaphore, #tpu.memory_space<semaphore_mem>>) src(%dma_wait3A_743 : memref<128xf32, #tpu.memory_space<vmem>>) dst(%dma_wait3A_748 : memref<50176xf32, #tpu.memory_space<vmem_shared>>)
      %dma_wait3A_749 = arith.constant 4 : i32
      %dma_wait3A_750 = arith.constant 512 : i32
      %dma_wait3A_751 = tpu.memref_slice %arg25[%dma_wait3A_750] : memref<1024xf32, #tpu.memory_space<vmem>> -> memref<128xf32, #tpu.memory_space<vmem>>
      %dma_wait3A_752 = arith.constant 0 : i32
      %dma_wait3A_753 = tpu.memref_slice %arg17[%dma_wait3A_749, %dma_wait3A_752] : memref<8x128xi32, #tpu.memory_space<vmem>> -> memref<1x128xi32, #tpu.memory_space<vmem>>
      %dma_wait3A_754 = tpu.memref_squeeze %dma_wait3A_753 : memref<1x128xi32, #tpu.memory_space<vmem>> -> memref<128xi32, #tpu.memory_space<vmem>>
      %dma_wait3A_755 = arith.constant 0 : i32
      %dma_wait3A_756 = tpu.memref_slice %arg34[%dma_wait3A_755] : memref<50176xf32, #tpu.memory_space<vmem_shared>> -> memref<50176xf32, #tpu.memory_space<vmem_shared>>
      tpu.wait_indirect_dma semaphore(%arg38 : memref<!tpu.dma_semaphore, #tpu.memory_space<semaphore_mem>>) src(%dma_wait3A_751 : memref<128xf32, #tpu.memory_space<vmem>>) dst(%dma_wait3A_756 : memref<50176xf32, #tpu.memory_space<vmem_shared>>)
      %dma_wait3A_757 = arith.constant 4 : i32
      %dma_wait3A_758 = arith.constant 512 : i32
      %dma_wait3A_759 = tpu.memref_slice %arg26[%dma_wait3A_758] : memref<1024xf32, #tpu.memory_space<vmem>> -> memref<128xf32, #tpu.memory_space<vmem>>
      %dma_wait3A_760 = arith.constant 0 : i32
      %dma_wait3A_761 = tpu.memref_slice %arg17[%dma_wait3A_757, %dma_wait3A_760] : memref<8x128xi32, #tpu.memory_space<vmem>> -> memref<1x128xi32, #tpu.memory_space<vmem>>
      %dma_wait3A_762 = tpu.memref_squeeze %dma_wait3A_761 : memref<1x128xi32, #tpu.memory_space<vmem>> -> memref<128xi32, #tpu.memory_space<vmem>>
      %dma_wait3A_763 = arith.constant 0 : i32
      %dma_wait3A_764 = tpu.memref_slice %arg35[%dma_wait3A_763] : memref<50176xf32, #tpu.memory_space<vmem_shared>> -> memref<50176xf32, #tpu.memory_space<vmem_shared>>
      tpu.wait_indirect_dma semaphore(%arg38 : memref<!tpu.dma_semaphore, #tpu.memory_space<semaphore_mem>>) src(%dma_wait3A_759 : memref<128xf32, #tpu.memory_space<vmem>>) dst(%dma_wait3A_764 : memref<50176xf32, #tpu.memory_space<vmem_shared>>)
      %dma_wait3A_765 = arith.constant 4 : i32
      %dma_wait3A_766 = arith.constant 512 : i32
      %dma_wait3A_767 = tpu.memref_slice %arg27[%dma_wait3A_766] : memref<1024xf32, #tpu.memory_space<vmem>> -> memref<128xf32, #tpu.memory_space<vmem>>
      %dma_wait3A_768 = arith.constant 0 : i32
      %dma_wait3A_769 = tpu.memref_slice %arg17[%dma_wait3A_765, %dma_wait3A_768] : memref<8x128xi32, #tpu.memory_space<vmem>> -> memref<1x128xi32, #tpu.memory_space<vmem>>
      %dma_wait3A_770 = tpu.memref_squeeze %dma_wait3A_769 : memref<1x128xi32, #tpu.memory_space<vmem>> -> memref<128xi32, #tpu.memory_space<vmem>>
      %dma_wait3A_771 = arith.constant 0 : i32
      %dma_wait3A_772 = tpu.memref_slice %arg36[%dma_wait3A_771] : memref<50176xf32, #tpu.memory_space<vmem_shared>> -> memref<50176xf32, #tpu.memory_space<vmem_shared>>
      tpu.wait_indirect_dma semaphore(%arg38 : memref<!tpu.dma_semaphore, #tpu.memory_space<semaphore_mem>>) src(%dma_wait3A_767 : memref<128xf32, #tpu.memory_space<vmem>>) dst(%dma_wait3A_772 : memref<50176xf32, #tpu.memory_space<vmem_shared>>)
      %dma_wait3A_773 = arith.constant 4 : i32
      %dma_wait3A_774 = arith.constant 512 : i32
      %dma_wait3A_775 = tpu.memref_slice %arg28[%dma_wait3A_774] : memref<1024xf32, #tpu.memory_space<vmem>> -> memref<128xf32, #tpu.memory_space<vmem>>
      %dma_wait3A_776 = arith.constant 0 : i32
      %dma_wait3A_777 = tpu.memref_slice %arg18[%dma_wait3A_773, %dma_wait3A_776] : memref<8x128xi32, #tpu.memory_space<vmem>> -> memref<1x128xi32, #tpu.memory_space<vmem>>
      %dma_wait3A_778 = tpu.memref_squeeze %dma_wait3A_777 : memref<1x128xi32, #tpu.memory_space<vmem>> -> memref<128xi32, #tpu.memory_space<vmem>>
      %dma_wait3A_779 = arith.constant 0 : i32
      %dma_wait3A_780 = tpu.memref_slice %arg34[%dma_wait3A_779] : memref<50176xf32, #tpu.memory_space<vmem_shared>> -> memref<50176xf32, #tpu.memory_space<vmem_shared>>
      tpu.wait_indirect_dma semaphore(%arg38 : memref<!tpu.dma_semaphore, #tpu.memory_space<semaphore_mem>>) src(%dma_wait3A_775 : memref<128xf32, #tpu.memory_space<vmem>>) dst(%dma_wait3A_780 : memref<50176xf32, #tpu.memory_space<vmem_shared>>)
      %dma_wait3A_781 = arith.constant 4 : i32
      %dma_wait3A_782 = arith.constant 512 : i32
      %dma_wait3A_783 = tpu.memref_slice %arg29[%dma_wait3A_782] : memref<1024xf32, #tpu.memory_space<vmem>> -> memref<128xf32, #tpu.memory_space<vmem>>
      %dma_wait3A_784 = arith.constant 0 : i32
      %dma_wait3A_785 = tpu.memref_slice %arg18[%dma_wait3A_781, %dma_wait3A_784] : memref<8x128xi32, #tpu.memory_space<vmem>> -> memref<1x128xi32, #tpu.memory_space<vmem>>
      %dma_wait3A_786 = tpu.memref_squeeze %dma_wait3A_785 : memref<1x128xi32, #tpu.memory_space<vmem>> -> memref<128xi32, #tpu.memory_space<vmem>>
      %dma_wait3A_787 = arith.constant 0 : i32
      %dma_wait3A_788 = tpu.memref_slice %arg35[%dma_wait3A_787] : memref<50176xf32, #tpu.memory_space<vmem_shared>> -> memref<50176xf32, #tpu.memory_space<vmem_shared>>
      tpu.wait_indirect_dma semaphore(%arg38 : memref<!tpu.dma_semaphore, #tpu.memory_space<semaphore_mem>>) src(%dma_wait3A_783 : memref<128xf32, #tpu.memory_space<vmem>>) dst(%dma_wait3A_788 : memref<50176xf32, #tpu.memory_space<vmem_shared>>)
      %dma_wait3A_789 = arith.constant 4 : i32
      %dma_wait3A_790 = arith.constant 512 : i32
      %dma_wait3A_791 = tpu.memref_slice %arg30[%dma_wait3A_790] : memref<1024xf32, #tpu.memory_space<vmem>> -> memref<128xf32, #tpu.memory_space<vmem>>
      %dma_wait3A_792 = arith.constant 0 : i32
      %dma_wait3A_793 = tpu.memref_slice %arg18[%dma_wait3A_789, %dma_wait3A_792] : memref<8x128xi32, #tpu.memory_space<vmem>> -> memref<1x128xi32, #tpu.memory_space<vmem>>
      %dma_wait3A_794 = tpu.memref_squeeze %dma_wait3A_793 : memref<1x128xi32, #tpu.memory_space<vmem>> -> memref<128xi32, #tpu.memory_space<vmem>>
      %dma_wait3A_795 = arith.constant 0 : i32
      %dma_wait3A_796 = tpu.memref_slice %arg36[%dma_wait3A_795] : memref<50176xf32, #tpu.memory_space<vmem_shared>> -> memref<50176xf32, #tpu.memory_space<vmem_shared>>
      tpu.wait_indirect_dma semaphore(%arg38 : memref<!tpu.dma_semaphore, #tpu.memory_space<semaphore_mem>>) src(%dma_wait3A_791 : memref<128xf32, #tpu.memory_space<vmem>>) dst(%dma_wait3A_796 : memref<50176xf32, #tpu.memory_space<vmem_shared>>)
      %dma_wait3A_797 = arith.constant 5 : i32
      %dma_wait3A_798 = arith.constant 640 : i32
      %dma_wait3A_799 = tpu.memref_slice %arg25[%dma_wait3A_798] : memref<1024xf32, #tpu.memory_space<vmem>> -> memref<128xf32, #tpu.memory_space<vmem>>
      %dma_wait3A_800 = arith.constant 0 : i32
      %dma_wait3A_801 = tpu.memref_slice %arg17[%dma_wait3A_797, %dma_wait3A_800] : memref<8x128xi32, #tpu.memory_space<vmem>> -> memref<1x128xi32, #tpu.memory_space<vmem>>
      %dma_wait3A_802 = tpu.memref_squeeze %dma_wait3A_801 : memref<1x128xi32, #tpu.memory_space<vmem>> -> memref<128xi32, #tpu.memory_space<vmem>>
      %dma_wait3A_803 = arith.constant 0 : i32
      %dma_wait3A_804 = tpu.memref_slice %arg34[%dma_wait3A_803] : memref<50176xf32, #tpu.memory_space<vmem_shared>> -> memref<50176xf32, #tpu.memory_space<vmem_shared>>
      tpu.wait_indirect_dma semaphore(%arg38 : memref<!tpu.dma_semaphore, #tpu.memory_space<semaphore_mem>>) src(%dma_wait3A_799 : memref<128xf32, #tpu.memory_space<vmem>>) dst(%dma_wait3A_804 : memref<50176xf32, #tpu.memory_space<vmem_shared>>)
      %dma_wait3A_805 = arith.constant 5 : i32
      %dma_wait3A_806 = arith.constant 640 : i32
      %dma_wait3A_807 = tpu.memref_slice %arg26[%dma_wait3A_806] : memref<1024xf32, #tpu.memory_space<vmem>> -> memref<128xf32, #tpu.memory_space<vmem>>
      %dma_wait3A_808 = arith.constant 0 : i32
      %dma_wait3A_809 = tpu.memref_slice %arg17[%dma_wait3A_805, %dma_wait3A_808] : memref<8x128xi32, #tpu.memory_space<vmem>> -> memref<1x128xi32, #tpu.memory_space<vmem>>
      %dma_wait3A_810 = tpu.memref_squeeze %dma_wait3A_809 : memref<1x128xi32, #tpu.memory_space<vmem>> -> memref<128xi32, #tpu.memory_space<vmem>>
      %dma_wait3A_811 = arith.constant 0 : i32
      %dma_wait3A_812 = tpu.memref_slice %arg35[%dma_wait3A_811] : memref<50176xf32, #tpu.memory_space<vmem_shared>> -> memref<50176xf32, #tpu.memory_space<vmem_shared>>
      tpu.wait_indirect_dma semaphore(%arg38 : memref<!tpu.dma_semaphore, #tpu.memory_space<semaphore_mem>>) src(%dma_wait3A_807 : memref<128xf32, #tpu.memory_space<vmem>>) dst(%dma_wait3A_812 : memref<50176xf32, #tpu.memory_space<vmem_shared>>)
      %dma_wait3A_813 = arith.constant 5 : i32
      %dma_wait3A_814 = arith.constant 640 : i32
      %dma_wait3A_815 = tpu.memref_slice %arg27[%dma_wait3A_814] : memref<1024xf32, #tpu.memory_space<vmem>> -> memref<128xf32, #tpu.memory_space<vmem>>
      %dma_wait3A_816 = arith.constant 0 : i32
      %dma_wait3A_817 = tpu.memref_slice %arg17[%dma_wait3A_813, %dma_wait3A_816] : memref<8x128xi32, #tpu.memory_space<vmem>> -> memref<1x128xi32, #tpu.memory_space<vmem>>
      %dma_wait3A_818 = tpu.memref_squeeze %dma_wait3A_817 : memref<1x128xi32, #tpu.memory_space<vmem>> -> memref<128xi32, #tpu.memory_space<vmem>>
      %dma_wait3A_819 = arith.constant 0 : i32
      %dma_wait3A_820 = tpu.memref_slice %arg36[%dma_wait3A_819] : memref<50176xf32, #tpu.memory_space<vmem_shared>> -> memref<50176xf32, #tpu.memory_space<vmem_shared>>
      tpu.wait_indirect_dma semaphore(%arg38 : memref<!tpu.dma_semaphore, #tpu.memory_space<semaphore_mem>>) src(%dma_wait3A_815 : memref<128xf32, #tpu.memory_space<vmem>>) dst(%dma_wait3A_820 : memref<50176xf32, #tpu.memory_space<vmem_shared>>)
      %dma_wait3A_821 = arith.constant 5 : i32
      %dma_wait3A_822 = arith.constant 640 : i32
      %dma_wait3A_823 = tpu.memref_slice %arg28[%dma_wait3A_822] : memref<1024xf32, #tpu.memory_space<vmem>> -> memref<128xf32, #tpu.memory_space<vmem>>
      %dma_wait3A_824 = arith.constant 0 : i32
      %dma_wait3A_825 = tpu.memref_slice %arg18[%dma_wait3A_821, %dma_wait3A_824] : memref<8x128xi32, #tpu.memory_space<vmem>> -> memref<1x128xi32, #tpu.memory_space<vmem>>
      %dma_wait3A_826 = tpu.memref_squeeze %dma_wait3A_825 : memref<1x128xi32, #tpu.memory_space<vmem>> -> memref<128xi32, #tpu.memory_space<vmem>>
      %dma_wait3A_827 = arith.constant 0 : i32
      %dma_wait3A_828 = tpu.memref_slice %arg34[%dma_wait3A_827] : memref<50176xf32, #tpu.memory_space<vmem_shared>> -> memref<50176xf32, #tpu.memory_space<vmem_shared>>
      tpu.wait_indirect_dma semaphore(%arg38 : memref<!tpu.dma_semaphore, #tpu.memory_space<semaphore_mem>>) src(%dma_wait3A_823 : memref<128xf32, #tpu.memory_space<vmem>>) dst(%dma_wait3A_828 : memref<50176xf32, #tpu.memory_space<vmem_shared>>)
      %dma_wait3A_829 = arith.constant 5 : i32
      %dma_wait3A_830 = arith.constant 640 : i32
      %dma_wait3A_831 = tpu.memref_slice %arg29[%dma_wait3A_830] : memref<1024xf32, #tpu.memory_space<vmem>> -> memref<128xf32, #tpu.memory_space<vmem>>
      %dma_wait3A_832 = arith.constant 0 : i32
      %dma_wait3A_833 = tpu.memref_slice %arg18[%dma_wait3A_829, %dma_wait3A_832] : memref<8x128xi32, #tpu.memory_space<vmem>> -> memref<1x128xi32, #tpu.memory_space<vmem>>
      %dma_wait3A_834 = tpu.memref_squeeze %dma_wait3A_833 : memref<1x128xi32, #tpu.memory_space<vmem>> -> memref<128xi32, #tpu.memory_space<vmem>>
      %dma_wait3A_835 = arith.constant 0 : i32
      %dma_wait3A_836 = tpu.memref_slice %arg35[%dma_wait3A_835] : memref<50176xf32, #tpu.memory_space<vmem_shared>> -> memref<50176xf32, #tpu.memory_space<vmem_shared>>
      tpu.wait_indirect_dma semaphore(%arg38 : memref<!tpu.dma_semaphore, #tpu.memory_space<semaphore_mem>>) src(%dma_wait3A_831 : memref<128xf32, #tpu.memory_space<vmem>>) dst(%dma_wait3A_836 : memref<50176xf32, #tpu.memory_space<vmem_shared>>)
      %dma_wait3A_837 = arith.constant 5 : i32
      %dma_wait3A_838 = arith.constant 640 : i32
      %dma_wait3A_839 = tpu.memref_slice %arg30[%dma_wait3A_838] : memref<1024xf32, #tpu.memory_space<vmem>> -> memref<128xf32, #tpu.memory_space<vmem>>
      %dma_wait3A_840 = arith.constant 0 : i32
      %dma_wait3A_841 = tpu.memref_slice %arg18[%dma_wait3A_837, %dma_wait3A_840] : memref<8x128xi32, #tpu.memory_space<vmem>> -> memref<1x128xi32, #tpu.memory_space<vmem>>
      %dma_wait3A_842 = tpu.memref_squeeze %dma_wait3A_841 : memref<1x128xi32, #tpu.memory_space<vmem>> -> memref<128xi32, #tpu.memory_space<vmem>>
      %dma_wait3A_843 = arith.constant 0 : i32
      %dma_wait3A_844 = tpu.memref_slice %arg36[%dma_wait3A_843] : memref<50176xf32, #tpu.memory_space<vmem_shared>> -> memref<50176xf32, #tpu.memory_space<vmem_shared>>
      tpu.wait_indirect_dma semaphore(%arg38 : memref<!tpu.dma_semaphore, #tpu.memory_space<semaphore_mem>>) src(%dma_wait3A_839 : memref<128xf32, #tpu.memory_space<vmem>>) dst(%dma_wait3A_844 : memref<50176xf32, #tpu.memory_space<vmem_shared>>)
      %dma_wait3A_845 = arith.constant 6 : i32
      %dma_wait3A_846 = arith.constant 768 : i32
      %dma_wait3A_847 = tpu.memref_slice %arg25[%dma_wait3A_846] : memref<1024xf32, #tpu.memory_space<vmem>> -> memref<128xf32, #tpu.memory_space<vmem>>
      %dma_wait3A_848 = arith.constant 0 : i32
      %dma_wait3A_849 = tpu.memref_slice %arg17[%dma_wait3A_845, %dma_wait3A_848] : memref<8x128xi32, #tpu.memory_space<vmem>> -> memref<1x128xi32, #tpu.memory_space<vmem>>
      %dma_wait3A_850 = tpu.memref_squeeze %dma_wait3A_849 : memref<1x128xi32, #tpu.memory_space<vmem>> -> memref<128xi32, #tpu.memory_space<vmem>>
      %dma_wait3A_851 = arith.constant 0 : i32
      %dma_wait3A_852 = tpu.memref_slice %arg34[%dma_wait3A_851] : memref<50176xf32, #tpu.memory_space<vmem_shared>> -> memref<50176xf32, #tpu.memory_space<vmem_shared>>
      tpu.wait_indirect_dma semaphore(%arg38 : memref<!tpu.dma_semaphore, #tpu.memory_space<semaphore_mem>>) src(%dma_wait3A_847 : memref<128xf32, #tpu.memory_space<vmem>>) dst(%dma_wait3A_852 : memref<50176xf32, #tpu.memory_space<vmem_shared>>)
      %dma_wait3A_853 = arith.constant 6 : i32
      %dma_wait3A_854 = arith.constant 768 : i32
      %dma_wait3A_855 = tpu.memref_slice %arg26[%dma_wait3A_854] : memref<1024xf32, #tpu.memory_space<vmem>> -> memref<128xf32, #tpu.memory_space<vmem>>
      %dma_wait3A_856 = arith.constant 0 : i32
      %dma_wait3A_857 = tpu.memref_slice %arg17[%dma_wait3A_853, %dma_wait3A_856] : memref<8x128xi32, #tpu.memory_space<vmem>> -> memref<1x128xi32, #tpu.memory_space<vmem>>
      %dma_wait3A_858 = tpu.memref_squeeze %dma_wait3A_857 : memref<1x128xi32, #tpu.memory_space<vmem>> -> memref<128xi32, #tpu.memory_space<vmem>>
      %dma_wait3A_859 = arith.constant 0 : i32
      %dma_wait3A_860 = tpu.memref_slice %arg35[%dma_wait3A_859] : memref<50176xf32, #tpu.memory_space<vmem_shared>> -> memref<50176xf32, #tpu.memory_space<vmem_shared>>
      tpu.wait_indirect_dma semaphore(%arg38 : memref<!tpu.dma_semaphore, #tpu.memory_space<semaphore_mem>>) src(%dma_wait3A_855 : memref<128xf32, #tpu.memory_space<vmem>>) dst(%dma_wait3A_860 : memref<50176xf32, #tpu.memory_space<vmem_shared>>)
      %dma_wait3A_861 = arith.constant 6 : i32
      %dma_wait3A_862 = arith.constant 768 : i32
      %dma_wait3A_863 = tpu.memref_slice %arg27[%dma_wait3A_862] : memref<1024xf32, #tpu.memory_space<vmem>> -> memref<128xf32, #tpu.memory_space<vmem>>
      %dma_wait3A_864 = arith.constant 0 : i32
      %dma_wait3A_865 = tpu.memref_slice %arg17[%dma_wait3A_861, %dma_wait3A_864] : memref<8x128xi32, #tpu.memory_space<vmem>> -> memref<1x128xi32, #tpu.memory_space<vmem>>
      %dma_wait3A_866 = tpu.memref_squeeze %dma_wait3A_865 : memref<1x128xi32, #tpu.memory_space<vmem>> -> memref<128xi32, #tpu.memory_space<vmem>>
      %dma_wait3A_867 = arith.constant 0 : i32
      %dma_wait3A_868 = tpu.memref_slice %arg36[%dma_wait3A_867] : memref<50176xf32, #tpu.memory_space<vmem_shared>> -> memref<50176xf32, #tpu.memory_space<vmem_shared>>
      tpu.wait_indirect_dma semaphore(%arg38 : memref<!tpu.dma_semaphore, #tpu.memory_space<semaphore_mem>>) src(%dma_wait3A_863 : memref<128xf32, #tpu.memory_space<vmem>>) dst(%dma_wait3A_868 : memref<50176xf32, #tpu.memory_space<vmem_shared>>)
      %dma_wait3A_869 = arith.constant 6 : i32
      %dma_wait3A_870 = arith.constant 768 : i32
      %dma_wait3A_871 = tpu.memref_slice %arg28[%dma_wait3A_870] : memref<1024xf32, #tpu.memory_space<vmem>> -> memref<128xf32, #tpu.memory_space<vmem>>
      %dma_wait3A_872 = arith.constant 0 : i32
      %dma_wait3A_873 = tpu.memref_slice %arg18[%dma_wait3A_869, %dma_wait3A_872] : memref<8x128xi32, #tpu.memory_space<vmem>> -> memref<1x128xi32, #tpu.memory_space<vmem>>
      %dma_wait3A_874 = tpu.memref_squeeze %dma_wait3A_873 : memref<1x128xi32, #tpu.memory_space<vmem>> -> memref<128xi32, #tpu.memory_space<vmem>>
      %dma_wait3A_875 = arith.constant 0 : i32
      %dma_wait3A_876 = tpu.memref_slice %arg34[%dma_wait3A_875] : memref<50176xf32, #tpu.memory_space<vmem_shared>> -> memref<50176xf32, #tpu.memory_space<vmem_shared>>
      tpu.wait_indirect_dma semaphore(%arg38 : memref<!tpu.dma_semaphore, #tpu.memory_space<semaphore_mem>>) src(%dma_wait3A_871 : memref<128xf32, #tpu.memory_space<vmem>>) dst(%dma_wait3A_876 : memref<50176xf32, #tpu.memory_space<vmem_shared>>)
      %dma_wait3A_877 = arith.constant 6 : i32
      %dma_wait3A_878 = arith.constant 768 : i32
      %dma_wait3A_879 = tpu.memref_slice %arg29[%dma_wait3A_878] : memref<1024xf32, #tpu.memory_space<vmem>> -> memref<128xf32, #tpu.memory_space<vmem>>
      %dma_wait3A_880 = arith.constant 0 : i32
      %dma_wait3A_881 = tpu.memref_slice %arg18[%dma_wait3A_877, %dma_wait3A_880] : memref<8x128xi32, #tpu.memory_space<vmem>> -> memref<1x128xi32, #tpu.memory_space<vmem>>
      %dma_wait3A_882 = tpu.memref_squeeze %dma_wait3A_881 : memref<1x128xi32, #tpu.memory_space<vmem>> -> memref<128xi32, #tpu.memory_space<vmem>>
      %dma_wait3A_883 = arith.constant 0 : i32
      %dma_wait3A_884 = tpu.memref_slice %arg35[%dma_wait3A_883] : memref<50176xf32, #tpu.memory_space<vmem_shared>> -> memref<50176xf32, #tpu.memory_space<vmem_shared>>
      tpu.wait_indirect_dma semaphore(%arg38 : memref<!tpu.dma_semaphore, #tpu.memory_space<semaphore_mem>>) src(%dma_wait3A_879 : memref<128xf32, #tpu.memory_space<vmem>>) dst(%dma_wait3A_884 : memref<50176xf32, #tpu.memory_space<vmem_shared>>)
      %dma_wait3A_885 = arith.constant 6 : i32
      %dma_wait3A_886 = arith.constant 768 : i32
      %dma_wait3A_887 = tpu.memref_slice %arg30[%dma_wait3A_886] : memref<1024xf32, #tpu.memory_space<vmem>> -> memref<128xf32, #tpu.memory_space<vmem>>
      %dma_wait3A_888 = arith.constant 0 : i32
      %dma_wait3A_889 = tpu.memref_slice %arg18[%dma_wait3A_885, %dma_wait3A_888] : memref<8x128xi32, #tpu.memory_space<vmem>> -> memref<1x128xi32, #tpu.memory_space<vmem>>
      %dma_wait3A_890 = tpu.memref_squeeze %dma_wait3A_889 : memref<1x128xi32, #tpu.memory_space<vmem>> -> memref<128xi32, #tpu.memory_space<vmem>>
      %dma_wait3A_891 = arith.constant 0 : i32
      %dma_wait3A_892 = tpu.memref_slice %arg36[%dma_wait3A_891] : memref<50176xf32, #tpu.memory_space<vmem_shared>> -> memref<50176xf32, #tpu.memory_space<vmem_shared>>
      tpu.wait_indirect_dma semaphore(%arg38 : memref<!tpu.dma_semaphore, #tpu.memory_space<semaphore_mem>>) src(%dma_wait3A_887 : memref<128xf32, #tpu.memory_space<vmem>>) dst(%dma_wait3A_892 : memref<50176xf32, #tpu.memory_space<vmem_shared>>)
      %dma_wait3A_893 = arith.constant 7 : i32
      %dma_wait3A_894 = arith.constant 896 : i32
      %dma_wait3A_895 = tpu.memref_slice %arg25[%dma_wait3A_894] : memref<1024xf32, #tpu.memory_space<vmem>> -> memref<128xf32, #tpu.memory_space<vmem>>
      %dma_wait3A_896 = arith.constant 0 : i32
      %dma_wait3A_897 = tpu.memref_slice %arg17[%dma_wait3A_893, %dma_wait3A_896] : memref<8x128xi32, #tpu.memory_space<vmem>> -> memref<1x128xi32, #tpu.memory_space<vmem>>
      %dma_wait3A_898 = tpu.memref_squeeze %dma_wait3A_897 : memref<1x128xi32, #tpu.memory_space<vmem>> -> memref<128xi32, #tpu.memory_space<vmem>>
      %dma_wait3A_899 = arith.constant 0 : i32
      %dma_wait3A_900 = tpu.memref_slice %arg34[%dma_wait3A_899] : memref<50176xf32, #tpu.memory_space<vmem_shared>> -> memref<50176xf32, #tpu.memory_space<vmem_shared>>
      tpu.wait_indirect_dma semaphore(%arg38 : memref<!tpu.dma_semaphore, #tpu.memory_space<semaphore_mem>>) src(%dma_wait3A_895 : memref<128xf32, #tpu.memory_space<vmem>>) dst(%dma_wait3A_900 : memref<50176xf32, #tpu.memory_space<vmem_shared>>)
      %dma_wait3A_901 = arith.constant 7 : i32
      %dma_wait3A_902 = arith.constant 896 : i32
      %dma_wait3A_903 = tpu.memref_slice %arg26[%dma_wait3A_902] : memref<1024xf32, #tpu.memory_space<vmem>> -> memref<128xf32, #tpu.memory_space<vmem>>
      %dma_wait3A_904 = arith.constant 0 : i32
      %dma_wait3A_905 = tpu.memref_slice %arg17[%dma_wait3A_901, %dma_wait3A_904] : memref<8x128xi32, #tpu.memory_space<vmem>> -> memref<1x128xi32, #tpu.memory_space<vmem>>
      %dma_wait3A_906 = tpu.memref_squeeze %dma_wait3A_905 : memref<1x128xi32, #tpu.memory_space<vmem>> -> memref<128xi32, #tpu.memory_space<vmem>>
      %dma_wait3A_907 = arith.constant 0 : i32
      %dma_wait3A_908 = tpu.memref_slice %arg35[%dma_wait3A_907] : memref<50176xf32, #tpu.memory_space<vmem_shared>> -> memref<50176xf32, #tpu.memory_space<vmem_shared>>
      tpu.wait_indirect_dma semaphore(%arg38 : memref<!tpu.dma_semaphore, #tpu.memory_space<semaphore_mem>>) src(%dma_wait3A_903 : memref<128xf32, #tpu.memory_space<vmem>>) dst(%dma_wait3A_908 : memref<50176xf32, #tpu.memory_space<vmem_shared>>)
      %dma_wait3A_909 = arith.constant 7 : i32
      %dma_wait3A_910 = arith.constant 896 : i32
      %dma_wait3A_911 = tpu.memref_slice %arg27[%dma_wait3A_910] : memref<1024xf32, #tpu.memory_space<vmem>> -> memref<128xf32, #tpu.memory_space<vmem>>
      %dma_wait3A_912 = arith.constant 0 : i32
      %dma_wait3A_913 = tpu.memref_slice %arg17[%dma_wait3A_909, %dma_wait3A_912] : memref<8x128xi32, #tpu.memory_space<vmem>> -> memref<1x128xi32, #tpu.memory_space<vmem>>
      %dma_wait3A_914 = tpu.memref_squeeze %dma_wait3A_913 : memref<1x128xi32, #tpu.memory_space<vmem>> -> memref<128xi32, #tpu.memory_space<vmem>>
      %dma_wait3A_915 = arith.constant 0 : i32
      %dma_wait3A_916 = tpu.memref_slice %arg36[%dma_wait3A_915] : memref<50176xf32, #tpu.memory_space<vmem_shared>> -> memref<50176xf32, #tpu.memory_space<vmem_shared>>
      tpu.wait_indirect_dma semaphore(%arg38 : memref<!tpu.dma_semaphore, #tpu.memory_space<semaphore_mem>>) src(%dma_wait3A_911 : memref<128xf32, #tpu.memory_space<vmem>>) dst(%dma_wait3A_916 : memref<50176xf32, #tpu.memory_space<vmem_shared>>)
      %dma_wait3A_917 = arith.constant 7 : i32
      %dma_wait3A_918 = arith.constant 896 : i32
      %dma_wait3A_919 = tpu.memref_slice %arg28[%dma_wait3A_918] : memref<1024xf32, #tpu.memory_space<vmem>> -> memref<128xf32, #tpu.memory_space<vmem>>
      %dma_wait3A_920 = arith.constant 0 : i32
      %dma_wait3A_921 = tpu.memref_slice %arg18[%dma_wait3A_917, %dma_wait3A_920] : memref<8x128xi32, #tpu.memory_space<vmem>> -> memref<1x128xi32, #tpu.memory_space<vmem>>
      %dma_wait3A_922 = tpu.memref_squeeze %dma_wait3A_921 : memref<1x128xi32, #tpu.memory_space<vmem>> -> memref<128xi32, #tpu.memory_space<vmem>>
      %dma_wait3A_923 = arith.constant 0 : i32
      %dma_wait3A_924 = tpu.memref_slice %arg34[%dma_wait3A_923] : memref<50176xf32, #tpu.memory_space<vmem_shared>> -> memref<50176xf32, #tpu.memory_space<vmem_shared>>
      tpu.wait_indirect_dma semaphore(%arg38 : memref<!tpu.dma_semaphore, #tpu.memory_space<semaphore_mem>>) src(%dma_wait3A_919 : memref<128xf32, #tpu.memory_space<vmem>>) dst(%dma_wait3A_924 : memref<50176xf32, #tpu.memory_space<vmem_shared>>)
      %dma_wait3A_925 = arith.constant 7 : i32
      %dma_wait3A_926 = arith.constant 896 : i32
      %dma_wait3A_927 = tpu.memref_slice %arg29[%dma_wait3A_926] : memref<1024xf32, #tpu.memory_space<vmem>> -> memref<128xf32, #tpu.memory_space<vmem>>
      %dma_wait3A_928 = arith.constant 0 : i32
      %dma_wait3A_929 = tpu.memref_slice %arg18[%dma_wait3A_925, %dma_wait3A_928] : memref<8x128xi32, #tpu.memory_space<vmem>> -> memref<1x128xi32, #tpu.memory_space<vmem>>
      %dma_wait3A_930 = tpu.memref_squeeze %dma_wait3A_929 : memref<1x128xi32, #tpu.memory_space<vmem>> -> memref<128xi32, #tpu.memory_space<vmem>>
      %dma_wait3A_931 = arith.constant 0 : i32
      %dma_wait3A_932 = tpu.memref_slice %arg35[%dma_wait3A_931] : memref<50176xf32, #tpu.memory_space<vmem_shared>> -> memref<50176xf32, #tpu.memory_space<vmem_shared>>
      tpu.wait_indirect_dma semaphore(%arg38 : memref<!tpu.dma_semaphore, #tpu.memory_space<semaphore_mem>>) src(%dma_wait3A_927 : memref<128xf32, #tpu.memory_space<vmem>>) dst(%dma_wait3A_932 : memref<50176xf32, #tpu.memory_space<vmem_shared>>)
      %dma_wait3A_933 = arith.constant 7 : i32
      %dma_wait3A_934 = arith.constant 896 : i32
      %dma_wait3A_935 = tpu.memref_slice %arg30[%dma_wait3A_934] : memref<1024xf32, #tpu.memory_space<vmem>> -> memref<128xf32, #tpu.memory_space<vmem>>
      %dma_wait3A_936 = arith.constant 0 : i32
      %dma_wait3A_937 = tpu.memref_slice %arg18[%dma_wait3A_933, %dma_wait3A_936] : memref<8x128xi32, #tpu.memory_space<vmem>> -> memref<1x128xi32, #tpu.memory_space<vmem>>
      %dma_wait3A_938 = tpu.memref_squeeze %dma_wait3A_937 : memref<1x128xi32, #tpu.memory_space<vmem>> -> memref<128xi32, #tpu.memory_space<vmem>>
      %dma_wait3A_939 = arith.constant 0 : i32
      %dma_wait3A_940 = tpu.memref_slice %arg36[%dma_wait3A_939] : memref<50176xf32, #tpu.memory_space<vmem_shared>> -> memref<50176xf32, #tpu.memory_space<vmem_shared>>
      tpu.wait_indirect_dma semaphore(%arg38 : memref<!tpu.dma_semaphore, #tpu.memory_space<semaphore_mem>>) src(%dma_wait3A_935 : memref<128xf32, #tpu.memory_space<vmem>>) dst(%dma_wait3A_940 : memref<50176xf32, #tpu.memory_space<vmem_shared>>)
    }
    %while3A_48 = arith.constant 1 : i32
    scf.for %while3A_118 = %while3A_46 to %while3A_42 step %while3A_48  : i32 {
      %mul3A_119 = arith.constant 1024 : i32
      %mul3A_120 = arith.muli %while3A_118, %mul3A_119 : i32
      %add3A_121 = arith.addi %mul3A_36, %mul3A_120 : i32
      %shift_right_logical3A = arith.constant 7 : i32
      %shift_right_logical3A_122 = arith.shrui %add3A_121, %shift_right_logical3A : i32
      %multiple_of3A_123 = tpu.assume_multiple %shift_right_logical3A_122, 8 : i32
      %dma_start3A = arith.constant 0 : i32
      %dma_start3A_124 = tpu.memref_slice %arg2[%multiple_of3A_123, %dma_start3A] : memref<6400x128xi32, #tpu.memory_space<hbm>> -> memref<8x128xi32, #tpu.memory_space<hbm>>
      %dma_start3A_125 = arith.constant 0 : i32
      %dma_start3A_126 = tpu.memref_slice %arg2[%multiple_of3A_123, %dma_start3A_125] : memref<6400x128xi32, #tpu.memory_space<hbm>> -> memref<8x128xi32, #tpu.memory_space<hbm>>
      tpu.enqueue_dma source(%dma_start3A_126 : memref<8x128xi32, #tpu.memory_space<hbm>>) target(%arg17 : memref<8x128xi32, #tpu.memory_space<vmem>>) target_semaphore(%arg37 : memref<!tpu.dma_semaphore, #tpu.memory_space<semaphore_mem>>)
      %dma_start3A_127 = arith.constant 0 : i32
      %dma_start3A_128 = tpu.memref_slice %arg3[%multiple_of3A_123, %dma_start3A_127] : memref<6400x128xi32, #tpu.memory_space<hbm>> -> memref<8x128xi32, #tpu.memory_space<hbm>>
      %dma_start3A_129 = arith.constant 0 : i32
      %dma_start3A_130 = tpu.memref_slice %arg3[%multiple_of3A_123, %dma_start3A_129] : memref<6400x128xi32, #tpu.memory_space<hbm>> -> memref<8x128xi32, #tpu.memory_space<hbm>>
      tpu.enqueue_dma source(%dma_start3A_130 : memref<8x128xi32, #tpu.memory_space<hbm>>) target(%arg18 : memref<8x128xi32, #tpu.memory_space<vmem>>) target_semaphore(%arg37 : memref<!tpu.dma_semaphore, #tpu.memory_space<semaphore_mem>>)
      %dma_start3A_131 = tpu.memref_slice %arg4[%add3A_121] : memref<819200xf32, #tpu.memory_space<hbm>> -> memref<1024xf32, #tpu.memory_space<hbm>>
      %dma_start3A_132 = tpu.memref_slice %arg4[%add3A_121] : memref<819200xf32, #tpu.memory_space<hbm>> -> memref<1024xf32, #tpu.memory_space<hbm>>
      tpu.enqueue_dma source(%dma_start3A_132 : memref<1024xf32, #tpu.memory_space<hbm>>) target(%arg19 : memref<1024xf32, #tpu.memory_space<vmem>>) target_semaphore(%arg37 : memref<!tpu.dma_semaphore, #tpu.memory_space<semaphore_mem>>)
      %dma_start3A_133 = tpu.memref_slice %arg5[%add3A_121] : memref<819200xf32, #tpu.memory_space<hbm>> -> memref<1024xf32, #tpu.memory_space<hbm>>
      %dma_start3A_134 = tpu.memref_slice %arg5[%add3A_121] : memref<819200xf32, #tpu.memory_space<hbm>> -> memref<1024xf32, #tpu.memory_space<hbm>>
      tpu.enqueue_dma source(%dma_start3A_134 : memref<1024xf32, #tpu.memory_space<hbm>>) target(%arg20 : memref<1024xf32, #tpu.memory_space<vmem>>) target_semaphore(%arg37 : memref<!tpu.dma_semaphore, #tpu.memory_space<semaphore_mem>>)
      %dma_start3A_135 = tpu.memref_slice %arg6[%add3A_121] : memref<819200xf32, #tpu.memory_space<hbm>> -> memref<1024xf32, #tpu.memory_space<hbm>>
      %dma_start3A_136 = tpu.memref_slice %arg6[%add3A_121] : memref<819200xf32, #tpu.memory_space<hbm>> -> memref<1024xf32, #tpu.memory_space<hbm>>
      tpu.enqueue_dma source(%dma_start3A_136 : memref<1024xf32, #tpu.memory_space<hbm>>) target(%arg21 : memref<1024xf32, #tpu.memory_space<vmem>>) target_semaphore(%arg37 : memref<!tpu.dma_semaphore, #tpu.memory_space<semaphore_mem>>)
      %dma_start3A_137 = tpu.memref_slice %arg7[%add3A_121] : memref<819200xf32, #tpu.memory_space<hbm>> -> memref<1024xf32, #tpu.memory_space<hbm>>
      %dma_start3A_138 = tpu.memref_slice %arg7[%add3A_121] : memref<819200xf32, #tpu.memory_space<hbm>> -> memref<1024xf32, #tpu.memory_space<hbm>>
      tpu.enqueue_dma source(%dma_start3A_138 : memref<1024xf32, #tpu.memory_space<hbm>>) target(%arg22 : memref<1024xf32, #tpu.memory_space<vmem>>) target_semaphore(%arg37 : memref<!tpu.dma_semaphore, #tpu.memory_space<semaphore_mem>>)
      %dma_start3A_139 = tpu.memref_slice %arg8[%add3A_121] : memref<819200xf32, #tpu.memory_space<hbm>> -> memref<1024xf32, #tpu.memory_space<hbm>>
      %dma_start3A_140 = tpu.memref_slice %arg8[%add3A_121] : memref<819200xf32, #tpu.memory_space<hbm>> -> memref<1024xf32, #tpu.memory_space<hbm>>
      tpu.enqueue_dma source(%dma_start3A_140 : memref<1024xf32, #tpu.memory_space<hbm>>) target(%arg23 : memref<1024xf32, #tpu.memory_space<vmem>>) target_semaphore(%arg37 : memref<!tpu.dma_semaphore, #tpu.memory_space<semaphore_mem>>)
      %dma_start3A_141 = tpu.memref_slice %arg9[%add3A_121] : memref<819200xf32, #tpu.memory_space<hbm>> -> memref<1024xf32, #tpu.memory_space<hbm>>
      %dma_start3A_142 = tpu.memref_slice %arg9[%add3A_121] : memref<819200xf32, #tpu.memory_space<hbm>> -> memref<1024xf32, #tpu.memory_space<hbm>>
      tpu.enqueue_dma source(%dma_start3A_142 : memref<1024xf32, #tpu.memory_space<hbm>>) target(%arg24 : memref<1024xf32, #tpu.memory_space<vmem>>) target_semaphore(%arg37 : memref<!tpu.dma_semaphore, #tpu.memory_space<semaphore_mem>>)
      %dma_wait3A = arith.constant 0 : i32
      %dma_wait3A_143 = tpu.memref_slice %arg2[%multiple_of3A_123, %dma_wait3A] : memref<6400x128xi32, #tpu.memory_space<hbm>> -> memref<8x128xi32, #tpu.memory_space<hbm>>
      %dma_wait3A_144 = arith.constant 0 : i32
      %dma_wait3A_145 = tpu.memref_slice %arg2[%multiple_of3A_123, %dma_wait3A_144] : memref<6400x128xi32, #tpu.memory_space<hbm>> -> memref<8x128xi32, #tpu.memory_space<hbm>>
      tpu.wait_dma2 semaphore(%arg37 : memref<!tpu.dma_semaphore, #tpu.memory_space<semaphore_mem>>) src(%dma_wait3A_145 : memref<8x128xi32, #tpu.memory_space<hbm>>) dst(%arg17 : memref<8x128xi32, #tpu.memory_space<vmem>>)
      %dma_wait3A_146 = arith.constant 0 : i32
      %dma_wait3A_147 = tpu.memref_slice %arg3[%multiple_of3A_123, %dma_wait3A_146] : memref<6400x128xi32, #tpu.memory_space<hbm>> -> memref<8x128xi32, #tpu.memory_space<hbm>>
      %dma_wait3A_148 = arith.constant 0 : i32
      %dma_wait3A_149 = tpu.memref_slice %arg3[%multiple_of3A_123, %dma_wait3A_148] : memref<6400x128xi32, #tpu.memory_space<hbm>> -> memref<8x128xi32, #tpu.memory_space<hbm>>
      tpu.wait_dma2 semaphore(%arg37 : memref<!tpu.dma_semaphore, #tpu.memory_space<semaphore_mem>>) src(%dma_wait3A_149 : memref<8x128xi32, #tpu.memory_space<hbm>>) dst(%arg18 : memref<8x128xi32, #tpu.memory_space<vmem>>)
      %dma_wait3A_150 = tpu.memref_slice %arg4[%add3A_121] : memref<819200xf32, #tpu.memory_space<hbm>> -> memref<1024xf32, #tpu.memory_space<hbm>>
      %dma_wait3A_151 = tpu.memref_slice %arg4[%add3A_121] : memref<819200xf32, #tpu.memory_space<hbm>> -> memref<1024xf32, #tpu.memory_space<hbm>>
      tpu.wait_dma2 semaphore(%arg37 : memref<!tpu.dma_semaphore, #tpu.memory_space<semaphore_mem>>) src(%dma_wait3A_151 : memref<1024xf32, #tpu.memory_space<hbm>>) dst(%arg19 : memref<1024xf32, #tpu.memory_space<vmem>>)
      %dma_wait3A_152 = tpu.memref_slice %arg5[%add3A_121] : memref<819200xf32, #tpu.memory_space<hbm>> -> memref<1024xf32, #tpu.memory_space<hbm>>
      %dma_wait3A_153 = tpu.memref_slice %arg5[%add3A_121] : memref<819200xf32, #tpu.memory_space<hbm>> -> memref<1024xf32, #tpu.memory_space<hbm>>
      tpu.wait_dma2 semaphore(%arg37 : memref<!tpu.dma_semaphore, #tpu.memory_space<semaphore_mem>>) src(%dma_wait3A_153 : memref<1024xf32, #tpu.memory_space<hbm>>) dst(%arg20 : memref<1024xf32, #tpu.memory_space<vmem>>)
      %dma_wait3A_154 = tpu.memref_slice %arg6[%add3A_121] : memref<819200xf32, #tpu.memory_space<hbm>> -> memref<1024xf32, #tpu.memory_space<hbm>>
      %dma_wait3A_155 = tpu.memref_slice %arg6[%add3A_121] : memref<819200xf32, #tpu.memory_space<hbm>> -> memref<1024xf32, #tpu.memory_space<hbm>>
      tpu.wait_dma2 semaphore(%arg37 : memref<!tpu.dma_semaphore, #tpu.memory_space<semaphore_mem>>) src(%dma_wait3A_155 : memref<1024xf32, #tpu.memory_space<hbm>>) dst(%arg21 : memref<1024xf32, #tpu.memory_space<vmem>>)
      %dma_wait3A_156 = tpu.memref_slice %arg7[%add3A_121] : memref<819200xf32, #tpu.memory_space<hbm>> -> memref<1024xf32, #tpu.memory_space<hbm>>
      %dma_wait3A_157 = tpu.memref_slice %arg7[%add3A_121] : memref<819200xf32, #tpu.memory_space<hbm>> -> memref<1024xf32, #tpu.memory_space<hbm>>
      tpu.wait_dma2 semaphore(%arg37 : memref<!tpu.dma_semaphore, #tpu.memory_space<semaphore_mem>>) src(%dma_wait3A_157 : memref<1024xf32, #tpu.memory_space<hbm>>) dst(%arg22 : memref<1024xf32, #tpu.memory_space<vmem>>)
      %dma_wait3A_158 = tpu.memref_slice %arg8[%add3A_121] : memref<819200xf32, #tpu.memory_space<hbm>> -> memref<1024xf32, #tpu.memory_space<hbm>>
      %dma_wait3A_159 = tpu.memref_slice %arg8[%add3A_121] : memref<819200xf32, #tpu.memory_space<hbm>> -> memref<1024xf32, #tpu.memory_space<hbm>>
      tpu.wait_dma2 semaphore(%arg37 : memref<!tpu.dma_semaphore, #tpu.memory_space<semaphore_mem>>) src(%dma_wait3A_159 : memref<1024xf32, #tpu.memory_space<hbm>>) dst(%arg23 : memref<1024xf32, #tpu.memory_space<vmem>>)
      %dma_wait3A_160 = tpu.memref_slice %arg9[%add3A_121] : memref<819200xf32, #tpu.memory_space<hbm>> -> memref<1024xf32, #tpu.memory_space<hbm>>
      %dma_wait3A_161 = tpu.memref_slice %arg9[%add3A_121] : memref<819200xf32, #tpu.memory_space<hbm>> -> memref<1024xf32, #tpu.memory_space<hbm>>
      tpu.wait_dma2 semaphore(%arg37 : memref<!tpu.dma_semaphore, #tpu.memory_space<semaphore_mem>>) src(%dma_wait3A_161 : memref<1024xf32, #tpu.memory_space<hbm>>) dst(%arg24 : memref<1024xf32, #tpu.memory_space<vmem>>)
      %while3A_162 = arith.constant 0 : i32
      %while3A_163 = arith.constant 0 : i32
      %while3A_164 = arith.constant 64 : i32
      %while3A_165 = arith.subi %while3A_164, %while3A_163 : i32
      %while3A_166 = arith.addi %while3A_163, %while3A_165 : i32
      %while3A_167 = arith.constant 1 : i32
      %while3A_168 = arith.divsi %while3A_165, %while3A_167 : i32
      %while3A_169 = arith.muli %while3A_168, %while3A_167 : i32
      %while3A_170 = arith.addi %while3A_163, %while3A_169 : i32
      %while3A_171 = arith.constant 1 : i32
      scf.for %while3A_941 = %while3A_163 to %while3A_170 step %while3A_171  : i32 {
        %shift_right_logical3A_942 = arith.constant 3 : i32
        %shift_right_logical3A_943 = arith.shrui %while3A_941, %shift_right_logical3A_942 : i32
        %and3A = arith.constant 7 : i32
        %and3A_944 = arith.andi %while3A_941, %and3A : i32
        %mul3A_945 = arith.constant 16 : i32
        %mul3A_946 = arith.muli %and3A_944, %mul3A_945 : i32
        %get3A_947 = arith.index_cast %shift_right_logical3A_943 : i32 to index
        %get3A_948 = arith.index_cast %mul3A_946 : i32 to index
        %get3A_949 = tpu.vector_load %arg17[%get3A_947, %get3A_948] {strides = array<i32>} : memref<8x128xi32, #tpu.memory_space<vmem>>, vector<16xi32>,
        %get3A_950 = arith.index_cast %shift_right_logical3A_943 : i32 to index
        %get3A_951 = arith.index_cast %mul3A_946 : i32 to index
        %get3A_952 = tpu.vector_load %arg18[%get3A_950, %get3A_951] {strides = array<i32>} : memref<8x128xi32, #tpu.memory_space<vmem>>, vector<16xi32>,
        %gather3A = tpu.vector_load_idx %arg15[%get3A_949] : memref<50000xi32, #tpu.memory_space<vmem>>[vector<16xi32>], vector<16xi32>,
        %gather3A_953 = tpu.vector_load_idx %arg15[%get3A_952] : memref<50000xi32, #tpu.memory_space<vmem>>[vector<16xi32>], vector<16xi32>,
        %gather3A_954 = tpu.vector_load_idx %arg16[%get3A_949] : memref<50000xf32, #tpu.memory_space<vmem>>[vector<16xi32>], vector<16xf32>,
        %gather3A_955 = tpu.vector_load_idx %arg16[%get3A_952] : memref<50000xf32, #tpu.memory_space<vmem>>[vector<16xi32>], vector<16xf32>,
        %shift_left3A = arith.constant 16 : i32
        %shift_left3A_956 = vector.broadcast %shift_left3A : i32 to vector<16xi32>
        %shift_left3A_957 = arith.shli %gather3A, %shift_left3A_956 : vector<16xi32>
        %bitcast3A = vector.bitcast %shift_left3A_957 : vector<16xi32> to vector<16xf32>
        %mul3A_958 = arith.mulf %bitcast3A, %get3A_32 : vector<16xf32>
        %and3A_959 = vector.broadcast %while3A_38 : i32 to vector<16xi32>
        %and3A_960 = arith.andi %gather3A, %and3A_959 : vector<16xi32>
        %bitcast3A_961 = vector.bitcast %and3A_960 : vector<16xi32> to vector<16xf32>
        %mul3A_962 = arith.mulf %bitcast3A_961, %get3A_32 : vector<16xf32>
        %shift_left3A_963 = arith.constant 16 : i32
        %shift_left3A_964 = vector.broadcast %shift_left3A_963 : i32 to vector<16xi32>
        %shift_left3A_965 = arith.shli %gather3A_953, %shift_left3A_964 : vector<16xi32>
        %bitcast3A_966 = vector.bitcast %shift_left3A_965 : vector<16xi32> to vector<16xf32>
        %mul3A_967 = arith.mulf %bitcast3A_966, %get3A_32 : vector<16xf32>
        %and3A_968 = vector.broadcast %while3A_38 : i32 to vector<16xi32>
        %and3A_969 = arith.andi %gather3A_953, %and3A_968 : vector<16xi32>
        %bitcast3A_970 = vector.bitcast %and3A_969 : vector<16xi32> to vector<16xf32>
        %mul3A_971 = arith.mulf %bitcast3A_970, %get3A_32 : vector<16xf32>
        %mul3A_972 = arith.mulf %gather3A_954, %get3A_34 : vector<16xf32>
        %mul3A_973 = arith.mulf %gather3A_955, %get3A_34 : vector<16xf32>
        %mul3A_974 = arith.constant 16 : i32
        %mul3A_975 = arith.muli %while3A_941, %mul3A_974 : i32
        %get3A_976 = arith.index_cast %mul3A_975 : i32 to index
        %get3A_977 = tpu.vector_load %arg19[%get3A_976] {strides = array<i32>} : memref<1024xf32, #tpu.memory_space<vmem>>, vector<16xf32>,
        %get3A_978 = arith.index_cast %mul3A_975 : i32 to index
        %get3A_979 = tpu.vector_load %arg20[%get3A_978] {strides = array<i32>} : memref<1024xf32, #tpu.memory_space<vmem>>, vector<16xf32>,
        %get3A_980 = arith.index_cast %mul3A_975 : i32 to index
        %get3A_981 = tpu.vector_load %arg21[%get3A_980] {strides = array<i32>} : memref<1024xf32, #tpu.memory_space<vmem>>, vector<16xf32>,
        %get3A_982 = arith.index_cast %mul3A_975 : i32 to index
        %get3A_983 = tpu.vector_load %arg22[%get3A_982] {strides = array<i32>} : memref<1024xf32, #tpu.memory_space<vmem>>, vector<16xf32>,
        %get3A_984 = arith.index_cast %mul3A_975 : i32 to index
        %get3A_985 = tpu.vector_load %arg23[%get3A_984] {strides = array<i32>} : memref<1024xf32, #tpu.memory_space<vmem>>, vector<16xf32>,
        %get3A_986 = arith.index_cast %mul3A_975 : i32 to index
        %get3A_987 = tpu.vector_load %arg24[%get3A_986] {strides = array<i32>} : memref<1024xf32, #tpu.memory_space<vmem>>, vector<16xf32>,
        %div3A = arith.constant 1.000000e+00 : f32
        %div3A_988 = vector.broadcast %div3A : f32 to vector<16xf32>
        %div3A_989 = arith.divf %div3A_988, %get3A_977 : vector<16xf32>
        %mul3A_990 = arith.mulf %get3A_979, %get3A_981 : vector<16xf32>
        %mul3A_991 = arith.mulf %mul3A_990, %div3A_989 : vector<16xf32>
        %mul3A_992 = arith.mulf %get3A_979, %get3A_983 : vector<16xf32>
        %mul3A_993 = arith.mulf %mul3A_992, %div3A_989 : vector<16xf32>
        %mul3A_994 = arith.mulf %mul3A_993, %div3A_989 : vector<16xf32>
        %mul3A_995 = arith.mulf %mul3A_994, %div3A_989 : vector<16xf32>
        %mul3A_996 = arith.mulf %get3A_985, %mul3A_958 : vector<16xf32>
        %mul3A_997 = arith.mulf %get3A_987, %mul3A_962 : vector<16xf32>
        %add3A_998 = arith.addf %mul3A_996, %mul3A_997 : vector<16xf32>
        %mul3A_999 = arith.mulf %get3A_985, %mul3A_962 : vector<16xf32>
        %mul3A_1000 = arith.mulf %get3A_987, %mul3A_958 : vector<16xf32>
        %sub3A = arith.subf %mul3A_999, %mul3A_1000 : vector<16xf32>
        %mul3A_1001 = arith.mulf %get3A_985, %mul3A_967 : vector<16xf32>
        %mul3A_1002 = arith.mulf %get3A_987, %mul3A_971 : vector<16xf32>
        %add3A_1003 = arith.addf %mul3A_1001, %mul3A_1002 : vector<16xf32>
        %mul3A_1004 = arith.mulf %get3A_985, %mul3A_971 : vector<16xf32>
        %mul3A_1005 = arith.mulf %get3A_987, %mul3A_967 : vector<16xf32>
        %sub3A_1006 = arith.subf %mul3A_1004, %mul3A_1005 : vector<16xf32>
        %sub3A_1007 = arith.subf %add3A_998, %add3A_1003 : vector<16xf32>
        %mul3A_1008 = arith.mulf %mul3A_991, %sub3A_1007 : vector<16xf32>
        %sub3A_1009 = arith.subf %sub3A, %sub3A_1006 : vector<16xf32>
        %mul3A_1010 = arith.constant 1.200000e+01 : f32
        %mul3A_1011 = vector.broadcast %mul3A_1010 : f32 to vector<16xf32>
        %mul3A_1012 = arith.mulf %mul3A_1011, %mul3A_995 : vector<16xf32>
        %mul3A_1013 = arith.mulf %mul3A_1012, %sub3A_1009 : vector<16xf32>
        %mul3A_1014 = arith.constant 6.000000e+00 : f32
        %mul3A_1015 = vector.broadcast %mul3A_1014 : f32 to vector<16xf32>
        %mul3A_1016 = arith.mulf %mul3A_1015, %mul3A_994 : vector<16xf32>
        %add3A_1017 = arith.addf %mul3A_972, %mul3A_973 : vector<16xf32>
        %mul3A_1018 = arith.mulf %mul3A_1016, %add3A_1017 : vector<16xf32>
        %sub3A_1019 = arith.subf %mul3A_1013, %mul3A_1018 : vector<16xf32>
        %mul3A_1020 = arith.constant 6.000000e+00 : f32
        %mul3A_1021 = vector.broadcast %mul3A_1020 : f32 to vector<16xf32>
        %mul3A_1022 = arith.mulf %mul3A_1021, %mul3A_994 : vector<16xf32>
        %mul3A_1023 = arith.mulf %mul3A_1022, %sub3A_1009 : vector<16xf32>
        %mul3A_1024 = arith.constant 4.000000e+00 : f32
        %mul3A_1025 = vector.broadcast %mul3A_1024 : f32 to vector<16xf32>
        %mul3A_1026 = arith.mulf %mul3A_1025, %mul3A_972 : vector<16xf32>
        %mul3A_1027 = arith.constant 2.000000e+00 : f32
        %mul3A_1028 = vector.broadcast %mul3A_1027 : f32 to vector<16xf32>
        %mul3A_1029 = arith.mulf %mul3A_1028, %mul3A_973 : vector<16xf32>
        %add3A_1030 = arith.addf %mul3A_1026, %mul3A_1029 : vector<16xf32>
        %mul3A_1031 = arith.mulf %mul3A_993, %add3A_1030 : vector<16xf32>
        %sub3A_1032 = arith.subf %mul3A_1023, %mul3A_1031 : vector<16xf32>
        %mul3A_1033 = arith.constant 6.000000e+00 : f32
        %mul3A_1034 = vector.broadcast %mul3A_1033 : f32 to vector<16xf32>
        %mul3A_1035 = arith.mulf %mul3A_1034, %mul3A_994 : vector<16xf32>
        %mul3A_1036 = arith.mulf %mul3A_1035, %sub3A_1009 : vector<16xf32>
        %mul3A_1037 = arith.constant 2.000000e+00 : f32
        %mul3A_1038 = vector.broadcast %mul3A_1037 : f32 to vector<16xf32>
        %mul3A_1039 = arith.mulf %mul3A_1038, %mul3A_972 : vector<16xf32>
        %mul3A_1040 = arith.constant 4.000000e+00 : f32
        %mul3A_1041 = vector.broadcast %mul3A_1040 : f32 to vector<16xf32>
        %mul3A_1042 = arith.mulf %mul3A_1041, %mul3A_973 : vector<16xf32>
        %add3A_1043 = arith.addf %mul3A_1039, %mul3A_1042 : vector<16xf32>
        %mul3A_1044 = arith.mulf %mul3A_993, %add3A_1043 : vector<16xf32>
        %sub3A_1045 = arith.subf %mul3A_1036, %mul3A_1044 : vector<16xf32>
        %mul3A_1046 = arith.mulf %get3A_985, %mul3A_1008 : vector<16xf32>
        %mul3A_1047 = arith.mulf %get3A_987, %sub3A_1019 : vector<16xf32>
        %sub3A_1048 = arith.subf %mul3A_1046, %mul3A_1047 : vector<16xf32>
        %mul3A_1049 = arith.mulf %get3A_987, %mul3A_1008 : vector<16xf32>
        %mul3A_1050 = arith.mulf %get3A_985, %sub3A_1019 : vector<16xf32>
        %add3A_1051 = arith.addf %mul3A_1049, %mul3A_1050 : vector<16xf32>
        %swap3A = arith.index_cast %mul3A_975 : i32 to index
        %swap3A_1052 = tpu.vector_load %arg25[%swap3A] {strides = array<i32>} : memref<1024xf32, #tpu.memory_space<vmem>>, vector<16xf32>,
        tpu.vector_store %arg25[%swap3A], %sub3A_1048 {strides = array<i32>} : memref<1024xf32, #tpu.memory_space<vmem>>, vector<16xf32>,
        %swap3A_1053 = arith.index_cast %mul3A_975 : i32 to index
        %swap3A_1054 = tpu.vector_load %arg26[%swap3A_1053] {strides = array<i32>} : memref<1024xf32, #tpu.memory_space<vmem>>, vector<16xf32>,
        tpu.vector_store %arg26[%swap3A_1053], %add3A_1051 {strides = array<i32>} : memref<1024xf32, #tpu.memory_space<vmem>>, vector<16xf32>,
        %neg3A = arith.constant 0.000000e+00 : f32
        %neg3A_1055 = vector.broadcast %neg3A : f32 to vector<16xf32>
        %neg3A_1056 = arith.subf %neg3A_1055, %sub3A_1032 : vector<16xf32>
        %swap3A_1057 = arith.index_cast %mul3A_975 : i32 to index
        %swap3A_1058 = tpu.vector_load %arg27[%swap3A_1057] {strides = array<i32>} : memref<1024xf32, #tpu.memory_space<vmem>>, vector<16xf32>,
        tpu.vector_store %arg27[%swap3A_1057], %neg3A_1056 {strides = array<i32>} : memref<1024xf32, #tpu.memory_space<vmem>>, vector<16xf32>,
        %neg3A_1059 = arith.constant 0.000000e+00 : f32
        %neg3A_1060 = vector.broadcast %neg3A_1059 : f32 to vector<16xf32>
        %neg3A_1061 = arith.subf %neg3A_1060, %sub3A_1048 : vector<16xf32>
        %swap3A_1062 = arith.index_cast %mul3A_975 : i32 to index
        %swap3A_1063 = tpu.vector_load %arg28[%swap3A_1062] {strides = array<i32>} : memref<1024xf32, #tpu.memory_space<vmem>>, vector<16xf32>,
        tpu.vector_store %arg28[%swap3A_1062], %neg3A_1061 {strides = array<i32>} : memref<1024xf32, #tpu.memory_space<vmem>>, vector<16xf32>,
        %neg3A_1064 = arith.constant 0.000000e+00 : f32
        %neg3A_1065 = vector.broadcast %neg3A_1064 : f32 to vector<16xf32>
        %neg3A_1066 = arith.subf %neg3A_1065, %add3A_1051 : vector<16xf32>
        %swap3A_1067 = arith.index_cast %mul3A_975 : i32 to index
        %swap3A_1068 = tpu.vector_load %arg29[%swap3A_1067] {strides = array<i32>} : memref<1024xf32, #tpu.memory_space<vmem>>, vector<16xf32>,
        tpu.vector_store %arg29[%swap3A_1067], %neg3A_1066 {strides = array<i32>} : memref<1024xf32, #tpu.memory_space<vmem>>, vector<16xf32>,
        %neg3A_1069 = arith.constant 0.000000e+00 : f32
        %neg3A_1070 = vector.broadcast %neg3A_1069 : f32 to vector<16xf32>
        %neg3A_1071 = arith.subf %neg3A_1070, %sub3A_1045 : vector<16xf32>
        %swap3A_1072 = arith.index_cast %mul3A_975 : i32 to index
        %swap3A_1073 = tpu.vector_load %arg30[%swap3A_1072] {strides = array<i32>} : memref<1024xf32, #tpu.memory_space<vmem>>, vector<16xf32>,
        tpu.vector_store %arg30[%swap3A_1072], %neg3A_1071 {strides = array<i32>} : memref<1024xf32, #tpu.memory_space<vmem>>, vector<16xf32>,
      }
      %while3A_172 = arith.constant 1 : i32
      scf.for %while3A_941 = %while3A_170 to %while3A_166 step %while3A_172  : i32 {
        %shift_right_logical3A_942 = arith.constant 3 : i32
        %shift_right_logical3A_943 = arith.shrui %while3A_941, %shift_right_logical3A_942 : i32
        %and3A = arith.constant 7 : i32
        %and3A_944 = arith.andi %while3A_941, %and3A : i32
        %mul3A_945 = arith.constant 16 : i32
        %mul3A_946 = arith.muli %and3A_944, %mul3A_945 : i32
        %get3A_947 = arith.index_cast %shift_right_logical3A_943 : i32 to index
        %get3A_948 = arith.index_cast %mul3A_946 : i32 to index
        %get3A_949 = tpu.vector_load %arg17[%get3A_947, %get3A_948] {strides = array<i32>} : memref<8x128xi32, #tpu.memory_space<vmem>>, vector<16xi32>,
        %get3A_950 = arith.index_cast %shift_right_logical3A_943 : i32 to index
        %get3A_951 = arith.index_cast %mul3A_946 : i32 to index
        %get3A_952 = tpu.vector_load %arg18[%get3A_950, %get3A_951] {strides = array<i32>} : memref<8x128xi32, #tpu.memory_space<vmem>>, vector<16xi32>,
        %gather3A = tpu.vector_load_idx %arg15[%get3A_949] : memref<50000xi32, #tpu.memory_space<vmem>>[vector<16xi32>], vector<16xi32>,
        %gather3A_953 = tpu.vector_load_idx %arg15[%get3A_952] : memref<50000xi32, #tpu.memory_space<vmem>>[vector<16xi32>], vector<16xi32>,
        %gather3A_954 = tpu.vector_load_idx %arg16[%get3A_949] : memref<50000xf32, #tpu.memory_space<vmem>>[vector<16xi32>], vector<16xf32>,
        %gather3A_955 = tpu.vector_load_idx %arg16[%get3A_952] : memref<50000xf32, #tpu.memory_space<vmem>>[vector<16xi32>], vector<16xf32>,
        %shift_left3A = arith.constant 16 : i32
        %shift_left3A_956 = vector.broadcast %shift_left3A : i32 to vector<16xi32>
        %shift_left3A_957 = arith.shli %gather3A, %shift_left3A_956 : vector<16xi32>
        %bitcast3A = vector.bitcast %shift_left3A_957 : vector<16xi32> to vector<16xf32>
        %mul3A_958 = arith.mulf %bitcast3A, %get3A_32 : vector<16xf32>
        %and3A_959 = vector.broadcast %while3A_38 : i32 to vector<16xi32>
        %and3A_960 = arith.andi %gather3A, %and3A_959 : vector<16xi32>
        %bitcast3A_961 = vector.bitcast %and3A_960 : vector<16xi32> to vector<16xf32>
        %mul3A_962 = arith.mulf %bitcast3A_961, %get3A_32 : vector<16xf32>
        %shift_left3A_963 = arith.constant 16 : i32
        %shift_left3A_964 = vector.broadcast %shift_left3A_963 : i32 to vector<16xi32>
        %shift_left3A_965 = arith.shli %gather3A_953, %shift_left3A_964 : vector<16xi32>
        %bitcast3A_966 = vector.bitcast %shift_left3A_965 : vector<16xi32> to vector<16xf32>
        %mul3A_967 = arith.mulf %bitcast3A_966, %get3A_32 : vector<16xf32>
        %and3A_968 = vector.broadcast %while3A_38 : i32 to vector<16xi32>
        %and3A_969 = arith.andi %gather3A_953, %and3A_968 : vector<16xi32>
        %bitcast3A_970 = vector.bitcast %and3A_969 : vector<16xi32> to vector<16xf32>
        %mul3A_971 = arith.mulf %bitcast3A_970, %get3A_32 : vector<16xf32>
        %mul3A_972 = arith.mulf %gather3A_954, %get3A_34 : vector<16xf32>
        %mul3A_973 = arith.mulf %gather3A_955, %get3A_34 : vector<16xf32>
        %mul3A_974 = arith.constant 16 : i32
        %mul3A_975 = arith.muli %while3A_941, %mul3A_974 : i32
        %get3A_976 = arith.index_cast %mul3A_975 : i32 to index
        %get3A_977 = tpu.vector_load %arg19[%get3A_976] {strides = array<i32>} : memref<1024xf32, #tpu.memory_space<vmem>>, vector<16xf32>,
        %get3A_978 = arith.index_cast %mul3A_975 : i32 to index
        %get3A_979 = tpu.vector_load %arg20[%get3A_978] {strides = array<i32>} : memref<1024xf32, #tpu.memory_space<vmem>>, vector<16xf32>,
        %get3A_980 = arith.index_cast %mul3A_975 : i32 to index
        %get3A_981 = tpu.vector_load %arg21[%get3A_980] {strides = array<i32>} : memref<1024xf32, #tpu.memory_space<vmem>>, vector<16xf32>,
        %get3A_982 = arith.index_cast %mul3A_975 : i32 to index
        %get3A_983 = tpu.vector_load %arg22[%get3A_982] {strides = array<i32>} : memref<1024xf32, #tpu.memory_space<vmem>>, vector<16xf32>,
        %get3A_984 = arith.index_cast %mul3A_975 : i32 to index
        %get3A_985 = tpu.vector_load %arg23[%get3A_984] {strides = array<i32>} : memref<1024xf32, #tpu.memory_space<vmem>>, vector<16xf32>,
        %get3A_986 = arith.index_cast %mul3A_975 : i32 to index
        %get3A_987 = tpu.vector_load %arg24[%get3A_986] {strides = array<i32>} : memref<1024xf32, #tpu.memory_space<vmem>>, vector<16xf32>,
        %div3A = arith.constant 1.000000e+00 : f32
        %div3A_988 = vector.broadcast %div3A : f32 to vector<16xf32>
        %div3A_989 = arith.divf %div3A_988, %get3A_977 : vector<16xf32>
        %mul3A_990 = arith.mulf %get3A_979, %get3A_981 : vector<16xf32>
        %mul3A_991 = arith.mulf %mul3A_990, %div3A_989 : vector<16xf32>
        %mul3A_992 = arith.mulf %get3A_979, %get3A_983 : vector<16xf32>
        %mul3A_993 = arith.mulf %mul3A_992, %div3A_989 : vector<16xf32>
        %mul3A_994 = arith.mulf %mul3A_993, %div3A_989 : vector<16xf32>
        %mul3A_995 = arith.mulf %mul3A_994, %div3A_989 : vector<16xf32>
        %mul3A_996 = arith.mulf %get3A_985, %mul3A_958 : vector<16xf32>
        %mul3A_997 = arith.mulf %get3A_987, %mul3A_962 : vector<16xf32>
        %add3A_998 = arith.addf %mul3A_996, %mul3A_997 : vector<16xf32>
        %mul3A_999 = arith.mulf %get3A_985, %mul3A_962 : vector<16xf32>
        %mul3A_1000 = arith.mulf %get3A_987, %mul3A_958 : vector<16xf32>
        %sub3A = arith.subf %mul3A_999, %mul3A_1000 : vector<16xf32>
        %mul3A_1001 = arith.mulf %get3A_985, %mul3A_967 : vector<16xf32>
        %mul3A_1002 = arith.mulf %get3A_987, %mul3A_971 : vector<16xf32>
        %add3A_1003 = arith.addf %mul3A_1001, %mul3A_1002 : vector<16xf32>
        %mul3A_1004 = arith.mulf %get3A_985, %mul3A_971 : vector<16xf32>
        %mul3A_1005 = arith.mulf %get3A_987, %mul3A_967 : vector<16xf32>
        %sub3A_1006 = arith.subf %mul3A_1004, %mul3A_1005 : vector<16xf32>
        %sub3A_1007 = arith.subf %add3A_998, %add3A_1003 : vector<16xf32>
        %mul3A_1008 = arith.mulf %mul3A_991, %sub3A_1007 : vector<16xf32>
        %sub3A_1009 = arith.subf %sub3A, %sub3A_1006 : vector<16xf32>
        %mul3A_1010 = arith.constant 1.200000e+01 : f32
        %mul3A_1011 = vector.broadcast %mul3A_1010 : f32 to vector<16xf32>
        %mul3A_1012 = arith.mulf %mul3A_1011, %mul3A_995 : vector<16xf32>
        %mul3A_1013 = arith.mulf %mul3A_1012, %sub3A_1009 : vector<16xf32>
        %mul3A_1014 = arith.constant 6.000000e+00 : f32
        %mul3A_1015 = vector.broadcast %mul3A_1014 : f32 to vector<16xf32>
        %mul3A_1016 = arith.mulf %mul3A_1015, %mul3A_994 : vector<16xf32>
        %add3A_1017 = arith.addf %mul3A_972, %mul3A_973 : vector<16xf32>
        %mul3A_1018 = arith.mulf %mul3A_1016, %add3A_1017 : vector<16xf32>
        %sub3A_1019 = arith.subf %mul3A_1013, %mul3A_1018 : vector<16xf32>
        %mul3A_1020 = arith.constant 6.000000e+00 : f32
        %mul3A_1021 = vector.broadcast %mul3A_1020 : f32 to vector<16xf32>
        %mul3A_1022 = arith.mulf %mul3A_1021, %mul3A_994 : vector<16xf32>
        %mul3A_1023 = arith.mulf %mul3A_1022, %sub3A_1009 : vector<16xf32>
        %mul3A_1024 = arith.constant 4.000000e+00 : f32
        %mul3A_1025 = vector.broadcast %mul3A_1024 : f32 to vector<16xf32>
        %mul3A_1026 = arith.mulf %mul3A_1025, %mul3A_972 : vector<16xf32>
        %mul3A_1027 = arith.constant 2.000000e+00 : f32
        %mul3A_1028 = vector.broadcast %mul3A_1027 : f32 to vector<16xf32>
        %mul3A_1029 = arith.mulf %mul3A_1028, %mul3A_973 : vector<16xf32>
        %add3A_1030 = arith.addf %mul3A_1026, %mul3A_1029 : vector<16xf32>
        %mul3A_1031 = arith.mulf %mul3A_993, %add3A_1030 : vector<16xf32>
        %sub3A_1032 = arith.subf %mul3A_1023, %mul3A_1031 : vector<16xf32>
        %mul3A_1033 = arith.constant 6.000000e+00 : f32
        %mul3A_1034 = vector.broadcast %mul3A_1033 : f32 to vector<16xf32>
        %mul3A_1035 = arith.mulf %mul3A_1034, %mul3A_994 : vector<16xf32>
        %mul3A_1036 = arith.mulf %mul3A_1035, %sub3A_1009 : vector<16xf32>
        %mul3A_1037 = arith.constant 2.000000e+00 : f32
        %mul3A_1038 = vector.broadcast %mul3A_1037 : f32 to vector<16xf32>
        %mul3A_1039 = arith.mulf %mul3A_1038, %mul3A_972 : vector<16xf32>
        %mul3A_1040 = arith.constant 4.000000e+00 : f32
        %mul3A_1041 = vector.broadcast %mul3A_1040 : f32 to vector<16xf32>
        %mul3A_1042 = arith.mulf %mul3A_1041, %mul3A_973 : vector<16xf32>
        %add3A_1043 = arith.addf %mul3A_1039, %mul3A_1042 : vector<16xf32>
        %mul3A_1044 = arith.mulf %mul3A_993, %add3A_1043 : vector<16xf32>
        %sub3A_1045 = arith.subf %mul3A_1036, %mul3A_1044 : vector<16xf32>
        %mul3A_1046 = arith.mulf %get3A_985, %mul3A_1008 : vector<16xf32>
        %mul3A_1047 = arith.mulf %get3A_987, %sub3A_1019 : vector<16xf32>
        %sub3A_1048 = arith.subf %mul3A_1046, %mul3A_1047 : vector<16xf32>
        %mul3A_1049 = arith.mulf %get3A_987, %mul3A_1008 : vector<16xf32>
        %mul3A_1050 = arith.mulf %get3A_985, %sub3A_1019 : vector<16xf32>
        %add3A_1051 = arith.addf %mul3A_1049, %mul3A_1050 : vector<16xf32>
        %swap3A = arith.index_cast %mul3A_975 : i32 to index
        %swap3A_1052 = tpu.vector_load %arg25[%swap3A] {strides = array<i32>} : memref<1024xf32, #tpu.memory_space<vmem>>, vector<16xf32>,
        tpu.vector_store %arg25[%swap3A], %sub3A_1048 {strides = array<i32>} : memref<1024xf32, #tpu.memory_space<vmem>>, vector<16xf32>,
        %swap3A_1053 = arith.index_cast %mul3A_975 : i32 to index
        %swap3A_1054 = tpu.vector_load %arg26[%swap3A_1053] {strides = array<i32>} : memref<1024xf32, #tpu.memory_space<vmem>>, vector<16xf32>,
        tpu.vector_store %arg26[%swap3A_1053], %add3A_1051 {strides = array<i32>} : memref<1024xf32, #tpu.memory_space<vmem>>, vector<16xf32>,
        %neg3A = arith.constant 0.000000e+00 : f32
        %neg3A_1055 = vector.broadcast %neg3A : f32 to vector<16xf32>
        %neg3A_1056 = arith.subf %neg3A_1055, %sub3A_1032 : vector<16xf32>
        %swap3A_1057 = arith.index_cast %mul3A_975 : i32 to index
        %swap3A_1058 = tpu.vector_load %arg27[%swap3A_1057] {strides = array<i32>} : memref<1024xf32, #tpu.memory_space<vmem>>, vector<16xf32>,
        tpu.vector_store %arg27[%swap3A_1057], %neg3A_1056 {strides = array<i32>} : memref<1024xf32, #tpu.memory_space<vmem>>, vector<16xf32>,
        %neg3A_1059 = arith.constant 0.000000e+00 : f32
        %neg3A_1060 = vector.broadcast %neg3A_1059 : f32 to vector<16xf32>
        %neg3A_1061 = arith.subf %neg3A_1060, %sub3A_1048 : vector<16xf32>
        %swap3A_1062 = arith.index_cast %mul3A_975 : i32 to index
        %swap3A_1063 = tpu.vector_load %arg28[%swap3A_1062] {strides = array<i32>} : memref<1024xf32, #tpu.memory_space<vmem>>, vector<16xf32>,
        tpu.vector_store %arg28[%swap3A_1062], %neg3A_1061 {strides = array<i32>} : memref<1024xf32, #tpu.memory_space<vmem>>, vector<16xf32>,
        %neg3A_1064 = arith.constant 0.000000e+00 : f32
        %neg3A_1065 = vector.broadcast %neg3A_1064 : f32 to vector<16xf32>
        %neg3A_1066 = arith.subf %neg3A_1065, %add3A_1051 : vector<16xf32>
        %swap3A_1067 = arith.index_cast %mul3A_975 : i32 to index
        %swap3A_1068 = tpu.vector_load %arg29[%swap3A_1067] {strides = array<i32>} : memref<1024xf32, #tpu.memory_space<vmem>>, vector<16xf32>,
        tpu.vector_store %arg29[%swap3A_1067], %neg3A_1066 {strides = array<i32>} : memref<1024xf32, #tpu.memory_space<vmem>>, vector<16xf32>,
        %neg3A_1069 = arith.constant 0.000000e+00 : f32
        %neg3A_1070 = vector.broadcast %neg3A_1069 : f32 to vector<16xf32>
        %neg3A_1071 = arith.subf %neg3A_1070, %sub3A_1045 : vector<16xf32>
        %swap3A_1072 = arith.index_cast %mul3A_975 : i32 to index
        %swap3A_1073 = tpu.vector_load %arg30[%swap3A_1072] {strides = array<i32>} : memref<1024xf32, #tpu.memory_space<vmem>>, vector<16xf32>,
        tpu.vector_store %arg30[%swap3A_1072], %neg3A_1071 {strides = array<i32>} : memref<1024xf32, #tpu.memory_space<vmem>>, vector<16xf32>,
      }
      %dma_start3A_173 = arith.constant 0 : i32
      %dma_start3A_174 = arith.constant 0 : i32
      %dma_start3A_175 = tpu.memref_slice %arg25[%dma_start3A_174] : memref<1024xf32, #tpu.memory_space<vmem>> -> memref<128xf32, #tpu.memory_space<vmem>>
      %dma_start3A_176 = arith.constant 0 : i32
      %dma_start3A_177 = tpu.memref_slice %arg17[%dma_start3A_173, %dma_start3A_176] : memref<8x128xi32, #tpu.memory_space<vmem>> -> memref<1x128xi32, #tpu.memory_space<vmem>>
      %dma_start3A_178 = tpu.memref_squeeze %dma_start3A_177 : memref<1x128xi32, #tpu.memory_space<vmem>> -> memref<128xi32, #tpu.memory_space<vmem>>
      %dma_start3A_179 = arith.constant 0 : i32
      %dma_start3A_180 = tpu.memref_slice %arg34[%dma_start3A_179] : memref<50176xf32, #tpu.memory_space<vmem_shared>> -> memref<50176xf32, #tpu.memory_space<vmem_shared>>
      tpu.enqueue_indirect_dma source(%dma_start3A_175 : memref<128xf32, #tpu.memory_space<vmem>>) target(%dma_start3A_180 : memref<50176xf32, #tpu.memory_space<vmem_shared>>) offsets(%dma_start3A_178 : memref<128xi32, #tpu.memory_space<vmem>>) semaphore(%arg38 : memref<!tpu.dma_semaphore, #tpu.memory_space<semaphore_mem>>) {add = true}
      %dma_start3A_181 = arith.constant 0 : i32
      %dma_start3A_182 = arith.constant 0 : i32
      %dma_start3A_183 = tpu.memref_slice %arg26[%dma_start3A_182] : memref<1024xf32, #tpu.memory_space<vmem>> -> memref<128xf32, #tpu.memory_space<vmem>>
      %dma_start3A_184 = arith.constant 0 : i32
      %dma_start3A_185 = tpu.memref_slice %arg17[%dma_start3A_181, %dma_start3A_184] : memref<8x128xi32, #tpu.memory_space<vmem>> -> memref<1x128xi32, #tpu.memory_space<vmem>>
      %dma_start3A_186 = tpu.memref_squeeze %dma_start3A_185 : memref<1x128xi32, #tpu.memory_space<vmem>> -> memref<128xi32, #tpu.memory_space<vmem>>
      %dma_start3A_187 = arith.constant 0 : i32
      %dma_start3A_188 = tpu.memref_slice %arg35[%dma_start3A_187] : memref<50176xf32, #tpu.memory_space<vmem_shared>> -> memref<50176xf32, #tpu.memory_space<vmem_shared>>
      tpu.enqueue_indirect_dma source(%dma_start3A_183 : memref<128xf32, #tpu.memory_space<vmem>>) target(%dma_start3A_188 : memref<50176xf32, #tpu.memory_space<vmem_shared>>) offsets(%dma_start3A_186 : memref<128xi32, #tpu.memory_space<vmem>>) semaphore(%arg38 : memref<!tpu.dma_semaphore, #tpu.memory_space<semaphore_mem>>) {add = true}
      %dma_start3A_189 = arith.constant 0 : i32
      %dma_start3A_190 = arith.constant 0 : i32
      %dma_start3A_191 = tpu.memref_slice %arg27[%dma_start3A_190] : memref<1024xf32, #tpu.memory_space<vmem>> -> memref<128xf32, #tpu.memory_space<vmem>>
      %dma_start3A_192 = arith.constant 0 : i32
      %dma_start3A_193 = tpu.memref_slice %arg17[%dma_start3A_189, %dma_start3A_192] : memref<8x128xi32, #tpu.memory_space<vmem>> -> memref<1x128xi32, #tpu.memory_space<vmem>>
      %dma_start3A_194 = tpu.memref_squeeze %dma_start3A_193 : memref<1x128xi32, #tpu.memory_space<vmem>> -> memref<128xi32, #tpu.memory_space<vmem>>
      %dma_start3A_195 = arith.constant 0 : i32
      %dma_start3A_196 = tpu.memref_slice %arg36[%dma_start3A_195] : memref<50176xf32, #tpu.memory_space<vmem_shared>> -> memref<50176xf32, #tpu.memory_space<vmem_shared>>
      tpu.enqueue_indirect_dma source(%dma_start3A_191 : memref<128xf32, #tpu.memory_space<vmem>>) target(%dma_start3A_196 : memref<50176xf32, #tpu.memory_space<vmem_shared>>) offsets(%dma_start3A_194 : memref<128xi32, #tpu.memory_space<vmem>>) semaphore(%arg38 : memref<!tpu.dma_semaphore, #tpu.memory_space<semaphore_mem>>) {add = true}
      %dma_start3A_197 = arith.constant 0 : i32
      %dma_start3A_198 = arith.constant 0 : i32
      %dma_start3A_199 = tpu.memref_slice %arg28[%dma_start3A_198] : memref<1024xf32, #tpu.memory_space<vmem>> -> memref<128xf32, #tpu.memory_space<vmem>>
      %dma_start3A_200 = arith.constant 0 : i32
      %dma_start3A_201 = tpu.memref_slice %arg18[%dma_start3A_197, %dma_start3A_200] : memref<8x128xi32, #tpu.memory_space<vmem>> -> memref<1x128xi32, #tpu.memory_space<vmem>>
      %dma_start3A_202 = tpu.memref_squeeze %dma_start3A_201 : memref<1x128xi32, #tpu.memory_space<vmem>> -> memref<128xi32, #tpu.memory_space<vmem>>
      %dma_start3A_203 = arith.constant 0 : i32
      %dma_start3A_204 = tpu.memref_slice %arg34[%dma_start3A_203] : memref<50176xf32, #tpu.memory_space<vmem_shared>> -> memref<50176xf32, #tpu.memory_space<vmem_shared>>
      tpu.enqueue_indirect_dma source(%dma_start3A_199 : memref<128xf32, #tpu.memory_space<vmem>>) target(%dma_start3A_204 : memref<50176xf32, #tpu.memory_space<vmem_shared>>) offsets(%dma_start3A_202 : memref<128xi32, #tpu.memory_space<vmem>>) semaphore(%arg38 : memref<!tpu.dma_semaphore, #tpu.memory_space<semaphore_mem>>) {add = true}
      %dma_start3A_205 = arith.constant 0 : i32
      %dma_start3A_206 = arith.constant 0 : i32
      %dma_start3A_207 = tpu.memref_slice %arg29[%dma_start3A_206] : memref<1024xf32, #tpu.memory_space<vmem>> -> memref<128xf32, #tpu.memory_space<vmem>>
      %dma_start3A_208 = arith.constant 0 : i32
      %dma_start3A_209 = tpu.memref_slice %arg18[%dma_start3A_205, %dma_start3A_208] : memref<8x128xi32, #tpu.memory_space<vmem>> -> memref<1x128xi32, #tpu.memory_space<vmem>>
      %dma_start3A_210 = tpu.memref_squeeze %dma_start3A_209 : memref<1x128xi32, #tpu.memory_space<vmem>> -> memref<128xi32, #tpu.memory_space<vmem>>
      %dma_start3A_211 = arith.constant 0 : i32
      %dma_start3A_212 = tpu.memref_slice %arg35[%dma_start3A_211] : memref<50176xf32, #tpu.memory_space<vmem_shared>> -> memref<50176xf32, #tpu.memory_space<vmem_shared>>
      tpu.enqueue_indirect_dma source(%dma_start3A_207 : memref<128xf32, #tpu.memory_space<vmem>>) target(%dma_start3A_212 : memref<50176xf32, #tpu.memory_space<vmem_shared>>) offsets(%dma_start3A_210 : memref<128xi32, #tpu.memory_space<vmem>>) semaphore(%arg38 : memref<!tpu.dma_semaphore, #tpu.memory_space<semaphore_mem>>) {add = true}
      %dma_start3A_213 = arith.constant 0 : i32
      %dma_start3A_214 = arith.constant 0 : i32
      %dma_start3A_215 = tpu.memref_slice %arg30[%dma_start3A_214] : memref<1024xf32, #tpu.memory_space<vmem>> -> memref<128xf32, #tpu.memory_space<vmem>>
      %dma_start3A_216 = arith.constant 0 : i32
      %dma_start3A_217 = tpu.memref_slice %arg18[%dma_start3A_213, %dma_start3A_216] : memref<8x128xi32, #tpu.memory_space<vmem>> -> memref<1x128xi32, #tpu.memory_space<vmem>>
      %dma_start3A_218 = tpu.memref_squeeze %dma_start3A_217 : memref<1x128xi32, #tpu.memory_space<vmem>> -> memref<128xi32, #tpu.memory_space<vmem>>
      %dma_start3A_219 = arith.constant 0 : i32
      %dma_start3A_220 = tpu.memref_slice %arg36[%dma_start3A_219] : memref<50176xf32, #tpu.memory_space<vmem_shared>> -> memref<50176xf32, #tpu.memory_space<vmem_shared>>
      tpu.enqueue_indirect_dma source(%dma_start3A_215 : memref<128xf32, #tpu.memory_space<vmem>>) target(%dma_start3A_220 : memref<50176xf32, #tpu.memory_space<vmem_shared>>) offsets(%dma_start3A_218 : memref<128xi32, #tpu.memory_space<vmem>>) semaphore(%arg38 : memref<!tpu.dma_semaphore, #tpu.memory_space<semaphore_mem>>) {add = true}
      %dma_start3A_221 = arith.constant 1 : i32
      %dma_start3A_222 = arith.constant 128 : i32
      %dma_start3A_223 = tpu.memref_slice %arg25[%dma_start3A_222] : memref<1024xf32, #tpu.memory_space<vmem>> -> memref<128xf32, #tpu.memory_space<vmem>>
      %dma_start3A_224 = arith.constant 0 : i32
      %dma_start3A_225 = tpu.memref_slice %arg17[%dma_start3A_221, %dma_start3A_224] : memref<8x128xi32, #tpu.memory_space<vmem>> -> memref<1x128xi32, #tpu.memory_space<vmem>>
      %dma_start3A_226 = tpu.memref_squeeze %dma_start3A_225 : memref<1x128xi32, #tpu.memory_space<vmem>> -> memref<128xi32, #tpu.memory_space<vmem>>
      %dma_start3A_227 = arith.constant 0 : i32
      %dma_start3A_228 = tpu.memref_slice %arg34[%dma_start3A_227] : memref<50176xf32, #tpu.memory_space<vmem_shared>> -> memref<50176xf32, #tpu.memory_space<vmem_shared>>
      tpu.enqueue_indirect_dma source(%dma_start3A_223 : memref<128xf32, #tpu.memory_space<vmem>>) target(%dma_start3A_228 : memref<50176xf32, #tpu.memory_space<vmem_shared>>) offsets(%dma_start3A_226 : memref<128xi32, #tpu.memory_space<vmem>>) semaphore(%arg38 : memref<!tpu.dma_semaphore, #tpu.memory_space<semaphore_mem>>) {add = true}
      %dma_start3A_229 = arith.constant 1 : i32
      %dma_start3A_230 = arith.constant 128 : i32
      %dma_start3A_231 = tpu.memref_slice %arg26[%dma_start3A_230] : memref<1024xf32, #tpu.memory_space<vmem>> -> memref<128xf32, #tpu.memory_space<vmem>>
      %dma_start3A_232 = arith.constant 0 : i32
      %dma_start3A_233 = tpu.memref_slice %arg17[%dma_start3A_229, %dma_start3A_232] : memref<8x128xi32, #tpu.memory_space<vmem>> -> memref<1x128xi32, #tpu.memory_space<vmem>>
      %dma_start3A_234 = tpu.memref_squeeze %dma_start3A_233 : memref<1x128xi32, #tpu.memory_space<vmem>> -> memref<128xi32, #tpu.memory_space<vmem>>
      %dma_start3A_235 = arith.constant 0 : i32
      %dma_start3A_236 = tpu.memref_slice %arg35[%dma_start3A_235] : memref<50176xf32, #tpu.memory_space<vmem_shared>> -> memref<50176xf32, #tpu.memory_space<vmem_shared>>
      tpu.enqueue_indirect_dma source(%dma_start3A_231 : memref<128xf32, #tpu.memory_space<vmem>>) target(%dma_start3A_236 : memref<50176xf32, #tpu.memory_space<vmem_shared>>) offsets(%dma_start3A_234 : memref<128xi32, #tpu.memory_space<vmem>>) semaphore(%arg38 : memref<!tpu.dma_semaphore, #tpu.memory_space<semaphore_mem>>) {add = true}
      %dma_start3A_237 = arith.constant 1 : i32
      %dma_start3A_238 = arith.constant 128 : i32
      %dma_start3A_239 = tpu.memref_slice %arg27[%dma_start3A_238] : memref<1024xf32, #tpu.memory_space<vmem>> -> memref<128xf32, #tpu.memory_space<vmem>>
      %dma_start3A_240 = arith.constant 0 : i32
      %dma_start3A_241 = tpu.memref_slice %arg17[%dma_start3A_237, %dma_start3A_240] : memref<8x128xi32, #tpu.memory_space<vmem>> -> memref<1x128xi32, #tpu.memory_space<vmem>>
      %dma_start3A_242 = tpu.memref_squeeze %dma_start3A_241 : memref<1x128xi32, #tpu.memory_space<vmem>> -> memref<128xi32, #tpu.memory_space<vmem>>
      %dma_start3A_243 = arith.constant 0 : i32
      %dma_start3A_244 = tpu.memref_slice %arg36[%dma_start3A_243] : memref<50176xf32, #tpu.memory_space<vmem_shared>> -> memref<50176xf32, #tpu.memory_space<vmem_shared>>
      tpu.enqueue_indirect_dma source(%dma_start3A_239 : memref<128xf32, #tpu.memory_space<vmem>>) target(%dma_start3A_244 : memref<50176xf32, #tpu.memory_space<vmem_shared>>) offsets(%dma_start3A_242 : memref<128xi32, #tpu.memory_space<vmem>>) semaphore(%arg38 : memref<!tpu.dma_semaphore, #tpu.memory_space<semaphore_mem>>) {add = true}
      %dma_start3A_245 = arith.constant 1 : i32
      %dma_start3A_246 = arith.constant 128 : i32
      %dma_start3A_247 = tpu.memref_slice %arg28[%dma_start3A_246] : memref<1024xf32, #tpu.memory_space<vmem>> -> memref<128xf32, #tpu.memory_space<vmem>>
      %dma_start3A_248 = arith.constant 0 : i32
      %dma_start3A_249 = tpu.memref_slice %arg18[%dma_start3A_245, %dma_start3A_248] : memref<8x128xi32, #tpu.memory_space<vmem>> -> memref<1x128xi32, #tpu.memory_space<vmem>>
      %dma_start3A_250 = tpu.memref_squeeze %dma_start3A_249 : memref<1x128xi32, #tpu.memory_space<vmem>> -> memref<128xi32, #tpu.memory_space<vmem>>
      %dma_start3A_251 = arith.constant 0 : i32
      %dma_start3A_252 = tpu.memref_slice %arg34[%dma_start3A_251] : memref<50176xf32, #tpu.memory_space<vmem_shared>> -> memref<50176xf32, #tpu.memory_space<vmem_shared>>
      tpu.enqueue_indirect_dma source(%dma_start3A_247 : memref<128xf32, #tpu.memory_space<vmem>>) target(%dma_start3A_252 : memref<50176xf32, #tpu.memory_space<vmem_shared>>) offsets(%dma_start3A_250 : memref<128xi32, #tpu.memory_space<vmem>>) semaphore(%arg38 : memref<!tpu.dma_semaphore, #tpu.memory_space<semaphore_mem>>) {add = true}
      %dma_start3A_253 = arith.constant 1 : i32
      %dma_start3A_254 = arith.constant 128 : i32
      %dma_start3A_255 = tpu.memref_slice %arg29[%dma_start3A_254] : memref<1024xf32, #tpu.memory_space<vmem>> -> memref<128xf32, #tpu.memory_space<vmem>>
      %dma_start3A_256 = arith.constant 0 : i32
      %dma_start3A_257 = tpu.memref_slice %arg18[%dma_start3A_253, %dma_start3A_256] : memref<8x128xi32, #tpu.memory_space<vmem>> -> memref<1x128xi32, #tpu.memory_space<vmem>>
      %dma_start3A_258 = tpu.memref_squeeze %dma_start3A_257 : memref<1x128xi32, #tpu.memory_space<vmem>> -> memref<128xi32, #tpu.memory_space<vmem>>
      %dma_start3A_259 = arith.constant 0 : i32
      %dma_start3A_260 = tpu.memref_slice %arg35[%dma_start3A_259] : memref<50176xf32, #tpu.memory_space<vmem_shared>> -> memref<50176xf32, #tpu.memory_space<vmem_shared>>
      tpu.enqueue_indirect_dma source(%dma_start3A_255 : memref<128xf32, #tpu.memory_space<vmem>>) target(%dma_start3A_260 : memref<50176xf32, #tpu.memory_space<vmem_shared>>) offsets(%dma_start3A_258 : memref<128xi32, #tpu.memory_space<vmem>>) semaphore(%arg38 : memref<!tpu.dma_semaphore, #tpu.memory_space<semaphore_mem>>) {add = true}
      %dma_start3A_261 = arith.constant 1 : i32
      %dma_start3A_262 = arith.constant 128 : i32
      %dma_start3A_263 = tpu.memref_slice %arg30[%dma_start3A_262] : memref<1024xf32, #tpu.memory_space<vmem>> -> memref<128xf32, #tpu.memory_space<vmem>>
      %dma_start3A_264 = arith.constant 0 : i32
      %dma_start3A_265 = tpu.memref_slice %arg18[%dma_start3A_261, %dma_start3A_264] : memref<8x128xi32, #tpu.memory_space<vmem>> -> memref<1x128xi32, #tpu.memory_space<vmem>>
      %dma_start3A_266 = tpu.memref_squeeze %dma_start3A_265 : memref<1x128xi32, #tpu.memory_space<vmem>> -> memref<128xi32, #tpu.memory_space<vmem>>
      %dma_start3A_267 = arith.constant 0 : i32
      %dma_start3A_268 = tpu.memref_slice %arg36[%dma_start3A_267] : memref<50176xf32, #tpu.memory_space<vmem_shared>> -> memref<50176xf32, #tpu.memory_space<vmem_shared>>
      tpu.enqueue_indirect_dma source(%dma_start3A_263 : memref<128xf32, #tpu.memory_space<vmem>>) target(%dma_start3A_268 : memref<50176xf32, #tpu.memory_space<vmem_shared>>) offsets(%dma_start3A_266 : memref<128xi32, #tpu.memory_space<vmem>>) semaphore(%arg38 : memref<!tpu.dma_semaphore, #tpu.memory_space<semaphore_mem>>) {add = true}
      %dma_start3A_269 = arith.constant 2 : i32
      %dma_start3A_270 = arith.constant 256 : i32
      %dma_start3A_271 = tpu.memref_slice %arg25[%dma_start3A_270] : memref<1024xf32, #tpu.memory_space<vmem>> -> memref<128xf32, #tpu.memory_space<vmem>>
      %dma_start3A_272 = arith.constant 0 : i32
      %dma_start3A_273 = tpu.memref_slice %arg17[%dma_start3A_269, %dma_start3A_272] : memref<8x128xi32, #tpu.memory_space<vmem>> -> memref<1x128xi32, #tpu.memory_space<vmem>>
      %dma_start3A_274 = tpu.memref_squeeze %dma_start3A_273 : memref<1x128xi32, #tpu.memory_space<vmem>> -> memref<128xi32, #tpu.memory_space<vmem>>
      %dma_start3A_275 = arith.constant 0 : i32
      %dma_start3A_276 = tpu.memref_slice %arg34[%dma_start3A_275] : memref<50176xf32, #tpu.memory_space<vmem_shared>> -> memref<50176xf32, #tpu.memory_space<vmem_shared>>
      tpu.enqueue_indirect_dma source(%dma_start3A_271 : memref<128xf32, #tpu.memory_space<vmem>>) target(%dma_start3A_276 : memref<50176xf32, #tpu.memory_space<vmem_shared>>) offsets(%dma_start3A_274 : memref<128xi32, #tpu.memory_space<vmem>>) semaphore(%arg38 : memref<!tpu.dma_semaphore, #tpu.memory_space<semaphore_mem>>) {add = true}
      %dma_start3A_277 = arith.constant 2 : i32
      %dma_start3A_278 = arith.constant 256 : i32
      %dma_start3A_279 = tpu.memref_slice %arg26[%dma_start3A_278] : memref<1024xf32, #tpu.memory_space<vmem>> -> memref<128xf32, #tpu.memory_space<vmem>>
      %dma_start3A_280 = arith.constant 0 : i32
      %dma_start3A_281 = tpu.memref_slice %arg17[%dma_start3A_277, %dma_start3A_280] : memref<8x128xi32, #tpu.memory_space<vmem>> -> memref<1x128xi32, #tpu.memory_space<vmem>>
      %dma_start3A_282 = tpu.memref_squeeze %dma_start3A_281 : memref<1x128xi32, #tpu.memory_space<vmem>> -> memref<128xi32, #tpu.memory_space<vmem>>
      %dma_start3A_283 = arith.constant 0 : i32
      %dma_start3A_284 = tpu.memref_slice %arg35[%dma_start3A_283] : memref<50176xf32, #tpu.memory_space<vmem_shared>> -> memref<50176xf32, #tpu.memory_space<vmem_shared>>
      tpu.enqueue_indirect_dma source(%dma_start3A_279 : memref<128xf32, #tpu.memory_space<vmem>>) target(%dma_start3A_284 : memref<50176xf32, #tpu.memory_space<vmem_shared>>) offsets(%dma_start3A_282 : memref<128xi32, #tpu.memory_space<vmem>>) semaphore(%arg38 : memref<!tpu.dma_semaphore, #tpu.memory_space<semaphore_mem>>) {add = true}
      %dma_start3A_285 = arith.constant 2 : i32
      %dma_start3A_286 = arith.constant 256 : i32
      %dma_start3A_287 = tpu.memref_slice %arg27[%dma_start3A_286] : memref<1024xf32, #tpu.memory_space<vmem>> -> memref<128xf32, #tpu.memory_space<vmem>>
      %dma_start3A_288 = arith.constant 0 : i32
      %dma_start3A_289 = tpu.memref_slice %arg17[%dma_start3A_285, %dma_start3A_288] : memref<8x128xi32, #tpu.memory_space<vmem>> -> memref<1x128xi32, #tpu.memory_space<vmem>>
      %dma_start3A_290 = tpu.memref_squeeze %dma_start3A_289 : memref<1x128xi32, #tpu.memory_space<vmem>> -> memref<128xi32, #tpu.memory_space<vmem>>
      %dma_start3A_291 = arith.constant 0 : i32
      %dma_start3A_292 = tpu.memref_slice %arg36[%dma_start3A_291] : memref<50176xf32, #tpu.memory_space<vmem_shared>> -> memref<50176xf32, #tpu.memory_space<vmem_shared>>
      tpu.enqueue_indirect_dma source(%dma_start3A_287 : memref<128xf32, #tpu.memory_space<vmem>>) target(%dma_start3A_292 : memref<50176xf32, #tpu.memory_space<vmem_shared>>) offsets(%dma_start3A_290 : memref<128xi32, #tpu.memory_space<vmem>>) semaphore(%arg38 : memref<!tpu.dma_semaphore, #tpu.memory_space<semaphore_mem>>) {add = true}
      %dma_start3A_293 = arith.constant 2 : i32
      %dma_start3A_294 = arith.constant 256 : i32
      %dma_start3A_295 = tpu.memref_slice %arg28[%dma_start3A_294] : memref<1024xf32, #tpu.memory_space<vmem>> -> memref<128xf32, #tpu.memory_space<vmem>>
      %dma_start3A_296 = arith.constant 0 : i32
      %dma_start3A_297 = tpu.memref_slice %arg18[%dma_start3A_293, %dma_start3A_296] : memref<8x128xi32, #tpu.memory_space<vmem>> -> memref<1x128xi32, #tpu.memory_space<vmem>>
      %dma_start3A_298 = tpu.memref_squeeze %dma_start3A_297 : memref<1x128xi32, #tpu.memory_space<vmem>> -> memref<128xi32, #tpu.memory_space<vmem>>
      %dma_start3A_299 = arith.constant 0 : i32
      %dma_start3A_300 = tpu.memref_slice %arg34[%dma_start3A_299] : memref<50176xf32, #tpu.memory_space<vmem_shared>> -> memref<50176xf32, #tpu.memory_space<vmem_shared>>
      tpu.enqueue_indirect_dma source(%dma_start3A_295 : memref<128xf32, #tpu.memory_space<vmem>>) target(%dma_start3A_300 : memref<50176xf32, #tpu.memory_space<vmem_shared>>) offsets(%dma_start3A_298 : memref<128xi32, #tpu.memory_space<vmem>>) semaphore(%arg38 : memref<!tpu.dma_semaphore, #tpu.memory_space<semaphore_mem>>) {add = true}
      %dma_start3A_301 = arith.constant 2 : i32
      %dma_start3A_302 = arith.constant 256 : i32
      %dma_start3A_303 = tpu.memref_slice %arg29[%dma_start3A_302] : memref<1024xf32, #tpu.memory_space<vmem>> -> memref<128xf32, #tpu.memory_space<vmem>>
      %dma_start3A_304 = arith.constant 0 : i32
      %dma_start3A_305 = tpu.memref_slice %arg18[%dma_start3A_301, %dma_start3A_304] : memref<8x128xi32, #tpu.memory_space<vmem>> -> memref<1x128xi32, #tpu.memory_space<vmem>>
      %dma_start3A_306 = tpu.memref_squeeze %dma_start3A_305 : memref<1x128xi32, #tpu.memory_space<vmem>> -> memref<128xi32, #tpu.memory_space<vmem>>
      %dma_start3A_307 = arith.constant 0 : i32
      %dma_start3A_308 = tpu.memref_slice %arg35[%dma_start3A_307] : memref<50176xf32, #tpu.memory_space<vmem_shared>> -> memref<50176xf32, #tpu.memory_space<vmem_shared>>
      tpu.enqueue_indirect_dma source(%dma_start3A_303 : memref<128xf32, #tpu.memory_space<vmem>>) target(%dma_start3A_308 : memref<50176xf32, #tpu.memory_space<vmem_shared>>) offsets(%dma_start3A_306 : memref<128xi32, #tpu.memory_space<vmem>>) semaphore(%arg38 : memref<!tpu.dma_semaphore, #tpu.memory_space<semaphore_mem>>) {add = true}
      %dma_start3A_309 = arith.constant 2 : i32
      %dma_start3A_310 = arith.constant 256 : i32
      %dma_start3A_311 = tpu.memref_slice %arg30[%dma_start3A_310] : memref<1024xf32, #tpu.memory_space<vmem>> -> memref<128xf32, #tpu.memory_space<vmem>>
      %dma_start3A_312 = arith.constant 0 : i32
      %dma_start3A_313 = tpu.memref_slice %arg18[%dma_start3A_309, %dma_start3A_312] : memref<8x128xi32, #tpu.memory_space<vmem>> -> memref<1x128xi32, #tpu.memory_space<vmem>>
      %dma_start3A_314 = tpu.memref_squeeze %dma_start3A_313 : memref<1x128xi32, #tpu.memory_space<vmem>> -> memref<128xi32, #tpu.memory_space<vmem>>
      %dma_start3A_315 = arith.constant 0 : i32
      %dma_start3A_316 = tpu.memref_slice %arg36[%dma_start3A_315] : memref<50176xf32, #tpu.memory_space<vmem_shared>> -> memref<50176xf32, #tpu.memory_space<vmem_shared>>
      tpu.enqueue_indirect_dma source(%dma_start3A_311 : memref<128xf32, #tpu.memory_space<vmem>>) target(%dma_start3A_316 : memref<50176xf32, #tpu.memory_space<vmem_shared>>) offsets(%dma_start3A_314 : memref<128xi32, #tpu.memory_space<vmem>>) semaphore(%arg38 : memref<!tpu.dma_semaphore, #tpu.memory_space<semaphore_mem>>) {add = true}
      %dma_start3A_317 = arith.constant 3 : i32
      %dma_start3A_318 = arith.constant 384 : i32
      %dma_start3A_319 = tpu.memref_slice %arg25[%dma_start3A_318] : memref<1024xf32, #tpu.memory_space<vmem>> -> memref<128xf32, #tpu.memory_space<vmem>>
      %dma_start3A_320 = arith.constant 0 : i32
      %dma_start3A_321 = tpu.memref_slice %arg17[%dma_start3A_317, %dma_start3A_320] : memref<8x128xi32, #tpu.memory_space<vmem>> -> memref<1x128xi32, #tpu.memory_space<vmem>>
      %dma_start3A_322 = tpu.memref_squeeze %dma_start3A_321 : memref<1x128xi32, #tpu.memory_space<vmem>> -> memref<128xi32, #tpu.memory_space<vmem>>
      %dma_start3A_323 = arith.constant 0 : i32
      %dma_start3A_324 = tpu.memref_slice %arg34[%dma_start3A_323] : memref<50176xf32, #tpu.memory_space<vmem_shared>> -> memref<50176xf32, #tpu.memory_space<vmem_shared>>
      tpu.enqueue_indirect_dma source(%dma_start3A_319 : memref<128xf32, #tpu.memory_space<vmem>>) target(%dma_start3A_324 : memref<50176xf32, #tpu.memory_space<vmem_shared>>) offsets(%dma_start3A_322 : memref<128xi32, #tpu.memory_space<vmem>>) semaphore(%arg38 : memref<!tpu.dma_semaphore, #tpu.memory_space<semaphore_mem>>) {add = true}
      %dma_start3A_325 = arith.constant 3 : i32
      %dma_start3A_326 = arith.constant 384 : i32
      %dma_start3A_327 = tpu.memref_slice %arg26[%dma_start3A_326] : memref<1024xf32, #tpu.memory_space<vmem>> -> memref<128xf32, #tpu.memory_space<vmem>>
      %dma_start3A_328 = arith.constant 0 : i32
      %dma_start3A_329 = tpu.memref_slice %arg17[%dma_start3A_325, %dma_start3A_328] : memref<8x128xi32, #tpu.memory_space<vmem>> -> memref<1x128xi32, #tpu.memory_space<vmem>>
      %dma_start3A_330 = tpu.memref_squeeze %dma_start3A_329 : memref<1x128xi32, #tpu.memory_space<vmem>> -> memref<128xi32, #tpu.memory_space<vmem>>
      %dma_start3A_331 = arith.constant 0 : i32
      %dma_start3A_332 = tpu.memref_slice %arg35[%dma_start3A_331] : memref<50176xf32, #tpu.memory_space<vmem_shared>> -> memref<50176xf32, #tpu.memory_space<vmem_shared>>
      tpu.enqueue_indirect_dma source(%dma_start3A_327 : memref<128xf32, #tpu.memory_space<vmem>>) target(%dma_start3A_332 : memref<50176xf32, #tpu.memory_space<vmem_shared>>) offsets(%dma_start3A_330 : memref<128xi32, #tpu.memory_space<vmem>>) semaphore(%arg38 : memref<!tpu.dma_semaphore, #tpu.memory_space<semaphore_mem>>) {add = true}
      %dma_start3A_333 = arith.constant 3 : i32
      %dma_start3A_334 = arith.constant 384 : i32
      %dma_start3A_335 = tpu.memref_slice %arg27[%dma_start3A_334] : memref<1024xf32, #tpu.memory_space<vmem>> -> memref<128xf32, #tpu.memory_space<vmem>>
      %dma_start3A_336 = arith.constant 0 : i32
      %dma_start3A_337 = tpu.memref_slice %arg17[%dma_start3A_333, %dma_start3A_336] : memref<8x128xi32, #tpu.memory_space<vmem>> -> memref<1x128xi32, #tpu.memory_space<vmem>>
      %dma_start3A_338 = tpu.memref_squeeze %dma_start3A_337 : memref<1x128xi32, #tpu.memory_space<vmem>> -> memref<128xi32, #tpu.memory_space<vmem>>
      %dma_start3A_339 = arith.constant 0 : i32
      %dma_start3A_340 = tpu.memref_slice %arg36[%dma_start3A_339] : memref<50176xf32, #tpu.memory_space<vmem_shared>> -> memref<50176xf32, #tpu.memory_space<vmem_shared>>
      tpu.enqueue_indirect_dma source(%dma_start3A_335 : memref<128xf32, #tpu.memory_space<vmem>>) target(%dma_start3A_340 : memref<50176xf32, #tpu.memory_space<vmem_shared>>) offsets(%dma_start3A_338 : memref<128xi32, #tpu.memory_space<vmem>>) semaphore(%arg38 : memref<!tpu.dma_semaphore, #tpu.memory_space<semaphore_mem>>) {add = true}
      %dma_start3A_341 = arith.constant 3 : i32
      %dma_start3A_342 = arith.constant 384 : i32
      %dma_start3A_343 = tpu.memref_slice %arg28[%dma_start3A_342] : memref<1024xf32, #tpu.memory_space<vmem>> -> memref<128xf32, #tpu.memory_space<vmem>>
      %dma_start3A_344 = arith.constant 0 : i32
      %dma_start3A_345 = tpu.memref_slice %arg18[%dma_start3A_341, %dma_start3A_344] : memref<8x128xi32, #tpu.memory_space<vmem>> -> memref<1x128xi32, #tpu.memory_space<vmem>>
      %dma_start3A_346 = tpu.memref_squeeze %dma_start3A_345 : memref<1x128xi32, #tpu.memory_space<vmem>> -> memref<128xi32, #tpu.memory_space<vmem>>
      %dma_start3A_347 = arith.constant 0 : i32
      %dma_start3A_348 = tpu.memref_slice %arg34[%dma_start3A_347] : memref<50176xf32, #tpu.memory_space<vmem_shared>> -> memref<50176xf32, #tpu.memory_space<vmem_shared>>
      tpu.enqueue_indirect_dma source(%dma_start3A_343 : memref<128xf32, #tpu.memory_space<vmem>>) target(%dma_start3A_348 : memref<50176xf32, #tpu.memory_space<vmem_shared>>) offsets(%dma_start3A_346 : memref<128xi32, #tpu.memory_space<vmem>>) semaphore(%arg38 : memref<!tpu.dma_semaphore, #tpu.memory_space<semaphore_mem>>) {add = true}
      %dma_start3A_349 = arith.constant 3 : i32
      %dma_start3A_350 = arith.constant 384 : i32
      %dma_start3A_351 = tpu.memref_slice %arg29[%dma_start3A_350] : memref<1024xf32, #tpu.memory_space<vmem>> -> memref<128xf32, #tpu.memory_space<vmem>>
      %dma_start3A_352 = arith.constant 0 : i32
      %dma_start3A_353 = tpu.memref_slice %arg18[%dma_start3A_349, %dma_start3A_352] : memref<8x128xi32, #tpu.memory_space<vmem>> -> memref<1x128xi32, #tpu.memory_space<vmem>>
      %dma_start3A_354 = tpu.memref_squeeze %dma_start3A_353 : memref<1x128xi32, #tpu.memory_space<vmem>> -> memref<128xi32, #tpu.memory_space<vmem>>
      %dma_start3A_355 = arith.constant 0 : i32
      %dma_start3A_356 = tpu.memref_slice %arg35[%dma_start3A_355] : memref<50176xf32, #tpu.memory_space<vmem_shared>> -> memref<50176xf32, #tpu.memory_space<vmem_shared>>
      tpu.enqueue_indirect_dma source(%dma_start3A_351 : memref<128xf32, #tpu.memory_space<vmem>>) target(%dma_start3A_356 : memref<50176xf32, #tpu.memory_space<vmem_shared>>) offsets(%dma_start3A_354 : memref<128xi32, #tpu.memory_space<vmem>>) semaphore(%arg38 : memref<!tpu.dma_semaphore, #tpu.memory_space<semaphore_mem>>) {add = true}
      %dma_start3A_357 = arith.constant 3 : i32
      %dma_start3A_358 = arith.constant 384 : i32
      %dma_start3A_359 = tpu.memref_slice %arg30[%dma_start3A_358] : memref<1024xf32, #tpu.memory_space<vmem>> -> memref<128xf32, #tpu.memory_space<vmem>>
      %dma_start3A_360 = arith.constant 0 : i32
      %dma_start3A_361 = tpu.memref_slice %arg18[%dma_start3A_357, %dma_start3A_360] : memref<8x128xi32, #tpu.memory_space<vmem>> -> memref<1x128xi32, #tpu.memory_space<vmem>>
      %dma_start3A_362 = tpu.memref_squeeze %dma_start3A_361 : memref<1x128xi32, #tpu.memory_space<vmem>> -> memref<128xi32, #tpu.memory_space<vmem>>
      %dma_start3A_363 = arith.constant 0 : i32
      %dma_start3A_364 = tpu.memref_slice %arg36[%dma_start3A_363] : memref<50176xf32, #tpu.memory_space<vmem_shared>> -> memref<50176xf32, #tpu.memory_space<vmem_shared>>
      tpu.enqueue_indirect_dma source(%dma_start3A_359 : memref<128xf32, #tpu.memory_space<vmem>>) target(%dma_start3A_364 : memref<50176xf32, #tpu.memory_space<vmem_shared>>) offsets(%dma_start3A_362 : memref<128xi32, #tpu.memory_space<vmem>>) semaphore(%arg38 : memref<!tpu.dma_semaphore, #tpu.memory_space<semaphore_mem>>) {add = true}
      %dma_start3A_365 = arith.constant 4 : i32
      %dma_start3A_366 = arith.constant 512 : i32
      %dma_start3A_367 = tpu.memref_slice %arg25[%dma_start3A_366] : memref<1024xf32, #tpu.memory_space<vmem>> -> memref<128xf32, #tpu.memory_space<vmem>>
      %dma_start3A_368 = arith.constant 0 : i32
      %dma_start3A_369 = tpu.memref_slice %arg17[%dma_start3A_365, %dma_start3A_368] : memref<8x128xi32, #tpu.memory_space<vmem>> -> memref<1x128xi32, #tpu.memory_space<vmem>>
      %dma_start3A_370 = tpu.memref_squeeze %dma_start3A_369 : memref<1x128xi32, #tpu.memory_space<vmem>> -> memref<128xi32, #tpu.memory_space<vmem>>
      %dma_start3A_371 = arith.constant 0 : i32
      %dma_start3A_372 = tpu.memref_slice %arg34[%dma_start3A_371] : memref<50176xf32, #tpu.memory_space<vmem_shared>> -> memref<50176xf32, #tpu.memory_space<vmem_shared>>
      tpu.enqueue_indirect_dma source(%dma_start3A_367 : memref<128xf32, #tpu.memory_space<vmem>>) target(%dma_start3A_372 : memref<50176xf32, #tpu.memory_space<vmem_shared>>) offsets(%dma_start3A_370 : memref<128xi32, #tpu.memory_space<vmem>>) semaphore(%arg38 : memref<!tpu.dma_semaphore, #tpu.memory_space<semaphore_mem>>) {add = true}
      %dma_start3A_373 = arith.constant 4 : i32
      %dma_start3A_374 = arith.constant 512 : i32
      %dma_start3A_375 = tpu.memref_slice %arg26[%dma_start3A_374] : memref<1024xf32, #tpu.memory_space<vmem>> -> memref<128xf32, #tpu.memory_space<vmem>>
      %dma_start3A_376 = arith.constant 0 : i32
      %dma_start3A_377 = tpu.memref_slice %arg17[%dma_start3A_373, %dma_start3A_376] : memref<8x128xi32, #tpu.memory_space<vmem>> -> memref<1x128xi32, #tpu.memory_space<vmem>>
      %dma_start3A_378 = tpu.memref_squeeze %dma_start3A_377 : memref<1x128xi32, #tpu.memory_space<vmem>> -> memref<128xi32, #tpu.memory_space<vmem>>
      %dma_start3A_379 = arith.constant 0 : i32
      %dma_start3A_380 = tpu.memref_slice %arg35[%dma_start3A_379] : memref<50176xf32, #tpu.memory_space<vmem_shared>> -> memref<50176xf32, #tpu.memory_space<vmem_shared>>
      tpu.enqueue_indirect_dma source(%dma_start3A_375 : memref<128xf32, #tpu.memory_space<vmem>>) target(%dma_start3A_380 : memref<50176xf32, #tpu.memory_space<vmem_shared>>) offsets(%dma_start3A_378 : memref<128xi32, #tpu.memory_space<vmem>>) semaphore(%arg38 : memref<!tpu.dma_semaphore, #tpu.memory_space<semaphore_mem>>) {add = true}
      %dma_start3A_381 = arith.constant 4 : i32
      %dma_start3A_382 = arith.constant 512 : i32
      %dma_start3A_383 = tpu.memref_slice %arg27[%dma_start3A_382] : memref<1024xf32, #tpu.memory_space<vmem>> -> memref<128xf32, #tpu.memory_space<vmem>>
      %dma_start3A_384 = arith.constant 0 : i32
      %dma_start3A_385 = tpu.memref_slice %arg17[%dma_start3A_381, %dma_start3A_384] : memref<8x128xi32, #tpu.memory_space<vmem>> -> memref<1x128xi32, #tpu.memory_space<vmem>>
      %dma_start3A_386 = tpu.memref_squeeze %dma_start3A_385 : memref<1x128xi32, #tpu.memory_space<vmem>> -> memref<128xi32, #tpu.memory_space<vmem>>
      %dma_start3A_387 = arith.constant 0 : i32
      %dma_start3A_388 = tpu.memref_slice %arg36[%dma_start3A_387] : memref<50176xf32, #tpu.memory_space<vmem_shared>> -> memref<50176xf32, #tpu.memory_space<vmem_shared>>
      tpu.enqueue_indirect_dma source(%dma_start3A_383 : memref<128xf32, #tpu.memory_space<vmem>>) target(%dma_start3A_388 : memref<50176xf32, #tpu.memory_space<vmem_shared>>) offsets(%dma_start3A_386 : memref<128xi32, #tpu.memory_space<vmem>>) semaphore(%arg38 : memref<!tpu.dma_semaphore, #tpu.memory_space<semaphore_mem>>) {add = true}
      %dma_start3A_389 = arith.constant 4 : i32
      %dma_start3A_390 = arith.constant 512 : i32
      %dma_start3A_391 = tpu.memref_slice %arg28[%dma_start3A_390] : memref<1024xf32, #tpu.memory_space<vmem>> -> memref<128xf32, #tpu.memory_space<vmem>>
      %dma_start3A_392 = arith.constant 0 : i32
      %dma_start3A_393 = tpu.memref_slice %arg18[%dma_start3A_389, %dma_start3A_392] : memref<8x128xi32, #tpu.memory_space<vmem>> -> memref<1x128xi32, #tpu.memory_space<vmem>>
      %dma_start3A_394 = tpu.memref_squeeze %dma_start3A_393 : memref<1x128xi32, #tpu.memory_space<vmem>> -> memref<128xi32, #tpu.memory_space<vmem>>
      %dma_start3A_395 = arith.constant 0 : i32
      %dma_start3A_396 = tpu.memref_slice %arg34[%dma_start3A_395] : memref<50176xf32, #tpu.memory_space<vmem_shared>> -> memref<50176xf32, #tpu.memory_space<vmem_shared>>
      tpu.enqueue_indirect_dma source(%dma_start3A_391 : memref<128xf32, #tpu.memory_space<vmem>>) target(%dma_start3A_396 : memref<50176xf32, #tpu.memory_space<vmem_shared>>) offsets(%dma_start3A_394 : memref<128xi32, #tpu.memory_space<vmem>>) semaphore(%arg38 : memref<!tpu.dma_semaphore, #tpu.memory_space<semaphore_mem>>) {add = true}
      %dma_start3A_397 = arith.constant 4 : i32
      %dma_start3A_398 = arith.constant 512 : i32
      %dma_start3A_399 = tpu.memref_slice %arg29[%dma_start3A_398] : memref<1024xf32, #tpu.memory_space<vmem>> -> memref<128xf32, #tpu.memory_space<vmem>>
      %dma_start3A_400 = arith.constant 0 : i32
      %dma_start3A_401 = tpu.memref_slice %arg18[%dma_start3A_397, %dma_start3A_400] : memref<8x128xi32, #tpu.memory_space<vmem>> -> memref<1x128xi32, #tpu.memory_space<vmem>>
      %dma_start3A_402 = tpu.memref_squeeze %dma_start3A_401 : memref<1x128xi32, #tpu.memory_space<vmem>> -> memref<128xi32, #tpu.memory_space<vmem>>
      %dma_start3A_403 = arith.constant 0 : i32
      %dma_start3A_404 = tpu.memref_slice %arg35[%dma_start3A_403] : memref<50176xf32, #tpu.memory_space<vmem_shared>> -> memref<50176xf32, #tpu.memory_space<vmem_shared>>
      tpu.enqueue_indirect_dma source(%dma_start3A_399 : memref<128xf32, #tpu.memory_space<vmem>>) target(%dma_start3A_404 : memref<50176xf32, #tpu.memory_space<vmem_shared>>) offsets(%dma_start3A_402 : memref<128xi32, #tpu.memory_space<vmem>>) semaphore(%arg38 : memref<!tpu.dma_semaphore, #tpu.memory_space<semaphore_mem>>) {add = true}
      %dma_start3A_405 = arith.constant 4 : i32
      %dma_start3A_406 = arith.constant 512 : i32
      %dma_start3A_407 = tpu.memref_slice %arg30[%dma_start3A_406] : memref<1024xf32, #tpu.memory_space<vmem>> -> memref<128xf32, #tpu.memory_space<vmem>>
      %dma_start3A_408 = arith.constant 0 : i32
      %dma_start3A_409 = tpu.memref_slice %arg18[%dma_start3A_405, %dma_start3A_408] : memref<8x128xi32, #tpu.memory_space<vmem>> -> memref<1x128xi32, #tpu.memory_space<vmem>>
      %dma_start3A_410 = tpu.memref_squeeze %dma_start3A_409 : memref<1x128xi32, #tpu.memory_space<vmem>> -> memref<128xi32, #tpu.memory_space<vmem>>
      %dma_start3A_411 = arith.constant 0 : i32
      %dma_start3A_412 = tpu.memref_slice %arg36[%dma_start3A_411] : memref<50176xf32, #tpu.memory_space<vmem_shared>> -> memref<50176xf32, #tpu.memory_space<vmem_shared>>
      tpu.enqueue_indirect_dma source(%dma_start3A_407 : memref<128xf32, #tpu.memory_space<vmem>>) target(%dma_start3A_412 : memref<50176xf32, #tpu.memory_space<vmem_shared>>) offsets(%dma_start3A_410 : memref<128xi32, #tpu.memory_space<vmem>>) semaphore(%arg38 : memref<!tpu.dma_semaphore, #tpu.memory_space<semaphore_mem>>) {add = true}
      %dma_start3A_413 = arith.constant 5 : i32
      %dma_start3A_414 = arith.constant 640 : i32
      %dma_start3A_415 = tpu.memref_slice %arg25[%dma_start3A_414] : memref<1024xf32, #tpu.memory_space<vmem>> -> memref<128xf32, #tpu.memory_space<vmem>>
      %dma_start3A_416 = arith.constant 0 : i32
      %dma_start3A_417 = tpu.memref_slice %arg17[%dma_start3A_413, %dma_start3A_416] : memref<8x128xi32, #tpu.memory_space<vmem>> -> memref<1x128xi32, #tpu.memory_space<vmem>>
      %dma_start3A_418 = tpu.memref_squeeze %dma_start3A_417 : memref<1x128xi32, #tpu.memory_space<vmem>> -> memref<128xi32, #tpu.memory_space<vmem>>
      %dma_start3A_419 = arith.constant 0 : i32
      %dma_start3A_420 = tpu.memref_slice %arg34[%dma_start3A_419] : memref<50176xf32, #tpu.memory_space<vmem_shared>> -> memref<50176xf32, #tpu.memory_space<vmem_shared>>
      tpu.enqueue_indirect_dma source(%dma_start3A_415 : memref<128xf32, #tpu.memory_space<vmem>>) target(%dma_start3A_420 : memref<50176xf32, #tpu.memory_space<vmem_shared>>) offsets(%dma_start3A_418 : memref<128xi32, #tpu.memory_space<vmem>>) semaphore(%arg38 : memref<!tpu.dma_semaphore, #tpu.memory_space<semaphore_mem>>) {add = true}
      %dma_start3A_421 = arith.constant 5 : i32
      %dma_start3A_422 = arith.constant 640 : i32
      %dma_start3A_423 = tpu.memref_slice %arg26[%dma_start3A_422] : memref<1024xf32, #tpu.memory_space<vmem>> -> memref<128xf32, #tpu.memory_space<vmem>>
      %dma_start3A_424 = arith.constant 0 : i32
      %dma_start3A_425 = tpu.memref_slice %arg17[%dma_start3A_421, %dma_start3A_424] : memref<8x128xi32, #tpu.memory_space<vmem>> -> memref<1x128xi32, #tpu.memory_space<vmem>>
      %dma_start3A_426 = tpu.memref_squeeze %dma_start3A_425 : memref<1x128xi32, #tpu.memory_space<vmem>> -> memref<128xi32, #tpu.memory_space<vmem>>
      %dma_start3A_427 = arith.constant 0 : i32
      %dma_start3A_428 = tpu.memref_slice %arg35[%dma_start3A_427] : memref<50176xf32, #tpu.memory_space<vmem_shared>> -> memref<50176xf32, #tpu.memory_space<vmem_shared>>
      tpu.enqueue_indirect_dma source(%dma_start3A_423 : memref<128xf32, #tpu.memory_space<vmem>>) target(%dma_start3A_428 : memref<50176xf32, #tpu.memory_space<vmem_shared>>) offsets(%dma_start3A_426 : memref<128xi32, #tpu.memory_space<vmem>>) semaphore(%arg38 : memref<!tpu.dma_semaphore, #tpu.memory_space<semaphore_mem>>) {add = true}
      %dma_start3A_429 = arith.constant 5 : i32
      %dma_start3A_430 = arith.constant 640 : i32
      %dma_start3A_431 = tpu.memref_slice %arg27[%dma_start3A_430] : memref<1024xf32, #tpu.memory_space<vmem>> -> memref<128xf32, #tpu.memory_space<vmem>>
      %dma_start3A_432 = arith.constant 0 : i32
      %dma_start3A_433 = tpu.memref_slice %arg17[%dma_start3A_429, %dma_start3A_432] : memref<8x128xi32, #tpu.memory_space<vmem>> -> memref<1x128xi32, #tpu.memory_space<vmem>>
      %dma_start3A_434 = tpu.memref_squeeze %dma_start3A_433 : memref<1x128xi32, #tpu.memory_space<vmem>> -> memref<128xi32, #tpu.memory_space<vmem>>
      %dma_start3A_435 = arith.constant 0 : i32
      %dma_start3A_436 = tpu.memref_slice %arg36[%dma_start3A_435] : memref<50176xf32, #tpu.memory_space<vmem_shared>> -> memref<50176xf32, #tpu.memory_space<vmem_shared>>
      tpu.enqueue_indirect_dma source(%dma_start3A_431 : memref<128xf32, #tpu.memory_space<vmem>>) target(%dma_start3A_436 : memref<50176xf32, #tpu.memory_space<vmem_shared>>) offsets(%dma_start3A_434 : memref<128xi32, #tpu.memory_space<vmem>>) semaphore(%arg38 : memref<!tpu.dma_semaphore, #tpu.memory_space<semaphore_mem>>) {add = true}
      %dma_start3A_437 = arith.constant 5 : i32
      %dma_start3A_438 = arith.constant 640 : i32
      %dma_start3A_439 = tpu.memref_slice %arg28[%dma_start3A_438] : memref<1024xf32, #tpu.memory_space<vmem>> -> memref<128xf32, #tpu.memory_space<vmem>>
      %dma_start3A_440 = arith.constant 0 : i32
      %dma_start3A_441 = tpu.memref_slice %arg18[%dma_start3A_437, %dma_start3A_440] : memref<8x128xi32, #tpu.memory_space<vmem>> -> memref<1x128xi32, #tpu.memory_space<vmem>>
      %dma_start3A_442 = tpu.memref_squeeze %dma_start3A_441 : memref<1x128xi32, #tpu.memory_space<vmem>> -> memref<128xi32, #tpu.memory_space<vmem>>
      %dma_start3A_443 = arith.constant 0 : i32
      %dma_start3A_444 = tpu.memref_slice %arg34[%dma_start3A_443] : memref<50176xf32, #tpu.memory_space<vmem_shared>> -> memref<50176xf32, #tpu.memory_space<vmem_shared>>
      tpu.enqueue_indirect_dma source(%dma_start3A_439 : memref<128xf32, #tpu.memory_space<vmem>>) target(%dma_start3A_444 : memref<50176xf32, #tpu.memory_space<vmem_shared>>) offsets(%dma_start3A_442 : memref<128xi32, #tpu.memory_space<vmem>>) semaphore(%arg38 : memref<!tpu.dma_semaphore, #tpu.memory_space<semaphore_mem>>) {add = true}
      %dma_start3A_445 = arith.constant 5 : i32
      %dma_start3A_446 = arith.constant 640 : i32
      %dma_start3A_447 = tpu.memref_slice %arg29[%dma_start3A_446] : memref<1024xf32, #tpu.memory_space<vmem>> -> memref<128xf32, #tpu.memory_space<vmem>>
      %dma_start3A_448 = arith.constant 0 : i32
      %dma_start3A_449 = tpu.memref_slice %arg18[%dma_start3A_445, %dma_start3A_448] : memref<8x128xi32, #tpu.memory_space<vmem>> -> memref<1x128xi32, #tpu.memory_space<vmem>>
      %dma_start3A_450 = tpu.memref_squeeze %dma_start3A_449 : memref<1x128xi32, #tpu.memory_space<vmem>> -> memref<128xi32, #tpu.memory_space<vmem>>
      %dma_start3A_451 = arith.constant 0 : i32
      %dma_start3A_452 = tpu.memref_slice %arg35[%dma_start3A_451] : memref<50176xf32, #tpu.memory_space<vmem_shared>> -> memref<50176xf32, #tpu.memory_space<vmem_shared>>
      tpu.enqueue_indirect_dma source(%dma_start3A_447 : memref<128xf32, #tpu.memory_space<vmem>>) target(%dma_start3A_452 : memref<50176xf32, #tpu.memory_space<vmem_shared>>) offsets(%dma_start3A_450 : memref<128xi32, #tpu.memory_space<vmem>>) semaphore(%arg38 : memref<!tpu.dma_semaphore, #tpu.memory_space<semaphore_mem>>) {add = true}
      %dma_start3A_453 = arith.constant 5 : i32
      %dma_start3A_454 = arith.constant 640 : i32
      %dma_start3A_455 = tpu.memref_slice %arg30[%dma_start3A_454] : memref<1024xf32, #tpu.memory_space<vmem>> -> memref<128xf32, #tpu.memory_space<vmem>>
      %dma_start3A_456 = arith.constant 0 : i32
      %dma_start3A_457 = tpu.memref_slice %arg18[%dma_start3A_453, %dma_start3A_456] : memref<8x128xi32, #tpu.memory_space<vmem>> -> memref<1x128xi32, #tpu.memory_space<vmem>>
      %dma_start3A_458 = tpu.memref_squeeze %dma_start3A_457 : memref<1x128xi32, #tpu.memory_space<vmem>> -> memref<128xi32, #tpu.memory_space<vmem>>
      %dma_start3A_459 = arith.constant 0 : i32
      %dma_start3A_460 = tpu.memref_slice %arg36[%dma_start3A_459] : memref<50176xf32, #tpu.memory_space<vmem_shared>> -> memref<50176xf32, #tpu.memory_space<vmem_shared>>
      tpu.enqueue_indirect_dma source(%dma_start3A_455 : memref<128xf32, #tpu.memory_space<vmem>>) target(%dma_start3A_460 : memref<50176xf32, #tpu.memory_space<vmem_shared>>) offsets(%dma_start3A_458 : memref<128xi32, #tpu.memory_space<vmem>>) semaphore(%arg38 : memref<!tpu.dma_semaphore, #tpu.memory_space<semaphore_mem>>) {add = true}
      %dma_start3A_461 = arith.constant 6 : i32
      %dma_start3A_462 = arith.constant 768 : i32
      %dma_start3A_463 = tpu.memref_slice %arg25[%dma_start3A_462] : memref<1024xf32, #tpu.memory_space<vmem>> -> memref<128xf32, #tpu.memory_space<vmem>>
      %dma_start3A_464 = arith.constant 0 : i32
      %dma_start3A_465 = tpu.memref_slice %arg17[%dma_start3A_461, %dma_start3A_464] : memref<8x128xi32, #tpu.memory_space<vmem>> -> memref<1x128xi32, #tpu.memory_space<vmem>>
      %dma_start3A_466 = tpu.memref_squeeze %dma_start3A_465 : memref<1x128xi32, #tpu.memory_space<vmem>> -> memref<128xi32, #tpu.memory_space<vmem>>
      %dma_start3A_467 = arith.constant 0 : i32
      %dma_start3A_468 = tpu.memref_slice %arg34[%dma_start3A_467] : memref<50176xf32, #tpu.memory_space<vmem_shared>> -> memref<50176xf32, #tpu.memory_space<vmem_shared>>
      tpu.enqueue_indirect_dma source(%dma_start3A_463 : memref<128xf32, #tpu.memory_space<vmem>>) target(%dma_start3A_468 : memref<50176xf32, #tpu.memory_space<vmem_shared>>) offsets(%dma_start3A_466 : memref<128xi32, #tpu.memory_space<vmem>>) semaphore(%arg38 : memref<!tpu.dma_semaphore, #tpu.memory_space<semaphore_mem>>) {add = true}
      %dma_start3A_469 = arith.constant 6 : i32
      %dma_start3A_470 = arith.constant 768 : i32
      %dma_start3A_471 = tpu.memref_slice %arg26[%dma_start3A_470] : memref<1024xf32, #tpu.memory_space<vmem>> -> memref<128xf32, #tpu.memory_space<vmem>>
      %dma_start3A_472 = arith.constant 0 : i32
      %dma_start3A_473 = tpu.memref_slice %arg17[%dma_start3A_469, %dma_start3A_472] : memref<8x128xi32, #tpu.memory_space<vmem>> -> memref<1x128xi32, #tpu.memory_space<vmem>>
      %dma_start3A_474 = tpu.memref_squeeze %dma_start3A_473 : memref<1x128xi32, #tpu.memory_space<vmem>> -> memref<128xi32, #tpu.memory_space<vmem>>
      %dma_start3A_475 = arith.constant 0 : i32
      %dma_start3A_476 = tpu.memref_slice %arg35[%dma_start3A_475] : memref<50176xf32, #tpu.memory_space<vmem_shared>> -> memref<50176xf32, #tpu.memory_space<vmem_shared>>
      tpu.enqueue_indirect_dma source(%dma_start3A_471 : memref<128xf32, #tpu.memory_space<vmem>>) target(%dma_start3A_476 : memref<50176xf32, #tpu.memory_space<vmem_shared>>) offsets(%dma_start3A_474 : memref<128xi32, #tpu.memory_space<vmem>>) semaphore(%arg38 : memref<!tpu.dma_semaphore, #tpu.memory_space<semaphore_mem>>) {add = true}
      %dma_start3A_477 = arith.constant 6 : i32
      %dma_start3A_478 = arith.constant 768 : i32
      %dma_start3A_479 = tpu.memref_slice %arg27[%dma_start3A_478] : memref<1024xf32, #tpu.memory_space<vmem>> -> memref<128xf32, #tpu.memory_space<vmem>>
      %dma_start3A_480 = arith.constant 0 : i32
      %dma_start3A_481 = tpu.memref_slice %arg17[%dma_start3A_477, %dma_start3A_480] : memref<8x128xi32, #tpu.memory_space<vmem>> -> memref<1x128xi32, #tpu.memory_space<vmem>>
      %dma_start3A_482 = tpu.memref_squeeze %dma_start3A_481 : memref<1x128xi32, #tpu.memory_space<vmem>> -> memref<128xi32, #tpu.memory_space<vmem>>
      %dma_start3A_483 = arith.constant 0 : i32
      %dma_start3A_484 = tpu.memref_slice %arg36[%dma_start3A_483] : memref<50176xf32, #tpu.memory_space<vmem_shared>> -> memref<50176xf32, #tpu.memory_space<vmem_shared>>
      tpu.enqueue_indirect_dma source(%dma_start3A_479 : memref<128xf32, #tpu.memory_space<vmem>>) target(%dma_start3A_484 : memref<50176xf32, #tpu.memory_space<vmem_shared>>) offsets(%dma_start3A_482 : memref<128xi32, #tpu.memory_space<vmem>>) semaphore(%arg38 : memref<!tpu.dma_semaphore, #tpu.memory_space<semaphore_mem>>) {add = true}
      %dma_start3A_485 = arith.constant 6 : i32
      %dma_start3A_486 = arith.constant 768 : i32
      %dma_start3A_487 = tpu.memref_slice %arg28[%dma_start3A_486] : memref<1024xf32, #tpu.memory_space<vmem>> -> memref<128xf32, #tpu.memory_space<vmem>>
      %dma_start3A_488 = arith.constant 0 : i32
      %dma_start3A_489 = tpu.memref_slice %arg18[%dma_start3A_485, %dma_start3A_488] : memref<8x128xi32, #tpu.memory_space<vmem>> -> memref<1x128xi32, #tpu.memory_space<vmem>>
      %dma_start3A_490 = tpu.memref_squeeze %dma_start3A_489 : memref<1x128xi32, #tpu.memory_space<vmem>> -> memref<128xi32, #tpu.memory_space<vmem>>
      %dma_start3A_491 = arith.constant 0 : i32
      %dma_start3A_492 = tpu.memref_slice %arg34[%dma_start3A_491] : memref<50176xf32, #tpu.memory_space<vmem_shared>> -> memref<50176xf32, #tpu.memory_space<vmem_shared>>
      tpu.enqueue_indirect_dma source(%dma_start3A_487 : memref<128xf32, #tpu.memory_space<vmem>>) target(%dma_start3A_492 : memref<50176xf32, #tpu.memory_space<vmem_shared>>) offsets(%dma_start3A_490 : memref<128xi32, #tpu.memory_space<vmem>>) semaphore(%arg38 : memref<!tpu.dma_semaphore, #tpu.memory_space<semaphore_mem>>) {add = true}
      %dma_start3A_493 = arith.constant 6 : i32
      %dma_start3A_494 = arith.constant 768 : i32
      %dma_start3A_495 = tpu.memref_slice %arg29[%dma_start3A_494] : memref<1024xf32, #tpu.memory_space<vmem>> -> memref<128xf32, #tpu.memory_space<vmem>>
      %dma_start3A_496 = arith.constant 0 : i32
      %dma_start3A_497 = tpu.memref_slice %arg18[%dma_start3A_493, %dma_start3A_496] : memref<8x128xi32, #tpu.memory_space<vmem>> -> memref<1x128xi32, #tpu.memory_space<vmem>>
      %dma_start3A_498 = tpu.memref_squeeze %dma_start3A_497 : memref<1x128xi32, #tpu.memory_space<vmem>> -> memref<128xi32, #tpu.memory_space<vmem>>
      %dma_start3A_499 = arith.constant 0 : i32
      %dma_start3A_500 = tpu.memref_slice %arg35[%dma_start3A_499] : memref<50176xf32, #tpu.memory_space<vmem_shared>> -> memref<50176xf32, #tpu.memory_space<vmem_shared>>
      tpu.enqueue_indirect_dma source(%dma_start3A_495 : memref<128xf32, #tpu.memory_space<vmem>>) target(%dma_start3A_500 : memref<50176xf32, #tpu.memory_space<vmem_shared>>) offsets(%dma_start3A_498 : memref<128xi32, #tpu.memory_space<vmem>>) semaphore(%arg38 : memref<!tpu.dma_semaphore, #tpu.memory_space<semaphore_mem>>) {add = true}
      %dma_start3A_501 = arith.constant 6 : i32
      %dma_start3A_502 = arith.constant 768 : i32
      %dma_start3A_503 = tpu.memref_slice %arg30[%dma_start3A_502] : memref<1024xf32, #tpu.memory_space<vmem>> -> memref<128xf32, #tpu.memory_space<vmem>>
      %dma_start3A_504 = arith.constant 0 : i32
      %dma_start3A_505 = tpu.memref_slice %arg18[%dma_start3A_501, %dma_start3A_504] : memref<8x128xi32, #tpu.memory_space<vmem>> -> memref<1x128xi32, #tpu.memory_space<vmem>>
      %dma_start3A_506 = tpu.memref_squeeze %dma_start3A_505 : memref<1x128xi32, #tpu.memory_space<vmem>> -> memref<128xi32, #tpu.memory_space<vmem>>
      %dma_start3A_507 = arith.constant 0 : i32
      %dma_start3A_508 = tpu.memref_slice %arg36[%dma_start3A_507] : memref<50176xf32, #tpu.memory_space<vmem_shared>> -> memref<50176xf32, #tpu.memory_space<vmem_shared>>
      tpu.enqueue_indirect_dma source(%dma_start3A_503 : memref<128xf32, #tpu.memory_space<vmem>>) target(%dma_start3A_508 : memref<50176xf32, #tpu.memory_space<vmem_shared>>) offsets(%dma_start3A_506 : memref<128xi32, #tpu.memory_space<vmem>>) semaphore(%arg38 : memref<!tpu.dma_semaphore, #tpu.memory_space<semaphore_mem>>) {add = true}
      %dma_start3A_509 = arith.constant 7 : i32
      %dma_start3A_510 = arith.constant 896 : i32
      %dma_start3A_511 = tpu.memref_slice %arg25[%dma_start3A_510] : memref<1024xf32, #tpu.memory_space<vmem>> -> memref<128xf32, #tpu.memory_space<vmem>>
      %dma_start3A_512 = arith.constant 0 : i32
      %dma_start3A_513 = tpu.memref_slice %arg17[%dma_start3A_509, %dma_start3A_512] : memref<8x128xi32, #tpu.memory_space<vmem>> -> memref<1x128xi32, #tpu.memory_space<vmem>>
      %dma_start3A_514 = tpu.memref_squeeze %dma_start3A_513 : memref<1x128xi32, #tpu.memory_space<vmem>> -> memref<128xi32, #tpu.memory_space<vmem>>
      %dma_start3A_515 = arith.constant 0 : i32
      %dma_start3A_516 = tpu.memref_slice %arg34[%dma_start3A_515] : memref<50176xf32, #tpu.memory_space<vmem_shared>> -> memref<50176xf32, #tpu.memory_space<vmem_shared>>
      tpu.enqueue_indirect_dma source(%dma_start3A_511 : memref<128xf32, #tpu.memory_space<vmem>>) target(%dma_start3A_516 : memref<50176xf32, #tpu.memory_space<vmem_shared>>) offsets(%dma_start3A_514 : memref<128xi32, #tpu.memory_space<vmem>>) semaphore(%arg38 : memref<!tpu.dma_semaphore, #tpu.memory_space<semaphore_mem>>) {add = true}
      %dma_start3A_517 = arith.constant 7 : i32
      %dma_start3A_518 = arith.constant 896 : i32
      %dma_start3A_519 = tpu.memref_slice %arg26[%dma_start3A_518] : memref<1024xf32, #tpu.memory_space<vmem>> -> memref<128xf32, #tpu.memory_space<vmem>>
      %dma_start3A_520 = arith.constant 0 : i32
      %dma_start3A_521 = tpu.memref_slice %arg17[%dma_start3A_517, %dma_start3A_520] : memref<8x128xi32, #tpu.memory_space<vmem>> -> memref<1x128xi32, #tpu.memory_space<vmem>>
      %dma_start3A_522 = tpu.memref_squeeze %dma_start3A_521 : memref<1x128xi32, #tpu.memory_space<vmem>> -> memref<128xi32, #tpu.memory_space<vmem>>
      %dma_start3A_523 = arith.constant 0 : i32
      %dma_start3A_524 = tpu.memref_slice %arg35[%dma_start3A_523] : memref<50176xf32, #tpu.memory_space<vmem_shared>> -> memref<50176xf32, #tpu.memory_space<vmem_shared>>
      tpu.enqueue_indirect_dma source(%dma_start3A_519 : memref<128xf32, #tpu.memory_space<vmem>>) target(%dma_start3A_524 : memref<50176xf32, #tpu.memory_space<vmem_shared>>) offsets(%dma_start3A_522 : memref<128xi32, #tpu.memory_space<vmem>>) semaphore(%arg38 : memref<!tpu.dma_semaphore, #tpu.memory_space<semaphore_mem>>) {add = true}
      %dma_start3A_525 = arith.constant 7 : i32
      %dma_start3A_526 = arith.constant 896 : i32
      %dma_start3A_527 = tpu.memref_slice %arg27[%dma_start3A_526] : memref<1024xf32, #tpu.memory_space<vmem>> -> memref<128xf32, #tpu.memory_space<vmem>>
      %dma_start3A_528 = arith.constant 0 : i32
      %dma_start3A_529 = tpu.memref_slice %arg17[%dma_start3A_525, %dma_start3A_528] : memref<8x128xi32, #tpu.memory_space<vmem>> -> memref<1x128xi32, #tpu.memory_space<vmem>>
      %dma_start3A_530 = tpu.memref_squeeze %dma_start3A_529 : memref<1x128xi32, #tpu.memory_space<vmem>> -> memref<128xi32, #tpu.memory_space<vmem>>
      %dma_start3A_531 = arith.constant 0 : i32
      %dma_start3A_532 = tpu.memref_slice %arg36[%dma_start3A_531] : memref<50176xf32, #tpu.memory_space<vmem_shared>> -> memref<50176xf32, #tpu.memory_space<vmem_shared>>
      tpu.enqueue_indirect_dma source(%dma_start3A_527 : memref<128xf32, #tpu.memory_space<vmem>>) target(%dma_start3A_532 : memref<50176xf32, #tpu.memory_space<vmem_shared>>) offsets(%dma_start3A_530 : memref<128xi32, #tpu.memory_space<vmem>>) semaphore(%arg38 : memref<!tpu.dma_semaphore, #tpu.memory_space<semaphore_mem>>) {add = true}
      %dma_start3A_533 = arith.constant 7 : i32
      %dma_start3A_534 = arith.constant 896 : i32
      %dma_start3A_535 = tpu.memref_slice %arg28[%dma_start3A_534] : memref<1024xf32, #tpu.memory_space<vmem>> -> memref<128xf32, #tpu.memory_space<vmem>>
      %dma_start3A_536 = arith.constant 0 : i32
      %dma_start3A_537 = tpu.memref_slice %arg18[%dma_start3A_533, %dma_start3A_536] : memref<8x128xi32, #tpu.memory_space<vmem>> -> memref<1x128xi32, #tpu.memory_space<vmem>>
      %dma_start3A_538 = tpu.memref_squeeze %dma_start3A_537 : memref<1x128xi32, #tpu.memory_space<vmem>> -> memref<128xi32, #tpu.memory_space<vmem>>
      %dma_start3A_539 = arith.constant 0 : i32
      %dma_start3A_540 = tpu.memref_slice %arg34[%dma_start3A_539] : memref<50176xf32, #tpu.memory_space<vmem_shared>> -> memref<50176xf32, #tpu.memory_space<vmem_shared>>
      tpu.enqueue_indirect_dma source(%dma_start3A_535 : memref<128xf32, #tpu.memory_space<vmem>>) target(%dma_start3A_540 : memref<50176xf32, #tpu.memory_space<vmem_shared>>) offsets(%dma_start3A_538 : memref<128xi32, #tpu.memory_space<vmem>>) semaphore(%arg38 : memref<!tpu.dma_semaphore, #tpu.memory_space<semaphore_mem>>) {add = true}
      %dma_start3A_541 = arith.constant 7 : i32
      %dma_start3A_542 = arith.constant 896 : i32
      %dma_start3A_543 = tpu.memref_slice %arg29[%dma_start3A_542] : memref<1024xf32, #tpu.memory_space<vmem>> -> memref<128xf32, #tpu.memory_space<vmem>>
      %dma_start3A_544 = arith.constant 0 : i32
      %dma_start3A_545 = tpu.memref_slice %arg18[%dma_start3A_541, %dma_start3A_544] : memref<8x128xi32, #tpu.memory_space<vmem>> -> memref<1x128xi32, #tpu.memory_space<vmem>>
      %dma_start3A_546 = tpu.memref_squeeze %dma_start3A_545 : memref<1x128xi32, #tpu.memory_space<vmem>> -> memref<128xi32, #tpu.memory_space<vmem>>
      %dma_start3A_547 = arith.constant 0 : i32
      %dma_start3A_548 = tpu.memref_slice %arg35[%dma_start3A_547] : memref<50176xf32, #tpu.memory_space<vmem_shared>> -> memref<50176xf32, #tpu.memory_space<vmem_shared>>
      tpu.enqueue_indirect_dma source(%dma_start3A_543 : memref<128xf32, #tpu.memory_space<vmem>>) target(%dma_start3A_548 : memref<50176xf32, #tpu.memory_space<vmem_shared>>) offsets(%dma_start3A_546 : memref<128xi32, #tpu.memory_space<vmem>>) semaphore(%arg38 : memref<!tpu.dma_semaphore, #tpu.memory_space<semaphore_mem>>) {add = true}
      %dma_start3A_549 = arith.constant 7 : i32
      %dma_start3A_550 = arith.constant 896 : i32
      %dma_start3A_551 = tpu.memref_slice %arg30[%dma_start3A_550] : memref<1024xf32, #tpu.memory_space<vmem>> -> memref<128xf32, #tpu.memory_space<vmem>>
      %dma_start3A_552 = arith.constant 0 : i32
      %dma_start3A_553 = tpu.memref_slice %arg18[%dma_start3A_549, %dma_start3A_552] : memref<8x128xi32, #tpu.memory_space<vmem>> -> memref<1x128xi32, #tpu.memory_space<vmem>>
      %dma_start3A_554 = tpu.memref_squeeze %dma_start3A_553 : memref<1x128xi32, #tpu.memory_space<vmem>> -> memref<128xi32, #tpu.memory_space<vmem>>
      %dma_start3A_555 = arith.constant 0 : i32
      %dma_start3A_556 = tpu.memref_slice %arg36[%dma_start3A_555] : memref<50176xf32, #tpu.memory_space<vmem_shared>> -> memref<50176xf32, #tpu.memory_space<vmem_shared>>
      tpu.enqueue_indirect_dma source(%dma_start3A_551 : memref<128xf32, #tpu.memory_space<vmem>>) target(%dma_start3A_556 : memref<50176xf32, #tpu.memory_space<vmem_shared>>) offsets(%dma_start3A_554 : memref<128xi32, #tpu.memory_space<vmem>>) semaphore(%arg38 : memref<!tpu.dma_semaphore, #tpu.memory_space<semaphore_mem>>) {add = true}
      %dma_wait3A_557 = arith.constant 0 : i32
      %dma_wait3A_558 = arith.constant 0 : i32
      %dma_wait3A_559 = tpu.memref_slice %arg25[%dma_wait3A_558] : memref<1024xf32, #tpu.memory_space<vmem>> -> memref<128xf32, #tpu.memory_space<vmem>>
      %dma_wait3A_560 = arith.constant 0 : i32
      %dma_wait3A_561 = tpu.memref_slice %arg17[%dma_wait3A_557, %dma_wait3A_560] : memref<8x128xi32, #tpu.memory_space<vmem>> -> memref<1x128xi32, #tpu.memory_space<vmem>>
      %dma_wait3A_562 = tpu.memref_squeeze %dma_wait3A_561 : memref<1x128xi32, #tpu.memory_space<vmem>> -> memref<128xi32, #tpu.memory_space<vmem>>
      %dma_wait3A_563 = arith.constant 0 : i32
      %dma_wait3A_564 = tpu.memref_slice %arg34[%dma_wait3A_563] : memref<50176xf32, #tpu.memory_space<vmem_shared>> -> memref<50176xf32, #tpu.memory_space<vmem_shared>>
      tpu.wait_indirect_dma semaphore(%arg38 : memref<!tpu.dma_semaphore, #tpu.memory_space<semaphore_mem>>) src(%dma_wait3A_559 : memref<128xf32, #tpu.memory_space<vmem>>) dst(%dma_wait3A_564 : memref<50176xf32, #tpu.memory_space<vmem_shared>>)
      %dma_wait3A_565 = arith.constant 0 : i32
      %dma_wait3A_566 = arith.constant 0 : i32
      %dma_wait3A_567 = tpu.memref_slice %arg26[%dma_wait3A_566] : memref<1024xf32, #tpu.memory_space<vmem>> -> memref<128xf32, #tpu.memory_space<vmem>>
      %dma_wait3A_568 = arith.constant 0 : i32
      %dma_wait3A_569 = tpu.memref_slice %arg17[%dma_wait3A_565, %dma_wait3A_568] : memref<8x128xi32, #tpu.memory_space<vmem>> -> memref<1x128xi32, #tpu.memory_space<vmem>>
      %dma_wait3A_570 = tpu.memref_squeeze %dma_wait3A_569 : memref<1x128xi32, #tpu.memory_space<vmem>> -> memref<128xi32, #tpu.memory_space<vmem>>
      %dma_wait3A_571 = arith.constant 0 : i32
      %dma_wait3A_572 = tpu.memref_slice %arg35[%dma_wait3A_571] : memref<50176xf32, #tpu.memory_space<vmem_shared>> -> memref<50176xf32, #tpu.memory_space<vmem_shared>>
      tpu.wait_indirect_dma semaphore(%arg38 : memref<!tpu.dma_semaphore, #tpu.memory_space<semaphore_mem>>) src(%dma_wait3A_567 : memref<128xf32, #tpu.memory_space<vmem>>) dst(%dma_wait3A_572 : memref<50176xf32, #tpu.memory_space<vmem_shared>>)
      %dma_wait3A_573 = arith.constant 0 : i32
      %dma_wait3A_574 = arith.constant 0 : i32
      %dma_wait3A_575 = tpu.memref_slice %arg27[%dma_wait3A_574] : memref<1024xf32, #tpu.memory_space<vmem>> -> memref<128xf32, #tpu.memory_space<vmem>>
      %dma_wait3A_576 = arith.constant 0 : i32
      %dma_wait3A_577 = tpu.memref_slice %arg17[%dma_wait3A_573, %dma_wait3A_576] : memref<8x128xi32, #tpu.memory_space<vmem>> -> memref<1x128xi32, #tpu.memory_space<vmem>>
      %dma_wait3A_578 = tpu.memref_squeeze %dma_wait3A_577 : memref<1x128xi32, #tpu.memory_space<vmem>> -> memref<128xi32, #tpu.memory_space<vmem>>
      %dma_wait3A_579 = arith.constant 0 : i32
      %dma_wait3A_580 = tpu.memref_slice %arg36[%dma_wait3A_579] : memref<50176xf32, #tpu.memory_space<vmem_shared>> -> memref<50176xf32, #tpu.memory_space<vmem_shared>>
      tpu.wait_indirect_dma semaphore(%arg38 : memref<!tpu.dma_semaphore, #tpu.memory_space<semaphore_mem>>) src(%dma_wait3A_575 : memref<128xf32, #tpu.memory_space<vmem>>) dst(%dma_wait3A_580 : memref<50176xf32, #tpu.memory_space<vmem_shared>>)
      %dma_wait3A_581 = arith.constant 0 : i32
      %dma_wait3A_582 = arith.constant 0 : i32
      %dma_wait3A_583 = tpu.memref_slice %arg28[%dma_wait3A_582] : memref<1024xf32, #tpu.memory_space<vmem>> -> memref<128xf32, #tpu.memory_space<vmem>>
      %dma_wait3A_584 = arith.constant 0 : i32
      %dma_wait3A_585 = tpu.memref_slice %arg18[%dma_wait3A_581, %dma_wait3A_584] : memref<8x128xi32, #tpu.memory_space<vmem>> -> memref<1x128xi32, #tpu.memory_space<vmem>>
      %dma_wait3A_586 = tpu.memref_squeeze %dma_wait3A_585 : memref<1x128xi32, #tpu.memory_space<vmem>> -> memref<128xi32, #tpu.memory_space<vmem>>
      %dma_wait3A_587 = arith.constant 0 : i32
      %dma_wait3A_588 = tpu.memref_slice %arg34[%dma_wait3A_587] : memref<50176xf32, #tpu.memory_space<vmem_shared>> -> memref<50176xf32, #tpu.memory_space<vmem_shared>>
      tpu.wait_indirect_dma semaphore(%arg38 : memref<!tpu.dma_semaphore, #tpu.memory_space<semaphore_mem>>) src(%dma_wait3A_583 : memref<128xf32, #tpu.memory_space<vmem>>) dst(%dma_wait3A_588 : memref<50176xf32, #tpu.memory_space<vmem_shared>>)
      %dma_wait3A_589 = arith.constant 0 : i32
      %dma_wait3A_590 = arith.constant 0 : i32
      %dma_wait3A_591 = tpu.memref_slice %arg29[%dma_wait3A_590] : memref<1024xf32, #tpu.memory_space<vmem>> -> memref<128xf32, #tpu.memory_space<vmem>>
      %dma_wait3A_592 = arith.constant 0 : i32
      %dma_wait3A_593 = tpu.memref_slice %arg18[%dma_wait3A_589, %dma_wait3A_592] : memref<8x128xi32, #tpu.memory_space<vmem>> -> memref<1x128xi32, #tpu.memory_space<vmem>>
      %dma_wait3A_594 = tpu.memref_squeeze %dma_wait3A_593 : memref<1x128xi32, #tpu.memory_space<vmem>> -> memref<128xi32, #tpu.memory_space<vmem>>
      %dma_wait3A_595 = arith.constant 0 : i32
      %dma_wait3A_596 = tpu.memref_slice %arg35[%dma_wait3A_595] : memref<50176xf32, #tpu.memory_space<vmem_shared>> -> memref<50176xf32, #tpu.memory_space<vmem_shared>>
      tpu.wait_indirect_dma semaphore(%arg38 : memref<!tpu.dma_semaphore, #tpu.memory_space<semaphore_mem>>) src(%dma_wait3A_591 : memref<128xf32, #tpu.memory_space<vmem>>) dst(%dma_wait3A_596 : memref<50176xf32, #tpu.memory_space<vmem_shared>>)
      %dma_wait3A_597 = arith.constant 0 : i32
      %dma_wait3A_598 = arith.constant 0 : i32
      %dma_wait3A_599 = tpu.memref_slice %arg30[%dma_wait3A_598] : memref<1024xf32, #tpu.memory_space<vmem>> -> memref<128xf32, #tpu.memory_space<vmem>>
      %dma_wait3A_600 = arith.constant 0 : i32
      %dma_wait3A_601 = tpu.memref_slice %arg18[%dma_wait3A_597, %dma_wait3A_600] : memref<8x128xi32, #tpu.memory_space<vmem>> -> memref<1x128xi32, #tpu.memory_space<vmem>>
      %dma_wait3A_602 = tpu.memref_squeeze %dma_wait3A_601 : memref<1x128xi32, #tpu.memory_space<vmem>> -> memref<128xi32, #tpu.memory_space<vmem>>
      %dma_wait3A_603 = arith.constant 0 : i32
      %dma_wait3A_604 = tpu.memref_slice %arg36[%dma_wait3A_603] : memref<50176xf32, #tpu.memory_space<vmem_shared>> -> memref<50176xf32, #tpu.memory_space<vmem_shared>>
      tpu.wait_indirect_dma semaphore(%arg38 : memref<!tpu.dma_semaphore, #tpu.memory_space<semaphore_mem>>) src(%dma_wait3A_599 : memref<128xf32, #tpu.memory_space<vmem>>) dst(%dma_wait3A_604 : memref<50176xf32, #tpu.memory_space<vmem_shared>>)
      %dma_wait3A_605 = arith.constant 1 : i32
      %dma_wait3A_606 = arith.constant 128 : i32
      %dma_wait3A_607 = tpu.memref_slice %arg25[%dma_wait3A_606] : memref<1024xf32, #tpu.memory_space<vmem>> -> memref<128xf32, #tpu.memory_space<vmem>>
      %dma_wait3A_608 = arith.constant 0 : i32
      %dma_wait3A_609 = tpu.memref_slice %arg17[%dma_wait3A_605, %dma_wait3A_608] : memref<8x128xi32, #tpu.memory_space<vmem>> -> memref<1x128xi32, #tpu.memory_space<vmem>>
      %dma_wait3A_610 = tpu.memref_squeeze %dma_wait3A_609 : memref<1x128xi32, #tpu.memory_space<vmem>> -> memref<128xi32, #tpu.memory_space<vmem>>
      %dma_wait3A_611 = arith.constant 0 : i32
      %dma_wait3A_612 = tpu.memref_slice %arg34[%dma_wait3A_611] : memref<50176xf32, #tpu.memory_space<vmem_shared>> -> memref<50176xf32, #tpu.memory_space<vmem_shared>>
      tpu.wait_indirect_dma semaphore(%arg38 : memref<!tpu.dma_semaphore, #tpu.memory_space<semaphore_mem>>) src(%dma_wait3A_607 : memref<128xf32, #tpu.memory_space<vmem>>) dst(%dma_wait3A_612 : memref<50176xf32, #tpu.memory_space<vmem_shared>>)
      %dma_wait3A_613 = arith.constant 1 : i32
      %dma_wait3A_614 = arith.constant 128 : i32
      %dma_wait3A_615 = tpu.memref_slice %arg26[%dma_wait3A_614] : memref<1024xf32, #tpu.memory_space<vmem>> -> memref<128xf32, #tpu.memory_space<vmem>>
      %dma_wait3A_616 = arith.constant 0 : i32
      %dma_wait3A_617 = tpu.memref_slice %arg17[%dma_wait3A_613, %dma_wait3A_616] : memref<8x128xi32, #tpu.memory_space<vmem>> -> memref<1x128xi32, #tpu.memory_space<vmem>>
      %dma_wait3A_618 = tpu.memref_squeeze %dma_wait3A_617 : memref<1x128xi32, #tpu.memory_space<vmem>> -> memref<128xi32, #tpu.memory_space<vmem>>
      %dma_wait3A_619 = arith.constant 0 : i32
      %dma_wait3A_620 = tpu.memref_slice %arg35[%dma_wait3A_619] : memref<50176xf32, #tpu.memory_space<vmem_shared>> -> memref<50176xf32, #tpu.memory_space<vmem_shared>>
      tpu.wait_indirect_dma semaphore(%arg38 : memref<!tpu.dma_semaphore, #tpu.memory_space<semaphore_mem>>) src(%dma_wait3A_615 : memref<128xf32, #tpu.memory_space<vmem>>) dst(%dma_wait3A_620 : memref<50176xf32, #tpu.memory_space<vmem_shared>>)
      %dma_wait3A_621 = arith.constant 1 : i32
      %dma_wait3A_622 = arith.constant 128 : i32
      %dma_wait3A_623 = tpu.memref_slice %arg27[%dma_wait3A_622] : memref<1024xf32, #tpu.memory_space<vmem>> -> memref<128xf32, #tpu.memory_space<vmem>>
      %dma_wait3A_624 = arith.constant 0 : i32
      %dma_wait3A_625 = tpu.memref_slice %arg17[%dma_wait3A_621, %dma_wait3A_624] : memref<8x128xi32, #tpu.memory_space<vmem>> -> memref<1x128xi32, #tpu.memory_space<vmem>>
      %dma_wait3A_626 = tpu.memref_squeeze %dma_wait3A_625 : memref<1x128xi32, #tpu.memory_space<vmem>> -> memref<128xi32, #tpu.memory_space<vmem>>
      %dma_wait3A_627 = arith.constant 0 : i32
      %dma_wait3A_628 = tpu.memref_slice %arg36[%dma_wait3A_627] : memref<50176xf32, #tpu.memory_space<vmem_shared>> -> memref<50176xf32, #tpu.memory_space<vmem_shared>>
      tpu.wait_indirect_dma semaphore(%arg38 : memref<!tpu.dma_semaphore, #tpu.memory_space<semaphore_mem>>) src(%dma_wait3A_623 : memref<128xf32, #tpu.memory_space<vmem>>) dst(%dma_wait3A_628 : memref<50176xf32, #tpu.memory_space<vmem_shared>>)
      %dma_wait3A_629 = arith.constant 1 : i32
      %dma_wait3A_630 = arith.constant 128 : i32
      %dma_wait3A_631 = tpu.memref_slice %arg28[%dma_wait3A_630] : memref<1024xf32, #tpu.memory_space<vmem>> -> memref<128xf32, #tpu.memory_space<vmem>>
      %dma_wait3A_632 = arith.constant 0 : i32
      %dma_wait3A_633 = tpu.memref_slice %arg18[%dma_wait3A_629, %dma_wait3A_632] : memref<8x128xi32, #tpu.memory_space<vmem>> -> memref<1x128xi32, #tpu.memory_space<vmem>>
      %dma_wait3A_634 = tpu.memref_squeeze %dma_wait3A_633 : memref<1x128xi32, #tpu.memory_space<vmem>> -> memref<128xi32, #tpu.memory_space<vmem>>
      %dma_wait3A_635 = arith.constant 0 : i32
      %dma_wait3A_636 = tpu.memref_slice %arg34[%dma_wait3A_635] : memref<50176xf32, #tpu.memory_space<vmem_shared>> -> memref<50176xf32, #tpu.memory_space<vmem_shared>>
      tpu.wait_indirect_dma semaphore(%arg38 : memref<!tpu.dma_semaphore, #tpu.memory_space<semaphore_mem>>) src(%dma_wait3A_631 : memref<128xf32, #tpu.memory_space<vmem>>) dst(%dma_wait3A_636 : memref<50176xf32, #tpu.memory_space<vmem_shared>>)
      %dma_wait3A_637 = arith.constant 1 : i32
      %dma_wait3A_638 = arith.constant 128 : i32
      %dma_wait3A_639 = tpu.memref_slice %arg29[%dma_wait3A_638] : memref<1024xf32, #tpu.memory_space<vmem>> -> memref<128xf32, #tpu.memory_space<vmem>>
      %dma_wait3A_640 = arith.constant 0 : i32
      %dma_wait3A_641 = tpu.memref_slice %arg18[%dma_wait3A_637, %dma_wait3A_640] : memref<8x128xi32, #tpu.memory_space<vmem>> -> memref<1x128xi32, #tpu.memory_space<vmem>>
      %dma_wait3A_642 = tpu.memref_squeeze %dma_wait3A_641 : memref<1x128xi32, #tpu.memory_space<vmem>> -> memref<128xi32, #tpu.memory_space<vmem>>
      %dma_wait3A_643 = arith.constant 0 : i32
      %dma_wait3A_644 = tpu.memref_slice %arg35[%dma_wait3A_643] : memref<50176xf32, #tpu.memory_space<vmem_shared>> -> memref<50176xf32, #tpu.memory_space<vmem_shared>>
      tpu.wait_indirect_dma semaphore(%arg38 : memref<!tpu.dma_semaphore, #tpu.memory_space<semaphore_mem>>) src(%dma_wait3A_639 : memref<128xf32, #tpu.memory_space<vmem>>) dst(%dma_wait3A_644 : memref<50176xf32, #tpu.memory_space<vmem_shared>>)
      %dma_wait3A_645 = arith.constant 1 : i32
      %dma_wait3A_646 = arith.constant 128 : i32
      %dma_wait3A_647 = tpu.memref_slice %arg30[%dma_wait3A_646] : memref<1024xf32, #tpu.memory_space<vmem>> -> memref<128xf32, #tpu.memory_space<vmem>>
      %dma_wait3A_648 = arith.constant 0 : i32
      %dma_wait3A_649 = tpu.memref_slice %arg18[%dma_wait3A_645, %dma_wait3A_648] : memref<8x128xi32, #tpu.memory_space<vmem>> -> memref<1x128xi32, #tpu.memory_space<vmem>>
      %dma_wait3A_650 = tpu.memref_squeeze %dma_wait3A_649 : memref<1x128xi32, #tpu.memory_space<vmem>> -> memref<128xi32, #tpu.memory_space<vmem>>
      %dma_wait3A_651 = arith.constant 0 : i32
      %dma_wait3A_652 = tpu.memref_slice %arg36[%dma_wait3A_651] : memref<50176xf32, #tpu.memory_space<vmem_shared>> -> memref<50176xf32, #tpu.memory_space<vmem_shared>>
      tpu.wait_indirect_dma semaphore(%arg38 : memref<!tpu.dma_semaphore, #tpu.memory_space<semaphore_mem>>) src(%dma_wait3A_647 : memref<128xf32, #tpu.memory_space<vmem>>) dst(%dma_wait3A_652 : memref<50176xf32, #tpu.memory_space<vmem_shared>>)
      %dma_wait3A_653 = arith.constant 2 : i32
      %dma_wait3A_654 = arith.constant 256 : i32
      %dma_wait3A_655 = tpu.memref_slice %arg25[%dma_wait3A_654] : memref<1024xf32, #tpu.memory_space<vmem>> -> memref<128xf32, #tpu.memory_space<vmem>>
      %dma_wait3A_656 = arith.constant 0 : i32
      %dma_wait3A_657 = tpu.memref_slice %arg17[%dma_wait3A_653, %dma_wait3A_656] : memref<8x128xi32, #tpu.memory_space<vmem>> -> memref<1x128xi32, #tpu.memory_space<vmem>>
      %dma_wait3A_658 = tpu.memref_squeeze %dma_wait3A_657 : memref<1x128xi32, #tpu.memory_space<vmem>> -> memref<128xi32, #tpu.memory_space<vmem>>
      %dma_wait3A_659 = arith.constant 0 : i32
      %dma_wait3A_660 = tpu.memref_slice %arg34[%dma_wait3A_659] : memref<50176xf32, #tpu.memory_space<vmem_shared>> -> memref<50176xf32, #tpu.memory_space<vmem_shared>>
      tpu.wait_indirect_dma semaphore(%arg38 : memref<!tpu.dma_semaphore, #tpu.memory_space<semaphore_mem>>) src(%dma_wait3A_655 : memref<128xf32, #tpu.memory_space<vmem>>) dst(%dma_wait3A_660 : memref<50176xf32, #tpu.memory_space<vmem_shared>>)
      %dma_wait3A_661 = arith.constant 2 : i32
      %dma_wait3A_662 = arith.constant 256 : i32
      %dma_wait3A_663 = tpu.memref_slice %arg26[%dma_wait3A_662] : memref<1024xf32, #tpu.memory_space<vmem>> -> memref<128xf32, #tpu.memory_space<vmem>>
      %dma_wait3A_664 = arith.constant 0 : i32
      %dma_wait3A_665 = tpu.memref_slice %arg17[%dma_wait3A_661, %dma_wait3A_664] : memref<8x128xi32, #tpu.memory_space<vmem>> -> memref<1x128xi32, #tpu.memory_space<vmem>>
      %dma_wait3A_666 = tpu.memref_squeeze %dma_wait3A_665 : memref<1x128xi32, #tpu.memory_space<vmem>> -> memref<128xi32, #tpu.memory_space<vmem>>
      %dma_wait3A_667 = arith.constant 0 : i32
      %dma_wait3A_668 = tpu.memref_slice %arg35[%dma_wait3A_667] : memref<50176xf32, #tpu.memory_space<vmem_shared>> -> memref<50176xf32, #tpu.memory_space<vmem_shared>>
      tpu.wait_indirect_dma semaphore(%arg38 : memref<!tpu.dma_semaphore, #tpu.memory_space<semaphore_mem>>) src(%dma_wait3A_663 : memref<128xf32, #tpu.memory_space<vmem>>) dst(%dma_wait3A_668 : memref<50176xf32, #tpu.memory_space<vmem_shared>>)
      %dma_wait3A_669 = arith.constant 2 : i32
      %dma_wait3A_670 = arith.constant 256 : i32
      %dma_wait3A_671 = tpu.memref_slice %arg27[%dma_wait3A_670] : memref<1024xf32, #tpu.memory_space<vmem>> -> memref<128xf32, #tpu.memory_space<vmem>>
      %dma_wait3A_672 = arith.constant 0 : i32
      %dma_wait3A_673 = tpu.memref_slice %arg17[%dma_wait3A_669, %dma_wait3A_672] : memref<8x128xi32, #tpu.memory_space<vmem>> -> memref<1x128xi32, #tpu.memory_space<vmem>>
      %dma_wait3A_674 = tpu.memref_squeeze %dma_wait3A_673 : memref<1x128xi32, #tpu.memory_space<vmem>> -> memref<128xi32, #tpu.memory_space<vmem>>
      %dma_wait3A_675 = arith.constant 0 : i32
      %dma_wait3A_676 = tpu.memref_slice %arg36[%dma_wait3A_675] : memref<50176xf32, #tpu.memory_space<vmem_shared>> -> memref<50176xf32, #tpu.memory_space<vmem_shared>>
      tpu.wait_indirect_dma semaphore(%arg38 : memref<!tpu.dma_semaphore, #tpu.memory_space<semaphore_mem>>) src(%dma_wait3A_671 : memref<128xf32, #tpu.memory_space<vmem>>) dst(%dma_wait3A_676 : memref<50176xf32, #tpu.memory_space<vmem_shared>>)
      %dma_wait3A_677 = arith.constant 2 : i32
      %dma_wait3A_678 = arith.constant 256 : i32
      %dma_wait3A_679 = tpu.memref_slice %arg28[%dma_wait3A_678] : memref<1024xf32, #tpu.memory_space<vmem>> -> memref<128xf32, #tpu.memory_space<vmem>>
      %dma_wait3A_680 = arith.constant 0 : i32
      %dma_wait3A_681 = tpu.memref_slice %arg18[%dma_wait3A_677, %dma_wait3A_680] : memref<8x128xi32, #tpu.memory_space<vmem>> -> memref<1x128xi32, #tpu.memory_space<vmem>>
      %dma_wait3A_682 = tpu.memref_squeeze %dma_wait3A_681 : memref<1x128xi32, #tpu.memory_space<vmem>> -> memref<128xi32, #tpu.memory_space<vmem>>
      %dma_wait3A_683 = arith.constant 0 : i32
      %dma_wait3A_684 = tpu.memref_slice %arg34[%dma_wait3A_683] : memref<50176xf32, #tpu.memory_space<vmem_shared>> -> memref<50176xf32, #tpu.memory_space<vmem_shared>>
      tpu.wait_indirect_dma semaphore(%arg38 : memref<!tpu.dma_semaphore, #tpu.memory_space<semaphore_mem>>) src(%dma_wait3A_679 : memref<128xf32, #tpu.memory_space<vmem>>) dst(%dma_wait3A_684 : memref<50176xf32, #tpu.memory_space<vmem_shared>>)
      %dma_wait3A_685 = arith.constant 2 : i32
      %dma_wait3A_686 = arith.constant 256 : i32
      %dma_wait3A_687 = tpu.memref_slice %arg29[%dma_wait3A_686] : memref<1024xf32, #tpu.memory_space<vmem>> -> memref<128xf32, #tpu.memory_space<vmem>>
      %dma_wait3A_688 = arith.constant 0 : i32
      %dma_wait3A_689 = tpu.memref_slice %arg18[%dma_wait3A_685, %dma_wait3A_688] : memref<8x128xi32, #tpu.memory_space<vmem>> -> memref<1x128xi32, #tpu.memory_space<vmem>>
      %dma_wait3A_690 = tpu.memref_squeeze %dma_wait3A_689 : memref<1x128xi32, #tpu.memory_space<vmem>> -> memref<128xi32, #tpu.memory_space<vmem>>
      %dma_wait3A_691 = arith.constant 0 : i32
      %dma_wait3A_692 = tpu.memref_slice %arg35[%dma_wait3A_691] : memref<50176xf32, #tpu.memory_space<vmem_shared>> -> memref<50176xf32, #tpu.memory_space<vmem_shared>>
      tpu.wait_indirect_dma semaphore(%arg38 : memref<!tpu.dma_semaphore, #tpu.memory_space<semaphore_mem>>) src(%dma_wait3A_687 : memref<128xf32, #tpu.memory_space<vmem>>) dst(%dma_wait3A_692 : memref<50176xf32, #tpu.memory_space<vmem_shared>>)
      %dma_wait3A_693 = arith.constant 2 : i32
      %dma_wait3A_694 = arith.constant 256 : i32
      %dma_wait3A_695 = tpu.memref_slice %arg30[%dma_wait3A_694] : memref<1024xf32, #tpu.memory_space<vmem>> -> memref<128xf32, #tpu.memory_space<vmem>>
      %dma_wait3A_696 = arith.constant 0 : i32
      %dma_wait3A_697 = tpu.memref_slice %arg18[%dma_wait3A_693, %dma_wait3A_696] : memref<8x128xi32, #tpu.memory_space<vmem>> -> memref<1x128xi32, #tpu.memory_space<vmem>>
      %dma_wait3A_698 = tpu.memref_squeeze %dma_wait3A_697 : memref<1x128xi32, #tpu.memory_space<vmem>> -> memref<128xi32, #tpu.memory_space<vmem>>
      %dma_wait3A_699 = arith.constant 0 : i32
      %dma_wait3A_700 = tpu.memref_slice %arg36[%dma_wait3A_699] : memref<50176xf32, #tpu.memory_space<vmem_shared>> -> memref<50176xf32, #tpu.memory_space<vmem_shared>>
      tpu.wait_indirect_dma semaphore(%arg38 : memref<!tpu.dma_semaphore, #tpu.memory_space<semaphore_mem>>) src(%dma_wait3A_695 : memref<128xf32, #tpu.memory_space<vmem>>) dst(%dma_wait3A_700 : memref<50176xf32, #tpu.memory_space<vmem_shared>>)
      %dma_wait3A_701 = arith.constant 3 : i32
      %dma_wait3A_702 = arith.constant 384 : i32
      %dma_wait3A_703 = tpu.memref_slice %arg25[%dma_wait3A_702] : memref<1024xf32, #tpu.memory_space<vmem>> -> memref<128xf32, #tpu.memory_space<vmem>>
      %dma_wait3A_704 = arith.constant 0 : i32
      %dma_wait3A_705 = tpu.memref_slice %arg17[%dma_wait3A_701, %dma_wait3A_704] : memref<8x128xi32, #tpu.memory_space<vmem>> -> memref<1x128xi32, #tpu.memory_space<vmem>>
      %dma_wait3A_706 = tpu.memref_squeeze %dma_wait3A_705 : memref<1x128xi32, #tpu.memory_space<vmem>> -> memref<128xi32, #tpu.memory_space<vmem>>
      %dma_wait3A_707 = arith.constant 0 : i32
      %dma_wait3A_708 = tpu.memref_slice %arg34[%dma_wait3A_707] : memref<50176xf32, #tpu.memory_space<vmem_shared>> -> memref<50176xf32, #tpu.memory_space<vmem_shared>>
      tpu.wait_indirect_dma semaphore(%arg38 : memref<!tpu.dma_semaphore, #tpu.memory_space<semaphore_mem>>) src(%dma_wait3A_703 : memref<128xf32, #tpu.memory_space<vmem>>) dst(%dma_wait3A_708 : memref<50176xf32, #tpu.memory_space<vmem_shared>>)
      %dma_wait3A_709 = arith.constant 3 : i32
      %dma_wait3A_710 = arith.constant 384 : i32
      %dma_wait3A_711 = tpu.memref_slice %arg26[%dma_wait3A_710] : memref<1024xf32, #tpu.memory_space<vmem>> -> memref<128xf32, #tpu.memory_space<vmem>>
      %dma_wait3A_712 = arith.constant 0 : i32
      %dma_wait3A_713 = tpu.memref_slice %arg17[%dma_wait3A_709, %dma_wait3A_712] : memref<8x128xi32, #tpu.memory_space<vmem>> -> memref<1x128xi32, #tpu.memory_space<vmem>>
      %dma_wait3A_714 = tpu.memref_squeeze %dma_wait3A_713 : memref<1x128xi32, #tpu.memory_space<vmem>> -> memref<128xi32, #tpu.memory_space<vmem>>
      %dma_wait3A_715 = arith.constant 0 : i32
      %dma_wait3A_716 = tpu.memref_slice %arg35[%dma_wait3A_715] : memref<50176xf32, #tpu.memory_space<vmem_shared>> -> memref<50176xf32, #tpu.memory_space<vmem_shared>>
      tpu.wait_indirect_dma semaphore(%arg38 : memref<!tpu.dma_semaphore, #tpu.memory_space<semaphore_mem>>) src(%dma_wait3A_711 : memref<128xf32, #tpu.memory_space<vmem>>) dst(%dma_wait3A_716 : memref<50176xf32, #tpu.memory_space<vmem_shared>>)
      %dma_wait3A_717 = arith.constant 3 : i32
      %dma_wait3A_718 = arith.constant 384 : i32
      %dma_wait3A_719 = tpu.memref_slice %arg27[%dma_wait3A_718] : memref<1024xf32, #tpu.memory_space<vmem>> -> memref<128xf32, #tpu.memory_space<vmem>>
      %dma_wait3A_720 = arith.constant 0 : i32
      %dma_wait3A_721 = tpu.memref_slice %arg17[%dma_wait3A_717, %dma_wait3A_720] : memref<8x128xi32, #tpu.memory_space<vmem>> -> memref<1x128xi32, #tpu.memory_space<vmem>>
      %dma_wait3A_722 = tpu.memref_squeeze %dma_wait3A_721 : memref<1x128xi32, #tpu.memory_space<vmem>> -> memref<128xi32, #tpu.memory_space<vmem>>
      %dma_wait3A_723 = arith.constant 0 : i32
      %dma_wait3A_724 = tpu.memref_slice %arg36[%dma_wait3A_723] : memref<50176xf32, #tpu.memory_space<vmem_shared>> -> memref<50176xf32, #tpu.memory_space<vmem_shared>>
      tpu.wait_indirect_dma semaphore(%arg38 : memref<!tpu.dma_semaphore, #tpu.memory_space<semaphore_mem>>) src(%dma_wait3A_719 : memref<128xf32, #tpu.memory_space<vmem>>) dst(%dma_wait3A_724 : memref<50176xf32, #tpu.memory_space<vmem_shared>>)
      %dma_wait3A_725 = arith.constant 3 : i32
      %dma_wait3A_726 = arith.constant 384 : i32
      %dma_wait3A_727 = tpu.memref_slice %arg28[%dma_wait3A_726] : memref<1024xf32, #tpu.memory_space<vmem>> -> memref<128xf32, #tpu.memory_space<vmem>>
      %dma_wait3A_728 = arith.constant 0 : i32
      %dma_wait3A_729 = tpu.memref_slice %arg18[%dma_wait3A_725, %dma_wait3A_728] : memref<8x128xi32, #tpu.memory_space<vmem>> -> memref<1x128xi32, #tpu.memory_space<vmem>>
      %dma_wait3A_730 = tpu.memref_squeeze %dma_wait3A_729 : memref<1x128xi32, #tpu.memory_space<vmem>> -> memref<128xi32, #tpu.memory_space<vmem>>
      %dma_wait3A_731 = arith.constant 0 : i32
      %dma_wait3A_732 = tpu.memref_slice %arg34[%dma_wait3A_731] : memref<50176xf32, #tpu.memory_space<vmem_shared>> -> memref<50176xf32, #tpu.memory_space<vmem_shared>>
      tpu.wait_indirect_dma semaphore(%arg38 : memref<!tpu.dma_semaphore, #tpu.memory_space<semaphore_mem>>) src(%dma_wait3A_727 : memref<128xf32, #tpu.memory_space<vmem>>) dst(%dma_wait3A_732 : memref<50176xf32, #tpu.memory_space<vmem_shared>>)
      %dma_wait3A_733 = arith.constant 3 : i32
      %dma_wait3A_734 = arith.constant 384 : i32
      %dma_wait3A_735 = tpu.memref_slice %arg29[%dma_wait3A_734] : memref<1024xf32, #tpu.memory_space<vmem>> -> memref<128xf32, #tpu.memory_space<vmem>>
      %dma_wait3A_736 = arith.constant 0 : i32
      %dma_wait3A_737 = tpu.memref_slice %arg18[%dma_wait3A_733, %dma_wait3A_736] : memref<8x128xi32, #tpu.memory_space<vmem>> -> memref<1x128xi32, #tpu.memory_space<vmem>>
      %dma_wait3A_738 = tpu.memref_squeeze %dma_wait3A_737 : memref<1x128xi32, #tpu.memory_space<vmem>> -> memref<128xi32, #tpu.memory_space<vmem>>
      %dma_wait3A_739 = arith.constant 0 : i32
      %dma_wait3A_740 = tpu.memref_slice %arg35[%dma_wait3A_739] : memref<50176xf32, #tpu.memory_space<vmem_shared>> -> memref<50176xf32, #tpu.memory_space<vmem_shared>>
      tpu.wait_indirect_dma semaphore(%arg38 : memref<!tpu.dma_semaphore, #tpu.memory_space<semaphore_mem>>) src(%dma_wait3A_735 : memref<128xf32, #tpu.memory_space<vmem>>) dst(%dma_wait3A_740 : memref<50176xf32, #tpu.memory_space<vmem_shared>>)
      %dma_wait3A_741 = arith.constant 3 : i32
      %dma_wait3A_742 = arith.constant 384 : i32
      %dma_wait3A_743 = tpu.memref_slice %arg30[%dma_wait3A_742] : memref<1024xf32, #tpu.memory_space<vmem>> -> memref<128xf32, #tpu.memory_space<vmem>>
      %dma_wait3A_744 = arith.constant 0 : i32
      %dma_wait3A_745 = tpu.memref_slice %arg18[%dma_wait3A_741, %dma_wait3A_744] : memref<8x128xi32, #tpu.memory_space<vmem>> -> memref<1x128xi32, #tpu.memory_space<vmem>>
      %dma_wait3A_746 = tpu.memref_squeeze %dma_wait3A_745 : memref<1x128xi32, #tpu.memory_space<vmem>> -> memref<128xi32, #tpu.memory_space<vmem>>
      %dma_wait3A_747 = arith.constant 0 : i32
      %dma_wait3A_748 = tpu.memref_slice %arg36[%dma_wait3A_747] : memref<50176xf32, #tpu.memory_space<vmem_shared>> -> memref<50176xf32, #tpu.memory_space<vmem_shared>>
      tpu.wait_indirect_dma semaphore(%arg38 : memref<!tpu.dma_semaphore, #tpu.memory_space<semaphore_mem>>) src(%dma_wait3A_743 : memref<128xf32, #tpu.memory_space<vmem>>) dst(%dma_wait3A_748 : memref<50176xf32, #tpu.memory_space<vmem_shared>>)
      %dma_wait3A_749 = arith.constant 4 : i32
      %dma_wait3A_750 = arith.constant 512 : i32
      %dma_wait3A_751 = tpu.memref_slice %arg25[%dma_wait3A_750] : memref<1024xf32, #tpu.memory_space<vmem>> -> memref<128xf32, #tpu.memory_space<vmem>>
      %dma_wait3A_752 = arith.constant 0 : i32
      %dma_wait3A_753 = tpu.memref_slice %arg17[%dma_wait3A_749, %dma_wait3A_752] : memref<8x128xi32, #tpu.memory_space<vmem>> -> memref<1x128xi32, #tpu.memory_space<vmem>>
      %dma_wait3A_754 = tpu.memref_squeeze %dma_wait3A_753 : memref<1x128xi32, #tpu.memory_space<vmem>> -> memref<128xi32, #tpu.memory_space<vmem>>
      %dma_wait3A_755 = arith.constant 0 : i32
      %dma_wait3A_756 = tpu.memref_slice %arg34[%dma_wait3A_755] : memref<50176xf32, #tpu.memory_space<vmem_shared>> -> memref<50176xf32, #tpu.memory_space<vmem_shared>>
      tpu.wait_indirect_dma semaphore(%arg38 : memref<!tpu.dma_semaphore, #tpu.memory_space<semaphore_mem>>) src(%dma_wait3A_751 : memref<128xf32, #tpu.memory_space<vmem>>) dst(%dma_wait3A_756 : memref<50176xf32, #tpu.memory_space<vmem_shared>>)
      %dma_wait3A_757 = arith.constant 4 : i32
      %dma_wait3A_758 = arith.constant 512 : i32
      %dma_wait3A_759 = tpu.memref_slice %arg26[%dma_wait3A_758] : memref<1024xf32, #tpu.memory_space<vmem>> -> memref<128xf32, #tpu.memory_space<vmem>>
      %dma_wait3A_760 = arith.constant 0 : i32
      %dma_wait3A_761 = tpu.memref_slice %arg17[%dma_wait3A_757, %dma_wait3A_760] : memref<8x128xi32, #tpu.memory_space<vmem>> -> memref<1x128xi32, #tpu.memory_space<vmem>>
      %dma_wait3A_762 = tpu.memref_squeeze %dma_wait3A_761 : memref<1x128xi32, #tpu.memory_space<vmem>> -> memref<128xi32, #tpu.memory_space<vmem>>
      %dma_wait3A_763 = arith.constant 0 : i32
      %dma_wait3A_764 = tpu.memref_slice %arg35[%dma_wait3A_763] : memref<50176xf32, #tpu.memory_space<vmem_shared>> -> memref<50176xf32, #tpu.memory_space<vmem_shared>>
      tpu.wait_indirect_dma semaphore(%arg38 : memref<!tpu.dma_semaphore, #tpu.memory_space<semaphore_mem>>) src(%dma_wait3A_759 : memref<128xf32, #tpu.memory_space<vmem>>) dst(%dma_wait3A_764 : memref<50176xf32, #tpu.memory_space<vmem_shared>>)
      %dma_wait3A_765 = arith.constant 4 : i32
      %dma_wait3A_766 = arith.constant 512 : i32
      %dma_wait3A_767 = tpu.memref_slice %arg27[%dma_wait3A_766] : memref<1024xf32, #tpu.memory_space<vmem>> -> memref<128xf32, #tpu.memory_space<vmem>>
      %dma_wait3A_768 = arith.constant 0 : i32
      %dma_wait3A_769 = tpu.memref_slice %arg17[%dma_wait3A_765, %dma_wait3A_768] : memref<8x128xi32, #tpu.memory_space<vmem>> -> memref<1x128xi32, #tpu.memory_space<vmem>>
      %dma_wait3A_770 = tpu.memref_squeeze %dma_wait3A_769 : memref<1x128xi32, #tpu.memory_space<vmem>> -> memref<128xi32, #tpu.memory_space<vmem>>
      %dma_wait3A_771 = arith.constant 0 : i32
      %dma_wait3A_772 = tpu.memref_slice %arg36[%dma_wait3A_771] : memref<50176xf32, #tpu.memory_space<vmem_shared>> -> memref<50176xf32, #tpu.memory_space<vmem_shared>>
      tpu.wait_indirect_dma semaphore(%arg38 : memref<!tpu.dma_semaphore, #tpu.memory_space<semaphore_mem>>) src(%dma_wait3A_767 : memref<128xf32, #tpu.memory_space<vmem>>) dst(%dma_wait3A_772 : memref<50176xf32, #tpu.memory_space<vmem_shared>>)
      %dma_wait3A_773 = arith.constant 4 : i32
      %dma_wait3A_774 = arith.constant 512 : i32
      %dma_wait3A_775 = tpu.memref_slice %arg28[%dma_wait3A_774] : memref<1024xf32, #tpu.memory_space<vmem>> -> memref<128xf32, #tpu.memory_space<vmem>>
      %dma_wait3A_776 = arith.constant 0 : i32
      %dma_wait3A_777 = tpu.memref_slice %arg18[%dma_wait3A_773, %dma_wait3A_776] : memref<8x128xi32, #tpu.memory_space<vmem>> -> memref<1x128xi32, #tpu.memory_space<vmem>>
      %dma_wait3A_778 = tpu.memref_squeeze %dma_wait3A_777 : memref<1x128xi32, #tpu.memory_space<vmem>> -> memref<128xi32, #tpu.memory_space<vmem>>
      %dma_wait3A_779 = arith.constant 0 : i32
      %dma_wait3A_780 = tpu.memref_slice %arg34[%dma_wait3A_779] : memref<50176xf32, #tpu.memory_space<vmem_shared>> -> memref<50176xf32, #tpu.memory_space<vmem_shared>>
      tpu.wait_indirect_dma semaphore(%arg38 : memref<!tpu.dma_semaphore, #tpu.memory_space<semaphore_mem>>) src(%dma_wait3A_775 : memref<128xf32, #tpu.memory_space<vmem>>) dst(%dma_wait3A_780 : memref<50176xf32, #tpu.memory_space<vmem_shared>>)
      %dma_wait3A_781 = arith.constant 4 : i32
      %dma_wait3A_782 = arith.constant 512 : i32
      %dma_wait3A_783 = tpu.memref_slice %arg29[%dma_wait3A_782] : memref<1024xf32, #tpu.memory_space<vmem>> -> memref<128xf32, #tpu.memory_space<vmem>>
      %dma_wait3A_784 = arith.constant 0 : i32
      %dma_wait3A_785 = tpu.memref_slice %arg18[%dma_wait3A_781, %dma_wait3A_784] : memref<8x128xi32, #tpu.memory_space<vmem>> -> memref<1x128xi32, #tpu.memory_space<vmem>>
      %dma_wait3A_786 = tpu.memref_squeeze %dma_wait3A_785 : memref<1x128xi32, #tpu.memory_space<vmem>> -> memref<128xi32, #tpu.memory_space<vmem>>
      %dma_wait3A_787 = arith.constant 0 : i32
      %dma_wait3A_788 = tpu.memref_slice %arg35[%dma_wait3A_787] : memref<50176xf32, #tpu.memory_space<vmem_shared>> -> memref<50176xf32, #tpu.memory_space<vmem_shared>>
      tpu.wait_indirect_dma semaphore(%arg38 : memref<!tpu.dma_semaphore, #tpu.memory_space<semaphore_mem>>) src(%dma_wait3A_783 : memref<128xf32, #tpu.memory_space<vmem>>) dst(%dma_wait3A_788 : memref<50176xf32, #tpu.memory_space<vmem_shared>>)
      %dma_wait3A_789 = arith.constant 4 : i32
      %dma_wait3A_790 = arith.constant 512 : i32
      %dma_wait3A_791 = tpu.memref_slice %arg30[%dma_wait3A_790] : memref<1024xf32, #tpu.memory_space<vmem>> -> memref<128xf32, #tpu.memory_space<vmem>>
      %dma_wait3A_792 = arith.constant 0 : i32
      %dma_wait3A_793 = tpu.memref_slice %arg18[%dma_wait3A_789, %dma_wait3A_792] : memref<8x128xi32, #tpu.memory_space<vmem>> -> memref<1x128xi32, #tpu.memory_space<vmem>>
      %dma_wait3A_794 = tpu.memref_squeeze %dma_wait3A_793 : memref<1x128xi32, #tpu.memory_space<vmem>> -> memref<128xi32, #tpu.memory_space<vmem>>
      %dma_wait3A_795 = arith.constant 0 : i32
      %dma_wait3A_796 = tpu.memref_slice %arg36[%dma_wait3A_795] : memref<50176xf32, #tpu.memory_space<vmem_shared>> -> memref<50176xf32, #tpu.memory_space<vmem_shared>>
      tpu.wait_indirect_dma semaphore(%arg38 : memref<!tpu.dma_semaphore, #tpu.memory_space<semaphore_mem>>) src(%dma_wait3A_791 : memref<128xf32, #tpu.memory_space<vmem>>) dst(%dma_wait3A_796 : memref<50176xf32, #tpu.memory_space<vmem_shared>>)
      %dma_wait3A_797 = arith.constant 5 : i32
      %dma_wait3A_798 = arith.constant 640 : i32
      %dma_wait3A_799 = tpu.memref_slice %arg25[%dma_wait3A_798] : memref<1024xf32, #tpu.memory_space<vmem>> -> memref<128xf32, #tpu.memory_space<vmem>>
      %dma_wait3A_800 = arith.constant 0 : i32
      %dma_wait3A_801 = tpu.memref_slice %arg17[%dma_wait3A_797, %dma_wait3A_800] : memref<8x128xi32, #tpu.memory_space<vmem>> -> memref<1x128xi32, #tpu.memory_space<vmem>>
      %dma_wait3A_802 = tpu.memref_squeeze %dma_wait3A_801 : memref<1x128xi32, #tpu.memory_space<vmem>> -> memref<128xi32, #tpu.memory_space<vmem>>
      %dma_wait3A_803 = arith.constant 0 : i32
      %dma_wait3A_804 = tpu.memref_slice %arg34[%dma_wait3A_803] : memref<50176xf32, #tpu.memory_space<vmem_shared>> -> memref<50176xf32, #tpu.memory_space<vmem_shared>>
      tpu.wait_indirect_dma semaphore(%arg38 : memref<!tpu.dma_semaphore, #tpu.memory_space<semaphore_mem>>) src(%dma_wait3A_799 : memref<128xf32, #tpu.memory_space<vmem>>) dst(%dma_wait3A_804 : memref<50176xf32, #tpu.memory_space<vmem_shared>>)
      %dma_wait3A_805 = arith.constant 5 : i32
      %dma_wait3A_806 = arith.constant 640 : i32
      %dma_wait3A_807 = tpu.memref_slice %arg26[%dma_wait3A_806] : memref<1024xf32, #tpu.memory_space<vmem>> -> memref<128xf32, #tpu.memory_space<vmem>>
      %dma_wait3A_808 = arith.constant 0 : i32
      %dma_wait3A_809 = tpu.memref_slice %arg17[%dma_wait3A_805, %dma_wait3A_808] : memref<8x128xi32, #tpu.memory_space<vmem>> -> memref<1x128xi32, #tpu.memory_space<vmem>>
      %dma_wait3A_810 = tpu.memref_squeeze %dma_wait3A_809 : memref<1x128xi32, #tpu.memory_space<vmem>> -> memref<128xi32, #tpu.memory_space<vmem>>
      %dma_wait3A_811 = arith.constant 0 : i32
      %dma_wait3A_812 = tpu.memref_slice %arg35[%dma_wait3A_811] : memref<50176xf32, #tpu.memory_space<vmem_shared>> -> memref<50176xf32, #tpu.memory_space<vmem_shared>>
      tpu.wait_indirect_dma semaphore(%arg38 : memref<!tpu.dma_semaphore, #tpu.memory_space<semaphore_mem>>) src(%dma_wait3A_807 : memref<128xf32, #tpu.memory_space<vmem>>) dst(%dma_wait3A_812 : memref<50176xf32, #tpu.memory_space<vmem_shared>>)
      %dma_wait3A_813 = arith.constant 5 : i32
      %dma_wait3A_814 = arith.constant 640 : i32
      %dma_wait3A_815 = tpu.memref_slice %arg27[%dma_wait3A_814] : memref<1024xf32, #tpu.memory_space<vmem>> -> memref<128xf32, #tpu.memory_space<vmem>>
      %dma_wait3A_816 = arith.constant 0 : i32
      %dma_wait3A_817 = tpu.memref_slice %arg17[%dma_wait3A_813, %dma_wait3A_816] : memref<8x128xi32, #tpu.memory_space<vmem>> -> memref<1x128xi32, #tpu.memory_space<vmem>>
      %dma_wait3A_818 = tpu.memref_squeeze %dma_wait3A_817 : memref<1x128xi32, #tpu.memory_space<vmem>> -> memref<128xi32, #tpu.memory_space<vmem>>
      %dma_wait3A_819 = arith.constant 0 : i32
      %dma_wait3A_820 = tpu.memref_slice %arg36[%dma_wait3A_819] : memref<50176xf32, #tpu.memory_space<vmem_shared>> -> memref<50176xf32, #tpu.memory_space<vmem_shared>>
      tpu.wait_indirect_dma semaphore(%arg38 : memref<!tpu.dma_semaphore, #tpu.memory_space<semaphore_mem>>) src(%dma_wait3A_815 : memref<128xf32, #tpu.memory_space<vmem>>) dst(%dma_wait3A_820 : memref<50176xf32, #tpu.memory_space<vmem_shared>>)
      %dma_wait3A_821 = arith.constant 5 : i32
      %dma_wait3A_822 = arith.constant 640 : i32
      %dma_wait3A_823 = tpu.memref_slice %arg28[%dma_wait3A_822] : memref<1024xf32, #tpu.memory_space<vmem>> -> memref<128xf32, #tpu.memory_space<vmem>>
      %dma_wait3A_824 = arith.constant 0 : i32
      %dma_wait3A_825 = tpu.memref_slice %arg18[%dma_wait3A_821, %dma_wait3A_824] : memref<8x128xi32, #tpu.memory_space<vmem>> -> memref<1x128xi32, #tpu.memory_space<vmem>>
      %dma_wait3A_826 = tpu.memref_squeeze %dma_wait3A_825 : memref<1x128xi32, #tpu.memory_space<vmem>> -> memref<128xi32, #tpu.memory_space<vmem>>
      %dma_wait3A_827 = arith.constant 0 : i32
      %dma_wait3A_828 = tpu.memref_slice %arg34[%dma_wait3A_827] : memref<50176xf32, #tpu.memory_space<vmem_shared>> -> memref<50176xf32, #tpu.memory_space<vmem_shared>>
      tpu.wait_indirect_dma semaphore(%arg38 : memref<!tpu.dma_semaphore, #tpu.memory_space<semaphore_mem>>) src(%dma_wait3A_823 : memref<128xf32, #tpu.memory_space<vmem>>) dst(%dma_wait3A_828 : memref<50176xf32, #tpu.memory_space<vmem_shared>>)
      %dma_wait3A_829 = arith.constant 5 : i32
      %dma_wait3A_830 = arith.constant 640 : i32
      %dma_wait3A_831 = tpu.memref_slice %arg29[%dma_wait3A_830] : memref<1024xf32, #tpu.memory_space<vmem>> -> memref<128xf32, #tpu.memory_space<vmem>>
      %dma_wait3A_832 = arith.constant 0 : i32
      %dma_wait3A_833 = tpu.memref_slice %arg18[%dma_wait3A_829, %dma_wait3A_832] : memref<8x128xi32, #tpu.memory_space<vmem>> -> memref<1x128xi32, #tpu.memory_space<vmem>>
      %dma_wait3A_834 = tpu.memref_squeeze %dma_wait3A_833 : memref<1x128xi32, #tpu.memory_space<vmem>> -> memref<128xi32, #tpu.memory_space<vmem>>
      %dma_wait3A_835 = arith.constant 0 : i32
      %dma_wait3A_836 = tpu.memref_slice %arg35[%dma_wait3A_835] : memref<50176xf32, #tpu.memory_space<vmem_shared>> -> memref<50176xf32, #tpu.memory_space<vmem_shared>>
      tpu.wait_indirect_dma semaphore(%arg38 : memref<!tpu.dma_semaphore, #tpu.memory_space<semaphore_mem>>) src(%dma_wait3A_831 : memref<128xf32, #tpu.memory_space<vmem>>) dst(%dma_wait3A_836 : memref<50176xf32, #tpu.memory_space<vmem_shared>>)
      %dma_wait3A_837 = arith.constant 5 : i32
      %dma_wait3A_838 = arith.constant 640 : i32
      %dma_wait3A_839 = tpu.memref_slice %arg30[%dma_wait3A_838] : memref<1024xf32, #tpu.memory_space<vmem>> -> memref<128xf32, #tpu.memory_space<vmem>>
      %dma_wait3A_840 = arith.constant 0 : i32
      %dma_wait3A_841 = tpu.memref_slice %arg18[%dma_wait3A_837, %dma_wait3A_840] : memref<8x128xi32, #tpu.memory_space<vmem>> -> memref<1x128xi32, #tpu.memory_space<vmem>>
      %dma_wait3A_842 = tpu.memref_squeeze %dma_wait3A_841 : memref<1x128xi32, #tpu.memory_space<vmem>> -> memref<128xi32, #tpu.memory_space<vmem>>
      %dma_wait3A_843 = arith.constant 0 : i32
      %dma_wait3A_844 = tpu.memref_slice %arg36[%dma_wait3A_843] : memref<50176xf32, #tpu.memory_space<vmem_shared>> -> memref<50176xf32, #tpu.memory_space<vmem_shared>>
      tpu.wait_indirect_dma semaphore(%arg38 : memref<!tpu.dma_semaphore, #tpu.memory_space<semaphore_mem>>) src(%dma_wait3A_839 : memref<128xf32, #tpu.memory_space<vmem>>) dst(%dma_wait3A_844 : memref<50176xf32, #tpu.memory_space<vmem_shared>>)
      %dma_wait3A_845 = arith.constant 6 : i32
      %dma_wait3A_846 = arith.constant 768 : i32
      %dma_wait3A_847 = tpu.memref_slice %arg25[%dma_wait3A_846] : memref<1024xf32, #tpu.memory_space<vmem>> -> memref<128xf32, #tpu.memory_space<vmem>>
      %dma_wait3A_848 = arith.constant 0 : i32
      %dma_wait3A_849 = tpu.memref_slice %arg17[%dma_wait3A_845, %dma_wait3A_848] : memref<8x128xi32, #tpu.memory_space<vmem>> -> memref<1x128xi32, #tpu.memory_space<vmem>>
      %dma_wait3A_850 = tpu.memref_squeeze %dma_wait3A_849 : memref<1x128xi32, #tpu.memory_space<vmem>> -> memref<128xi32, #tpu.memory_space<vmem>>
      %dma_wait3A_851 = arith.constant 0 : i32
      %dma_wait3A_852 = tpu.memref_slice %arg34[%dma_wait3A_851] : memref<50176xf32, #tpu.memory_space<vmem_shared>> -> memref<50176xf32, #tpu.memory_space<vmem_shared>>
      tpu.wait_indirect_dma semaphore(%arg38 : memref<!tpu.dma_semaphore, #tpu.memory_space<semaphore_mem>>) src(%dma_wait3A_847 : memref<128xf32, #tpu.memory_space<vmem>>) dst(%dma_wait3A_852 : memref<50176xf32, #tpu.memory_space<vmem_shared>>)
      %dma_wait3A_853 = arith.constant 6 : i32
      %dma_wait3A_854 = arith.constant 768 : i32
      %dma_wait3A_855 = tpu.memref_slice %arg26[%dma_wait3A_854] : memref<1024xf32, #tpu.memory_space<vmem>> -> memref<128xf32, #tpu.memory_space<vmem>>
      %dma_wait3A_856 = arith.constant 0 : i32
      %dma_wait3A_857 = tpu.memref_slice %arg17[%dma_wait3A_853, %dma_wait3A_856] : memref<8x128xi32, #tpu.memory_space<vmem>> -> memref<1x128xi32, #tpu.memory_space<vmem>>
      %dma_wait3A_858 = tpu.memref_squeeze %dma_wait3A_857 : memref<1x128xi32, #tpu.memory_space<vmem>> -> memref<128xi32, #tpu.memory_space<vmem>>
      %dma_wait3A_859 = arith.constant 0 : i32
      %dma_wait3A_860 = tpu.memref_slice %arg35[%dma_wait3A_859] : memref<50176xf32, #tpu.memory_space<vmem_shared>> -> memref<50176xf32, #tpu.memory_space<vmem_shared>>
      tpu.wait_indirect_dma semaphore(%arg38 : memref<!tpu.dma_semaphore, #tpu.memory_space<semaphore_mem>>) src(%dma_wait3A_855 : memref<128xf32, #tpu.memory_space<vmem>>) dst(%dma_wait3A_860 : memref<50176xf32, #tpu.memory_space<vmem_shared>>)
      %dma_wait3A_861 = arith.constant 6 : i32
      %dma_wait3A_862 = arith.constant 768 : i32
      %dma_wait3A_863 = tpu.memref_slice %arg27[%dma_wait3A_862] : memref<1024xf32, #tpu.memory_space<vmem>> -> memref<128xf32, #tpu.memory_space<vmem>>
      %dma_wait3A_864 = arith.constant 0 : i32
      %dma_wait3A_865 = tpu.memref_slice %arg17[%dma_wait3A_861, %dma_wait3A_864] : memref<8x128xi32, #tpu.memory_space<vmem>> -> memref<1x128xi32, #tpu.memory_space<vmem>>
      %dma_wait3A_866 = tpu.memref_squeeze %dma_wait3A_865 : memref<1x128xi32, #tpu.memory_space<vmem>> -> memref<128xi32, #tpu.memory_space<vmem>>
      %dma_wait3A_867 = arith.constant 0 : i32
      %dma_wait3A_868 = tpu.memref_slice %arg36[%dma_wait3A_867] : memref<50176xf32, #tpu.memory_space<vmem_shared>> -> memref<50176xf32, #tpu.memory_space<vmem_shared>>
      tpu.wait_indirect_dma semaphore(%arg38 : memref<!tpu.dma_semaphore, #tpu.memory_space<semaphore_mem>>) src(%dma_wait3A_863 : memref<128xf32, #tpu.memory_space<vmem>>) dst(%dma_wait3A_868 : memref<50176xf32, #tpu.memory_space<vmem_shared>>)
      %dma_wait3A_869 = arith.constant 6 : i32
      %dma_wait3A_870 = arith.constant 768 : i32
      %dma_wait3A_871 = tpu.memref_slice %arg28[%dma_wait3A_870] : memref<1024xf32, #tpu.memory_space<vmem>> -> memref<128xf32, #tpu.memory_space<vmem>>
      %dma_wait3A_872 = arith.constant 0 : i32
      %dma_wait3A_873 = tpu.memref_slice %arg18[%dma_wait3A_869, %dma_wait3A_872] : memref<8x128xi32, #tpu.memory_space<vmem>> -> memref<1x128xi32, #tpu.memory_space<vmem>>
      %dma_wait3A_874 = tpu.memref_squeeze %dma_wait3A_873 : memref<1x128xi32, #tpu.memory_space<vmem>> -> memref<128xi32, #tpu.memory_space<vmem>>
      %dma_wait3A_875 = arith.constant 0 : i32
      %dma_wait3A_876 = tpu.memref_slice %arg34[%dma_wait3A_875] : memref<50176xf32, #tpu.memory_space<vmem_shared>> -> memref<50176xf32, #tpu.memory_space<vmem_shared>>
      tpu.wait_indirect_dma semaphore(%arg38 : memref<!tpu.dma_semaphore, #tpu.memory_space<semaphore_mem>>) src(%dma_wait3A_871 : memref<128xf32, #tpu.memory_space<vmem>>) dst(%dma_wait3A_876 : memref<50176xf32, #tpu.memory_space<vmem_shared>>)
      %dma_wait3A_877 = arith.constant 6 : i32
      %dma_wait3A_878 = arith.constant 768 : i32
      %dma_wait3A_879 = tpu.memref_slice %arg29[%dma_wait3A_878] : memref<1024xf32, #tpu.memory_space<vmem>> -> memref<128xf32, #tpu.memory_space<vmem>>
      %dma_wait3A_880 = arith.constant 0 : i32
      %dma_wait3A_881 = tpu.memref_slice %arg18[%dma_wait3A_877, %dma_wait3A_880] : memref<8x128xi32, #tpu.memory_space<vmem>> -> memref<1x128xi32, #tpu.memory_space<vmem>>
      %dma_wait3A_882 = tpu.memref_squeeze %dma_wait3A_881 : memref<1x128xi32, #tpu.memory_space<vmem>> -> memref<128xi32, #tpu.memory_space<vmem>>
      %dma_wait3A_883 = arith.constant 0 : i32
      %dma_wait3A_884 = tpu.memref_slice %arg35[%dma_wait3A_883] : memref<50176xf32, #tpu.memory_space<vmem_shared>> -> memref<50176xf32, #tpu.memory_space<vmem_shared>>
      tpu.wait_indirect_dma semaphore(%arg38 : memref<!tpu.dma_semaphore, #tpu.memory_space<semaphore_mem>>) src(%dma_wait3A_879 : memref<128xf32, #tpu.memory_space<vmem>>) dst(%dma_wait3A_884 : memref<50176xf32, #tpu.memory_space<vmem_shared>>)
      %dma_wait3A_885 = arith.constant 6 : i32
      %dma_wait3A_886 = arith.constant 768 : i32
      %dma_wait3A_887 = tpu.memref_slice %arg30[%dma_wait3A_886] : memref<1024xf32, #tpu.memory_space<vmem>> -> memref<128xf32, #tpu.memory_space<vmem>>
      %dma_wait3A_888 = arith.constant 0 : i32
      %dma_wait3A_889 = tpu.memref_slice %arg18[%dma_wait3A_885, %dma_wait3A_888] : memref<8x128xi32, #tpu.memory_space<vmem>> -> memref<1x128xi32, #tpu.memory_space<vmem>>
      %dma_wait3A_890 = tpu.memref_squeeze %dma_wait3A_889 : memref<1x128xi32, #tpu.memory_space<vmem>> -> memref<128xi32, #tpu.memory_space<vmem>>
      %dma_wait3A_891 = arith.constant 0 : i32
      %dma_wait3A_892 = tpu.memref_slice %arg36[%dma_wait3A_891] : memref<50176xf32, #tpu.memory_space<vmem_shared>> -> memref<50176xf32, #tpu.memory_space<vmem_shared>>
      tpu.wait_indirect_dma semaphore(%arg38 : memref<!tpu.dma_semaphore, #tpu.memory_space<semaphore_mem>>) src(%dma_wait3A_887 : memref<128xf32, #tpu.memory_space<vmem>>) dst(%dma_wait3A_892 : memref<50176xf32, #tpu.memory_space<vmem_shared>>)
      %dma_wait3A_893 = arith.constant 7 : i32
      %dma_wait3A_894 = arith.constant 896 : i32
      %dma_wait3A_895 = tpu.memref_slice %arg25[%dma_wait3A_894] : memref<1024xf32, #tpu.memory_space<vmem>> -> memref<128xf32, #tpu.memory_space<vmem>>
      %dma_wait3A_896 = arith.constant 0 : i32
      %dma_wait3A_897 = tpu.memref_slice %arg17[%dma_wait3A_893, %dma_wait3A_896] : memref<8x128xi32, #tpu.memory_space<vmem>> -> memref<1x128xi32, #tpu.memory_space<vmem>>
      %dma_wait3A_898 = tpu.memref_squeeze %dma_wait3A_897 : memref<1x128xi32, #tpu.memory_space<vmem>> -> memref<128xi32, #tpu.memory_space<vmem>>
      %dma_wait3A_899 = arith.constant 0 : i32
      %dma_wait3A_900 = tpu.memref_slice %arg34[%dma_wait3A_899] : memref<50176xf32, #tpu.memory_space<vmem_shared>> -> memref<50176xf32, #tpu.memory_space<vmem_shared>>
      tpu.wait_indirect_dma semaphore(%arg38 : memref<!tpu.dma_semaphore, #tpu.memory_space<semaphore_mem>>) src(%dma_wait3A_895 : memref<128xf32, #tpu.memory_space<vmem>>) dst(%dma_wait3A_900 : memref<50176xf32, #tpu.memory_space<vmem_shared>>)
      %dma_wait3A_901 = arith.constant 7 : i32
      %dma_wait3A_902 = arith.constant 896 : i32
      %dma_wait3A_903 = tpu.memref_slice %arg26[%dma_wait3A_902] : memref<1024xf32, #tpu.memory_space<vmem>> -> memref<128xf32, #tpu.memory_space<vmem>>
      %dma_wait3A_904 = arith.constant 0 : i32
      %dma_wait3A_905 = tpu.memref_slice %arg17[%dma_wait3A_901, %dma_wait3A_904] : memref<8x128xi32, #tpu.memory_space<vmem>> -> memref<1x128xi32, #tpu.memory_space<vmem>>
      %dma_wait3A_906 = tpu.memref_squeeze %dma_wait3A_905 : memref<1x128xi32, #tpu.memory_space<vmem>> -> memref<128xi32, #tpu.memory_space<vmem>>
      %dma_wait3A_907 = arith.constant 0 : i32
      %dma_wait3A_908 = tpu.memref_slice %arg35[%dma_wait3A_907] : memref<50176xf32, #tpu.memory_space<vmem_shared>> -> memref<50176xf32, #tpu.memory_space<vmem_shared>>
      tpu.wait_indirect_dma semaphore(%arg38 : memref<!tpu.dma_semaphore, #tpu.memory_space<semaphore_mem>>) src(%dma_wait3A_903 : memref<128xf32, #tpu.memory_space<vmem>>) dst(%dma_wait3A_908 : memref<50176xf32, #tpu.memory_space<vmem_shared>>)
      %dma_wait3A_909 = arith.constant 7 : i32
      %dma_wait3A_910 = arith.constant 896 : i32
      %dma_wait3A_911 = tpu.memref_slice %arg27[%dma_wait3A_910] : memref<1024xf32, #tpu.memory_space<vmem>> -> memref<128xf32, #tpu.memory_space<vmem>>
      %dma_wait3A_912 = arith.constant 0 : i32
      %dma_wait3A_913 = tpu.memref_slice %arg17[%dma_wait3A_909, %dma_wait3A_912] : memref<8x128xi32, #tpu.memory_space<vmem>> -> memref<1x128xi32, #tpu.memory_space<vmem>>
      %dma_wait3A_914 = tpu.memref_squeeze %dma_wait3A_913 : memref<1x128xi32, #tpu.memory_space<vmem>> -> memref<128xi32, #tpu.memory_space<vmem>>
      %dma_wait3A_915 = arith.constant 0 : i32
      %dma_wait3A_916 = tpu.memref_slice %arg36[%dma_wait3A_915] : memref<50176xf32, #tpu.memory_space<vmem_shared>> -> memref<50176xf32, #tpu.memory_space<vmem_shared>>
      tpu.wait_indirect_dma semaphore(%arg38 : memref<!tpu.dma_semaphore, #tpu.memory_space<semaphore_mem>>) src(%dma_wait3A_911 : memref<128xf32, #tpu.memory_space<vmem>>) dst(%dma_wait3A_916 : memref<50176xf32, #tpu.memory_space<vmem_shared>>)
      %dma_wait3A_917 = arith.constant 7 : i32
      %dma_wait3A_918 = arith.constant 896 : i32
      %dma_wait3A_919 = tpu.memref_slice %arg28[%dma_wait3A_918] : memref<1024xf32, #tpu.memory_space<vmem>> -> memref<128xf32, #tpu.memory_space<vmem>>
      %dma_wait3A_920 = arith.constant 0 : i32
      %dma_wait3A_921 = tpu.memref_slice %arg18[%dma_wait3A_917, %dma_wait3A_920] : memref<8x128xi32, #tpu.memory_space<vmem>> -> memref<1x128xi32, #tpu.memory_space<vmem>>
      %dma_wait3A_922 = tpu.memref_squeeze %dma_wait3A_921 : memref<1x128xi32, #tpu.memory_space<vmem>> -> memref<128xi32, #tpu.memory_space<vmem>>
      %dma_wait3A_923 = arith.constant 0 : i32
      %dma_wait3A_924 = tpu.memref_slice %arg34[%dma_wait3A_923] : memref<50176xf32, #tpu.memory_space<vmem_shared>> -> memref<50176xf32, #tpu.memory_space<vmem_shared>>
      tpu.wait_indirect_dma semaphore(%arg38 : memref<!tpu.dma_semaphore, #tpu.memory_space<semaphore_mem>>) src(%dma_wait3A_919 : memref<128xf32, #tpu.memory_space<vmem>>) dst(%dma_wait3A_924 : memref<50176xf32, #tpu.memory_space<vmem_shared>>)
      %dma_wait3A_925 = arith.constant 7 : i32
      %dma_wait3A_926 = arith.constant 896 : i32
      %dma_wait3A_927 = tpu.memref_slice %arg29[%dma_wait3A_926] : memref<1024xf32, #tpu.memory_space<vmem>> -> memref<128xf32, #tpu.memory_space<vmem>>
      %dma_wait3A_928 = arith.constant 0 : i32
      %dma_wait3A_929 = tpu.memref_slice %arg18[%dma_wait3A_925, %dma_wait3A_928] : memref<8x128xi32, #tpu.memory_space<vmem>> -> memref<1x128xi32, #tpu.memory_space<vmem>>
      %dma_wait3A_930 = tpu.memref_squeeze %dma_wait3A_929 : memref<1x128xi32, #tpu.memory_space<vmem>> -> memref<128xi32, #tpu.memory_space<vmem>>
      %dma_wait3A_931 = arith.constant 0 : i32
      %dma_wait3A_932 = tpu.memref_slice %arg35[%dma_wait3A_931] : memref<50176xf32, #tpu.memory_space<vmem_shared>> -> memref<50176xf32, #tpu.memory_space<vmem_shared>>
      tpu.wait_indirect_dma semaphore(%arg38 : memref<!tpu.dma_semaphore, #tpu.memory_space<semaphore_mem>>) src(%dma_wait3A_927 : memref<128xf32, #tpu.memory_space<vmem>>) dst(%dma_wait3A_932 : memref<50176xf32, #tpu.memory_space<vmem_shared>>)
      %dma_wait3A_933 = arith.constant 7 : i32
      %dma_wait3A_934 = arith.constant 896 : i32
      %dma_wait3A_935 = tpu.memref_slice %arg30[%dma_wait3A_934] : memref<1024xf32, #tpu.memory_space<vmem>> -> memref<128xf32, #tpu.memory_space<vmem>>
      %dma_wait3A_936 = arith.constant 0 : i32
      %dma_wait3A_937 = tpu.memref_slice %arg18[%dma_wait3A_933, %dma_wait3A_936] : memref<8x128xi32, #tpu.memory_space<vmem>> -> memref<1x128xi32, #tpu.memory_space<vmem>>
      %dma_wait3A_938 = tpu.memref_squeeze %dma_wait3A_937 : memref<1x128xi32, #tpu.memory_space<vmem>> -> memref<128xi32, #tpu.memory_space<vmem>>
      %dma_wait3A_939 = arith.constant 0 : i32
      %dma_wait3A_940 = tpu.memref_slice %arg36[%dma_wait3A_939] : memref<50176xf32, #tpu.memory_space<vmem_shared>> -> memref<50176xf32, #tpu.memory_space<vmem_shared>>
      tpu.wait_indirect_dma semaphore(%arg38 : memref<!tpu.dma_semaphore, #tpu.memory_space<semaphore_mem>>) src(%dma_wait3A_935 : memref<128xf32, #tpu.memory_space<vmem>>) dst(%dma_wait3A_940 : memref<50176xf32, #tpu.memory_space<vmem_shared>>)
    }
    %barrier3A_49 = arith.constant 0 : index
    tpu.barrier barrier_id(%barrier3A_49)
    %mul3A_50 = arith.constant 150528 : i32
    %mul3A_51 = arith.muli %arg0, %mul3A_50 : i32
    %add3A_52 = arith.addi %mul3A_51, %mul3A_13 : i32
    %add3A_53 = arith.constant 0 : i32
    %add3A_54 = arith.addi %add3A_52, %add3A_53 : i32
    %add3A_55 = arith.constant 0 : i32
    %add3A_56 = arith.addi %mul3A_13, %add3A_55 : i32
    "tpu.region"() ({
      %run_scoped3A = tpu.sem_alloc : memref<!tpu.dma_semaphore, #tpu.memory_space<semaphore_mem>>
      %dma_start3A = arith.constant 0 : i32
      %dma_start3A_118 = tpu.memref_slice %arg31[%dma_start3A] : memref<1024xf32, #tpu.memory_space<vmem>> -> memref<1024xf32, #tpu.memory_space<vmem>>
      %dma_start3A_119 = tpu.memref_slice %arg34[%add3A_56] : memref<50176xf32, #tpu.memory_space<vmem_shared>> -> memref<1024xf32, #tpu.memory_space<vmem_shared>>
      %dma_start3A_120 = arith.constant 0 : i32
      %dma_start3A_121 = tpu.memref_slice %arg31[%dma_start3A_120] : memref<1024xf32, #tpu.memory_space<vmem>> -> memref<1024xf32, #tpu.memory_space<vmem>>
      %dma_start3A_122 = tpu.memref_slice %arg34[%add3A_56] : memref<50176xf32, #tpu.memory_space<vmem_shared>> -> memref<1024xf32, #tpu.memory_space<vmem_shared>>
      tpu.enqueue_dma source(%dma_start3A_122 : memref<1024xf32, #tpu.memory_space<vmem_shared>>) target(%dma_start3A_121 : memref<1024xf32, #tpu.memory_space<vmem>>) target_semaphore(%run_scoped3A : memref<!tpu.dma_semaphore, #tpu.memory_space<semaphore_mem>>)
      %dma_wait3A = arith.constant 0 : i32
      %dma_wait3A_123 = tpu.memref_slice %arg31[%dma_wait3A] : memref<1024xf32, #tpu.memory_space<vmem>> -> memref<1024xf32, #tpu.memory_space<vmem>>
      %dma_wait3A_124 = tpu.memref_slice %arg34[%add3A_56] : memref<50176xf32, #tpu.memory_space<vmem_shared>> -> memref<1024xf32, #tpu.memory_space<vmem_shared>>
      %dma_wait3A_125 = arith.constant 0 : i32
      %dma_wait3A_126 = tpu.memref_slice %arg31[%dma_wait3A_125] : memref<1024xf32, #tpu.memory_space<vmem>> -> memref<1024xf32, #tpu.memory_space<vmem>>
      %dma_wait3A_127 = tpu.memref_slice %arg34[%add3A_56] : memref<50176xf32, #tpu.memory_space<vmem_shared>> -> memref<1024xf32, #tpu.memory_space<vmem_shared>>
      tpu.wait_dma2 semaphore(%run_scoped3A : memref<!tpu.dma_semaphore, #tpu.memory_space<semaphore_mem>>) src(%dma_wait3A_127 : memref<1024xf32, #tpu.memory_space<vmem_shared>>) dst(%dma_wait3A_126 : memref<1024xf32, #tpu.memory_space<vmem>>)
      tpu.yield
    }) : () -> ()
    %add3A_57 = arith.constant 0 : i32
    %add3A_58 = arith.addi %add3A_54, %add3A_57 : i32
    %multiple_of3A = tpu.assume_multiple %add3A_58, 8 : i32
    "tpu.region"() ({
      %run_scoped3A = tpu.sem_alloc : memref<!tpu.dma_semaphore, #tpu.memory_space<semaphore_mem>>
      %dma_start3A = arith.constant 0 : i32
      %dma_start3A_118 = tpu.memref_slice %arg31[%dma_start3A] : memref<1024xf32, #tpu.memory_space<vmem>> -> memref<1024xf32, #tpu.memory_space<vmem>>
      %dma_start3A_119 = tpu.memref_slice %arg14[%multiple_of3A] : memref<301056xf32, #tpu.memory_space<hbm>> -> memref<1024xf32, #tpu.memory_space<hbm>>
      %dma_start3A_120 = tpu.memref_slice %arg14[%multiple_of3A] : memref<301056xf32, #tpu.memory_space<hbm>> -> memref<1024xf32, #tpu.memory_space<hbm>>
      %dma_start3A_121 = arith.constant 0 : i32
      %dma_start3A_122 = tpu.memref_slice %arg31[%dma_start3A_121] : memref<1024xf32, #tpu.memory_space<vmem>> -> memref<1024xf32, #tpu.memory_space<vmem>>
      tpu.enqueue_dma source(%dma_start3A_122 : memref<1024xf32, #tpu.memory_space<vmem>>) target(%dma_start3A_120 : memref<1024xf32, #tpu.memory_space<hbm>>) target_semaphore(%run_scoped3A : memref<!tpu.dma_semaphore, #tpu.memory_space<semaphore_mem>>)
      %dma_wait3A = arith.constant 0 : i32
      %dma_wait3A_123 = tpu.memref_slice %arg31[%dma_wait3A] : memref<1024xf32, #tpu.memory_space<vmem>> -> memref<1024xf32, #tpu.memory_space<vmem>>
      %dma_wait3A_124 = tpu.memref_slice %arg14[%multiple_of3A] : memref<301056xf32, #tpu.memory_space<hbm>> -> memref<1024xf32, #tpu.memory_space<hbm>>
      %dma_wait3A_125 = tpu.memref_slice %arg14[%multiple_of3A] : memref<301056xf32, #tpu.memory_space<hbm>> -> memref<1024xf32, #tpu.memory_space<hbm>>
      %dma_wait3A_126 = arith.constant 0 : i32
      %dma_wait3A_127 = tpu.memref_slice %arg31[%dma_wait3A_126] : memref<1024xf32, #tpu.memory_space<vmem>> -> memref<1024xf32, #tpu.memory_space<vmem>>
      tpu.wait_dma2 semaphore(%run_scoped3A : memref<!tpu.dma_semaphore, #tpu.memory_space<semaphore_mem>>) src(%dma_wait3A_127 : memref<1024xf32, #tpu.memory_space<vmem>>) dst(%dma_wait3A_125 : memref<1024xf32, #tpu.memory_space<hbm>>)
      tpu.yield
    }) : () -> ()
    %add3A_59 = arith.constant 1024 : i32
    %add3A_60 = arith.addi %mul3A_13, %add3A_59 : i32
    "tpu.region"() ({
      %run_scoped3A = tpu.sem_alloc : memref<!tpu.dma_semaphore, #tpu.memory_space<semaphore_mem>>
      %dma_start3A = arith.constant 0 : i32
      %dma_start3A_118 = tpu.memref_slice %arg31[%dma_start3A] : memref<1024xf32, #tpu.memory_space<vmem>> -> memref<1024xf32, #tpu.memory_space<vmem>>
      %dma_start3A_119 = tpu.memref_slice %arg34[%add3A_60] : memref<50176xf32, #tpu.memory_space<vmem_shared>> -> memref<1024xf32, #tpu.memory_space<vmem_shared>>
      %dma_start3A_120 = arith.constant 0 : i32
      %dma_start3A_121 = tpu.memref_slice %arg31[%dma_start3A_120] : memref<1024xf32, #tpu.memory_space<vmem>> -> memref<1024xf32, #tpu.memory_space<vmem>>
      %dma_start3A_122 = tpu.memref_slice %arg34[%add3A_60] : memref<50176xf32, #tpu.memory_space<vmem_shared>> -> memref<1024xf32, #tpu.memory_space<vmem_shared>>
      tpu.enqueue_dma source(%dma_start3A_122 : memref<1024xf32, #tpu.memory_space<vmem_shared>>) target(%dma_start3A_121 : memref<1024xf32, #tpu.memory_space<vmem>>) target_semaphore(%run_scoped3A : memref<!tpu.dma_semaphore, #tpu.memory_space<semaphore_mem>>)
      %dma_wait3A = arith.constant 0 : i32
      %dma_wait3A_123 = tpu.memref_slice %arg31[%dma_wait3A] : memref<1024xf32, #tpu.memory_space<vmem>> -> memref<1024xf32, #tpu.memory_space<vmem>>
      %dma_wait3A_124 = tpu.memref_slice %arg34[%add3A_60] : memref<50176xf32, #tpu.memory_space<vmem_shared>> -> memref<1024xf32, #tpu.memory_space<vmem_shared>>
      %dma_wait3A_125 = arith.constant 0 : i32
      %dma_wait3A_126 = tpu.memref_slice %arg31[%dma_wait3A_125] : memref<1024xf32, #tpu.memory_space<vmem>> -> memref<1024xf32, #tpu.memory_space<vmem>>
      %dma_wait3A_127 = tpu.memref_slice %arg34[%add3A_60] : memref<50176xf32, #tpu.memory_space<vmem_shared>> -> memref<1024xf32, #tpu.memory_space<vmem_shared>>
      tpu.wait_dma2 semaphore(%run_scoped3A : memref<!tpu.dma_semaphore, #tpu.memory_space<semaphore_mem>>) src(%dma_wait3A_127 : memref<1024xf32, #tpu.memory_space<vmem_shared>>) dst(%dma_wait3A_126 : memref<1024xf32, #tpu.memory_space<vmem>>)
      tpu.yield
    }) : () -> ()
    %add3A_61 = arith.constant 1024 : i32
    %add3A_62 = arith.addi %add3A_54, %add3A_61 : i32
    %multiple_of3A_63 = tpu.assume_multiple %add3A_62, 8 : i32
    "tpu.region"() ({
      %run_scoped3A = tpu.sem_alloc : memref<!tpu.dma_semaphore, #tpu.memory_space<semaphore_mem>>
      %dma_start3A = arith.constant 0 : i32
      %dma_start3A_118 = tpu.memref_slice %arg31[%dma_start3A] : memref<1024xf32, #tpu.memory_space<vmem>> -> memref<1024xf32, #tpu.memory_space<vmem>>
      %dma_start3A_119 = tpu.memref_slice %arg14[%multiple_of3A_63] : memref<301056xf32, #tpu.memory_space<hbm>> -> memref<1024xf32, #tpu.memory_space<hbm>>
      %dma_start3A_120 = tpu.memref_slice %arg14[%multiple_of3A_63] : memref<301056xf32, #tpu.memory_space<hbm>> -> memref<1024xf32, #tpu.memory_space<hbm>>
      %dma_start3A_121 = arith.constant 0 : i32
      %dma_start3A_122 = tpu.memref_slice %arg31[%dma_start3A_121] : memref<1024xf32, #tpu.memory_space<vmem>> -> memref<1024xf32, #tpu.memory_space<vmem>>
      tpu.enqueue_dma source(%dma_start3A_122 : memref<1024xf32, #tpu.memory_space<vmem>>) target(%dma_start3A_120 : memref<1024xf32, #tpu.memory_space<hbm>>) target_semaphore(%run_scoped3A : memref<!tpu.dma_semaphore, #tpu.memory_space<semaphore_mem>>)
      %dma_wait3A = arith.constant 0 : i32
      %dma_wait3A_123 = tpu.memref_slice %arg31[%dma_wait3A] : memref<1024xf32, #tpu.memory_space<vmem>> -> memref<1024xf32, #tpu.memory_space<vmem>>
      %dma_wait3A_124 = tpu.memref_slice %arg14[%multiple_of3A_63] : memref<301056xf32, #tpu.memory_space<hbm>> -> memref<1024xf32, #tpu.memory_space<hbm>>
      %dma_wait3A_125 = tpu.memref_slice %arg14[%multiple_of3A_63] : memref<301056xf32, #tpu.memory_space<hbm>> -> memref<1024xf32, #tpu.memory_space<hbm>>
      %dma_wait3A_126 = arith.constant 0 : i32
      %dma_wait3A_127 = tpu.memref_slice %arg31[%dma_wait3A_126] : memref<1024xf32, #tpu.memory_space<vmem>> -> memref<1024xf32, #tpu.memory_space<vmem>>
      tpu.wait_dma2 semaphore(%run_scoped3A : memref<!tpu.dma_semaphore, #tpu.memory_space<semaphore_mem>>) src(%dma_wait3A_127 : memref<1024xf32, #tpu.memory_space<vmem>>) dst(%dma_wait3A_125 : memref<1024xf32, #tpu.memory_space<hbm>>)
      tpu.yield
    }) : () -> ()
    %add3A_64 = arith.constant 2048 : i32
    %add3A_65 = arith.addi %mul3A_13, %add3A_64 : i32
    "tpu.region"() ({
      %run_scoped3A = tpu.sem_alloc : memref<!tpu.dma_semaphore, #tpu.memory_space<semaphore_mem>>
      %dma_start3A = arith.constant 0 : i32
      %dma_start3A_118 = tpu.memref_slice %arg31[%dma_start3A] : memref<1024xf32, #tpu.memory_space<vmem>> -> memref<1024xf32, #tpu.memory_space<vmem>>
      %dma_start3A_119 = tpu.memref_slice %arg34[%add3A_65] : memref<50176xf32, #tpu.memory_space<vmem_shared>> -> memref<1024xf32, #tpu.memory_space<vmem_shared>>
      %dma_start3A_120 = arith.constant 0 : i32
      %dma_start3A_121 = tpu.memref_slice %arg31[%dma_start3A_120] : memref<1024xf32, #tpu.memory_space<vmem>> -> memref<1024xf32, #tpu.memory_space<vmem>>
      %dma_start3A_122 = tpu.memref_slice %arg34[%add3A_65] : memref<50176xf32, #tpu.memory_space<vmem_shared>> -> memref<1024xf32, #tpu.memory_space<vmem_shared>>
      tpu.enqueue_dma source(%dma_start3A_122 : memref<1024xf32, #tpu.memory_space<vmem_shared>>) target(%dma_start3A_121 : memref<1024xf32, #tpu.memory_space<vmem>>) target_semaphore(%run_scoped3A : memref<!tpu.dma_semaphore, #tpu.memory_space<semaphore_mem>>)
      %dma_wait3A = arith.constant 0 : i32
      %dma_wait3A_123 = tpu.memref_slice %arg31[%dma_wait3A] : memref<1024xf32, #tpu.memory_space<vmem>> -> memref<1024xf32, #tpu.memory_space<vmem>>
      %dma_wait3A_124 = tpu.memref_slice %arg34[%add3A_65] : memref<50176xf32, #tpu.memory_space<vmem_shared>> -> memref<1024xf32, #tpu.memory_space<vmem_shared>>
      %dma_wait3A_125 = arith.constant 0 : i32
      %dma_wait3A_126 = tpu.memref_slice %arg31[%dma_wait3A_125] : memref<1024xf32, #tpu.memory_space<vmem>> -> memref<1024xf32, #tpu.memory_space<vmem>>
      %dma_wait3A_127 = tpu.memref_slice %arg34[%add3A_65] : memref<50176xf32, #tpu.memory_space<vmem_shared>> -> memref<1024xf32, #tpu.memory_space<vmem_shared>>
      tpu.wait_dma2 semaphore(%run_scoped3A : memref<!tpu.dma_semaphore, #tpu.memory_space<semaphore_mem>>) src(%dma_wait3A_127 : memref<1024xf32, #tpu.memory_space<vmem_shared>>) dst(%dma_wait3A_126 : memref<1024xf32, #tpu.memory_space<vmem>>)
      tpu.yield
    }) : () -> ()
    %add3A_66 = arith.constant 2048 : i32
    %add3A_67 = arith.addi %add3A_54, %add3A_66 : i32
    %multiple_of3A_68 = tpu.assume_multiple %add3A_67, 8 : i32
    "tpu.region"() ({
      %run_scoped3A = tpu.sem_alloc : memref<!tpu.dma_semaphore, #tpu.memory_space<semaphore_mem>>
      %dma_start3A = arith.constant 0 : i32
      %dma_start3A_118 = tpu.memref_slice %arg31[%dma_start3A] : memref<1024xf32, #tpu.memory_space<vmem>> -> memref<1024xf32, #tpu.memory_space<vmem>>
      %dma_start3A_119 = tpu.memref_slice %arg14[%multiple_of3A_68] : memref<301056xf32, #tpu.memory_space<hbm>> -> memref<1024xf32, #tpu.memory_space<hbm>>
      %dma_start3A_120 = tpu.memref_slice %arg14[%multiple_of3A_68] : memref<301056xf32, #tpu.memory_space<hbm>> -> memref<1024xf32, #tpu.memory_space<hbm>>
      %dma_start3A_121 = arith.constant 0 : i32
      %dma_start3A_122 = tpu.memref_slice %arg31[%dma_start3A_121] : memref<1024xf32, #tpu.memory_space<vmem>> -> memref<1024xf32, #tpu.memory_space<vmem>>
      tpu.enqueue_dma source(%dma_start3A_122 : memref<1024xf32, #tpu.memory_space<vmem>>) target(%dma_start3A_120 : memref<1024xf32, #tpu.memory_space<hbm>>) target_semaphore(%run_scoped3A : memref<!tpu.dma_semaphore, #tpu.memory_space<semaphore_mem>>)
      %dma_wait3A = arith.constant 0 : i32
      %dma_wait3A_123 = tpu.memref_slice %arg31[%dma_wait3A] : memref<1024xf32, #tpu.memory_space<vmem>> -> memref<1024xf32, #tpu.memory_space<vmem>>
      %dma_wait3A_124 = tpu.memref_slice %arg14[%multiple_of3A_68] : memref<301056xf32, #tpu.memory_space<hbm>> -> memref<1024xf32, #tpu.memory_space<hbm>>
      %dma_wait3A_125 = tpu.memref_slice %arg14[%multiple_of3A_68] : memref<301056xf32, #tpu.memory_space<hbm>> -> memref<1024xf32, #tpu.memory_space<hbm>>
      %dma_wait3A_126 = arith.constant 0 : i32
      %dma_wait3A_127 = tpu.memref_slice %arg31[%dma_wait3A_126] : memref<1024xf32, #tpu.memory_space<vmem>> -> memref<1024xf32, #tpu.memory_space<vmem>>
      tpu.wait_dma2 semaphore(%run_scoped3A : memref<!tpu.dma_semaphore, #tpu.memory_space<semaphore_mem>>) src(%dma_wait3A_127 : memref<1024xf32, #tpu.memory_space<vmem>>) dst(%dma_wait3A_125 : memref<1024xf32, #tpu.memory_space<hbm>>)
      tpu.yield
    }) : () -> ()
    %add3A_69 = arith.constant 3072 : i32
    %add3A_70 = arith.addi %mul3A_13, %add3A_69 : i32
    "tpu.region"() ({
      %run_scoped3A = tpu.sem_alloc : memref<!tpu.dma_semaphore, #tpu.memory_space<semaphore_mem>>
      %dma_start3A = arith.constant 0 : i32
      %dma_start3A_118 = tpu.memref_slice %arg31[%dma_start3A] : memref<1024xf32, #tpu.memory_space<vmem>> -> memref<64xf32, #tpu.memory_space<vmem>>
      %dma_start3A_119 = tpu.memref_slice %arg34[%add3A_70] : memref<50176xf32, #tpu.memory_space<vmem_shared>> -> memref<64xf32, #tpu.memory_space<vmem_shared>>
      %dma_start3A_120 = arith.constant 0 : i32
      %dma_start3A_121 = tpu.memref_slice %arg31[%dma_start3A_120] : memref<1024xf32, #tpu.memory_space<vmem>> -> memref<64xf32, #tpu.memory_space<vmem>>
      %dma_start3A_122 = tpu.memref_slice %arg34[%add3A_70] : memref<50176xf32, #tpu.memory_space<vmem_shared>> -> memref<64xf32, #tpu.memory_space<vmem_shared>>
      tpu.enqueue_dma source(%dma_start3A_122 : memref<64xf32, #tpu.memory_space<vmem_shared>>) target(%dma_start3A_121 : memref<64xf32, #tpu.memory_space<vmem>>) target_semaphore(%run_scoped3A : memref<!tpu.dma_semaphore, #tpu.memory_space<semaphore_mem>>)
      %dma_wait3A = arith.constant 0 : i32
      %dma_wait3A_123 = tpu.memref_slice %arg31[%dma_wait3A] : memref<1024xf32, #tpu.memory_space<vmem>> -> memref<64xf32, #tpu.memory_space<vmem>>
      %dma_wait3A_124 = tpu.memref_slice %arg34[%add3A_70] : memref<50176xf32, #tpu.memory_space<vmem_shared>> -> memref<64xf32, #tpu.memory_space<vmem_shared>>
      %dma_wait3A_125 = arith.constant 0 : i32
      %dma_wait3A_126 = tpu.memref_slice %arg31[%dma_wait3A_125] : memref<1024xf32, #tpu.memory_space<vmem>> -> memref<64xf32, #tpu.memory_space<vmem>>
      %dma_wait3A_127 = tpu.memref_slice %arg34[%add3A_70] : memref<50176xf32, #tpu.memory_space<vmem_shared>> -> memref<64xf32, #tpu.memory_space<vmem_shared>>
      tpu.wait_dma2 semaphore(%run_scoped3A : memref<!tpu.dma_semaphore, #tpu.memory_space<semaphore_mem>>) src(%dma_wait3A_127 : memref<64xf32, #tpu.memory_space<vmem_shared>>) dst(%dma_wait3A_126 : memref<64xf32, #tpu.memory_space<vmem>>)
      tpu.yield
    }) : () -> ()
    %add3A_71 = arith.constant 3072 : i32
    %add3A_72 = arith.addi %add3A_54, %add3A_71 : i32
    %multiple_of3A_73 = tpu.assume_multiple %add3A_72, 8 : i32
    "tpu.region"() ({
      %run_scoped3A = tpu.sem_alloc : memref<!tpu.dma_semaphore, #tpu.memory_space<semaphore_mem>>
      %dma_start3A = arith.constant 0 : i32
      %dma_start3A_118 = tpu.memref_slice %arg31[%dma_start3A] : memref<1024xf32, #tpu.memory_space<vmem>> -> memref<64xf32, #tpu.memory_space<vmem>>
      %dma_start3A_119 = tpu.memref_slice %arg14[%multiple_of3A_73] : memref<301056xf32, #tpu.memory_space<hbm>> -> memref<64xf32, #tpu.memory_space<hbm>>
      %dma_start3A_120 = tpu.memref_slice %arg14[%multiple_of3A_73] : memref<301056xf32, #tpu.memory_space<hbm>> -> memref<64xf32, #tpu.memory_space<hbm>>
      %dma_start3A_121 = arith.constant 0 : i32
      %dma_start3A_122 = tpu.memref_slice %arg31[%dma_start3A_121] : memref<1024xf32, #tpu.memory_space<vmem>> -> memref<64xf32, #tpu.memory_space<vmem>>
      tpu.enqueue_dma source(%dma_start3A_122 : memref<64xf32, #tpu.memory_space<vmem>>) target(%dma_start3A_120 : memref<64xf32, #tpu.memory_space<hbm>>) target_semaphore(%run_scoped3A : memref<!tpu.dma_semaphore, #tpu.memory_space<semaphore_mem>>)
      %dma_wait3A = arith.constant 0 : i32
      %dma_wait3A_123 = tpu.memref_slice %arg31[%dma_wait3A] : memref<1024xf32, #tpu.memory_space<vmem>> -> memref<64xf32, #tpu.memory_space<vmem>>
      %dma_wait3A_124 = tpu.memref_slice %arg14[%multiple_of3A_73] : memref<301056xf32, #tpu.memory_space<hbm>> -> memref<64xf32, #tpu.memory_space<hbm>>
      %dma_wait3A_125 = tpu.memref_slice %arg14[%multiple_of3A_73] : memref<301056xf32, #tpu.memory_space<hbm>> -> memref<64xf32, #tpu.memory_space<hbm>>
      %dma_wait3A_126 = arith.constant 0 : i32
      %dma_wait3A_127 = tpu.memref_slice %arg31[%dma_wait3A_126] : memref<1024xf32, #tpu.memory_space<vmem>> -> memref<64xf32, #tpu.memory_space<vmem>>
      tpu.wait_dma2 semaphore(%run_scoped3A : memref<!tpu.dma_semaphore, #tpu.memory_space<semaphore_mem>>) src(%dma_wait3A_127 : memref<64xf32, #tpu.memory_space<vmem>>) dst(%dma_wait3A_125 : memref<64xf32, #tpu.memory_space<hbm>>)
      tpu.yield
    }) : () -> ()
    %add3A_74 = arith.constant 50176 : i32
    %add3A_75 = arith.addi %add3A_52, %add3A_74 : i32
    %add3A_76 = arith.constant 0 : i32
    %add3A_77 = arith.addi %mul3A_13, %add3A_76 : i32
    "tpu.region"() ({
      %run_scoped3A = tpu.sem_alloc : memref<!tpu.dma_semaphore, #tpu.memory_space<semaphore_mem>>
      %dma_start3A = arith.constant 0 : i32
      %dma_start3A_118 = tpu.memref_slice %arg31[%dma_start3A] : memref<1024xf32, #tpu.memory_space<vmem>> -> memref<1024xf32, #tpu.memory_space<vmem>>
      %dma_start3A_119 = tpu.memref_slice %arg35[%add3A_77] : memref<50176xf32, #tpu.memory_space<vmem_shared>> -> memref<1024xf32, #tpu.memory_space<vmem_shared>>
      %dma_start3A_120 = arith.constant 0 : i32
      %dma_start3A_121 = tpu.memref_slice %arg31[%dma_start3A_120] : memref<1024xf32, #tpu.memory_space<vmem>> -> memref<1024xf32, #tpu.memory_space<vmem>>
      %dma_start3A_122 = tpu.memref_slice %arg35[%add3A_77] : memref<50176xf32, #tpu.memory_space<vmem_shared>> -> memref<1024xf32, #tpu.memory_space<vmem_shared>>
      tpu.enqueue_dma source(%dma_start3A_122 : memref<1024xf32, #tpu.memory_space<vmem_shared>>) target(%dma_start3A_121 : memref<1024xf32, #tpu.memory_space<vmem>>) target_semaphore(%run_scoped3A : memref<!tpu.dma_semaphore, #tpu.memory_space<semaphore_mem>>)
      %dma_wait3A = arith.constant 0 : i32
      %dma_wait3A_123 = tpu.memref_slice %arg31[%dma_wait3A] : memref<1024xf32, #tpu.memory_space<vmem>> -> memref<1024xf32, #tpu.memory_space<vmem>>
      %dma_wait3A_124 = tpu.memref_slice %arg35[%add3A_77] : memref<50176xf32, #tpu.memory_space<vmem_shared>> -> memref<1024xf32, #tpu.memory_space<vmem_shared>>
      %dma_wait3A_125 = arith.constant 0 : i32
      %dma_wait3A_126 = tpu.memref_slice %arg31[%dma_wait3A_125] : memref<1024xf32, #tpu.memory_space<vmem>> -> memref<1024xf32, #tpu.memory_space<vmem>>
      %dma_wait3A_127 = tpu.memref_slice %arg35[%add3A_77] : memref<50176xf32, #tpu.memory_space<vmem_shared>> -> memref<1024xf32, #tpu.memory_space<vmem_shared>>
      tpu.wait_dma2 semaphore(%run_scoped3A : memref<!tpu.dma_semaphore, #tpu.memory_space<semaphore_mem>>) src(%dma_wait3A_127 : memref<1024xf32, #tpu.memory_space<vmem_shared>>) dst(%dma_wait3A_126 : memref<1024xf32, #tpu.memory_space<vmem>>)
      tpu.yield
    }) : () -> ()
    %add3A_78 = arith.constant 0 : i32
    %add3A_79 = arith.addi %add3A_75, %add3A_78 : i32
    %multiple_of3A_80 = tpu.assume_multiple %add3A_79, 8 : i32
    "tpu.region"() ({
      %run_scoped3A = tpu.sem_alloc : memref<!tpu.dma_semaphore, #tpu.memory_space<semaphore_mem>>
      %dma_start3A = arith.constant 0 : i32
      %dma_start3A_118 = tpu.memref_slice %arg31[%dma_start3A] : memref<1024xf32, #tpu.memory_space<vmem>> -> memref<1024xf32, #tpu.memory_space<vmem>>
      %dma_start3A_119 = tpu.memref_slice %arg14[%multiple_of3A_80] : memref<301056xf32, #tpu.memory_space<hbm>> -> memref<1024xf32, #tpu.memory_space<hbm>>
      %dma_start3A_120 = tpu.memref_slice %arg14[%multiple_of3A_80] : memref<301056xf32, #tpu.memory_space<hbm>> -> memref<1024xf32, #tpu.memory_space<hbm>>
      %dma_start3A_121 = arith.constant 0 : i32
      %dma_start3A_122 = tpu.memref_slice %arg31[%dma_start3A_121] : memref<1024xf32, #tpu.memory_space<vmem>> -> memref<1024xf32, #tpu.memory_space<vmem>>
      tpu.enqueue_dma source(%dma_start3A_122 : memref<1024xf32, #tpu.memory_space<vmem>>) target(%dma_start3A_120 : memref<1024xf32, #tpu.memory_space<hbm>>) target_semaphore(%run_scoped3A : memref<!tpu.dma_semaphore, #tpu.memory_space<semaphore_mem>>)
      %dma_wait3A = arith.constant 0 : i32
      %dma_wait3A_123 = tpu.memref_slice %arg31[%dma_wait3A] : memref<1024xf32, #tpu.memory_space<vmem>> -> memref<1024xf32, #tpu.memory_space<vmem>>
      %dma_wait3A_124 = tpu.memref_slice %arg14[%multiple_of3A_80] : memref<301056xf32, #tpu.memory_space<hbm>> -> memref<1024xf32, #tpu.memory_space<hbm>>
      %dma_wait3A_125 = tpu.memref_slice %arg14[%multiple_of3A_80] : memref<301056xf32, #tpu.memory_space<hbm>> -> memref<1024xf32, #tpu.memory_space<hbm>>
      %dma_wait3A_126 = arith.constant 0 : i32
      %dma_wait3A_127 = tpu.memref_slice %arg31[%dma_wait3A_126] : memref<1024xf32, #tpu.memory_space<vmem>> -> memref<1024xf32, #tpu.memory_space<vmem>>
      tpu.wait_dma2 semaphore(%run_scoped3A : memref<!tpu.dma_semaphore, #tpu.memory_space<semaphore_mem>>) src(%dma_wait3A_127 : memref<1024xf32, #tpu.memory_space<vmem>>) dst(%dma_wait3A_125 : memref<1024xf32, #tpu.memory_space<hbm>>)
      tpu.yield
    }) : () -> ()
    %add3A_81 = arith.constant 1024 : i32
    %add3A_82 = arith.addi %mul3A_13, %add3A_81 : i32
    "tpu.region"() ({
      %run_scoped3A = tpu.sem_alloc : memref<!tpu.dma_semaphore, #tpu.memory_space<semaphore_mem>>
      %dma_start3A = arith.constant 0 : i32
      %dma_start3A_118 = tpu.memref_slice %arg31[%dma_start3A] : memref<1024xf32, #tpu.memory_space<vmem>> -> memref<1024xf32, #tpu.memory_space<vmem>>
      %dma_start3A_119 = tpu.memref_slice %arg35[%add3A_82] : memref<50176xf32, #tpu.memory_space<vmem_shared>> -> memref<1024xf32, #tpu.memory_space<vmem_shared>>
      %dma_start3A_120 = arith.constant 0 : i32
      %dma_start3A_121 = tpu.memref_slice %arg31[%dma_start3A_120] : memref<1024xf32, #tpu.memory_space<vmem>> -> memref<1024xf32, #tpu.memory_space<vmem>>
      %dma_start3A_122 = tpu.memref_slice %arg35[%add3A_82] : memref<50176xf32, #tpu.memory_space<vmem_shared>> -> memref<1024xf32, #tpu.memory_space<vmem_shared>>
      tpu.enqueue_dma source(%dma_start3A_122 : memref<1024xf32, #tpu.memory_space<vmem_shared>>) target(%dma_start3A_121 : memref<1024xf32, #tpu.memory_space<vmem>>) target_semaphore(%run_scoped3A : memref<!tpu.dma_semaphore, #tpu.memory_space<semaphore_mem>>)
      %dma_wait3A = arith.constant 0 : i32
      %dma_wait3A_123 = tpu.memref_slice %arg31[%dma_wait3A] : memref<1024xf32, #tpu.memory_space<vmem>> -> memref<1024xf32, #tpu.memory_space<vmem>>
      %dma_wait3A_124 = tpu.memref_slice %arg35[%add3A_82] : memref<50176xf32, #tpu.memory_space<vmem_shared>> -> memref<1024xf32, #tpu.memory_space<vmem_shared>>
      %dma_wait3A_125 = arith.constant 0 : i32
      %dma_wait3A_126 = tpu.memref_slice %arg31[%dma_wait3A_125] : memref<1024xf32, #tpu.memory_space<vmem>> -> memref<1024xf32, #tpu.memory_space<vmem>>
      %dma_wait3A_127 = tpu.memref_slice %arg35[%add3A_82] : memref<50176xf32, #tpu.memory_space<vmem_shared>> -> memref<1024xf32, #tpu.memory_space<vmem_shared>>
      tpu.wait_dma2 semaphore(%run_scoped3A : memref<!tpu.dma_semaphore, #tpu.memory_space<semaphore_mem>>) src(%dma_wait3A_127 : memref<1024xf32, #tpu.memory_space<vmem_shared>>) dst(%dma_wait3A_126 : memref<1024xf32, #tpu.memory_space<vmem>>)
      tpu.yield
    }) : () -> ()
    %add3A_83 = arith.constant 1024 : i32
    %add3A_84 = arith.addi %add3A_75, %add3A_83 : i32
    %multiple_of3A_85 = tpu.assume_multiple %add3A_84, 8 : i32
    "tpu.region"() ({
      %run_scoped3A = tpu.sem_alloc : memref<!tpu.dma_semaphore, #tpu.memory_space<semaphore_mem>>
      %dma_start3A = arith.constant 0 : i32
      %dma_start3A_118 = tpu.memref_slice %arg31[%dma_start3A] : memref<1024xf32, #tpu.memory_space<vmem>> -> memref<1024xf32, #tpu.memory_space<vmem>>
      %dma_start3A_119 = tpu.memref_slice %arg14[%multiple_of3A_85] : memref<301056xf32, #tpu.memory_space<hbm>> -> memref<1024xf32, #tpu.memory_space<hbm>>
      %dma_start3A_120 = tpu.memref_slice %arg14[%multiple_of3A_85] : memref<301056xf32, #tpu.memory_space<hbm>> -> memref<1024xf32, #tpu.memory_space<hbm>>
      %dma_start3A_121 = arith.constant 0 : i32
      %dma_start3A_122 = tpu.memref_slice %arg31[%dma_start3A_121] : memref<1024xf32, #tpu.memory_space<vmem>> -> memref<1024xf32, #tpu.memory_space<vmem>>
      tpu.enqueue_dma source(%dma_start3A_122 : memref<1024xf32, #tpu.memory_space<vmem>>) target(%dma_start3A_120 : memref<1024xf32, #tpu.memory_space<hbm>>) target_semaphore(%run_scoped3A : memref<!tpu.dma_semaphore, #tpu.memory_space<semaphore_mem>>)
      %dma_wait3A = arith.constant 0 : i32
      %dma_wait3A_123 = tpu.memref_slice %arg31[%dma_wait3A] : memref<1024xf32, #tpu.memory_space<vmem>> -> memref<1024xf32, #tpu.memory_space<vmem>>
      %dma_wait3A_124 = tpu.memref_slice %arg14[%multiple_of3A_85] : memref<301056xf32, #tpu.memory_space<hbm>> -> memref<1024xf32, #tpu.memory_space<hbm>>
      %dma_wait3A_125 = tpu.memref_slice %arg14[%multiple_of3A_85] : memref<301056xf32, #tpu.memory_space<hbm>> -> memref<1024xf32, #tpu.memory_space<hbm>>
      %dma_wait3A_126 = arith.constant 0 : i32
      %dma_wait3A_127 = tpu.memref_slice %arg31[%dma_wait3A_126] : memref<1024xf32, #tpu.memory_space<vmem>> -> memref<1024xf32, #tpu.memory_space<vmem>>
      tpu.wait_dma2 semaphore(%run_scoped3A : memref<!tpu.dma_semaphore, #tpu.memory_space<semaphore_mem>>) src(%dma_wait3A_127 : memref<1024xf32, #tpu.memory_space<vmem>>) dst(%dma_wait3A_125 : memref<1024xf32, #tpu.memory_space<hbm>>)
      tpu.yield
    }) : () -> ()
    %add3A_86 = arith.constant 2048 : i32
    %add3A_87 = arith.addi %mul3A_13, %add3A_86 : i32
    "tpu.region"() ({
      %run_scoped3A = tpu.sem_alloc : memref<!tpu.dma_semaphore, #tpu.memory_space<semaphore_mem>>
      %dma_start3A = arith.constant 0 : i32
      %dma_start3A_118 = tpu.memref_slice %arg31[%dma_start3A] : memref<1024xf32, #tpu.memory_space<vmem>> -> memref<1024xf32, #tpu.memory_space<vmem>>
      %dma_start3A_119 = tpu.memref_slice %arg35[%add3A_87] : memref<50176xf32, #tpu.memory_space<vmem_shared>> -> memref<1024xf32, #tpu.memory_space<vmem_shared>>
      %dma_start3A_120 = arith.constant 0 : i32
      %dma_start3A_121 = tpu.memref_slice %arg31[%dma_start3A_120] : memref<1024xf32, #tpu.memory_space<vmem>> -> memref<1024xf32, #tpu.memory_space<vmem>>
      %dma_start3A_122 = tpu.memref_slice %arg35[%add3A_87] : memref<50176xf32, #tpu.memory_space<vmem_shared>> -> memref<1024xf32, #tpu.memory_space<vmem_shared>>
      tpu.enqueue_dma source(%dma_start3A_122 : memref<1024xf32, #tpu.memory_space<vmem_shared>>) target(%dma_start3A_121 : memref<1024xf32, #tpu.memory_space<vmem>>) target_semaphore(%run_scoped3A : memref<!tpu.dma_semaphore, #tpu.memory_space<semaphore_mem>>)
      %dma_wait3A = arith.constant 0 : i32
      %dma_wait3A_123 = tpu.memref_slice %arg31[%dma_wait3A] : memref<1024xf32, #tpu.memory_space<vmem>> -> memref<1024xf32, #tpu.memory_space<vmem>>
      %dma_wait3A_124 = tpu.memref_slice %arg35[%add3A_87] : memref<50176xf32, #tpu.memory_space<vmem_shared>> -> memref<1024xf32, #tpu.memory_space<vmem_shared>>
      %dma_wait3A_125 = arith.constant 0 : i32
      %dma_wait3A_126 = tpu.memref_slice %arg31[%dma_wait3A_125] : memref<1024xf32, #tpu.memory_space<vmem>> -> memref<1024xf32, #tpu.memory_space<vmem>>
      %dma_wait3A_127 = tpu.memref_slice %arg35[%add3A_87] : memref<50176xf32, #tpu.memory_space<vmem_shared>> -> memref<1024xf32, #tpu.memory_space<vmem_shared>>
      tpu.wait_dma2 semaphore(%run_scoped3A : memref<!tpu.dma_semaphore, #tpu.memory_space<semaphore_mem>>) src(%dma_wait3A_127 : memref<1024xf32, #tpu.memory_space<vmem_shared>>) dst(%dma_wait3A_126 : memref<1024xf32, #tpu.memory_space<vmem>>)
      tpu.yield
    }) : () -> ()
    %add3A_88 = arith.constant 2048 : i32
    %add3A_89 = arith.addi %add3A_75, %add3A_88 : i32
    %multiple_of3A_90 = tpu.assume_multiple %add3A_89, 8 : i32
    "tpu.region"() ({
      %run_scoped3A = tpu.sem_alloc : memref<!tpu.dma_semaphore, #tpu.memory_space<semaphore_mem>>
      %dma_start3A = arith.constant 0 : i32
      %dma_start3A_118 = tpu.memref_slice %arg31[%dma_start3A] : memref<1024xf32, #tpu.memory_space<vmem>> -> memref<1024xf32, #tpu.memory_space<vmem>>
      %dma_start3A_119 = tpu.memref_slice %arg14[%multiple_of3A_90] : memref<301056xf32, #tpu.memory_space<hbm>> -> memref<1024xf32, #tpu.memory_space<hbm>>
      %dma_start3A_120 = tpu.memref_slice %arg14[%multiple_of3A_90] : memref<301056xf32, #tpu.memory_space<hbm>> -> memref<1024xf32, #tpu.memory_space<hbm>>
      %dma_start3A_121 = arith.constant 0 : i32
      %dma_start3A_122 = tpu.memref_slice %arg31[%dma_start3A_121] : memref<1024xf32, #tpu.memory_space<vmem>> -> memref<1024xf32, #tpu.memory_space<vmem>>
      tpu.enqueue_dma source(%dma_start3A_122 : memref<1024xf32, #tpu.memory_space<vmem>>) target(%dma_start3A_120 : memref<1024xf32, #tpu.memory_space<hbm>>) target_semaphore(%run_scoped3A : memref<!tpu.dma_semaphore, #tpu.memory_space<semaphore_mem>>)
      %dma_wait3A = arith.constant 0 : i32
      %dma_wait3A_123 = tpu.memref_slice %arg31[%dma_wait3A] : memref<1024xf32, #tpu.memory_space<vmem>> -> memref<1024xf32, #tpu.memory_space<vmem>>
      %dma_wait3A_124 = tpu.memref_slice %arg14[%multiple_of3A_90] : memref<301056xf32, #tpu.memory_space<hbm>> -> memref<1024xf32, #tpu.memory_space<hbm>>
      %dma_wait3A_125 = tpu.memref_slice %arg14[%multiple_of3A_90] : memref<301056xf32, #tpu.memory_space<hbm>> -> memref<1024xf32, #tpu.memory_space<hbm>>
      %dma_wait3A_126 = arith.constant 0 : i32
      %dma_wait3A_127 = tpu.memref_slice %arg31[%dma_wait3A_126] : memref<1024xf32, #tpu.memory_space<vmem>> -> memref<1024xf32, #tpu.memory_space<vmem>>
      tpu.wait_dma2 semaphore(%run_scoped3A : memref<!tpu.dma_semaphore, #tpu.memory_space<semaphore_mem>>) src(%dma_wait3A_127 : memref<1024xf32, #tpu.memory_space<vmem>>) dst(%dma_wait3A_125 : memref<1024xf32, #tpu.memory_space<hbm>>)
      tpu.yield
    }) : () -> ()
    %add3A_91 = arith.constant 3072 : i32
    %add3A_92 = arith.addi %mul3A_13, %add3A_91 : i32
    "tpu.region"() ({
      %run_scoped3A = tpu.sem_alloc : memref<!tpu.dma_semaphore, #tpu.memory_space<semaphore_mem>>
      %dma_start3A = arith.constant 0 : i32
      %dma_start3A_118 = tpu.memref_slice %arg31[%dma_start3A] : memref<1024xf32, #tpu.memory_space<vmem>> -> memref<64xf32, #tpu.memory_space<vmem>>
      %dma_start3A_119 = tpu.memref_slice %arg35[%add3A_92] : memref<50176xf32, #tpu.memory_space<vmem_shared>> -> memref<64xf32, #tpu.memory_space<vmem_shared>>
      %dma_start3A_120 = arith.constant 0 : i32
      %dma_start3A_121 = tpu.memref_slice %arg31[%dma_start3A_120] : memref<1024xf32, #tpu.memory_space<vmem>> -> memref<64xf32, #tpu.memory_space<vmem>>
      %dma_start3A_122 = tpu.memref_slice %arg35[%add3A_92] : memref<50176xf32, #tpu.memory_space<vmem_shared>> -> memref<64xf32, #tpu.memory_space<vmem_shared>>
      tpu.enqueue_dma source(%dma_start3A_122 : memref<64xf32, #tpu.memory_space<vmem_shared>>) target(%dma_start3A_121 : memref<64xf32, #tpu.memory_space<vmem>>) target_semaphore(%run_scoped3A : memref<!tpu.dma_semaphore, #tpu.memory_space<semaphore_mem>>)
      %dma_wait3A = arith.constant 0 : i32
      %dma_wait3A_123 = tpu.memref_slice %arg31[%dma_wait3A] : memref<1024xf32, #tpu.memory_space<vmem>> -> memref<64xf32, #tpu.memory_space<vmem>>
      %dma_wait3A_124 = tpu.memref_slice %arg35[%add3A_92] : memref<50176xf32, #tpu.memory_space<vmem_shared>> -> memref<64xf32, #tpu.memory_space<vmem_shared>>
      %dma_wait3A_125 = arith.constant 0 : i32
      %dma_wait3A_126 = tpu.memref_slice %arg31[%dma_wait3A_125] : memref<1024xf32, #tpu.memory_space<vmem>> -> memref<64xf32, #tpu.memory_space<vmem>>
      %dma_wait3A_127 = tpu.memref_slice %arg35[%add3A_92] : memref<50176xf32, #tpu.memory_space<vmem_shared>> -> memref<64xf32, #tpu.memory_space<vmem_shared>>
      tpu.wait_dma2 semaphore(%run_scoped3A : memref<!tpu.dma_semaphore, #tpu.memory_space<semaphore_mem>>) src(%dma_wait3A_127 : memref<64xf32, #tpu.memory_space<vmem_shared>>) dst(%dma_wait3A_126 : memref<64xf32, #tpu.memory_space<vmem>>)
      tpu.yield
    }) : () -> ()
    %add3A_93 = arith.constant 3072 : i32
    %add3A_94 = arith.addi %add3A_75, %add3A_93 : i32
    %multiple_of3A_95 = tpu.assume_multiple %add3A_94, 8 : i32
    "tpu.region"() ({
      %run_scoped3A = tpu.sem_alloc : memref<!tpu.dma_semaphore, #tpu.memory_space<semaphore_mem>>
      %dma_start3A = arith.constant 0 : i32
      %dma_start3A_118 = tpu.memref_slice %arg31[%dma_start3A] : memref<1024xf32, #tpu.memory_space<vmem>> -> memref<64xf32, #tpu.memory_space<vmem>>
      %dma_start3A_119 = tpu.memref_slice %arg14[%multiple_of3A_95] : memref<301056xf32, #tpu.memory_space<hbm>> -> memref<64xf32, #tpu.memory_space<hbm>>
      %dma_start3A_120 = tpu.memref_slice %arg14[%multiple_of3A_95] : memref<301056xf32, #tpu.memory_space<hbm>> -> memref<64xf32, #tpu.memory_space<hbm>>
      %dma_start3A_121 = arith.constant 0 : i32
      %dma_start3A_122 = tpu.memref_slice %arg31[%dma_start3A_121] : memref<1024xf32, #tpu.memory_space<vmem>> -> memref<64xf32, #tpu.memory_space<vmem>>
      tpu.enqueue_dma source(%dma_start3A_122 : memref<64xf32, #tpu.memory_space<vmem>>) target(%dma_start3A_120 : memref<64xf32, #tpu.memory_space<hbm>>) target_semaphore(%run_scoped3A : memref<!tpu.dma_semaphore, #tpu.memory_space<semaphore_mem>>)
      %dma_wait3A = arith.constant 0 : i32
      %dma_wait3A_123 = tpu.memref_slice %arg31[%dma_wait3A] : memref<1024xf32, #tpu.memory_space<vmem>> -> memref<64xf32, #tpu.memory_space<vmem>>
      %dma_wait3A_124 = tpu.memref_slice %arg14[%multiple_of3A_95] : memref<301056xf32, #tpu.memory_space<hbm>> -> memref<64xf32, #tpu.memory_space<hbm>>
      %dma_wait3A_125 = tpu.memref_slice %arg14[%multiple_of3A_95] : memref<301056xf32, #tpu.memory_space<hbm>> -> memref<64xf32, #tpu.memory_space<hbm>>
      %dma_wait3A_126 = arith.constant 0 : i32
      %dma_wait3A_127 = tpu.memref_slice %arg31[%dma_wait3A_126] : memref<1024xf32, #tpu.memory_space<vmem>> -> memref<64xf32, #tpu.memory_space<vmem>>
      tpu.wait_dma2 semaphore(%run_scoped3A : memref<!tpu.dma_semaphore, #tpu.memory_space<semaphore_mem>>) src(%dma_wait3A_127 : memref<64xf32, #tpu.memory_space<vmem>>) dst(%dma_wait3A_125 : memref<64xf32, #tpu.memory_space<hbm>>)
      tpu.yield
    }) : () -> ()
    %add3A_96 = arith.constant 100352 : i32
    %add3A_97 = arith.addi %add3A_52, %add3A_96 : i32
    %add3A_98 = arith.constant 0 : i32
    %add3A_99 = arith.addi %mul3A_13, %add3A_98 : i32
    "tpu.region"() ({
      %run_scoped3A = tpu.sem_alloc : memref<!tpu.dma_semaphore, #tpu.memory_space<semaphore_mem>>
      %dma_start3A = arith.constant 0 : i32
      %dma_start3A_118 = tpu.memref_slice %arg31[%dma_start3A] : memref<1024xf32, #tpu.memory_space<vmem>> -> memref<1024xf32, #tpu.memory_space<vmem>>
      %dma_start3A_119 = tpu.memref_slice %arg36[%add3A_99] : memref<50176xf32, #tpu.memory_space<vmem_shared>> -> memref<1024xf32, #tpu.memory_space<vmem_shared>>
      %dma_start3A_120 = arith.constant 0 : i32
      %dma_start3A_121 = tpu.memref_slice %arg31[%dma_start3A_120] : memref<1024xf32, #tpu.memory_space<vmem>> -> memref<1024xf32, #tpu.memory_space<vmem>>
      %dma_start3A_122 = tpu.memref_slice %arg36[%add3A_99] : memref<50176xf32, #tpu.memory_space<vmem_shared>> -> memref<1024xf32, #tpu.memory_space<vmem_shared>>
      tpu.enqueue_dma source(%dma_start3A_122 : memref<1024xf32, #tpu.memory_space<vmem_shared>>) target(%dma_start3A_121 : memref<1024xf32, #tpu.memory_space<vmem>>) target_semaphore(%run_scoped3A : memref<!tpu.dma_semaphore, #tpu.memory_space<semaphore_mem>>)
      %dma_wait3A = arith.constant 0 : i32
      %dma_wait3A_123 = tpu.memref_slice %arg31[%dma_wait3A] : memref<1024xf32, #tpu.memory_space<vmem>> -> memref<1024xf32, #tpu.memory_space<vmem>>
      %dma_wait3A_124 = tpu.memref_slice %arg36[%add3A_99] : memref<50176xf32, #tpu.memory_space<vmem_shared>> -> memref<1024xf32, #tpu.memory_space<vmem_shared>>
      %dma_wait3A_125 = arith.constant 0 : i32
      %dma_wait3A_126 = tpu.memref_slice %arg31[%dma_wait3A_125] : memref<1024xf32, #tpu.memory_space<vmem>> -> memref<1024xf32, #tpu.memory_space<vmem>>
      %dma_wait3A_127 = tpu.memref_slice %arg36[%add3A_99] : memref<50176xf32, #tpu.memory_space<vmem_shared>> -> memref<1024xf32, #tpu.memory_space<vmem_shared>>
      tpu.wait_dma2 semaphore(%run_scoped3A : memref<!tpu.dma_semaphore, #tpu.memory_space<semaphore_mem>>) src(%dma_wait3A_127 : memref<1024xf32, #tpu.memory_space<vmem_shared>>) dst(%dma_wait3A_126 : memref<1024xf32, #tpu.memory_space<vmem>>)
      tpu.yield
    }) : () -> ()
    %add3A_100 = arith.constant 0 : i32
    %add3A_101 = arith.addi %add3A_97, %add3A_100 : i32
    %multiple_of3A_102 = tpu.assume_multiple %add3A_101, 8 : i32
    "tpu.region"() ({
      %run_scoped3A = tpu.sem_alloc : memref<!tpu.dma_semaphore, #tpu.memory_space<semaphore_mem>>
      %dma_start3A = arith.constant 0 : i32
      %dma_start3A_118 = tpu.memref_slice %arg31[%dma_start3A] : memref<1024xf32, #tpu.memory_space<vmem>> -> memref<1024xf32, #tpu.memory_space<vmem>>
      %dma_start3A_119 = tpu.memref_slice %arg14[%multiple_of3A_102] : memref<301056xf32, #tpu.memory_space<hbm>> -> memref<1024xf32, #tpu.memory_space<hbm>>
      %dma_start3A_120 = tpu.memref_slice %arg14[%multiple_of3A_102] : memref<301056xf32, #tpu.memory_space<hbm>> -> memref<1024xf32, #tpu.memory_space<hbm>>
      %dma_start3A_121 = arith.constant 0 : i32
      %dma_start3A_122 = tpu.memref_slice %arg31[%dma_start3A_121] : memref<1024xf32, #tpu.memory_space<vmem>> -> memref<1024xf32, #tpu.memory_space<vmem>>
      tpu.enqueue_dma source(%dma_start3A_122 : memref<1024xf32, #tpu.memory_space<vmem>>) target(%dma_start3A_120 : memref<1024xf32, #tpu.memory_space<hbm>>) target_semaphore(%run_scoped3A : memref<!tpu.dma_semaphore, #tpu.memory_space<semaphore_mem>>)
      %dma_wait3A = arith.constant 0 : i32
      %dma_wait3A_123 = tpu.memref_slice %arg31[%dma_wait3A] : memref<1024xf32, #tpu.memory_space<vmem>> -> memref<1024xf32, #tpu.memory_space<vmem>>
      %dma_wait3A_124 = tpu.memref_slice %arg14[%multiple_of3A_102] : memref<301056xf32, #tpu.memory_space<hbm>> -> memref<1024xf32, #tpu.memory_space<hbm>>
      %dma_wait3A_125 = tpu.memref_slice %arg14[%multiple_of3A_102] : memref<301056xf32, #tpu.memory_space<hbm>> -> memref<1024xf32, #tpu.memory_space<hbm>>
      %dma_wait3A_126 = arith.constant 0 : i32
      %dma_wait3A_127 = tpu.memref_slice %arg31[%dma_wait3A_126] : memref<1024xf32, #tpu.memory_space<vmem>> -> memref<1024xf32, #tpu.memory_space<vmem>>
      tpu.wait_dma2 semaphore(%run_scoped3A : memref<!tpu.dma_semaphore, #tpu.memory_space<semaphore_mem>>) src(%dma_wait3A_127 : memref<1024xf32, #tpu.memory_space<vmem>>) dst(%dma_wait3A_125 : memref<1024xf32, #tpu.memory_space<hbm>>)
      tpu.yield
    }) : () -> ()
    %add3A_103 = arith.constant 1024 : i32
    %add3A_104 = arith.addi %mul3A_13, %add3A_103 : i32
    "tpu.region"() ({
      %run_scoped3A = tpu.sem_alloc : memref<!tpu.dma_semaphore, #tpu.memory_space<semaphore_mem>>
      %dma_start3A = arith.constant 0 : i32
      %dma_start3A_118 = tpu.memref_slice %arg31[%dma_start3A] : memref<1024xf32, #tpu.memory_space<vmem>> -> memref<1024xf32, #tpu.memory_space<vmem>>
      %dma_start3A_119 = tpu.memref_slice %arg36[%add3A_104] : memref<50176xf32, #tpu.memory_space<vmem_shared>> -> memref<1024xf32, #tpu.memory_space<vmem_shared>>
      %dma_start3A_120 = arith.constant 0 : i32
      %dma_start3A_121 = tpu.memref_slice %arg31[%dma_start3A_120] : memref<1024xf32, #tpu.memory_space<vmem>> -> memref<1024xf32, #tpu.memory_space<vmem>>
      %dma_start3A_122 = tpu.memref_slice %arg36[%add3A_104] : memref<50176xf32, #tpu.memory_space<vmem_shared>> -> memref<1024xf32, #tpu.memory_space<vmem_shared>>
      tpu.enqueue_dma source(%dma_start3A_122 : memref<1024xf32, #tpu.memory_space<vmem_shared>>) target(%dma_start3A_121 : memref<1024xf32, #tpu.memory_space<vmem>>) target_semaphore(%run_scoped3A : memref<!tpu.dma_semaphore, #tpu.memory_space<semaphore_mem>>)
      %dma_wait3A = arith.constant 0 : i32
      %dma_wait3A_123 = tpu.memref_slice %arg31[%dma_wait3A] : memref<1024xf32, #tpu.memory_space<vmem>> -> memref<1024xf32, #tpu.memory_space<vmem>>
      %dma_wait3A_124 = tpu.memref_slice %arg36[%add3A_104] : memref<50176xf32, #tpu.memory_space<vmem_shared>> -> memref<1024xf32, #tpu.memory_space<vmem_shared>>
      %dma_wait3A_125 = arith.constant 0 : i32
      %dma_wait3A_126 = tpu.memref_slice %arg31[%dma_wait3A_125] : memref<1024xf32, #tpu.memory_space<vmem>> -> memref<1024xf32, #tpu.memory_space<vmem>>
      %dma_wait3A_127 = tpu.memref_slice %arg36[%add3A_104] : memref<50176xf32, #tpu.memory_space<vmem_shared>> -> memref<1024xf32, #tpu.memory_space<vmem_shared>>
      tpu.wait_dma2 semaphore(%run_scoped3A : memref<!tpu.dma_semaphore, #tpu.memory_space<semaphore_mem>>) src(%dma_wait3A_127 : memref<1024xf32, #tpu.memory_space<vmem_shared>>) dst(%dma_wait3A_126 : memref<1024xf32, #tpu.memory_space<vmem>>)
      tpu.yield
    }) : () -> ()
    %add3A_105 = arith.constant 1024 : i32
    %add3A_106 = arith.addi %add3A_97, %add3A_105 : i32
    %multiple_of3A_107 = tpu.assume_multiple %add3A_106, 8 : i32
    "tpu.region"() ({
      %run_scoped3A = tpu.sem_alloc : memref<!tpu.dma_semaphore, #tpu.memory_space<semaphore_mem>>
      %dma_start3A = arith.constant 0 : i32
      %dma_start3A_118 = tpu.memref_slice %arg31[%dma_start3A] : memref<1024xf32, #tpu.memory_space<vmem>> -> memref<1024xf32, #tpu.memory_space<vmem>>
      %dma_start3A_119 = tpu.memref_slice %arg14[%multiple_of3A_107] : memref<301056xf32, #tpu.memory_space<hbm>> -> memref<1024xf32, #tpu.memory_space<hbm>>
      %dma_start3A_120 = tpu.memref_slice %arg14[%multiple_of3A_107] : memref<301056xf32, #tpu.memory_space<hbm>> -> memref<1024xf32, #tpu.memory_space<hbm>>
      %dma_start3A_121 = arith.constant 0 : i32
      %dma_start3A_122 = tpu.memref_slice %arg31[%dma_start3A_121] : memref<1024xf32, #tpu.memory_space<vmem>> -> memref<1024xf32, #tpu.memory_space<vmem>>
      tpu.enqueue_dma source(%dma_start3A_122 : memref<1024xf32, #tpu.memory_space<vmem>>) target(%dma_start3A_120 : memref<1024xf32, #tpu.memory_space<hbm>>) target_semaphore(%run_scoped3A : memref<!tpu.dma_semaphore, #tpu.memory_space<semaphore_mem>>)
      %dma_wait3A = arith.constant 0 : i32
      %dma_wait3A_123 = tpu.memref_slice %arg31[%dma_wait3A] : memref<1024xf32, #tpu.memory_space<vmem>> -> memref<1024xf32, #tpu.memory_space<vmem>>
      %dma_wait3A_124 = tpu.memref_slice %arg14[%multiple_of3A_107] : memref<301056xf32, #tpu.memory_space<hbm>> -> memref<1024xf32, #tpu.memory_space<hbm>>
      %dma_wait3A_125 = tpu.memref_slice %arg14[%multiple_of3A_107] : memref<301056xf32, #tpu.memory_space<hbm>> -> memref<1024xf32, #tpu.memory_space<hbm>>
      %dma_wait3A_126 = arith.constant 0 : i32
      %dma_wait3A_127 = tpu.memref_slice %arg31[%dma_wait3A_126] : memref<1024xf32, #tpu.memory_space<vmem>> -> memref<1024xf32, #tpu.memory_space<vmem>>
      tpu.wait_dma2 semaphore(%run_scoped3A : memref<!tpu.dma_semaphore, #tpu.memory_space<semaphore_mem>>) src(%dma_wait3A_127 : memref<1024xf32, #tpu.memory_space<vmem>>) dst(%dma_wait3A_125 : memref<1024xf32, #tpu.memory_space<hbm>>)
      tpu.yield
    }) : () -> ()
    %add3A_108 = arith.constant 2048 : i32
    %add3A_109 = arith.addi %mul3A_13, %add3A_108 : i32
    "tpu.region"() ({
      %run_scoped3A = tpu.sem_alloc : memref<!tpu.dma_semaphore, #tpu.memory_space<semaphore_mem>>
      %dma_start3A = arith.constant 0 : i32
      %dma_start3A_118 = tpu.memref_slice %arg31[%dma_start3A] : memref<1024xf32, #tpu.memory_space<vmem>> -> memref<1024xf32, #tpu.memory_space<vmem>>
      %dma_start3A_119 = tpu.memref_slice %arg36[%add3A_109] : memref<50176xf32, #tpu.memory_space<vmem_shared>> -> memref<1024xf32, #tpu.memory_space<vmem_shared>>
      %dma_start3A_120 = arith.constant 0 : i32
      %dma_start3A_121 = tpu.memref_slice %arg31[%dma_start3A_120] : memref<1024xf32, #tpu.memory_space<vmem>> -> memref<1024xf32, #tpu.memory_space<vmem>>
      %dma_start3A_122 = tpu.memref_slice %arg36[%add3A_109] : memref<50176xf32, #tpu.memory_space<vmem_shared>> -> memref<1024xf32, #tpu.memory_space<vmem_shared>>
      tpu.enqueue_dma source(%dma_start3A_122 : memref<1024xf32, #tpu.memory_space<vmem_shared>>) target(%dma_start3A_121 : memref<1024xf32, #tpu.memory_space<vmem>>) target_semaphore(%run_scoped3A : memref<!tpu.dma_semaphore, #tpu.memory_space<semaphore_mem>>)
      %dma_wait3A = arith.constant 0 : i32
      %dma_wait3A_123 = tpu.memref_slice %arg31[%dma_wait3A] : memref<1024xf32, #tpu.memory_space<vmem>> -> memref<1024xf32, #tpu.memory_space<vmem>>
      %dma_wait3A_124 = tpu.memref_slice %arg36[%add3A_109] : memref<50176xf32, #tpu.memory_space<vmem_shared>> -> memref<1024xf32, #tpu.memory_space<vmem_shared>>
      %dma_wait3A_125 = arith.constant 0 : i32
      %dma_wait3A_126 = tpu.memref_slice %arg31[%dma_wait3A_125] : memref<1024xf32, #tpu.memory_space<vmem>> -> memref<1024xf32, #tpu.memory_space<vmem>>
      %dma_wait3A_127 = tpu.memref_slice %arg36[%add3A_109] : memref<50176xf32, #tpu.memory_space<vmem_shared>> -> memref<1024xf32, #tpu.memory_space<vmem_shared>>
      tpu.wait_dma2 semaphore(%run_scoped3A : memref<!tpu.dma_semaphore, #tpu.memory_space<semaphore_mem>>) src(%dma_wait3A_127 : memref<1024xf32, #tpu.memory_space<vmem_shared>>) dst(%dma_wait3A_126 : memref<1024xf32, #tpu.memory_space<vmem>>)
      tpu.yield
    }) : () -> ()
    %add3A_110 = arith.constant 2048 : i32
    %add3A_111 = arith.addi %add3A_97, %add3A_110 : i32
    %multiple_of3A_112 = tpu.assume_multiple %add3A_111, 8 : i32
    "tpu.region"() ({
      %run_scoped3A = tpu.sem_alloc : memref<!tpu.dma_semaphore, #tpu.memory_space<semaphore_mem>>
      %dma_start3A = arith.constant 0 : i32
      %dma_start3A_118 = tpu.memref_slice %arg31[%dma_start3A] : memref<1024xf32, #tpu.memory_space<vmem>> -> memref<1024xf32, #tpu.memory_space<vmem>>
      %dma_start3A_119 = tpu.memref_slice %arg14[%multiple_of3A_112] : memref<301056xf32, #tpu.memory_space<hbm>> -> memref<1024xf32, #tpu.memory_space<hbm>>
      %dma_start3A_120 = tpu.memref_slice %arg14[%multiple_of3A_112] : memref<301056xf32, #tpu.memory_space<hbm>> -> memref<1024xf32, #tpu.memory_space<hbm>>
      %dma_start3A_121 = arith.constant 0 : i32
      %dma_start3A_122 = tpu.memref_slice %arg31[%dma_start3A_121] : memref<1024xf32, #tpu.memory_space<vmem>> -> memref<1024xf32, #tpu.memory_space<vmem>>
      tpu.enqueue_dma source(%dma_start3A_122 : memref<1024xf32, #tpu.memory_space<vmem>>) target(%dma_start3A_120 : memref<1024xf32, #tpu.memory_space<hbm>>) target_semaphore(%run_scoped3A : memref<!tpu.dma_semaphore, #tpu.memory_space<semaphore_mem>>)
      %dma_wait3A = arith.constant 0 : i32
      %dma_wait3A_123 = tpu.memref_slice %arg31[%dma_wait3A] : memref<1024xf32, #tpu.memory_space<vmem>> -> memref<1024xf32, #tpu.memory_space<vmem>>
      %dma_wait3A_124 = tpu.memref_slice %arg14[%multiple_of3A_112] : memref<301056xf32, #tpu.memory_space<hbm>> -> memref<1024xf32, #tpu.memory_space<hbm>>
      %dma_wait3A_125 = tpu.memref_slice %arg14[%multiple_of3A_112] : memref<301056xf32, #tpu.memory_space<hbm>> -> memref<1024xf32, #tpu.memory_space<hbm>>
      %dma_wait3A_126 = arith.constant 0 : i32
      %dma_wait3A_127 = tpu.memref_slice %arg31[%dma_wait3A_126] : memref<1024xf32, #tpu.memory_space<vmem>> -> memref<1024xf32, #tpu.memory_space<vmem>>
      tpu.wait_dma2 semaphore(%run_scoped3A : memref<!tpu.dma_semaphore, #tpu.memory_space<semaphore_mem>>) src(%dma_wait3A_127 : memref<1024xf32, #tpu.memory_space<vmem>>) dst(%dma_wait3A_125 : memref<1024xf32, #tpu.memory_space<hbm>>)
      tpu.yield
    }) : () -> ()
    %add3A_113 = arith.constant 3072 : i32
    %add3A_114 = arith.addi %mul3A_13, %add3A_113 : i32
    "tpu.region"() ({
      %run_scoped3A = tpu.sem_alloc : memref<!tpu.dma_semaphore, #tpu.memory_space<semaphore_mem>>
      %dma_start3A = arith.constant 0 : i32
      %dma_start3A_118 = tpu.memref_slice %arg31[%dma_start3A] : memref<1024xf32, #tpu.memory_space<vmem>> -> memref<64xf32, #tpu.memory_space<vmem>>
      %dma_start3A_119 = tpu.memref_slice %arg36[%add3A_114] : memref<50176xf32, #tpu.memory_space<vmem_shared>> -> memref<64xf32, #tpu.memory_space<vmem_shared>>
      %dma_start3A_120 = arith.constant 0 : i32
      %dma_start3A_121 = tpu.memref_slice %arg31[%dma_start3A_120] : memref<1024xf32, #tpu.memory_space<vmem>> -> memref<64xf32, #tpu.memory_space<vmem>>
      %dma_start3A_122 = tpu.memref_slice %arg36[%add3A_114] : memref<50176xf32, #tpu.memory_space<vmem_shared>> -> memref<64xf32, #tpu.memory_space<vmem_shared>>
      tpu.enqueue_dma source(%dma_start3A_122 : memref<64xf32, #tpu.memory_space<vmem_shared>>) target(%dma_start3A_121 : memref<64xf32, #tpu.memory_space<vmem>>) target_semaphore(%run_scoped3A : memref<!tpu.dma_semaphore, #tpu.memory_space<semaphore_mem>>)
      %dma_wait3A = arith.constant 0 : i32
      %dma_wait3A_123 = tpu.memref_slice %arg31[%dma_wait3A] : memref<1024xf32, #tpu.memory_space<vmem>> -> memref<64xf32, #tpu.memory_space<vmem>>
      %dma_wait3A_124 = tpu.memref_slice %arg36[%add3A_114] : memref<50176xf32, #tpu.memory_space<vmem_shared>> -> memref<64xf32, #tpu.memory_space<vmem_shared>>
      %dma_wait3A_125 = arith.constant 0 : i32
      %dma_wait3A_126 = tpu.memref_slice %arg31[%dma_wait3A_125] : memref<1024xf32, #tpu.memory_space<vmem>> -> memref<64xf32, #tpu.memory_space<vmem>>
      %dma_wait3A_127 = tpu.memref_slice %arg36[%add3A_114] : memref<50176xf32, #tpu.memory_space<vmem_shared>> -> memref<64xf32, #tpu.memory_space<vmem_shared>>
      tpu.wait_dma2 semaphore(%run_scoped3A : memref<!tpu.dma_semaphore, #tpu.memory_space<semaphore_mem>>) src(%dma_wait3A_127 : memref<64xf32, #tpu.memory_space<vmem_shared>>) dst(%dma_wait3A_126 : memref<64xf32, #tpu.memory_space<vmem>>)
      tpu.yield
    }) : () -> ()
    %add3A_115 = arith.constant 3072 : i32
    %add3A_116 = arith.addi %add3A_97, %add3A_115 : i32
    %multiple_of3A_117 = tpu.assume_multiple %add3A_116, 8 : i32
    "tpu.region"() ({
      %run_scoped3A = tpu.sem_alloc : memref<!tpu.dma_semaphore, #tpu.memory_space<semaphore_mem>>
      %dma_start3A = arith.constant 0 : i32
      %dma_start3A_118 = tpu.memref_slice %arg31[%dma_start3A] : memref<1024xf32, #tpu.memory_space<vmem>> -> memref<64xf32, #tpu.memory_space<vmem>>
      %dma_start3A_119 = tpu.memref_slice %arg14[%multiple_of3A_117] : memref<301056xf32, #tpu.memory_space<hbm>> -> memref<64xf32, #tpu.memory_space<hbm>>
      %dma_start3A_120 = tpu.memref_slice %arg14[%multiple_of3A_117] : memref<301056xf32, #tpu.memory_space<hbm>> -> memref<64xf32, #tpu.memory_space<hbm>>
      %dma_start3A_121 = arith.constant 0 : i32
      %dma_start3A_122 = tpu.memref_slice %arg31[%dma_start3A_121] : memref<1024xf32, #tpu.memory_space<vmem>> -> memref<64xf32, #tpu.memory_space<vmem>>
      tpu.enqueue_dma source(%dma_start3A_122 : memref<64xf32, #tpu.memory_space<vmem>>) target(%dma_start3A_120 : memref<64xf32, #tpu.memory_space<hbm>>) target_semaphore(%run_scoped3A : memref<!tpu.dma_semaphore, #tpu.memory_space<semaphore_mem>>)
      %dma_wait3A = arith.constant 0 : i32
      %dma_wait3A_123 = tpu.memref_slice %arg31[%dma_wait3A] : memref<1024xf32, #tpu.memory_space<vmem>> -> memref<64xf32, #tpu.memory_space<vmem>>
      %dma_wait3A_124 = tpu.memref_slice %arg14[%multiple_of3A_117] : memref<301056xf32, #tpu.memory_space<hbm>> -> memref<64xf32, #tpu.memory_space<hbm>>
      %dma_wait3A_125 = tpu.memref_slice %arg14[%multiple_of3A_117] : memref<301056xf32, #tpu.memory_space<hbm>> -> memref<64xf32, #tpu.memory_space<hbm>>
      %dma_wait3A_126 = arith.constant 0 : i32
      %dma_wait3A_127 = tpu.memref_slice %arg31[%dma_wait3A_126] : memref<1024xf32, #tpu.memory_space<vmem>> -> memref<64xf32, #tpu.memory_space<vmem>>
      tpu.wait_dma2 semaphore(%run_scoped3A : memref<!tpu.dma_semaphore, #tpu.memory_space<semaphore_mem>>) src(%dma_wait3A_127 : memref<64xf32, #tpu.memory_space<vmem>>) dst(%dma_wait3A_125 : memref<64xf32, #tpu.memory_space<hbm>>)
      tpu.yield
    }) : () -> ()
    return
  }
}

module attributes {stable_mosaic.version = 14 : i64} {
  func.func @_tc_body(%arg0: memref<3x50176xf32, #tpu.memory_space<vmem>>, %arg1: memref<3x1xf32, #tpu.memory_space<vmem>>, %arg2: memref<2x3x50176xf32, #tpu.memory_space<vmem>>, %arg3: memref<3x50176xf32, #tpu.memory_space<vmem>>, %arg4: memref<3x50176xf32, #tpu.memory_space<vmem>>, %arg5: memref<3x50176xf32, #tpu.memory_space<vmem>>, %arg6: memref<1x1xf32, #tpu.memory_space<vmem>>) attributes {dimension_semantics = [], scalar_prefetch = 0 : i64, scratch_operands = 0 : i64, tpu.core_type = #tpu.core_type<tc>} {
    %get3A = arith.constant 0 : index
    %get3A_0 = arith.constant 0 : index
    %get3A_1 = vector.load %arg0[%get3A, %get3A_0] : memref<3x50176xf32, #tpu.memory_space<vmem>>, vector<3x50176xf32>
    %get3A_2 = arith.constant 0 : index
    %get3A_3 = arith.constant 0 : index
    %get3A_4 = vector.load %arg1[%get3A_2, %get3A_3] : memref<3x1xf32, #tpu.memory_space<vmem>>, vector<3x1xf32>
    %mul3A = vector.broadcast %get3A_4 : vector<3x1xf32> to vector<3x50176xf32>
    %mul3A_5 = arith.mulf %get3A_1, %mul3A : vector<3x50176xf32>
    %swap3A = arith.constant 0 : index
    %swap3A_6 = arith.constant 0 : index
    %swap3A_7 = vector.load %arg5[%swap3A, %swap3A_6] : memref<3x50176xf32, #tpu.memory_space<vmem>>, vector<3x50176xf32>
    tpu.vector_store %arg5[%swap3A, %swap3A_6], %mul3A_5 {strides = array<i32>} : memref<3x50176xf32, #tpu.memory_space<vmem>>, vector<3x50176xf32>,
    %get3A_8 = arith.constant 0 : index
    %get3A_9 = arith.constant 0 : index
    %get3A_10 = arith.constant 0 : index
    %get3A_11 = vector.load %arg2[%get3A_8, %get3A_9, %get3A_10] : memref<2x3x50176xf32, #tpu.memory_space<vmem>>, vector<1x3x50176xf32>
    %get3A_12 = vector.shape_cast %get3A_11 : vector<1x3x50176xf32> to vector<3x50176xf32>
    %get3A_13 = arith.constant 1 : index
    %get3A_14 = arith.constant 0 : index
    %get3A_15 = arith.constant 0 : index
    %get3A_16 = vector.load %arg2[%get3A_13, %get3A_14, %get3A_15] : memref<2x3x50176xf32, #tpu.memory_space<vmem>>, vector<1x3x50176xf32>
    %get3A_17 = vector.shape_cast %get3A_16 : vector<1x3x50176xf32> to vector<3x50176xf32>
    %add3A = arith.addf %get3A_12, %get3A_17 : vector<3x50176xf32>
    %get3A_18 = arith.constant 0 : index
    %get3A_19 = arith.constant 0 : index
    %get3A_20 = vector.load %arg4[%get3A_18, %get3A_19] : memref<3x50176xf32, #tpu.memory_space<vmem>>, vector<3x50176xf32>
    %sub3A = arith.constant 1.000000e+00 : f32
    %sub3A_21 = vector.broadcast %sub3A : f32 to vector<3x50176xf32>
    %sub3A_22 = arith.subf %sub3A_21, %get3A_20 : vector<3x50176xf32>
    %get3A_23 = arith.constant 0 : index
    %get3A_24 = arith.constant 0 : index
    %get3A_25 = vector.load %arg3[%get3A_23, %get3A_24] : memref<3x50176xf32, #tpu.memory_space<vmem>>, vector<3x50176xf32>
    %sub3A_26 = arith.subf %add3A, %get3A_25 : vector<3x50176xf32>
    %mul3A_27 = arith.mulf %sub3A_26, %sub3A_22 : vector<3x50176xf32>
    %mul3A_28 = arith.mulf %get3A_25, %sub3A_22 : vector<3x50176xf32>
    %mul3A_29 = arith.mulf %mul3A_27, %mul3A_27 : vector<3x50176xf32>
    %reduce_sum3A = vector.shape_cast %mul3A_29 : vector<3x50176xf32> to vector<1x3x50176xf32>
    %reduce_sum3A_30 = arith.constant dense<0.000000e+00> : vector<1xf32>
    %reduce_sum3A_31 = vector.multi_reduction <add>, %reduce_sum3A, %reduce_sum3A_30 [1, 2] : vector<1x3x50176xf32> to vector<1xf32>
    %reduce_sum3A_32 = vector.shape_cast %reduce_sum3A_31 : vector<1xf32> to vector<1x1x1xf32>
    %reduce_sum3A_33 = vector.extract %reduce_sum3A_32[0, 0, 0] : f32 from vector<1x1x1xf32>
    %mul3A_34 = arith.mulf %mul3A_28, %mul3A_28 : vector<3x50176xf32>
    %reduce_sum3A_35 = vector.shape_cast %mul3A_34 : vector<3x50176xf32> to vector<1x3x50176xf32>
    %reduce_sum3A_36 = arith.constant dense<0.000000e+00> : vector<1xf32>
    %reduce_sum3A_37 = vector.multi_reduction <add>, %reduce_sum3A_35, %reduce_sum3A_36 [1, 2] : vector<1x3x50176xf32> to vector<1xf32>
    %reduce_sum3A_38 = vector.shape_cast %reduce_sum3A_37 : vector<1xf32> to vector<1x1x1xf32>
    %reduce_sum3A_39 = vector.extract %reduce_sum3A_38[0, 0, 0] : f32 from vector<1x1x1xf32>
    %max3A = arith.constant 1.000000e-30 : f32
    %max3A_40 = arith.maximumf %reduce_sum3A_39, %max3A : f32
    %div3A = arith.divf %reduce_sum3A_33, %max3A_40 : f32
    %reshape3A = vector.broadcast %div3A : f32 to vector<1x1xf32>
    %swap3A_41 = arith.constant 0 : index
    %swap3A_42 = arith.constant 0 : index
    %swap3A_43 = vector.load %arg6[%swap3A_41, %swap3A_42] : memref<1x1xf32, #tpu.memory_space<vmem>>, vector<1x1xf32>
    tpu.vector_store %arg6[%swap3A_41, %swap3A_42], %reshape3A {strides = array<i32>} : memref<1x1xf32, #tpu.memory_space<vmem>>, vector<1x1xf32>,
    return
  }
}

</mosaic_0001>

<sc_bundles>
// kernel: kernel.4.cloned.1.call-start
scs
__scs_entry_jumppad:
0x0: {  	(pc) =	sbr.rel $0x88, $3  }
0x1: {  	(tag) =	ssettag $0x0;
	lr =	simm.s32 $0x1  }
0x2: {  	[smem:$0x3F95] =	sst lr;
	_ =	strace $0xD0000000  }
0x3: {  	_ = 	snop  }
0x4: {  	_ = 	snop  }
0x5: {  	_ = 	snop  }
0x6: {  	_ = 	snop  }
0x7: {  	_ = 	snop  }
__scs_overlays_trampoline_lowered:
0x8: {  	[smem:$0x3FA4] =	sst s0  }
0x9: {  	[smem:$0x3FA5] =	sst s1  }
0xa: {  	[smem:$0x3FA6] =	sst s2  }
0xb: {  	[smem:$0x3FA7] =	sst s3  }
0xc: {  	[smem:$0x3FA8] =	sst s4  }
0xd: {  	[smem:$0x3FA9] =	sst s5  }
0xe: {  	[smem:$0x3FAA] =	sst s6  }
0xf: {  	[smem:$0x3FAB] =	sst s7  }
0x10: {  	[smem:$0x3FAC] =	sst s8  }
0x11: {  	[smem:$0x3FAD] =	sst s9;
	s0 =	simm.s32 @!p0 $0x0  }
0x12: {  	s1 =	sld [smem:$0x3F93];
	s0 =	simm.s32 @p0 $0x1  }
0x13: {  	[smem:$0x3FAE] =	sst s0;
	s0 =	simm.s32 @!p1 $0x0  }
0x14: {  	s2 =	sld [smem:$0x3F92];
	s0 =	simm.s32 @p1 $0x1  }
0x15: {  	[smem:$0x3FAF] =	sst s0;
	s0 =	simm.s32 @!p2 $0x0  }
0x16: {  	s3 =	sld [smem:$0x3FDB];
	s0 =	simm.s32 @p2 $0x1  }
0x17: {  	s4 =	simm.s32 $0x1BF5;
	[smem:$0x3FB1] =	sst s0  }
0x18: {  	s0 =	sld [smem:$0x3F94];
	_ =	swait.ge [sflag:s4], $0x0  }
0x19: {  	s7 =	sld [smem:$0x3F95]  }
0x1a: {  	s8 =	sadd.s32 $0xFFFFE003, lr  }
0x1b: {  	s9 =	sadd.s32 $0xFFFFFEF7, lr;
	s5 =	simm.s32 $0xFFFFFFFF;
	p2 =	slt.u32 s8, $0xFFFFF086  }
0x1c: {  	p1 =	slt.u32 s9, $0xF7A;
	s5 =	simm.s32 @!p2 $0x0  }
0x1d: {  	s5 =	simm.s32 @p1 $0x1;
	p0 =	seq.s32 s7, s2  }
0x1e: {  	s7 =	smul.u32 @!p0 $0xF7A, s2;
	p2 =	seq.s32 @!p0 s5, $0x0  }
0x1f: {  	s9 =	smul.u32 $0xF7A, s1;
	s8 =	simm.s32 @!p0 $0x1BF5;
	p2 =	por !p2, p0  }
0x20: {  	[sflag:s8] =	ssyncset.s32 @!p0 $0xFFFFF086;
	s6 =	sadd.s32 @!p0 s3, s7;
	s7 =	simm.s32 @!p0 $0x108  }
0x21: {  	s3 =	sadd.s32 s3, s9;
	s6 =	sadd.s32 @!p0 $0x88, s6;
	s7 =	simm.s32 @p2 $0x1082  }
0x22: {  	[simem:s7], [sflag:s8] =	dma.local @!p0 [hbm:s6], $0xF7A  }
0x23: {  	s9 =	sor.u32 $0xD0000000, s2;
	s6 =	simm.s32 $0x108;
	_ =	swait.ge @!p0 [sflag:s8], $0x0  }
0x24: {  	s3 =	sadd.s32 $0x88, s3;
	s6 =	simm.s32 @!p1 $0x1082;
	[sflag:s4] =	ssyncset.s32 $0xFFFFF086  }
0x25: {  	[simem:s6], [sflag:s4] =	dma.local [hbm:s3], $0xF7A  }
0x26: {  	[smem:$0x3F95] =	sst s1;
	(tag) =	ssettag s2;
	_ =	strace s9  }
0x27: {  	s1 =	sld [smem:$0x3FA5]  }
0x28: {  	s2 =	sld [smem:$0x3FA6]  }
0x29: {  	s4 =	sld [smem:$0x3FA8]  }
0x2a: {  	p0 =	seq.s32 s5, $0x0;
	s5 =	sld [smem:$0x3FA9]  }
0x2b: {  	s6 =	sld [smem:$0x3FAA]  }
0x2c: {  	s7 =	sld [smem:$0x3FAB]  }
0x2d: {  	s3 =	simm.s32 $0x108;
	s8 =	sld [smem:$0x3FAC]  }
0x2e: {  	s3 =	simm.s32 @!p0 $0x1082;
	s9 =	sld [smem:$0x3FAD]  }
0x2f: {  	lr =	sadd.s32 s0, s3;
	s0 =	sld [smem:$0x3FA4]  }
0x30: {  	s3 =	sld [smem:$0x3FA7]  }
0x31: {  	[smem:$0x3FB0] =	sst s10  }
0x32: {  	s10 =	sld [smem:$0x3FAE];
	_ =	sdelay $0x3  }
0x33: {  	p0 =	seq.s32 s10, $0x1;
	s10 =	sld [smem:$0x3FB0];
	_ =	sdelay $0x3  }
0x34: {  	[smem:$0x3FB0] =	sst s10  }
0x35: {  	s10 =	sld [smem:$0x3FAF];
	_ =	sdelay $0x3  }
0x36: {  	p1 =	seq.s32 s10, $0x1;
	s10 =	sld [smem:$0x3FB0];
	_ =	sdelay $0x3  }
0x37: {  	[smem:$0x3FB0] =	sst s10  }
0x38: {  	s10 =	sld [smem:$0x3FB1]  }
0x39: {  	_ = 	snop;
	(pc) =	sbr.ind lr, $3  }
0x3a: {  	_ = 	snop  }
0x3b: {  	_ = 	snop  }
0x3c: {  	p2 =	seq.s32 s10, $0x1;
	s10 =	sld [smem:$0x3FB0]  }
0x3d: {  	_ =	shalt  }
0x3e: {  	_ =	shalt  }
0x3f: {  	_ =	shalt  }
0x40: {  	_ =	shalt  }
0x41: {  	_ =	shalt  }
0x42: {  	_ =	shalt  }
0x43: {  	_ =	shalt  }
0x44: {  	_ =	shalt  }
0x45: {  	_ =	shalt  }
0x46: {  	_ =	shalt  }
0x47: {  	_ =	shalt  }
0x48: {  	_ =	shalt  }
0x49: {  	_ =	shalt  }
0x4a: {  	_ =	shalt  }
0x4b: {  	_ =	shalt  }
0x4c: {  	_ =	shalt  }
0x4d: {  	_ =	shalt  }
0x4e: {  	_ =	shalt  }
0x4f: {  	_ =	shalt  }
0x50: {  	_ =	shalt  }
0x51: {  	_ =	shalt  }
0x52: {  	_ =	shalt  }
0x53: {  	_ =	shalt  }
0x54: {  	_ =	shalt  }
0x55: {  	_ =	shalt  }
0x56: {  	_ =	shalt  }
0x57: {  	_ =	shalt  }
0x58: {  	_ =	shalt  }
0x59: {  	_ =	shalt  }
0x5a: {  	_ =	shalt  }
0x5b: {  	_ =	shalt  }
0x5c: {  	_ =	shalt  }
0x5d: {  	_ =	shalt  }
0x5e: {  	_ =	shalt  }
0x5f: {  	_ =	shalt  }
0x60: {  	_ =	shalt  }
0x61: {  	_ =	shalt  }
0x62: {  	_ =	shalt  }
0x63: {  	_ =	shalt  }
0x64: {  	_ =	shalt  }
0x65: {  	_ =	shalt  }
0x66: {  	_ =	shalt  }
0x67: {  	_ =	shalt  }
0x68: {  	_ =	shalt  }
0x69: {  	_ =	shalt  }
0x6a: {  	_ =	shalt  }
0x6b: {  	_ =	shalt  }
0x6c: {  	_ =	shalt  }
0x6d: {  	_ =	shalt  }
0x6e: {  	_ =	shalt  }
0x6f: {  	_ =	shalt  }
0x70: {  	_ =	shalt  }
0x71: {  	_ =	shalt  }
0x72: {  	_ =	shalt  }
0x73: {  	_ =	shalt  }
0x74: {  	_ =	shalt  }
0x75: {  	_ =	shalt  }
0x76: {  	_ =	shalt  }
0x77: {  	_ =	shalt  }
0x78: {  	_ =	shalt  }
0x79: {  	_ =	shalt  }
0x7a: {  	_ =	shalt  }
0x7b: {  	_ =	shalt  }
0x7c: {  	_ =	shalt  }
0x7d: {  	_ =	shalt  }
0x7e: {  	_ =	shalt  }
0x7f: {  	_ =	shalt  }
0x80: {  	_ =	shalt  }
0x81: {  	_ =	shalt  }
0x82: {  	_ =	shalt  }
0x83: {  	_ =	shalt  }
0x84: {  	_ =	shalt  }
0x85: {  	_ =	shalt  }
0x86: {  	_ =	shalt  }
0x87: {  	_ =	shalt  }
.Lfunc_end0:
.L_simem_size_0:
called_computation_lowered:
.L_overlay_start_0:
0x88: {  	s2 =	sld [smem:$0x3FD9]  }
0x89: {  	s3 =	sld [smem:$0x3FFE];
	_ =	sdelay $0x1  }
0x8a: {  	s1 =	srdreg.scid  }
0x8b: {  	s0 =	sand.u32 $0x1, s1  }
0x8c: {  	s14 =	sshll.u32 s0, $0xA;
	s2 =	sadd.s32 s3, s2  }
0x8d: {  	s2 =	sadd.s32 s2, s14  }
0x8e: {  	[smem:$0x3FBC] =	sst s2  }
0x8f: {  	_ = 	snop  }
0x90: {  	s2 =	sld [smem:$0x3FD0];
	_ =	sdelay $0x2  }
0x91: {  	s15 =	simm.s32 $0xA;
	s4 =	simm.s32 $0x10  }
0x92: {  	[smem:s4], [sflag:s15] =	dma.local [hbm:s2], $0x1  }
0x93: {  	_ =	swait.eq [sflag:s15], $0x1  }
0x94: {  	[sflag:s15] =	ssyncset.done $0x0  }
0x95: {  	s16 =	sld [smem:$0x11];
	[sflag:s15] =	ssyncadd.s32 $0xFFFFFFFF  }
0x96: {  	s17 =	sld [smem:$0x12];
	(tm) =	ssettm $0x1  }
0x97: {  	s18 =	sld [smem:$0x3FFB];
	_ =	sdelay $0x3  }
0x98: {  	_ =	strace s18  }
0x99: {  	s4 =	sld [smem:$0x3FFC];
	_ =	sdelay $0x3  }
0x9a: {  	_ =	strace s4  }
0x9b: {  	s4 =	sld [smem:$0x3FFD];
	_ =	sdelay $0x3  }
0x9c: {  	_ =	strace s4  }
0x9d: {  	_ =	strace $0x8FFFFFFF  }
0x9e: {  	s19 =	sld [smem:$0x3FDB];
	_ =	sdelay $0x1  }
0x9f: {  	s5 =	simm.s32 $_scs_section_size  }
0xa0: {  	s6 =	simm.s32 $_size__tile_overlayer_lowered;
	s7 =	simm.s32 $_tile_overlayer_lowered  }
0xa1: {  	s22 =	simm.s32 $0x1BFF;
	s21 =	sshll.u32 s7, $0x1;
	s4 =	sadd.s32 s5, s19  }
0xa2: {  	s8 =	simm.s32 $0x0;
	s20 =	sshll.u32 s6, $0x1;
	s6 =	sadd.s32 s21, s4  }
0xa3: {  	[timem:s8], [sflag:s22] =	dma.local [hbm:s6], s20  }
0xa4: {  	_ =	swait.ge [sflag:s22], s20  }
0xa5: {  	s5 =	ssub.s32 $0x0, s20;
	[sflag:s22] =	ssyncset.done $0x0  }
0xa6: {  	[sflag:s22] =	ssyncadd.s32 s5;
	_ =	sdelay $0x1  }
0xa7: {  	s23 =	simm.s32 $0x1B8B  }
0xa8: {  	_ =	swait.ge [sflag:s23], $0x1  }
0xa9: {  	[sflag:s23] =	ssyncset.done $0x0  }
0xaa: {  	s25 =	simm.s32 $0x1B8E;
	s24 =	sld [smem:$0x3FFE];
	[sflag:s23] =	ssyncadd.s32 $0xFFFFFFFF  }
0xab: {  	s26 =	simm.s32 $execute0_lowered;
	[smem:$0x3FD2] =	sst s25  }
0xac: {  	s6 =	sshll.u32 s26, $0x1;
	_ =	strace $0x80000046;
	[dreg:$0x1] =	wrdreg $0xFFFFFFFF  }
0xad: {  	s28 =	simm.s32 $_size_execute0_lowered;
	s4 =	sadd.s32 s4, s6;
	[dreg:$0x0] =	wrdreg $0x0  }
0xae: {  	s6 =	sshll.u32 s28, $0x1;
	[dreg:$0x2] =	wrdreg s4  }
0xaf: {  	[dreg:$0x3] =	wrdreg s6  }
0xb0: {  	[dreg:$0x4] =	wrdreg $0xC0  }
0xb1: {  	_ =	task [dreg:s8], $0x5FFFF  }
0xb2: {  	[dreg:$0x1] =	wrdreg $0xFFFFFFFF  }
0xb3: {  	[dreg:$0x0] =	wrdreg $0x60  }
0xb4: {  	[dreg:$0x2] =	wrdreg s24  }
0xb5: {  	[dreg:$0x3] =	wrdreg s17  }
0xb6: {  	[dreg:$0x4] =	wrdreg s16  }
0xb7: {  	[dreg:$0x5] =	wrdreg $0x1C4000  }
0xb8: {  	[dreg:$0x6] =	wrdreg $0x1D0400  }
0xb9: {  	[dreg:$0x7] =	wrdreg $0x1DC800  }
0xba: {  	[dreg:$0x8] =	wrdreg $0x9  }
0xbb: {  	_ =	task.clear_ibuf [dreg:s8], $0x9FFFF;
	_ =	strace $0x90000046  }
0xbc: {  	s29 =	simm.s32 $0x9;
	_ =	strace $0x80000048  }
0xbd: {  	_ =	swait.ge [sflag:s29], $0x1  }
0xbe: {  	[sflag:s29] =	ssyncadd.s32 $0xFFFFFFFF  }
0xbf: {  	_ =	strace $0x90000048  }
0xc0: {  	_ =	sfence  }
0xc1: {  	s30 =	sld [smem:$0x0];
	_ =	sdelay $0x2  }
0xc2: {  	s31 =	sshll.u32 s1, $0xD;
	s1 =	sshrl.u32 s1, $0x2  }
0xc3: {  	s3 =	sand.u32 $0x4000, s31;
	s1 =	sadd.s32 s1, s30  }
0xc4: {  	s0 =	sor.u32 s3, s0;
	s1 =	sshll.u32 s1, $0x11  }
0xc5: {  	s0 =	sor.u32 s1, s0  }
0xc6: {  	s0 =	sadd.s32 $0x8F2B, s0  }
0xc7: {  	[sflag:s0] =	ssyncadd.remote.s32 $0x1  }
0xc8: {  	_ =	sfence.sel $0xFFFF  }
0xc9: {  	[dreg:$0x0] =	wrdreg $0xFFFFFFFF;
	(pc) =	sbr.abs _section_cstart, $3  }
0xca: {  	[dreg:$0x1] =	wrdreg $0xFFFFFFFF  }
0xcb: {  	_ =	task.clear_ibuf [dreg:s8], $0x2FFFF;
	_ =	strace $0x9FFFFFFF  }
0xcc: {  	(tm) =	ssettm $0x7FFFFFFF  }
0xcd: {  	_ =	shalt  }
tec
execute0_lowered:
.L_overlay_start_1:
0x0: {  	(tag) =	ssettag $0x1  }
0x1: {  	s0 =	rddreg [dreg:$0x0]  }
0x2: {  	s3 =	rddreg [dreg:$0x3]  }
0x3: {  	s4 =	rddreg [dreg:$0x4]  }
0x4: {  	s5 =	rddreg [dreg:$0x5];
	s6 =	simm.s32 $0x0  }
0x5: {  	[smem:$0x7FF] =	sst s6;
	s1 =	sadd.s32 $0x96C00, s0  }
0x6: {  	s9 =	sadd.s32 $0x7DC00, s0;
	_ =	strace $0x80000047;
	[dreg:$0x7] =	wrdreg s1  }
0x7: {  	s10 =	sadd.s32 $0xAFC00, s0;
	[dreg:$0x8] =	wrdreg s9  }
0x8: {  	s2 =	sadd.s32 $0x4BC00, s0;
	[dreg:$0x9] =	wrdreg s10  }
0x9: {  	s7 =	sadd.s32 $0x64C00, s0;
	[dreg:$0xa] =	wrdreg s2  }
0xa: {  	s11 =	srdreg.scid;
	s13 =	sadd.s32 $0x32C00, s0;
	[dreg:$0xb] =	wrdreg s7  }
0xb: {  	s8 =	sadd.s32 $0xA00, s0;
	s15 =	sadd.s32 $0x19A00, s0;
	[dreg:$0xc] =	wrdreg s13  }
0xc: {  	s16 =	sadd.s32 $0xC8C00, s0;
	s10 =	stileid.u32;
	[dreg:$0xd] =	wrdreg s8  }
0xd: {  	s1 =	sand.u32 $0x1, s11;
	[dreg:$0xe] =	wrdreg s15;
	s12 =	smul.u32 $0xC40, s10  }
0xe: {  	s17 =	sadd.s32 $0xC8E00, s0;
	[dreg:$0xf] =	wrdreg s16;
	s14 =	smul.u32 $0x24C00, s1  }
0xf: {  	[dreg:$0x10] =	wrdreg s17;
	s13 =	sadd.s32 s12, s3  }
0x10: {  	s7 =	sadd.s32 s12, s14;
	s14 =	sadd.s32 s12, s4;
	[dreg:$0x11] =	wrdreg s13  }
0x11: {  	s19 =	sadd.s32 $0x400, s12;
	s15 =	sadd.s32 s12, s5;
	[dreg:$0x12] =	wrdreg s14  }
0x12: {  	s22 =	sadd.s32 s19, s4;
	[dreg:$0x13] =	wrdreg s15  }
0x13: {  	s20 =	sadd.s32 $0x800, s12;
	s23 =	sadd.s32 s19, s5;
	[dreg:$0x15] =	wrdreg s22  }
0x14: {  	s18 =	ssub.s32 $0x2, s1;
	s24 =	sadd.s32 s20, s3;
	[dreg:$0x16] =	wrdreg s23  }
0x15: {  	s10 =	sshll.u32 s10, $0x1;
	s25 =	sadd.s32 s20, s4;
	[dreg:$0x17] =	wrdreg s24  }
0x16: {  	s21 =	sadd.s32 $0xC00, s12;
	s26 =	sadd.s32 s20, s5;
	[dreg:$0x18] =	wrdreg s25  }
0x17: {  	s1 =	sor.u32 s1, s10;
	s8 =	sadd.s32 s21, s3;
	[dreg:$0x19] =	wrdreg s26  }
0x18: {  	s1 =	smul.u32 $0x6400, s1;
	s11 =	sadd.s32 s21, s5;
	[dreg:$0x1a] =	wrdreg s8  }
0x19: {  	s9 =	sshrl.u32 s18, $0x1;
	s7 =	sshrl.u32 s7, $0x3;
	[dreg:$0x1c] =	wrdreg s11  }
0x1a: {  	s31 =	sadd.s32 s19, s3;
	s0 =	sadd.s32 s7, s0;
	[dreg:$0x1d] =	wrdreg s1  }
0x1b: {  	s7 =	ssub.s32 s18, s9;
	s9 =	sadd.s32 s21, s4;
	[dreg:$0x14] =	wrdreg s31  }
0x1c: {  	[dreg:$0x1b] =	wrdreg s9;
	s12 =	sadd.s32 $0xC9000, s0  }
0x1d: {  	s16 =	sadd.s32 $0xC9080, s0;
	[dreg:$0x1e] =	wrdreg s12  }
0x1e: {  	s17 =	sadd.s32 $0xC9100, s0;
	[dreg:$0x1f] =	wrdreg s16  }
0x1f: {  	s18 =	sadd.s32 $0xC9180, s0;
	[smem:$0x7F3] =	sst s17  }
0x20: {  	s19 =	sadd.s32 $0xCA880, s0;
	[smem:$0x7F4] =	sst s18  }
0x21: {  	s29 =	simm.s32 $0x18800;
	s20 =	sadd.s32 $0xCA900, s0;
	[smem:$0x7F5] =	sst s19  }
0x22: {  	s28 =	simm.s32 $0x18880;
	s21 =	sadd.s32 $0xCA980, s0;
	[smem:$0x7F6] =	sst s20  }
0x23: {  	s30 =	simm.s32 $0x18D00;
	s22 =	sadd.s32 $0xCAA00, s0;
	[smem:$0x7F7] =	sst s21  }
0x24: {  	s2 =	simm.s32 $0x18E00;
	s23 =	sadd.s32 $0xCC100, s0;
	[smem:$0x7F8] =	sst s22  }
0x25: {  	s10 =	simm.s32 $0x2;
	s24 =	sadd.s32 $0xCC180, s0;
	[smem:$0x7F9] =	sst s23  }
0x26: {  	s1 =	simm.s32 $0xC380;
	s25 =	sadd.s32 $0xCC200, s0;
	[smem:$0x7FA] =	sst s24  }
0x27: {  	s8 =	simm.s32 $0x18A80;
	s0 =	sadd.s32 $0xCC280, s0;
	[smem:$0x7FB] =	sst s25  }
0x28: {  	s26 =	smax.u32 s7, $0x1;
	s7 =	simm.s32 $0x3;
	[smem:$0x7FC] =	sst s0  }
0x29: {  	s9 =	simm.s32 $0x18E80;
	[smem:$0x7FD] =	sst s26;
	s16 =	simm.s32 $0x18700  }
0x2a: {  	s17 =	simm.s32 $0x18B00;
	s23 =	simm.s32 $0x1;
	s24 =	simm.s32 $0x80  }
0x2b: {  	s18 =	simm.s32 $0x18780;
	s22 =	simm.s32 $0x18B80;
	s20 =	simm.s32 $0x18C00  }
0x2c: {  	s21 =	simm.s32 $0x18C80;
	s0 =	simm.s32 $0x18900;
	s19 =	simm.s32 $0x18980  }
0x2d: {  	v0 =	vimm.f32 $0.0e+00;
	s26 =	simm.s32 $0x18D80;
	s25 =	simm.s32 $0x18A00;
	s12 =	simm.s32 $0x0  }
.LBB2_1:
0x2e: {  	[smem:$0x7F2] =	sst s12  }
0x2f: {  	s11 =	rddreg [dreg:$0x1]  }
0x30: {  	[tilespmem:s6], [sflag:$0x3] =	stream.linear.gather [hbm4b:s11+s6], $0xC380, $0x38;
	[tilespmem:$0x1E8C0] =	vst v63  }
0x31: {  	_ =	swait.ge [sflag:s7], $0xC380  }
0x32: {  	[sflag:s7] =	ssyncset.done $0x0  }
0x33: {  	[sflag:s7] =	ssyncadd.s32 $0xFFFF3C80  }
0x34: {  	s12 =	rddreg [dreg:$0x2]  }
0x35: {  	[tilespmem:s1], [sflag:$0x3] =	stream.linear.gather [hbm4b:s12+s6], $0xC380, $0x38;
	[tilespmem:$0x1E8C0] =	vst v63  }
0x36: {  	_ =	swait.ge [sflag:s7], $0xC380  }
0x37: {  	[sflag:s7] =	ssyncset.done $0x0  }
0x38: {  	s12 =	simm.s32 $0x1C300;
	s11 =	rddreg [dreg:$0xf];
	[sflag:s7] =	ssyncadd.s32 $0xFFFF3C80  }
0x39: {  	[tilespmem:s12], [sflag:$0x3] =	stream.linear.gather [hbm4b:s11+s6], $0x80, $0x38;
	[tilespmem:$0x1E8C0] =	vst v63  }
0x3a: {  	_ =	swait.ge [sflag:s7], $0x80  }
0x3b: {  	[sflag:s7] =	ssyncset.done $0x0  }
0x3c: {  	s12 =	simm.s32 $0x1C380;
	s11 =	rddreg [dreg:$0x10];
	[sflag:s7] =	ssyncadd.s32 $0xFFFFFF80  }
0x3d: {  	[tilespmem:s12], [sflag:$0x3] =	stream.linear.gather [hbm4b:s11+s6], $0x80, $0x38;
	[tilespmem:$0x1E8C0] =	vst v63  }
0x3e: {  	_ =	swait.ge [sflag:s7], $0x80  }
0x3f: {  	[sflag:s7] =	ssyncset.done $0x0  }
0x40: {  	s11 =	simm.s32 $0x40;
	s12 =	simm.s32 $0x0;
	[sflag:s7] =	ssyncadd.s32 $0xFFFFFF80  }
.LBB2_2:
0x41: {  	p0 =	sne.s32 s11, $0xFC0;
	[tilespmem:s12+$0x1BF00] =	vst v0;
	s12 =	smov.u32 s11;
	s11 =	sadd.s32 $0x40, s11  }
.Ltmp0:
0x42: {  	(pc) =	sbr.rel @p0 .LBB2_2-.Ltmp0, $2  }
0x43: {  	_ =	sdelay $0x2  }
0x44: {  	s12 =	sshra.s32 s12, $0x2  }
0x45: {  	[tilespmem:s12+$0x1BF00] =	vst v0;
	s12 =	simm.s32 $0x1BF00  }
0x46: {  	[spmem:s13] =	stream.linear.scatter [tilespmem:s12], [sflag:$0x3], $0x400, $0x38;
	[tilespmem:$0x1E8C0] =	vst v63  }
0x47: {  	_ =	swait.ge [sflag:s7], $0x400  }
0x48: {  	[sflag:s7] =	ssyncset.done $0x0  }
0x49: {  	[sflag:s7] =	ssyncadd.s32 $0xFFFFFC00  }
0x4a: {  	[spmem:s31] =	stream.linear.scatter [tilespmem:s12], [sflag:$0x3], $0x400, $0x38;
	[tilespmem:$0x1E8C0] =	vst v63  }
0x4b: {  	_ =	swait.ge [sflag:s7], $0x400  }
0x4c: {  	[sflag:s7] =	ssyncset.done $0x0  }
0x4d: {  	s11 =	rddreg [dreg:$0x17];
	[sflag:s7] =	ssyncadd.s32 $0xFFFFFC00  }
0x4e: {  	[spmem:s11] =	stream.linear.scatter [tilespmem:s12], [sflag:$0x3], $0x400, $0x38;
	[tilespmem:$0x1E8C0] =	vst v63  }
0x4f: {  	_ =	swait.ge [sflag:s7], $0x400  }
0x50: {  	[sflag:s7] =	ssyncset.done $0x0  }
0x51: {  	s13 =	rddreg [dreg:$0x1a];
	[sflag:s7] =	ssyncadd.s32 $0xFFFFFC00  }
0x52: {  	[spmem:s13] =	stream.linear.scatter [tilespmem:s12], [sflag:$0x3], $0x40, $0x38;
	[tilespmem:$0x1E8C0] =	vst v63  }
0x53: {  	_ =	swait.ge [sflag:s7], $0x40  }
0x54: {  	[sflag:s7] =	ssyncset.done $0x0  }
0x55: {  	[sflag:s7] =	ssyncadd.s32 $0xFFFFFFC0  }
0x56: {  	[spmem:s14] =	stream.linear.scatter [tilespmem:s12], [sflag:$0x3], $0x400, $0x38;
	[tilespmem:$0x1E8C0] =	vst v63  }
0x57: {  	_ =	swait.ge [sflag:s7], $0x400  }
0x58: {  	[sflag:s7] =	ssyncset.done $0x0  }
0x59: {  	s14 =	rddreg [dreg:$0x15];
	[sflag:s7] =	ssyncadd.s32 $0xFFFFFC00  }
0x5a: {  	[spmem:s14] =	stream.linear.scatter [tilespmem:s12], [sflag:$0x3], $0x400, $0x38;
	[tilespmem:$0x1E8C0] =	vst v63  }
0x5b: {  	_ =	swait.ge [sflag:s7], $0x400  }
0x5c: {  	[sflag:s7] =	ssyncset.done $0x0  }
0x5d: {  	s31 =	rddreg [dreg:$0x18];
	[sflag:s7] =	ssyncadd.s32 $0xFFFFFC00  }
0x5e: {  	[spmem:s31] =	stream.linear.scatter [tilespmem:s12], [sflag:$0x3], $0x400, $0x38;
	[tilespmem:$0x1E8C0] =	vst v63  }
0x5f: {  	_ =	swait.ge [sflag:s7], $0x400  }
0x60: {  	[sflag:s7] =	ssyncset.done $0x0  }
0x61: {  	s13 =	rddreg [dreg:$0x1b];
	[sflag:s7] =	ssyncadd.s32 $0xFFFFFC00  }
0x62: {  	[spmem:s13] =	stream.linear.scatter [tilespmem:s12], [sflag:$0x3], $0x40, $0x38;
	[tilespmem:$0x1E8C0] =	vst v63  }
0x63: {  	_ =	swait.ge [sflag:s7], $0x40  }
0x64: {  	[sflag:s7] =	ssyncset.done $0x0  }
0x65: {  	[sflag:s7] =	ssyncadd.s32 $0xFFFFFFC0  }
0x66: {  	[spmem:s15] =	stream.linear.scatter [tilespmem:s12], [sflag:$0x3], $0x400, $0x38;
	[tilespmem:$0x1E8C0] =	vst v63  }
0x67: {  	_ =	swait.ge [sflag:s7], $0x400  }
0x68: {  	[sflag:s7] =	ssyncset.done $0x0  }
0x69: {  	s14 =	rddreg [dreg:$0x16];
	[sflag:s7] =	ssyncadd.s32 $0xFFFFFC00  }
0x6a: {  	[spmem:s14] =	stream.linear.scatter [tilespmem:s12], [sflag:$0x3], $0x400, $0x38;
	[tilespmem:$0x1E8C0] =	vst v63  }
0x6b: {  	_ =	swait.ge [sflag:s7], $0x400  }
0x6c: {  	[sflag:s7] =	ssyncset.done $0x0  }
0x6d: {  	s15 =	rddreg [dreg:$0x19];
	[sflag:s7] =	ssyncadd.s32 $0xFFFFFC00  }
0x6e: {  	[spmem:s15] =	stream.linear.scatter [tilespmem:s12], [sflag:$0x3], $0x400, $0x38;
	[tilespmem:$0x1E8C0] =	vst v63  }
0x6f: {  	_ =	swait.ge [sflag:s7], $0x400  }
0x70: {  	[sflag:s7] =	ssyncset.done $0x0  }
0x71: {  	s31 =	rddreg [dreg:$0x1c];
	[sflag:s7] =	ssyncadd.s32 $0xFFFFFC00  }
0x72: {  	[spmem:s31] =	stream.linear.scatter [tilespmem:s12], [sflag:$0x3], $0x40, $0x38;
	[tilespmem:$0x1E8C0] =	vst v63  }
0x73: {  	_ =	swait.ge [sflag:s7], $0x40  }
0x74: {  	[sflag:s7] =	ssyncset.done $0x0  }
0x75: {  	[sflag:s7] =	ssyncadd.s32 $0xFFFFFFC0  }
0x76: {  	[bflag:$0x0] =	sbarrier.arrive $0xFFFF  }
0x77: {  	v1 =	vld [tilespmem:$0x1C300]  }
0x78: {  	s11 =	simm.s32 $0x0;
	s12 =	simm.s32 $0x0;
	v2 =	vld [tilespmem:$0x1C380]  }
.LBB2_4:
0x79: {  	s13 =	sshll.u32 s12, $0xA;
	s14 =	rddreg [dreg:$0x1d]  }
0x7a: {  	s13 =	sadd.s32 s14, s13  }
0x7b: {  	s31 =	rddreg [dreg:$0x7];
	s13 =	sshrl.u32 s13, $0x3  }
0x7c: {  	s15 =	rddreg [dreg:$0x8];
	s14 =	sadd.s32 s31, s13  }
0x7d: {  	[tilespmem:s16], [sflag:$0x1] =	stream.linear.gather [hbm4b:s14+s11], $0x400, $0x38;
	[tilespmem:$0x1E8C0] =	vst v63  }
0x7e: {  	s31 =	rddreg [dreg:$0x9];
	s14 =	sadd.s32 s15, s13  }
0x7f: {  	[tilespmem:s17], [sflag:$0x1] =	stream.linear.gather [hbm4b:s14+s11], $0x400, $0x38;
	[tilespmem:$0x1E8C0] =	vst v63  }
0x80: {  	s15 =	simm.s32 $0x18F00;
	s14 =	sadd.s32 s31, s13  }
0x81: {  	[tilespmem:s15], [sflag:$0x1] =	stream.linear.gather [hbm4b:s14+s11], $0x400, $0x38;
	[tilespmem:$0x1E8C0] =	vst v63  }
0x82: {  	s15 =	rddreg [dreg:$0xa]  }
0x83: {  	s31 =	simm.s32 $0x19300;
	s14 =	sadd.s32 s15, s13;
	s15 =	rddreg [dreg:$0xb]  }
0x84: {  	[tilespmem:s31], [sflag:$0x1] =	stream.linear.gather [hbm4b:s14+s11], $0x400, $0x38;
	[tilespmem:$0x1E8C0] =	vst v63  }
0x85: {  	s14 =	sadd.s32 s15, s13;
	s31 =	simm.s32 $0x19700;
	s15 =	rddreg [dreg:$0xc]  }
0x86: {  	[tilespmem:s31], [sflag:$0x1] =	stream.linear.gather [hbm4b:s14+s11], $0x400, $0x38;
	[tilespmem:$0x1E8C0] =	vst v63  }
0x87: {  	s14 =	sadd.s32 s15, s13;
	s31 =	simm.s32 $0x19B00;
	s15 =	rddreg [dreg:$0xd]  }
0x88: {  	[tilespmem:s31], [sflag:$0x1] =	stream.linear.gather [hbm4b:s14+s11], $0x400, $0x38;
	[tilespmem:$0x1E8C0] =	vst v63  }
0x89: {  	s14 =	sadd.s32 s15, s13;
	s31 =	simm.s32 $0x19F00;
	s15 =	rddreg [dreg:$0xe]  }
0x8a: {  	[tilespmem:s31], [sflag:$0x1] =	stream.linear.gather [hbm4b:s14+s11], $0x400, $0x38;
	[tilespmem:$0x1E8C0] =	vst v63  }
0x8b: {  	s13 =	sadd.s32 s15, s13;
	s31 =	simm.s32 $0x1A300  }
0x8c: {  	[tilespmem:s31], [sflag:$0x1] =	stream.linear.gather [hbm4b:s13+s11], $0x400, $0x38;
	[tilespmem:$0x1E8C0] =	vst v63  }
0x8d: {  	_ =	swait.ge [sflag:s23], $0x400  }
0x8e: {  	[sflag:s23] =	ssyncset.done $0x0  }
0x8f: {  	[sflag:s23] =	ssyncadd.s32 $0xFFFFFC00  }
0x90: {  	_ =	swait.ge [sflag:s23], $0x400  }
0x91: {  	[sflag:s23] =	ssyncset.done $0x0  }
0x92: {  	[sflag:s23] =	ssyncadd.s32 $0xFFFFFC00  }
0x93: {  	_ =	swait.ge [sflag:s23], $0x400  }
0x94: {  	[sflag:s23] =	ssyncset.done $0x0  }
0x95: {  	[sflag:s23] =	ssyncadd.s32 $0xFFFFFC00  }
0x96: {  	_ =	swait.ge [sflag:s23], $0x400  }
0x97: {  	[sflag:s23] =	ssyncset.done $0x0  }
0x98: {  	[sflag:s23] =	ssyncadd.s32 $0xFFFFFC00  }
0x99: {  	_ =	swait.ge [sflag:s23], $0x400  }
0x9a: {  	[sflag:s23] =	ssyncset.done $0x0  }
0x9b: {  	[sflag:s23] =	ssyncadd.s32 $0xFFFFFC00  }
0x9c: {  	_ =	swait.ge [sflag:s23], $0x400  }
0x9d: {  	[sflag:s23] =	ssyncset.done $0x0  }
0x9e: {  	[sflag:s23] =	ssyncadd.s32 $0xFFFFFC00  }
0x9f: {  	_ =	swait.ge [sflag:s23], $0x400  }
0xa0: {  	[sflag:s23] =	ssyncset.done $0x0  }
0xa1: {  	[sflag:s23] =	ssyncadd.s32 $0xFFFFFC00  }
0xa2: {  	_ =	swait.ge [sflag:s23], $0x400  }
0xa3: {  	[sflag:s23] =	ssyncset.done $0x0  }
0xa4: {  	s14 =	simm.s32 $0x0;
	[sflag:s23] =	ssyncadd.s32 $0xFFFFFC00  }
0xa5: {  	v3 =	vld [tilespmem:s14+$0x18F00]  }
0xa6: {  	v4 =	vld [tilespmem:s14+$0x18B00]  }
0xa7: {  	v10 =	vld [tilespmem:s14+$0x18700];
	_ =	sdelay $0x3  }
0xa8: {  	v9 =	vld [tilespmem:s14+$0x19300];
	(erf) = vrcp.f32 v3  }
0xa9: {  	v11 =	vld [tilespmem:s14+$0x19700]  }
0xaa: {  	v3 =	vld [tilespmem:s14+$0x19B00]  }
0xab: {  	v12 =	vld.idx.msk [tilespmem:v4+s6+$0x0], $0xffff  }
0xac: {  	v13 =	vld.idx.msk [tilespmem:v10+s1+$0x0], $0xffff  }
0xad: {  	v14 =	vld.idx.msk [tilespmem:v4+s1+$0x0], $0xffff  }
0xae: {  	v16 =	vld.idx.msk [tilespmem:v10+s6+$0x0], $0xffff;
	_ =	sdelay $0x1  }
0xaf: {  	v6 =	vld [tilespmem:s14+$0x19F00];
	v5 =	vmul.f32 v3, v9  }
0xb0: {  	v4 =	vld [tilespmem:s14+$0x1A300];
	v9 =	vmul.f32 v11, v9;
	v10 =	vshll.u32 v12, $0x10;
	v11 =	vmul.f32 v13, v2;
	v3 =	vpop (erf)  }
0xb1: {  	v12 =	vand.u32 $0xFFFF0000, v12;
	v10 =	vmul.f32 v10, v1;
	v5 =	vmul.f32 v5, v3  }
0xb2: {  	v17 =	vshll.u32 v16, $0x10;
	v15 =	vmul.f32 v12, v1;
	v12 =	vmul.f32 v14, v2  }
0xb3: {  	v18 =	vmul.f32 v17, v1;
	v8 =	vmul.f32 v5, v3  }
0xb4: {  	v16 =	vand.u32 $0xFFFF0000, v16;
	v19 =	vmul.f32 $4.000000000e+00, v11;
	v13 =	vmul.f32 v6, v15  }
0xb5: {  	v14 =	vmul.f32 v4, v10;
	v20 =	vadd.f32 v12, v12;
	v7 =	vmul.f32 v8, v3  }
0xb6: {  	s13 =	simm.s32 $0x10;
	v17 =	vmul.f32 v16, v1;
	v10 =	vmul.f32 v6, v10  }
0xb7: {  	s15 =	simm.s32 $0x80;
	v13 =	vsub.f32 v13, v14;
	v14 =	vld [tilespmem:s13+$0x18F00];
	v16 =	vadd.f32 v20, v19;
	v7 =	vmul.f32 $1.200000000e+01, v7  }
.LBB2_5:
0xb8: {  	p0 =	sne.s32 s15, $0xFC0;
	v19 =	vld [tilespmem:s13+$0x18700];
	v15 =	vmul.f32 v4, v15;
	v20 =	vadd.f32 v11, v11;
	v21 =	vmul.f32 $4.000000000e+00, v12;
	s31 =	smov.u32 s15;
	s15 =	sadd.s32 $0x40, s15  }
0xb9: {  	v11 =	vadd.f32 v12, v11;
	v22 =	vld [tilespmem:s13+$0x18B00];
	v23 =	vmul.f32 v6, v17;
	v24 =	vmul.f32 v4, v18  }
0xba: {  	v18 =	vmul.f32 v6, v18;
	v17 =	vmul.f32 v4, v17;
	v12 =	vld [tilespmem:s13+$0x19300];
	v20 =	vadd.f32 v21, v20  }
0xbb: {  	v8 =	vmul.f32 $6.000000000e+00, v8;
	v16 =	vmul.f32 v5, v16;
	v21 =	vld [tilespmem:s13+$0x19B00];
	v23 =	vsub.f32 v23, v24  }
0xbc: {  	v10 =	vadd.f32 v15, v10;
	(erf) = vrcp.f32 v14;
	v14 =	vadd.f32 v17, v18  }
0xbd: {  	v5 =	vmul.f32 v5, v20;
	v13 =	vsub.f32 v23, v13  }
0xbe: {  	v3 =	vmul.f32 v9, v3;
	v9 =	vsub.f32 v14, v10;
	v10 =	vmul.f32 v8, v11  }
0xbf: {  	v7 =	vmul.f32 v13, v7;
	v8 =	vmul.f32 v13, v8  }
0xc0: {  	v11 =	vmul.f32 v21, v12;
	v3 =	vmul.f32 v9, v3  }
0xc1: {  	v7 =	vsub.f32 v7, v10;
	v9 =	vsub.f32 v16, v8  }
0xc2: {  	v8 =	vsub.f32 v5, v8;
	v10 =	vmul.f32 v3, v6;
	v13 =	vmul.f32 v3, v4  }
0xc3: {  	v4 =	vmul.f32 v7, v4;
	v5 =	vmul.f32 v7, v6;
	v6 =	vadd.f32 $0.0e+00, v9  }
0xc4: {  	v7 =	vadd.f32 $0.0e+00, v8  }
0xc5: {  	v3 =	vpop (erf);
	v4 =	vsub.f32 v10, v4;
	v9 =	vadd.f32 v5, v13;
	[tilespmem:s14+$0x1AF00] =	vst v6  }
0xc6: {  	v5 =	vmul.f32 v11, v3;
	[tilespmem:s14+$0x1BB00] =	vst v7  }
0xc7: {  	[tilespmem:s14+$0x1A700] =	vst v4;
	v4 =	vsub.f32 $0.0e+00, v4;
	v6 =	vsub.f32 $0.0e+00, v9  }
0xc8: {  	v8 =	vmul.f32 v5, v3;
	[tilespmem:s14+$0x1AB00] =	vst v9  }
0xc9: {  	[tilespmem:s14+$0x1B300] =	vst v4  }
0xca: {  	v9 =	vld [tilespmem:s13+$0x19700];
	v4 =	vmul.f32 v8, v3;
	[tilespmem:s14+$0x1B700] =	vst v6;
	s14 =	smov.u32 s13  }
0xcb: {  	v10 =	vld.idx.msk [tilespmem:v22+s6+$0x0], $0xffff  }
0xcc: {  	v11 =	vld.idx.msk [tilespmem:v19+s1+$0x0], $0xffff;
	v7 =	vmul.f32 $1.200000000e+01, v4  }
0xcd: {  	v13 =	vld.idx.msk [tilespmem:v22+s1+$0x0], $0xffff  }
0xce: {  	v4 =	vld [tilespmem:s14+$0x1A300]  }
0xcf: {  	v6 =	vld [tilespmem:s14+$0x19F00]  }
0xd0: {  	v14 =	vld.idx.msk [tilespmem:v19+s6+$0x0], $0xffff  }
0xd1: {  	v9 =	vmul.f32 v9, v12;
	v15 =	vshll.u32 v10, $0x10;
	v10 =	vand.u32 $0xFFFF0000, v10  }
0xd2: {  	v16 =	vmul.f32 v15, v1;
	v15 =	vmul.f32 v10, v1  }
.Ltmp1:
0xd3: {  	v11 =	vmul.f32 v11, v2;
	v12 =	vmul.f32 v13, v2;
	(pc) =	sbr.rel @p0 .LBB2_5-.Ltmp1, $4  }
0xd4: {  	v17 =	vmul.f32 v4, v16;
	v13 =	vmul.f32 v6, v15  }
0xd5: {  	v10 =	vmul.f32 v6, v16;
	v16 =	vmul.f32 $4.000000000e+00, v11;
	v19 =	vadd.f32 v12, v12  }
0xd6: {  	s13 =	sshra.s32 s31, $0x2;
	v18 =	vshll.u32 v14, $0x10;
	v20 =	vand.u32 $0xFFFF0000, v14;
	v13 =	vsub.f32 v13, v17  }
0xd7: {  	v18 =	vmul.f32 v18, v1;
	v17 =	vmul.f32 v20, v1;
	v16 =	vadd.f32 v19, v16;
	v14 =	vld [tilespmem:s13+$0x18F00]  }
0xd8: {  	_ = 	snop  }
0xd9: {  	v19 =	vmul.f32 v6, v17;
	v20 =	vmul.f32 v4, v18  }
0xda: {  	v15 =	vmul.f32 v4, v15;
	v21 =	vadd.f32 v11, v11;
	v22 =	vmul.f32 $4.000000000e+00, v12  }
0xdb: {  	v61 =	vmul.f32 v6, v18;
	v62 =	vmul.f32 v4, v17;
	v19 =	vsub.f32 v19, v20  }
0xdc: {  	v63 =	vadd.f32 v12, v11;
	v8 =	vmul.f32 $6.000000000e+00, v8;
	v10 =	vadd.f32 v15, v10  }
0xdd: {  	v3 =	vmul.f32 v9, v3;
	v20 =	vadd.f32 v62, v61;
	v13 =	vsub.f32 v19, v13  }
0xde: {  	v16 =	vmul.f32 v5, v16;
	v22 =	vadd.f32 v22, v21;
	v23 =	vmul.f32 v8, v63  }
0xdf: {  	v10 =	vsub.f32 v20, v10;
	v7 =	vmul.f32 v13, v7;
	v8 =	vmul.f32 v13, v8  }
0xe0: {  	v24 =	vmul.f32 v5, v22  }
0xe1: {  	v3 =	vmul.f32 v10, v3;
	v7 =	vsub.f32 v7, v23;
	v26 =	vsub.f32 v16, v8  }
0xe2: {  	v25 =	vld [tilespmem:s13+$0x18700];
	(erf) = vrcp.f32 v14;
	v5 =	vsub.f32 v24, v8  }
0xe3: {  	v27 =	vld [tilespmem:s13+$0x18B00];
	v29 =	vmul.f32 v3, v6;
	v30 =	vmul.f32 v7, v4;
	v9 =	vadd.f32 $0.0e+00, v26  }
0xe4: {  	v28 =	vld [tilespmem:s13+$0x19300];
	v3 =	vmul.f32 v3, v4;
	v32 =	vmul.f32 v7, v6;
	v5 =	vadd.f32 $0.0e+00, v5  }
0xe5: {  	v31 =	vld [tilespmem:s13+$0x19B00];
	v33 =	vsub.f32 v29, v30;
	[tilespmem:s14+$0x1AF00] =	vst v9  }
0xe6: {  	v3 =	vadd.f32 v32, v3;
	[tilespmem:s14+$0x1BB00] =	vst v5  }
0xe7: {  	[tilespmem:s14+$0x1A700] =	vst v33;
	v34 =	vsub.f32 $0.0e+00, v33  }
0xe8: {  	[tilespmem:s14+$0x1AB00] =	vst v3;
	v3 =	vsub.f32 $0.0e+00, v3  }
0xe9: {  	[tilespmem:s14+$0x1B300] =	vst v34  }
0xea: {  	v35 =	vmul.f32 v31, v28;
	v37 =	vld [tilespmem:s13+$0x19700];
	[tilespmem:s14+$0x1B700] =	vst v3  }
0xeb: {  	v36 =	vpop (erf);
	v38 =	vld.idx.msk [tilespmem:v27+s6+$0x0], $0xffff  }
0xec: {  	v3 =	vmul.f32 v35, v36;
	v9 =	vld.idx.msk [tilespmem:v25+s1+$0x0], $0xffff  }
0xed: {  	v10 =	vld.idx.msk [tilespmem:v27+s1+$0x0], $0xffff  }
0xee: {  	v11 =	vld.idx.msk [tilespmem:v25+s6+$0x0], $0xffff;
	v39 =	vmul.f32 v3, v36;
	_ =	sdelay $0x1  }
0xef: {  	v40 =	vmul.f32 v39, v36  }
0xf0: {  	v42 =	vld [tilespmem:s13+$0x19F00];
	v7 =	vmul.f32 $6.000000000e+00, v39;
	v6 =	vmul.f32 v37, v28  }
0xf1: {  	v41 =	vld [tilespmem:s13+$0x1A300];
	v12 =	vmul.f32 $1.200000000e+01, v40;
	v43 =	vshll.u32 v38, $0x10;
	v5 =	vand.u32 $0xFFFF0000, v38  }
0xf2: {  	v9 =	vmul.f32 v9, v2;
	v10 =	vmul.f32 v10, v2;
	v47 =	vshll.u32 v11, $0x10  }
0xf3: {  	v11 =	vand.u32 $0xFFFF0000, v11;
	v44 =	vmul.f32 v43, v1;
	v5 =	vmul.f32 v5, v1  }
0xf4: {  	v17 =	vmul.f32 v47, v1;
	v11 =	vmul.f32 v11, v1  }
0xf5: {  	v48 =	vmul.f32 $4.000000000e+00, v9;
	v45 =	vmul.f32 v42, v5  }
0xf6: {  	v49 =	vadd.f32 v10, v10;
	v46 =	vmul.f32 v41, v44;
	v8 =	vmul.f32 v42, v44  }
0xf7: {  	v52 =	vadd.f32 v9, v9;
	v50 =	vmul.f32 v42, v11;
	v51 =	vmul.f32 v41, v17  }
0xf8: {  	v9 =	vadd.f32 v10, v9;
	v17 =	vmul.f32 v42, v17;
	v11 =	vmul.f32 v41, v11  }
0xf9: {  	v5 =	vmul.f32 v41, v5;
	v15 =	vsub.f32 v45, v46;
	v16 =	vsub.f32 v50, v51  }
0xfa: {  	v53 =	vmul.f32 $4.000000000e+00, v10;
	v18 =	vadd.f32 v49, v48;
	v54 =	vadd.f32 v11, v17  }
0xfb: {  	v4 =	vmul.f32 v6, v36;
	v5 =	vadd.f32 v5, v8;
	v56 =	vsub.f32 v16, v15  }
0xfc: {  	v57 =	vadd.f32 v53, v52;
	v58 =	vmul.f32 v7, v9;
	v55 =	vmul.f32 v3, v18  }
0xfd: {  	v5 =	vsub.f32 v54, v5;
	v59 =	vmul.f32 v56, v12;
	v7 =	vmul.f32 v56, v7  }
0xfe: {  	v3 =	vmul.f32 v3, v57  }
0xff: {  	v4 =	vmul.f32 v5, v4;
	v60 =	vsub.f32 v59, v58;
	v61 =	vsub.f32 v55, v7  }
0x100: {  	v3 =	vsub.f32 v3, v7  }
0x101: {  	v62 =	vmul.f32 v4, v42;
	v63 =	vmul.f32 v60, v41;
	v6 =	vadd.f32 $0.0e+00, v61  }
0x102: {  	v4 =	vmul.f32 v4, v41;
	v5 =	vmul.f32 v60, v42;
	v3 =	vadd.f32 $0.0e+00, v3  }
0x103: {  	v7 =	vsub.f32 v62, v63;
	[tilespmem:s13+$0x1AF00] =	vst v6  }
0x104: {  	v4 =	vadd.f32 v5, v4;
	[tilespmem:s13+$0x1BB00] =	vst v3  }
0x105: {  	[tilespmem:s13+$0x1A700] =	vst v7;
	v3 =	vsub.f32 $0.0e+00, v7  }
0x106: {  	v5 =	vsub.f32 $0.0e+00, v4;
	[tilespmem:s13+$0x1AB00] =	vst v4  }
0x107: {  	[tilespmem:s13+$0x1B300] =	vst v3  }
0x108: {  	s14 =	simm.s32 $0x1A700;
	[tilespmem:s13+$0x1B700] =	vst v5  }
0x109: {  	[spmem:s3] =	stream.indirect.scatter.add.f32 [tilespmem:s14], [sflag:$0x2], $0x1, s16, s24, $0xb8;
	[tilespmem:$0x1E8C0] =	vst v63  }
0x10a: {  	s15 =	simm.s32 $0x1AB00  }
0x10b: {  	[spmem:s4] =	stream.indirect.scatter.add.f32 [tilespmem:s15], [sflag:$0x2], $0x1, s16, s24, $0xb8;
	[tilespmem:$0x1E8C0] =	vst v63  }
0x10c: {  	s31 =	simm.s32 $0x1AF00  }
0x10d: {  	[spmem:s5] =	stream.indirect.scatter.add.f32 [tilespmem:s31], [sflag:$0x2], $0x1, s16, s24, $0xb8;
	[tilespmem:$0x1E8C0] =	vst v63  }
0x10e: {  	s14 =	simm.s32 $0x1B300  }
0x10f: {  	[spmem:s3] =	stream.indirect.scatter.add.f32 [tilespmem:s14], [sflag:$0x2], $0x1, s17, s24, $0xb8;
	[tilespmem:$0x1E8C0] =	vst v63  }
0x110: {  	s15 =	simm.s32 $0x1B700  }
0x111: {  	[spmem:s4] =	stream.indirect.scatter.add.f32 [tilespmem:s15], [sflag:$0x2], $0x1, s17, s24, $0xb8;
	[tilespmem:$0x1E8C0] =	vst v63  }
0x112: {  	s31 =	simm.s32 $0x1BB00  }
0x113: {  	[spmem:s5] =	stream.indirect.scatter.add.f32 [tilespmem:s31], [sflag:$0x2], $0x1, s17, s24, $0xb8;
	[tilespmem:$0x1E8C0] =	vst v63  }
0x114: {  	s14 =	simm.s32 $0x1A780  }
0x115: {  	[spmem:s3] =	stream.indirect.scatter.add.f32 [tilespmem:s14], [sflag:$0x2], $0x1, s18, s24, $0xb8;
	[tilespmem:$0x1E8C0] =	vst v63  }
0x116: {  	s15 =	simm.s32 $0x1AB80  }
0x117: {  	[spmem:s4] =	stream.indirect.scatter.add.f32 [tilespmem:s15], [sflag:$0x2], $0x1, s18, s24, $0xb8;
	[tilespmem:$0x1E8C0] =	vst v63  }
0x118: {  	s31 =	simm.s32 $0x1AF80  }
0x119: {  	[spmem:s5] =	stream.indirect.scatter.add.f32 [tilespmem:s31], [sflag:$0x2], $0x1, s18, s24, $0xb8;
	[tilespmem:$0x1E8C0] =	vst v63  }
0x11a: {  	s14 =	simm.s32 $0x1B380  }
0x11b: {  	[spmem:s3] =	stream.indirect.scatter.add.f32 [tilespmem:s14], [sflag:$0x2], $0x1, s22, s24, $0xb8;
	[tilespmem:$0x1E8C0] =	vst v63  }
0x11c: {  	s15 =	simm.s32 $0x1B780  }
0x11d: {  	[spmem:s4] =	stream.indirect.scatter.add.f32 [tilespmem:s15], [sflag:$0x2], $0x1, s22, s24, $0xb8;
	[tilespmem:$0x1E8C0] =	vst v63  }
0x11e: {  	s31 =	simm.s32 $0x1BB80  }
0x11f: {  	[spmem:s5] =	stream.indirect.scatter.add.f32 [tilespmem:s31], [sflag:$0x2], $0x1, s22, s24, $0xb8;
	[tilespmem:$0x1E8C0] =	vst v63  }
0x120: {  	s14 =	simm.s32 $0x1A800  }
0x121: {  	[spmem:s3] =	stream.indirect.scatter.add.f32 [tilespmem:s14], [sflag:$0x2], $0x1, s29, s24, $0xb8;
	[tilespmem:$0x1E8C0] =	vst v63  }
0x122: {  	s15 =	simm.s32 $0x1AC00  }
0x123: {  	[spmem:s4] =	stream.indirect.scatter.add.f32 [tilespmem:s15], [sflag:$0x2], $0x1, s29, s24, $0xb8;
	[tilespmem:$0x1E8C0] =	vst v63  }
0x124: {  	s31 =	simm.s32 $0x1B000  }
0x125: {  	[spmem:s5] =	stream.indirect.scatter.add.f32 [tilespmem:s31], [sflag:$0x2], $0x1, s29, s24, $0xb8;
	[tilespmem:$0x1E8C0] =	vst v63  }
0x126: {  	s14 =	simm.s32 $0x1B400  }
0x127: {  	[spmem:s3] =	stream.indirect.scatter.add.f32 [tilespmem:s14], [sflag:$0x2], $0x1, s20, s24, $0xb8;
	[tilespmem:$0x1E8C0] =	vst v63  }
0x128: {  	s15 =	simm.s32 $0x1B800  }
0x129: {  	[spmem:s4] =	stream.indirect.scatter.add.f32 [tilespmem:s15], [sflag:$0x2], $0x1, s20, s24, $0xb8;
	[tilespmem:$0x1E8C0] =	vst v63  }
0x12a: {  	s31 =	simm.s32 $0x1BC00  }
0x12b: {  	[spmem:s5] =	stream.indirect.scatter.add.f32 [tilespmem:s31], [sflag:$0x2], $0x1, s20, s24, $0xb8;
	[tilespmem:$0x1E8C0] =	vst v63  }
0x12c: {  	s14 =	simm.s32 $0x1A880  }
0x12d: {  	[spmem:s3] =	stream.indirect.scatter.add.f32 [tilespmem:s14], [sflag:$0x2], $0x1, s28, s24, $0xb8;
	[tilespmem:$0x1E8C0] =	vst v63  }
0x12e: {  	s15 =	simm.s32 $0x1AC80  }
0x12f: {  	[spmem:s4] =	stream.indirect.scatter.add.f32 [tilespmem:s15], [sflag:$0x2], $0x1, s28, s24, $0xb8;
	[tilespmem:$0x1E8C0] =	vst v63  }
0x130: {  	s31 =	simm.s32 $0x1B080  }
0x131: {  	[spmem:s5] =	stream.indirect.scatter.add.f32 [tilespmem:s31], [sflag:$0x2], $0x1, s28, s24, $0xb8;
	[tilespmem:$0x1E8C0] =	vst v63  }
0x132: {  	s14 =	simm.s32 $0x1B480  }
0x133: {  	[spmem:s3] =	stream.indirect.scatter.add.f32 [tilespmem:s14], [sflag:$0x2], $0x1, s21, s24, $0xb8;
	[tilespmem:$0x1E8C0] =	vst v63  }
0x134: {  	s15 =	simm.s32 $0x1B880  }
0x135: {  	[spmem:s4] =	stream.indirect.scatter.add.f32 [tilespmem:s15], [sflag:$0x2], $0x1, s21, s24, $0xb8;
	[tilespmem:$0x1E8C0] =	vst v63  }
0x136: {  	s31 =	simm.s32 $0x1BC80  }
0x137: {  	[spmem:s5] =	stream.indirect.scatter.add.f32 [tilespmem:s31], [sflag:$0x2], $0x1, s21, s24, $0xb8;
	[tilespmem:$0x1E8C0] =	vst v63  }
0x138: {  	s14 =	simm.s32 $0x1A900  }
0x139: {  	[spmem:s3] =	stream.indirect.scatter.add.f32 [tilespmem:s14], [sflag:$0x2], $0x1, s0, s24, $0xb8;
	[tilespmem:$0x1E8C0] =	vst v63  }
0x13a: {  	s15 =	simm.s32 $0x1AD00  }
0x13b: {  	[spmem:s4] =	stream.indirect.scatter.add.f32 [tilespmem:s15], [sflag:$0x2], $0x1, s0, s24, $0xb8;
	[tilespmem:$0x1E8C0] =	vst v63  }
0x13c: {  	s31 =	simm.s32 $0x1B100  }
0x13d: {  	[spmem:s5] =	stream.indirect.scatter.add.f32 [tilespmem:s31], [sflag:$0x2], $0x1, s0, s24, $0xb8;
	[tilespmem:$0x1E8C0] =	vst v63  }
0x13e: {  	s14 =	simm.s32 $0x1B500  }
0x13f: {  	[spmem:s3] =	stream.indirect.scatter.add.f32 [tilespmem:s14], [sflag:$0x2], $0x1, s30, s24, $0xb8;
	[tilespmem:$0x1E8C0] =	vst v63  }
0x140: {  	s15 =	simm.s32 $0x1B900  }
0x141: {  	[spmem:s4] =	stream.indirect.scatter.add.f32 [tilespmem:s15], [sflag:$0x2], $0x1, s30, s24, $0xb8;
	[tilespmem:$0x1E8C0] =	vst v63  }
0x142: {  	s31 =	simm.s32 $0x1BD00  }
0x143: {  	[spmem:s5] =	stream.indirect.scatter.add.f32 [tilespmem:s31], [sflag:$0x2], $0x1, s30, s24, $0xb8;
	[tilespmem:$0x1E8C0] =	vst v63  }
0x144: {  	s14 =	simm.s32 $0x1A980  }
0x145: {  	[spmem:s3] =	stream.indirect.scatter.add.f32 [tilespmem:s14], [sflag:$0x2], $0x1, s19, s24, $0xb8;
	[tilespmem:$0x1E8C0] =	vst v63  }
0x146: {  	s15 =	simm.s32 $0x1AD80  }
0x147: {  	[spmem:s4] =	stream.indirect.scatter.add.f32 [tilespmem:s15], [sflag:$0x2], $0x1, s19, s24, $0xb8;
	[tilespmem:$0x1E8C0] =	vst v63  }
0x148: {  	s31 =	simm.s32 $0x1B180  }
0x149: {  	[spmem:s5] =	stream.indirect.scatter.add.f32 [tilespmem:s31], [sflag:$0x2], $0x1, s19, s24, $0xb8;
	[tilespmem:$0x1E8C0] =	vst v63  }
0x14a: {  	s14 =	simm.s32 $0x1B580  }
0x14b: {  	[spmem:s3] =	stream.indirect.scatter.add.f32 [tilespmem:s14], [sflag:$0x2], $0x1, s26, s24, $0xb8;
	[tilespmem:$0x1E8C0] =	vst v63  }
0x14c: {  	s15 =	simm.s32 $0x1B980  }
0x14d: {  	[spmem:s4] =	stream.indirect.scatter.add.f32 [tilespmem:s15], [sflag:$0x2], $0x1, s26, s24, $0xb8;
	[tilespmem:$0x1E8C0] =	vst v63  }
0x14e: {  	s31 =	simm.s32 $0x1BD80  }
0x14f: {  	[spmem:s5] =	stream.indirect.scatter.add.f32 [tilespmem:s31], [sflag:$0x2], $0x1, s26, s24, $0xb8;
	[tilespmem:$0x1E8C0] =	vst v63  }
0x150: {  	s14 =	simm.s32 $0x1AA00  }
0x151: {  	[spmem:s3] =	stream.indirect.scatter.add.f32 [tilespmem:s14], [sflag:$0x2], $0x1, s25, s24, $0xb8;
	[tilespmem:$0x1E8C0] =	vst v63  }
0x152: {  	s15 =	simm.s32 $0x1AE00  }
0x153: {  	[spmem:s4] =	stream.indirect.scatter.add.f32 [tilespmem:s15], [sflag:$0x2], $0x1, s25, s24, $0xb8;
	[tilespmem:$0x1E8C0] =	vst v63  }
0x154: {  	s31 =	simm.s32 $0x1B200  }
0x155: {  	[spmem:s5] =	stream.indirect.scatter.add.f32 [tilespmem:s31], [sflag:$0x2], $0x1, s25, s24, $0xb8;
	[tilespmem:$0x1E8C0] =	vst v63  }
0x156: {  	s14 =	simm.s32 $0x1B600  }
0x157: {  	[spmem:s3] =	stream.indirect.scatter.add.f32 [tilespmem:s14], [sflag:$0x2], $0x1, s2, s24, $0xb8;
	[tilespmem:$0x1E8C0] =	vst v63  }
0x158: {  	s15 =	simm.s32 $0x1BA00  }
0x159: {  	[spmem:s4] =	stream.indirect.scatter.add.f32 [tilespmem:s15], [sflag:$0x2], $0x1, s2, s24, $0xb8;
	[tilespmem:$0x1E8C0] =	vst v63  }
0x15a: {  	s31 =	simm.s32 $0x1BE00  }
0x15b: {  	[spmem:s5] =	stream.indirect.scatter.add.f32 [tilespmem:s31], [sflag:$0x2], $0x1, s2, s24, $0xb8;
	[tilespmem:$0x1E8C0] =	vst v63  }
0x15c: {  	s14 =	simm.s32 $0x1AA80  }
0x15d: {  	[spmem:s3] =	stream.indirect.scatter.add.f32 [tilespmem:s14], [sflag:$0x2], $0x1, s8, s24, $0xb8;
	[tilespmem:$0x1E8C0] =	vst v63  }
0x15e: {  	s15 =	simm.s32 $0x1AE80  }
0x15f: {  	[spmem:s4] =	stream.indirect.scatter.add.f32 [tilespmem:s15], [sflag:$0x2], $0x1, s8, s24, $0xb8;
	[tilespmem:$0x1E8C0] =	vst v63  }
0x160: {  	s31 =	simm.s32 $0x1B280  }
0x161: {  	[spmem:s5] =	stream.indirect.scatter.add.f32 [tilespmem:s31], [sflag:$0x2], $0x1, s8, s24, $0xb8;
	[tilespmem:$0x1E8C0] =	vst v63  }
0x162: {  	s14 =	simm.s32 $0x1B680  }
0x163: {  	[spmem:s3] =	stream.indirect.scatter.add.f32 [tilespmem:s14], [sflag:$0x2], $0x1, s9, s24, $0xb8;
	[tilespmem:$0x1E8C0] =	vst v63  }
0x164: {  	s15 =	simm.s32 $0x1BA80  }
0x165: {  	[spmem:s4] =	stream.indirect.scatter.add.f32 [tilespmem:s15], [sflag:$0x2], $0x1, s9, s24, $0xb8;
	[tilespmem:$0x1E8C0] =	vst v63  }
0x166: {  	s31 =	simm.s32 $0x1BE80  }
0x167: {  	[spmem:s5] =	stream.indirect.scatter.add.f32 [tilespmem:s31], [sflag:$0x2], $0x1, s9, s24, $0xb8;
	[tilespmem:$0x1E8C0] =	vst v63  }
0x168: {  	_ =	swait.ge [sflag:s10], $0x80  }
0x169: {  	[sflag:s10] =	ssyncset.done $0x0  }
0x16a: {  	[sflag:s10] =	ssyncadd.s32 $0xFFFFFF80  }
0x16b: {  	_ =	swait.ge [sflag:s10], $0x80  }
0x16c: {  	[sflag:s10] =	ssyncset.done $0x0  }
0x16d: {  	[sflag:s10] =	ssyncadd.s32 $0xFFFFFF80  }
0x16e: {  	_ =	swait.ge [sflag:s10], $0x80  }
0x16f: {  	[sflag:s10] =	ssyncset.done $0x0  }
0x170: {  	[sflag:s10] =	ssyncadd.s32 $0xFFFFFF80  }
0x171: {  	_ =	swait.ge [sflag:s10], $0x80  }
0x172: {  	[sflag:s10] =	ssyncset.done $0x0  }
0x173: {  	[sflag:s10] =	ssyncadd.s32 $0xFFFFFF80  }
0x174: {  	_ =	swait.ge [sflag:s10], $0x80  }
0x175: {  	[sflag:s10] =	ssyncset.done $0x0  }
0x176: {  	[sflag:s10] =	ssyncadd.s32 $0xFFFFFF80  }
0x177: {  	_ =	swait.ge [sflag:s10], $0x80  }
0x178: {  	[sflag:s10] =	ssyncset.done $0x0  }
0x179: {  	[sflag:s10] =	ssyncadd.s32 $0xFFFFFF80  }
0x17a: {  	_ =	swait.ge [sflag:s10], $0x80  }
0x17b: {  	[sflag:s10] =	ssyncset.done $0x0  }
0x17c: {  	[sflag:s10] =	ssyncadd.s32 $0xFFFFFF80  }
0x17d: {  	_ =	swait.ge [sflag:s10], $0x80  }
0x17e: {  	[sflag:s10] =	ssyncset.done $0x0  }
0x17f: {  	[sflag:s10] =	ssyncadd.s32 $0xFFFFFF80  }
0x180: {  	_ =	swait.ge [sflag:s10], $0x80  }
0x181: {  	[sflag:s10] =	ssyncset.done $0x0  }
0x182: {  	[sflag:s10] =	ssyncadd.s32 $0xFFFFFF80  }
0x183: {  	_ =	swait.ge [sflag:s10], $0x80  }
0x184: {  	[sflag:s10] =	ssyncset.done $0x0  }
0x185: {  	[sflag:s10] =	ssyncadd.s32 $0xFFFFFF80  }
0x186: {  	_ =	swait.ge [sflag:s10], $0x80  }
0x187: {  	[sflag:s10] =	ssyncset.done $0x0  }
0x188: {  	[sflag:s10] =	ssyncadd.s32 $0xFFFFFF80  }
0x189: {  	_ =	swait.ge [sflag:s10], $0x80  }
0x18a: {  	[sflag:s10] =	ssyncset.done $0x0  }
0x18b: {  	[sflag:s10] =	ssyncadd.s32 $0xFFFFFF80  }
0x18c: {  	_ =	swait.ge [sflag:s10], $0x80  }
0x18d: {  	[sflag:s10] =	ssyncset.done $0x0  }
0x18e: {  	[sflag:s10] =	ssyncadd.s32 $0xFFFFFF80  }
0x18f: {  	_ =	swait.ge [sflag:s10], $0x80  }
0x190: {  	[sflag:s10] =	ssyncset.done $0x0  }
0x191: {  	[sflag:s10] =	ssyncadd.s32 $0xFFFFFF80  }
0x192: {  	_ =	swait.ge [sflag:s10], $0x80  }
0x193: {  	[sflag:s10] =	ssyncset.done $0x0  }
0x194: {  	[sflag:s10] =	ssyncadd.s32 $0xFFFFFF80  }
0x195: {  	_ =	swait.ge [sflag:s10], $0x80  }
0x196: {  	[sflag:s10] =	ssyncset.done $0x0  }
0x197: {  	[sflag:s10] =	ssyncadd.s32 $0xFFFFFF80  }
0x198: {  	_ =	swait.ge [sflag:s10], $0x80  }
0x199: {  	[sflag:s10] =	ssyncset.done $0x0  }
0x19a: {  	[sflag:s10] =	ssyncadd.s32 $0xFFFFFF80  }
0x19b: {  	_ =	swait.ge [sflag:s10], $0x80  }
0x19c: {  	[sflag:s10] =	ssyncset.done $0x0  }
0x19d: {  	[sflag:s10] =	ssyncadd.s32 $0xFFFFFF80  }
0x19e: {  	_ =	swait.ge [sflag:s10], $0x80  }
0x19f: {  	[sflag:s10] =	ssyncset.done $0x0  }
0x1a0: {  	[sflag:s10] =	ssyncadd.s32 $0xFFFFFF80  }
0x1a1: {  	_ =	swait.ge [sflag:s10], $0x80  }
0x1a2: {  	[sflag:s10] =	ssyncset.done $0x0  }
0x1a3: {  	[sflag:s10] =	ssyncadd.s32 $0xFFFFFF80  }
0x1a4: {  	_ =	swait.ge [sflag:s10], $0x80  }
0x1a5: {  	[sflag:s10] =	ssyncset.done $0x0  }
0x1a6: {  	[sflag:s10] =	ssyncadd.s32 $0xFFFFFF80  }
0x1a7: {  	_ =	swait.ge [sflag:s10], $0x80  }
0x1a8: {  	[sflag:s10] =	ssyncset.done $0x0  }
0x1a9: {  	[sflag:s10] =	ssyncadd.s32 $0xFFFFFF80  }
0x1aa: {  	_ =	swait.ge [sflag:s10], $0x80  }
0x1ab: {  	[sflag:s10] =	ssyncset.done $0x0  }
0x1ac: {  	[sflag:s10] =	ssyncadd.s32 $0xFFFFFF80  }
0x1ad: {  	_ =	swait.ge [sflag:s10], $0x80  }
0x1ae: {  	[sflag:s10] =	ssyncset.done $0x0  }
0x1af: {  	[sflag:s10] =	ssyncadd.s32 $0xFFFFFF80  }
0x1b0: {  	_ =	swait.ge [sflag:s10], $0x80  }
0x1b1: {  	[sflag:s10] =	ssyncset.done $0x0  }
0x1b2: {  	[sflag:s10] =	ssyncadd.s32 $0xFFFFFF80  }
0x1b3: {  	_ =	swait.ge [sflag:s10], $0x80  }
0x1b4: {  	[sflag:s10] =	ssyncset.done $0x0  }
0x1b5: {  	[sflag:s10] =	ssyncadd.s32 $0xFFFFFF80  }
0x1b6: {  	_ =	swait.ge [sflag:s10], $0x80  }
0x1b7: {  	[sflag:s10] =	ssyncset.done $0x0  }
0x1b8: {  	[sflag:s10] =	ssyncadd.s32 $0xFFFFFF80  }
0x1b9: {  	_ =	swait.ge [sflag:s10], $0x80  }
0x1ba: {  	[sflag:s10] =	ssyncset.done $0x0  }
0x1bb: {  	[sflag:s10] =	ssyncadd.s32 $0xFFFFFF80  }
0x1bc: {  	_ =	swait.ge [sflag:s10], $0x80  }
0x1bd: {  	[sflag:s10] =	ssyncset.done $0x0  }
0x1be: {  	[sflag:s10] =	ssyncadd.s32 $0xFFFFFF80  }
0x1bf: {  	_ =	swait.ge [sflag:s10], $0x80  }
0x1c0: {  	[sflag:s10] =	ssyncset.done $0x0  }
0x1c1: {  	[sflag:s10] =	ssyncadd.s32 $0xFFFFFF80  }
0x1c2: {  	_ =	swait.ge [sflag:s10], $0x80  }
0x1c3: {  	[sflag:s10] =	ssyncset.done $0x0  }
0x1c4: {  	[sflag:s10] =	ssyncadd.s32 $0xFFFFFF80  }
0x1c5: {  	_ =	swait.ge [sflag:s10], $0x80  }
0x1c6: {  	[sflag:s10] =	ssyncset.done $0x0  }
0x1c7: {  	[sflag:s10] =	ssyncadd.s32 $0xFFFFFF80  }
0x1c8: {  	_ =	swait.ge [sflag:s10], $0x80  }
0x1c9: {  	[sflag:s10] =	ssyncset.done $0x0  }
0x1ca: {  	[sflag:s10] =	ssyncadd.s32 $0xFFFFFF80  }
0x1cb: {  	_ =	swait.ge [sflag:s10], $0x80  }
0x1cc: {  	[sflag:s10] =	ssyncset.done $0x0  }
0x1cd: {  	[sflag:s10] =	ssyncadd.s32 $0xFFFFFF80  }
0x1ce: {  	_ =	swait.ge [sflag:s10], $0x80  }
0x1cf: {  	[sflag:s10] =	ssyncset.done $0x0  }
0x1d0: {  	[sflag:s10] =	ssyncadd.s32 $0xFFFFFF80  }
0x1d1: {  	_ =	swait.ge [sflag:s10], $0x80  }
0x1d2: {  	[sflag:s10] =	ssyncset.done $0x0  }
0x1d3: {  	[sflag:s10] =	ssyncadd.s32 $0xFFFFFF80  }
0x1d4: {  	_ =	swait.ge [sflag:s10], $0x80  }
0x1d5: {  	[sflag:s10] =	ssyncset.done $0x0  }
0x1d6: {  	[sflag:s10] =	ssyncadd.s32 $0xFFFFFF80  }
0x1d7: {  	_ =	swait.ge [sflag:s10], $0x80  }
0x1d8: {  	[sflag:s10] =	ssyncset.done $0x0  }
0x1d9: {  	[sflag:s10] =	ssyncadd.s32 $0xFFFFFF80  }
0x1da: {  	_ =	swait.ge [sflag:s10], $0x80  }
0x1db: {  	[sflag:s10] =	ssyncset.done $0x0  }
0x1dc: {  	[sflag:s10] =	ssyncadd.s32 $0xFFFFFF80  }
0x1dd: {  	_ =	swait.ge [sflag:s10], $0x80  }
0x1de: {  	[sflag:s10] =	ssyncset.done $0x0  }
0x1df: {  	[sflag:s10] =	ssyncadd.s32 $0xFFFFFF80  }
0x1e0: {  	_ =	swait.ge [sflag:s10], $0x80  }
0x1e1: {  	[sflag:s10] =	ssyncset.done $0x0  }
0x1e2: {  	[sflag:s10] =	ssyncadd.s32 $0xFFFFFF80  }
0x1e3: {  	_ =	swait.ge [sflag:s10], $0x80  }
0x1e4: {  	[sflag:s10] =	ssyncset.done $0x0  }
0x1e5: {  	[sflag:s10] =	ssyncadd.s32 $0xFFFFFF80  }
0x1e6: {  	_ =	swait.ge [sflag:s10], $0x80  }
0x1e7: {  	[sflag:s10] =	ssyncset.done $0x0  }
0x1e8: {  	[sflag:s10] =	ssyncadd.s32 $0xFFFFFF80  }
0x1e9: {  	_ =	swait.ge [sflag:s10], $0x80  }
0x1ea: {  	[sflag:s10] =	ssyncset.done $0x0  }
0x1eb: {  	[sflag:s10] =	ssyncadd.s32 $0xFFFFFF80  }
0x1ec: {  	_ =	swait.ge [sflag:s10], $0x80  }
0x1ed: {  	[sflag:s10] =	ssyncset.done $0x0  }
0x1ee: {  	[sflag:s10] =	ssyncadd.s32 $0xFFFFFF80  }
0x1ef: {  	_ =	swait.ge [sflag:s10], $0x80  }
0x1f0: {  	[sflag:s10] =	ssyncset.done $0x0  }
0x1f1: {  	s12 =	sadd.s32 $0x1, s12;
	[sflag:s10] =	ssyncadd.s32 $0xFFFFFF80  }
0x1f2: {  	p0 =	sne.s32 s12, $0x19;
	_ =	swait.ge [sflag:s10], $0x80  }
.Ltmp2:
0x1f3: {  	[sflag:s10] =	ssyncset.done $0x0;
	(pc) =	sbr.rel @p0 .LBB2_4-.Ltmp2, $4  }
0x1f4: {  	[sflag:s10] =	ssyncadd.s32 $0xFFFFFF80  }
0x1f5: {  	_ =	swait.ge [sflag:s10], $0x80  }
0x1f6: {  	[sflag:s10] =	ssyncset.done $0x0  }
0x1f7: {  	[sflag:s10] =	ssyncadd.s32 $0xFFFFFF80  }
0x1f8: {  	[bflag:$0x0] =	sbarrier.arrive $0xFFFF  }
0x1f9: {  	s12 =	simm.s32 $0x1BF00;
	s13 =	rddreg [dreg:$0x11]  }
0x1fa: {  	[tilespmem:s12], [sflag:$0x3] =	stream.linear.gather [spmem:s13], $0x400, $0x38;
	[tilespmem:$0x1E8C0] =	vst v63  }
0x1fb: {  	_ =	swait.ge [sflag:s7], $0x400  }
0x1fc: {  	[sflag:s7] =	ssyncset.done $0x0  }
0x1fd: {  	s11 =	rddreg [dreg:$0x1e];
	[sflag:s7] =	ssyncadd.s32 $0xFFFFFC00  }
0x1fe: {  	[hbm4b:s11+s6] =	stream.linear.scatter [tilespmem:s12], [sflag:$0x3], $0x400, $0x38;
	[tilespmem:$0x1E8C0] =	vst v63  }
0x1ff: {  	_ =	swait.ge [sflag:s7], $0x400  }
0x200: {  	[sflag:s7] =	ssyncset.done $0x0  }
0x201: {  	s31 =	rddreg [dreg:$0x14];
	[sflag:s7] =	ssyncadd.s32 $0xFFFFFC00  }
0x202: {  	[tilespmem:s12], [sflag:$0x3] =	stream.linear.gather [spmem:s31], $0x400, $0x38;
	[tilespmem:$0x1E8C0] =	vst v63  }
0x203: {  	_ =	swait.ge [sflag:s7], $0x400  }
0x204: {  	[sflag:s7] =	ssyncset.done $0x0  }
0x205: {  	s14 =	rddreg [dreg:$0x1f];
	[sflag:s7] =	ssyncadd.s32 $0xFFFFFC00  }
0x206: {  	[hbm4b:s14+s6] =	stream.linear.scatter [tilespmem:s12], [sflag:$0x3], $0x400, $0x38;
	[tilespmem:$0x1E8C0] =	vst v63  }
0x207: {  	_ =	swait.ge [sflag:s7], $0x400  }
0x208: {  	[sflag:s7] =	ssyncset.done $0x0  }
0x209: {  	s15 =	rddreg [dreg:$0x17];
	[sflag:s7] =	ssyncadd.s32 $0xFFFFFC00  }
0x20a: {  	[tilespmem:s12], [sflag:$0x3] =	stream.linear.gather [spmem:s15], $0x400, $0x38;
	[tilespmem:$0x1E8C0] =	vst v63  }
0x20b: {  	_ =	swait.ge [sflag:s7], $0x400  }
0x20c: {  	s14 =	sld [smem:$0x7F3]  }
0x20d: {  	[sflag:s7] =	ssyncset.done $0x0  }
0x20e: {  	[sflag:s7] =	ssyncadd.s32 $0xFFFFFC00  }
0x20f: {  	[hbm4b:s14+s6] =	stream.linear.scatter [tilespmem:s12], [sflag:$0x3], $0x400, $0x38;
	[tilespmem:$0x1E8C0] =	vst v63  }
0x210: {  	_ =	swait.ge [sflag:s7], $0x400  }
0x211: {  	[sflag:s7] =	ssyncset.done $0x0  }
0x212: {  	s15 =	rddreg [dreg:$0x1a];
	[sflag:s7] =	ssyncadd.s32 $0xFFFFFC00  }
0x213: {  	[tilespmem:s12], [sflag:$0x3] =	stream.linear.gather [spmem:s15], $0x40, $0x38;
	[tilespmem:$0x1E8C0] =	vst v63  }
0x214: {  	_ =	swait.ge [sflag:s7], $0x40  }
0x215: {  	s14 =	sld [smem:$0x7F4]  }
0x216: {  	[sflag:s7] =	ssyncset.done $0x0  }
0x217: {  	[sflag:s7] =	ssyncadd.s32 $0xFFFFFFC0  }
0x218: {  	[hbm4b:s14+s6] =	stream.linear.scatter [tilespmem:s12], [sflag:$0x3], $0x40, $0x38;
	[tilespmem:$0x1E8C0] =	vst v63  }
0x219: {  	_ =	swait.ge [sflag:s7], $0x40  }
0x21a: {  	[sflag:s7] =	ssyncset.done $0x0  }
0x21b: {  	s14 =	rddreg [dreg:$0x12];
	[sflag:s7] =	ssyncadd.s32 $0xFFFFFFC0  }
0x21c: {  	[tilespmem:s12], [sflag:$0x3] =	stream.linear.gather [spmem:s14], $0x400, $0x38;
	[tilespmem:$0x1E8C0] =	vst v63  }
0x21d: {  	_ =	swait.ge [sflag:s7], $0x400  }
0x21e: {  	s15 =	sld [smem:$0x7F5]  }
0x21f: {  	[sflag:s7] =	ssyncset.done $0x0  }
0x220: {  	[sflag:s7] =	ssyncadd.s32 $0xFFFFFC00  }
0x221: {  	[hbm4b:s15+s6] =	stream.linear.scatter [tilespmem:s12], [sflag:$0x3], $0x400, $0x38;
	[tilespmem:$0x1E8C0] =	vst v63  }
0x222: {  	_ =	swait.ge [sflag:s7], $0x400  }
0x223: {  	[sflag:s7] =	ssyncset.done $0x0  }
0x224: {  	s15 =	rddreg [dreg:$0x15];
	[sflag:s7] =	ssyncadd.s32 $0xFFFFFC00  }
0x225: {  	[tilespmem:s12], [sflag:$0x3] =	stream.linear.gather [spmem:s15], $0x400, $0x38;
	[tilespmem:$0x1E8C0] =	vst v63  }
0x226: {  	_ =	swait.ge [sflag:s7], $0x400  }
0x227: {  	s15 =	sld [smem:$0x7F6]  }
0x228: {  	[sflag:s7] =	ssyncset.done $0x0  }
0x229: {  	[sflag:s7] =	ssyncadd.s32 $0xFFFFFC00  }
0x22a: {  	[hbm4b:s15+s6] =	stream.linear.scatter [tilespmem:s12], [sflag:$0x3], $0x400, $0x38;
	[tilespmem:$0x1E8C0] =	vst v63  }
0x22b: {  	_ =	swait.ge [sflag:s7], $0x400  }
0x22c: {  	[sflag:s7] =	ssyncset.done $0x0  }
0x22d: {  	s15 =	rddreg [dreg:$0x18];
	[sflag:s7] =	ssyncadd.s32 $0xFFFFFC00  }
0x22e: {  	[tilespmem:s12], [sflag:$0x3] =	stream.linear.gather [spmem:s15], $0x400, $0x38;
	[tilespmem:$0x1E8C0] =	vst v63  }
0x22f: {  	_ =	swait.ge [sflag:s7], $0x400  }
0x230: {  	s15 =	sld [smem:$0x7F7]  }
0x231: {  	[sflag:s7] =	ssyncset.done $0x0  }
0x232: {  	[sflag:s7] =	ssyncadd.s32 $0xFFFFFC00  }
0x233: {  	[hbm4b:s15+s6] =	stream.linear.scatter [tilespmem:s12], [sflag:$0x3], $0x400, $0x38;
	[tilespmem:$0x1E8C0] =	vst v63  }
0x234: {  	_ =	swait.ge [sflag:s7], $0x400  }
0x235: {  	[sflag:s7] =	ssyncset.done $0x0  }
0x236: {  	s15 =	rddreg [dreg:$0x1b];
	[sflag:s7] =	ssyncadd.s32 $0xFFFFFC00  }
0x237: {  	[tilespmem:s12], [sflag:$0x3] =	stream.linear.gather [spmem:s15], $0x40, $0x38;
	[tilespmem:$0x1E8C0] =	vst v63  }
0x238: {  	_ =	swait.ge [sflag:s7], $0x40  }
0x239: {  	s15 =	sld [smem:$0x7F8]  }
0x23a: {  	[sflag:s7] =	ssyncset.done $0x0  }
0x23b: {  	[sflag:s7] =	ssyncadd.s32 $0xFFFFFFC0  }
0x23c: {  	[hbm4b:s15+s6] =	stream.linear.scatter [tilespmem:s12], [sflag:$0x3], $0x40, $0x38;
	[tilespmem:$0x1E8C0] =	vst v63  }
0x23d: {  	_ =	swait.ge [sflag:s7], $0x40  }
0x23e: {  	[sflag:s7] =	ssyncset.done $0x0  }
0x23f: {  	s15 =	rddreg [dreg:$0x13];
	[sflag:s7] =	ssyncadd.s32 $0xFFFFFFC0  }
0x240: {  	[tilespmem:s12], [sflag:$0x3] =	stream.linear.gather [spmem:s15], $0x400, $0x38;
	[tilespmem:$0x1E8C0] =	vst v63  }
0x241: {  	_ =	swait.ge [sflag:s7], $0x400  }
0x242: {  	s11 =	sld [smem:$0x7F9]  }
0x243: {  	[sflag:s7] =	ssyncset.done $0x0  }
0x244: {  	[sflag:s7] =	ssyncadd.s32 $0xFFFFFC00  }
0x245: {  	[hbm4b:s11+s6] =	stream.linear.scatter [tilespmem:s12], [sflag:$0x3], $0x400, $0x38;
	[tilespmem:$0x1E8C0] =	vst v63  }
0x246: {  	_ =	swait.ge [sflag:s7], $0x400  }
0x247: {  	[sflag:s7] =	ssyncset.done $0x0  }
0x248: {  	s11 =	rddreg [dreg:$0x16];
	[sflag:s7] =	ssyncadd.s32 $0xFFFFFC00  }
0x249: {  	[tilespmem:s12], [sflag:$0x3] =	stream.linear.gather [spmem:s11], $0x400, $0x38;
	[tilespmem:$0x1E8C0] =	vst v63  }
0x24a: {  	_ =	swait.ge [sflag:s7], $0x400  }
0x24b: {  	s11 =	sld [smem:$0x7FA]  }
0x24c: {  	[sflag:s7] =	ssyncset.done $0x0  }
0x24d: {  	[sflag:s7] =	ssyncadd.s32 $0xFFFFFC00  }
0x24e: {  	[hbm4b:s11+s6] =	stream.linear.scatter [tilespmem:s12], [sflag:$0x3], $0x400, $0x38;
	[tilespmem:$0x1E8C0] =	vst v63  }
0x24f: {  	_ =	swait.ge [sflag:s7], $0x400  }
0x250: {  	[sflag:s7] =	ssyncset.done $0x0  }
0x251: {  	s11 =	rddreg [dreg:$0x19];
	[sflag:s7] =	ssyncadd.s32 $0xFFFFFC00  }
0x252: {  	[tilespmem:s12], [sflag:$0x3] =	stream.linear.gather [spmem:s11], $0x400, $0x38;
	[tilespmem:$0x1E8C0] =	vst v63  }
0x253: {  	_ =	swait.ge [sflag:s7], $0x400  }
0x254: {  	s11 =	sld [smem:$0x7FB]  }
0x255: {  	[sflag:s7] =	ssyncset.done $0x0  }
0x256: {  	[sflag:s7] =	ssyncadd.s32 $0xFFFFFC00  }
0x257: {  	[hbm4b:s11+s6] =	stream.linear.scatter [tilespmem:s12], [sflag:$0x3], $0x400, $0x38;
	[tilespmem:$0x1E8C0] =	vst v63  }
0x258: {  	_ =	swait.ge [sflag:s7], $0x400  }
0x259: {  	[sflag:s7] =	ssyncset.done $0x0  }
0x25a: {  	s11 =	rddreg [dreg:$0x1c];
	[sflag:s7] =	ssyncadd.s32 $0xFFFFFC00  }
0x25b: {  	[tilespmem:s12], [sflag:$0x3] =	stream.linear.gather [spmem:s11], $0x40, $0x38;
	[tilespmem:$0x1E8C0] =	vst v63  }
0x25c: {  	_ =	swait.ge [sflag:s7], $0x40  }
0x25d: {  	s11 =	sld [smem:$0x7FC]  }
0x25e: {  	[sflag:s7] =	ssyncset.done $0x0  }
0x25f: {  	[sflag:s7] =	ssyncadd.s32 $0xFFFFFFC0  }
0x260: {  	[hbm4b:s11+s6] =	stream.linear.scatter [tilespmem:s12], [sflag:$0x3], $0x40, $0x38;
	[tilespmem:$0x1E8C0] =	vst v63  }
0x261: {  	_ =	swait.ge [sflag:s7], $0x40  }
0x262: {  	s11 =	sld [smem:$0x7F2];
	_ =	sdelay $0x2  }
0x263: {  	s12 =	sadd.s32 $0x1, s11;
	s11 =	sld [smem:$0x7FD];
	_ =	sdelay $0x2  }
0x264: {  	p0 =	sne.s32 s12, s11  }
.Ltmp3:
0x265: {  	_ = 	snop;
	(pc) =	sbr.rel @p0 .LBB2_1-.Ltmp3, $3  }
0x266: {  	_ =	sdelay $0x1  }
0x267: {  	[sflag:s7] =	ssyncset.done $0x0  }
0x268: {  	[sflag:s7] =	ssyncadd.s32 $0xFFFFFFC0  }
0x269: {  	_ =	sfence.sel $0x180000  }
0x26a: {  	[bflag:$0x0] =	sbarrier.arrive $0xFFFF  }
0x26b: {  	_ =	strace $0x90000047  }
0x26c: {  	s0 =	stileid.u32;
	[bflag:$0x2] =	sbarrier.arrive $0xFFFF  }
0x26d: {  	p0 =	sne.s32 s0, $0x0;
	s0 =	rddreg [dreg:$0x6]  }
0x26e: {  	s0 =	sadd.s32 @!p0 $0x100000, s0  }
0x26f: {  	[sflag:s0] =	ssyncadd.tile.s32 @!p0 $0x1;
	_ =	shalt  }
.Lfunc_end2:
_tile_overlayer_lowered:
.L_overlay_start_2:
0x270: {  	(tag) =	ssettag $0x2  }
0x271: {  	s0 =	rddreg [dreg:$0x0];
	s2 =	stileid.u32  }
0x272: {  	s1 =	rddreg [dreg:$0x1];
	p0 =	sne.s32 s2, $0x0  }
0x273: {  	s3 =	rddreg [dreg:$0x2];
	[bflag:$0x3] =	sbarrier.arrive $0xFFFF;
	s2 =	simm.s32 @!p0 $0x1C03  }
0x274: {  	[timem:s3], [sflag:s2] =	dma.local @!p0 [hbm:s0], s1  }
0x275: {  	s0 =	simm.s32 @!p0 $0x3  }
0x276: {  	_ =	swait.ge @!p0 [sflag:s0], s1  }
0x277: {  	s1 =	ssub.s32 @!p0 $0x0, s1;
	[sflag:s0] =	ssyncset.done @!p0 $0x0  }
0x278: {  	[sflag:s0] =	ssyncadd.s32 @!p0 s1  }
0x279: {  	[bflag:$0x3] =	sbarrier.arrive $0xFFFF  }
0x27a: {  	_ =	shalt  }

</sc_bundles>
